<compile_context>
chip_gen: v7x
topology: tpu7x:2x2x1
jax: 0.10.2.dev20260603
libtpu: 0.0.44.dev20260713+nightly
codegen_flags: <defaults>
</compile_context>

<pallas_src>
import functools

import jax
import jax.numpy as jnp
from jax import lax
from jax.experimental import pallas as pl
from jax.experimental.pallas import tpu as pltpu
from jax.experimental.pallas import tpu_sc as plsc

N_CLASS = 8
_NTILES = 32


def _point_sample(feat, points):
    B, C, H, W = feat.shape
    x = points[..., 0] * (W - 1)
    y = points[..., 1] * (H - 1)
    x0f = jnp.floor(x); y0f = jnp.floor(y)
    wx = x - x0f; wy = y - y0f
    x0 = jnp.clip(x0f, 0, W - 1).astype(jnp.int32)
    x1 = jnp.clip(x0f + 1, 0, W - 1).astype(jnp.int32)
    y0 = jnp.clip(y0f, 0, H - 1).astype(jnp.int32)
    y1 = jnp.clip(y0f + 1, 0, H - 1).astype(jnp.int32)
    b = jnp.arange(B)[:, None]
    f00 = feat[b, :, y0, x0]
    f01 = feat[b, :, y0, x1]
    f10 = feat[b, :, y1, x0]
    f11 = feat[b, :, y1, x1]
    wxe = wx[..., None]; wye = wy[..., None]
    out = f00 * (1 - wxe) * (1 - wye) + f01 * wxe * (1 - wye) \
        + f10 * (1 - wxe) * wye + f11 * wxe * wye
    return jnp.transpose(out, (0, 2, 1))


def _upsample2x(feat):
    B, C, H, W = feat.shape
    ys = jnp.linspace(0.0, H - 1.0, 2 * H)
    xs = jnp.linspace(0.0, W - 1.0, 2 * W)
    y0f = jnp.floor(ys); wy = ys - y0f
    x0f = jnp.floor(xs); wx = xs - x0f
    y0 = y0f.astype(jnp.int32); y1 = jnp.minimum(y0 + 1, H - 1)
    x0 = x0f.astype(jnp.int32); x1 = jnp.minimum(x0 + 1, W - 1)
    rows = feat[:, :, y0, :] * (1 - wy)[None, None, :, None] \
        + feat[:, :, y1, :] * wy[None, None, :, None]
    out = rows[:, :, :, x0] * (1 - wx)[None, None, None, :] \
        + rows[:, :, :, x1] * wx[None, None, None, :]
    return out


def _sampling_points(mask, N, key1, key2, k=3, beta=0.75):
    B = mask.shape[0]
    over = jax.random.uniform(key1, (B, k * N, 2), dtype=jnp.float32)
    vals = _point_sample(mask, over)
    t = jax.lax.top_k(jnp.transpose(vals, (0, 2, 1)), 2)[0]
    unc = t[..., 1] - t[..., 0]
    n_imp = int(beta * N)
    idx = jax.lax.top_k(unc, n_imp)[1]
    imp = jnp.take_along_axis(over, idx[..., None], axis=1)
    cov = jax.random.uniform(key2, (B, N - n_imp, 2), dtype=jnp.float32)
    return jnp.concatenate([imp, cov], axis=1)


@functools.partial(jax.jit, static_argnames=("C", "H", "W", "N", "c_chunk"))
def _sc_point_sample(feat_flat, xs, ys, *, C, H, W, N, c_chunk):
    HW = H * W
    M = 2 * N
    c_per_tile = C // _NTILES
    rounds = c_per_tile // c_chunk
    mesh = plsc.VectorSubcoreMesh(core_axis_name="c", subcore_axis_name="s")

    @functools.partial(
        pl.kernel, mesh=mesh,
        compiler_params=pltpu.CompilerParams(needs_layout_passes=False),
        out_type=jax.ShapeDtypeStruct((C, M), jnp.float32),
        scratch_types=[
            pltpu.VMEM((2 * c_chunk * HW,), jnp.float32),
            pltpu.VMEM((c_per_tile, M), jnp.float32),
            pltpu.VMEM((M,), jnp.float32),
            pltpu.VMEM((M,), jnp.float32),
        ],
    )
    def sampler(feat_hbm, xs_hbm, ys_hbm, out_hbm, chunk_v, out_v, xs_v, ys_v):
        wid = lax.axis_index("s") * 2 + lax.axis_index("c")
        c_base = wid * c_per_tile
        pltpu.sync_copy(xs_hbm, xs_v)
        pltpu.sync_copy(ys_hbm, ys_v)
        lanes = lax.iota(jnp.int32, 16)
        for r in range(rounds):
            c0 = c_base + r * c_chunk
            pltpu.sync_copy(feat_hbm.at[pl.ds(c0 * HW, c_chunk * HW)],
                            chunk_v.at[pl.ds(0, c_chunk * HW)])
            pltpu.sync_copy(feat_hbm.at[pl.ds((C + c0) * HW, c_chunk * HW)],
                            chunk_v.at[pl.ds(c_chunk * HW, c_chunk * HW)])
            for b in range(2):
                boff = b * (c_chunk * HW)

                def body(g, _, boff=boff, b=b, r=r):
                    p0 = b * N + g * 16
                    xv = xs_v[pl.ds(p0, 16)]
                    yv = ys_v[pl.ds(p0, 16)]
                    fx = xv * float(W - 1)
                    fy = yv * float(H - 1)
                    ix0 = fx.astype(jnp.int32)
                    iy0 = fy.astype(jnp.int32)
                    wx = fx - ix0.astype(jnp.float32)
                    wy = fy - iy0.astype(jnp.float32)
                    ix1 = jnp.minimum(ix0 + 1, W - 1)
                    iy1 = jnp.minimum(iy0 + 1, H - 1)
                    p00 = iy0 * W + ix0 + boff
                    p01 = iy0 * W + ix1 + boff
                    p10 = iy1 * W + ix0 + boff
                    p11 = iy1 * W + ix1 + boff
                    w00 = (1.0 - wx) * (1.0 - wy)
                    w01 = wx * (1.0 - wy)
                    w10 = (1.0 - wx) * wy
                    w11 = wx * wy
                    pcol = lanes + p0
                    for c in range(c_chunk):
                        off = c * HW
                        v = (plsc.load_gather(chunk_v, [p00 + off]) * w00
                             + plsc.load_gather(chunk_v, [p01 + off]) * w01
                             + plsc.load_gather(chunk_v, [p10 + off]) * w10
                             + plsc.load_gather(chunk_v, [p11 + off]) * w11)
                        cvec = jnp.full((16,), r * c_chunk + c, jnp.int32)
                        plsc.store_scatter(out_v, [cvec, pcol], v)
                    return 0

                lax.fori_loop(0, N // 16, body, 0)
        pltpu.sync_copy(out_v, out_hbm.at[pl.ds(c_base, c_per_tile), :])

    return sampler(feat_flat, xs, ys)


@functools.partial(jax.jit, static_argnames=("C", "H", "W", "N", "raw"))
def _sc_point_sample_indirect(feat_flat, xs, ys, *, C, H, W, N, raw=False):
    HW = H * W
    M = 2 * N
    ppt = max(128, M // _NTILES)
    active = M // ppt
    G = ppt // 16
    nunits = ppt * C * 4
    nchunks = nunits // 128
    mesh = plsc.VectorSubcoreMesh(core_axis_name="c", subcore_axis_name="s")
    if raw:
        out_type = jax.ShapeDtypeStruct((4, C, M), jnp.float32)
        out_scratch = pltpu.VMEM((4, C, ppt), jnp.float32)
    else:
        out_type = jax.ShapeDtypeStruct((C, M), jnp.float32)
        out_scratch = pltpu.VMEM((C, ppt), jnp.float32)

    @functools.partial(
        pl.kernel, mesh=mesh,
        compiler_params=pltpu.CompilerParams(needs_layout_passes=False),
        out_type=out_type,
        scratch_types=[
            pltpu.VMEM((nchunks, 128), jnp.int32),
            pltpu.VMEM((nchunks, 128), jnp.float32),
            out_scratch,
            pltpu.VMEM((ppt,), jnp.float32),
            pltpu.VMEM((ppt,), jnp.float32),
            pltpu.SemaphoreType.DMA,
        ],
    )
    def sampler(feat_hbm, xs_hbm, ys_hbm, out_hbm,
                idx_v, dest_v, out_v, xs_v, ys_v, sem):
        wid = lax.axis_index("s") * 2 + lax.axis_index("c")

        @pl.when(wid < active)
        def _():
            p_base = wid * ppt
            b = p_base // N
            pltpu.sync_copy(xs_hbm.at[pl.ds(p_base, ppt)], xs_v)
            pltpu.sync_copy(ys_hbm.at[pl.ds(p_base, ppt)], ys_v)
            base_off = b * (C * HW)

            def neighborhood(g):
                xv = xs_v[pl.ds(g * 16, 16)]
                yv = ys_v[pl.ds(g * 16, 16)]
                fx = xv * float(W - 1)
                fy = yv * float(H - 1)
                ix0 = fx.astype(jnp.int32)
                iy0 = fy.astype(jnp.int32)
                wx = fx - ix0.astype(jnp.float32)
                wy = fy - iy0.astype(jnp.float32)
                ix1 = jnp.minimum(ix0 + 1, W - 1)
                iy1 = jnp.minimum(iy0 + 1, H - 1)
                p00 = iy0 * W + ix0
                p01 = iy0 * W + ix1
                p10 = iy1 * W + ix0
                p11 = iy1 * W + ix1
                return (p00, p01, p10, p11), (wx, wy)

            def build(g, _):
                pix, _w = neighborhood(g)
                for c in range(C):
                    coff = base_off + c * HW
                    for k in range(4):
                        o = ((g * C + c) * 4 + k) * 16
                        idx_v[o // 128, pl.ds(o % 128, 16)] = pix[k] + coff
                return 0

            lax.fori_loop(0, G, build, 0)

            def fire(j, _):
                pltpu.async_copy(feat_hbm.at[idx_v.at[j]], dest_v.at[j], sem)
                return 0

            lax.fori_loop(0, nchunks, fire, 0)

            def drain(j, _):
                pltpu.make_async_copy(feat_hbm.at[pl.ds(0, 128)],
                                      dest_v.at[j], sem).wait()
                return 0

            lax.fori_loop(0, nchunks, drain, 0)

            if raw:
                def reorder(g, _):
                    for c in range(C):
                        for k in range(4):
                            o = ((g * C + c) * 4 + k) * 16
                            v = dest_v[o // 128, pl.ds(o % 128, 16)]
                            out_v[k, c, pl.ds(g * 16, 16)] = v
                    return 0

                lax.fori_loop(0, G, reorder, 0)
                pltpu.sync_copy(out_v, out_hbm.at[:, :, pl.ds(p_base, ppt)])
            else:
                def interp(g, _):
                    _pix, (wx, wy) = neighborhood(g)
                    w00 = (1.0 - wx) * (1.0 - wy)
                    w01 = wx * (1.0 - wy)
                    w10 = (1.0 - wx) * wy
                    w11 = wx * wy
                    for c in range(C):
                        o = ((g * C + c) * 4) * 16
                        r = o // 128
                        f00 = dest_v[r, pl.ds(o % 128, 16)]
                        f01 = dest_v[r, pl.ds(o % 128 + 16, 16)]
                        o2 = o + 32
                        f10 = dest_v[o2 // 128, pl.ds(o2 % 128, 16)]
                        f11 = dest_v[o2 // 128, pl.ds(o2 % 128 + 16, 16)]
                        v = f00 * w00 + f01 * w01 + f10 * w10 + f11 * w11
                        out_v[c, pl.ds(g * 16, 16)] = v
                    return 0

                lax.fori_loop(0, G, interp, 0)
                pltpu.sync_copy(out_v, out_hbm.at[:, pl.ds(p_base, ppt)])

    return sampler(feat_flat, xs, ys)


def _mlp_kernel(xm_ref, xf_ref, w1m_ref, w1f_ref, b1_ref, w2_ref, b2_ref,
                w3_ref, b3_ref, wf_ref, bf_ref, o_ref):
    dn = (((1,), (0,)), ((), ()))
    h = lax.dot_general(w1m_ref[...], xm_ref[...], dn,
                        preferred_element_type=jnp.float32)
    h += lax.dot_general(w1f_ref[...], xf_ref[...], dn,
                         preferred_element_type=jnp.float32)
    h = jnp.maximum(h + b1_ref[...], 0.0)
    h = jnp.maximum(lax.dot_general(w2_ref[...], h, dn,
                                    preferred_element_type=jnp.float32)
                    + b2_ref[...], 0.0)
    h = jnp.maximum(lax.dot_general(w3_ref[...], h, dn,
                                    preferred_element_type=jnp.float32)
                    + b3_ref[...], 0.0)
    o_ref[...] = lax.dot_general(wf_ref[...], h, dn,
                                 preferred_element_type=jnp.float32) \
        + bf_ref[...]


@functools.partial(jax.jit, static_argnames=("blk",))
def _mlp_pallas(params, xm, xf, blk=1024):
    W1, b1, W2, b2, W3, b3, Wf, bf = params
    Cf, M = xf.shape
    w1m = W1[:, :N_CLASS]
    w1f = W1[:, N_CLASS:]
    blk = min(blk, M)
    grid = (M // blk,)
    return pl.pallas_call(
        _mlp_kernel,
        grid=grid,
        in_specs=[
            pl.BlockSpec((N_CLASS, blk), lambda i: (0, i)),
            pl.BlockSpec((Cf, blk), lambda i: (0, i)),
            pl.BlockSpec((512, N_CLASS), lambda i: (0, 0)),
            pl.BlockSpec((512, Cf), lambda i: (0, 0)),
            pl.BlockSpec((512, 1), lambda i: (0, 0)),
            pl.BlockSpec((512, 512), lambda i: (0, 0)),
            pl.BlockSpec((512, 1), lambda i: (0, 0)),
            pl.BlockSpec((512, 512), lambda i: (0, 0)),
            pl.BlockSpec((512, 1), lambda i: (0, 0)),
            pl.BlockSpec((N_CLASS, 512), lambda i: (0, 0)),
            pl.BlockSpec((N_CLASS, 1), lambda i: (0, 0)),
        ],
        out_specs=pl.BlockSpec((N_CLASS, blk), lambda i: (0, i)),
        out_shape=jax.ShapeDtypeStruct((N_CLASS, M), jnp.float32),
    )(xm, xf, w1m, w1f, b1[:, None], W2, b2[:, None], W3, b3[:, None],
      Wf, bf[:, None])


def _stage(temp, feat, params, pts, sc_chunk):
    B, C, H, W = feat.shape
    N = pts.shape[1]
    xs = pts[..., 0].reshape(-1)
    ys = pts[..., 1].reshape(-1)
    if sc_chunk is not None:
        xf = _sc_point_sample(feat.reshape(-1), xs, ys,
                              C=C, H=H, W=W, N=N, c_chunk=sc_chunk)
    else:
        xf = jnp.transpose(_point_sample(feat, pts), (1, 0, 2)).reshape(C, B * N)
    th, tw = temp.shape[2], temp.shape[3]
    xm = _sc_point_sample_indirect(temp.reshape(-1), xs, ys,
                                   C=8, H=th, W=tw, N=N)
    out = _mlp_pallas(params, xm, xf)
    return jnp.transpose(out.reshape(N_CLASS, B, N), (1, 0, 2))


def kernel(refine, x0, x1, x2, x3, coarse, p3, p2, p1, p0, pr):
    key = jax.random.key(42)
    ks = jax.random.split(key, 10)
    temp1 = coarse
    pts1 = _sampling_points(jax.nn.softmax(temp1, axis=1), 512, ks[0], ks[1])
    rend1 = _stage(temp1, x3, p3, pts1, 8)
    temp2 = coarse
    pts2 = _sampling_points(jax.nn.softmax(temp2, axis=1), 512, ks[2], ks[3])
    rend2 = _stage(temp2, x2, p2, pts2, 8)
    temp3 = _upsample2x(temp2)
    pts3 = _sampling_points(jax.nn.softmax(temp3, axis=1), 2048, ks[4], ks[5])
    rend3 = _stage(temp3, x1, p1, pts3, 2)
    temp4 = _upsample2x(temp3)
    pts4 = _sampling_points(jax.nn.softmax(temp4, axis=1), 2048, ks[6], ks[7])
    rend4 = _stage(temp4, x0, p0, pts4, None)
    temp5 = _upsample2x(temp4)
    pts5 = _sampling_points(jax.nn.softmax(temp5, axis=1), 2048, ks[8], ks[9])
    rend5 = _stage(temp5, refine, pr, pts5, None)
    return (pts1, rend1, pts2, rend2, pts3, rend3, pts4, rend4, pts5, rend5)

# --- scband reference (transcript-rebuilt; emitter-appended) ---
"""Pipeline reference for scband-rend-net-71657234367218 (READ-ONLY COPY).

The authoritative reference and input builder live on the scoring server;
editing this copy changes nothing except your own understanding.
"""

import jax, jax.numpy as jnp
import numpy as np

N_CLASS = 8

def point_sample(feat, points):
    # feat: [B, C, H, W]; points: [B, N, 2] in [0,1], (x, y) order; align_corners=True bilinear
    B, C, H, W = feat.shape
    x = points[..., 0] * (W - 1)
    y = points[..., 1] * (H - 1)
    x0f = jnp.floor(x); y0f = jnp.floor(y)
    wx = x - x0f; wy = y - y0f
    x0 = jnp.clip(x0f, 0, W - 1).astype(jnp.int32)
    x1 = jnp.clip(x0f + 1, 0, W - 1).astype(jnp.int32)
    y0 = jnp.clip(y0f, 0, H - 1).astype(jnp.int32)
    y1 = jnp.clip(y0f + 1, 0, H - 1).astype(jnp.int32)
    b = jnp.arange(B)[:, None]
    f00 = feat[b, :, y0, x0]
    f01 = feat[b, :, y0, x1]
    f10 = feat[b, :, y1, x0]
    f11 = feat[b, :, y1, x1]
    wxe = wx[..., None]; wye = wy[..., None]
    out = f00 * (1 - wxe) * (1 - wye) + f01 * wxe * (1 - wye) + f10 * (1 - wxe) * wye + f11 * wxe * wye
    return jnp.transpose(out, (0, 2, 1))  # [B, C, N]

def upsample2x(feat):
    # bilinear, align_corners=True, scale_factor=2
    B, C, H, W = feat.shape
    ys = jnp.linspace(0.0, H - 1.0, 2 * H)
    xs = jnp.linspace(0.0, W - 1.0, 2 * W)
    y0f = jnp.floor(ys); wy = ys - y0f
    x0f = jnp.floor(xs); wx = xs - x0f
    y0 = y0f.astype(jnp.int32); y1 = jnp.minimum(y0 + 1, H - 1)
    x0 = x0f.astype(jnp.int32); x1 = jnp.minimum(x0 + 1, W - 1)
    rows = feat[:, :, y0, :] * (1 - wy)[None, None, :, None] + feat[:, :, y1, :] * wy[None, None, :, None]
    out = rows[:, :, :, x0] * (1 - wx)[None, None, None, :] + rows[:, :, :, x1] * wx[None, None, None, :]
    return out

def sampling_points_v2(mask, N, key1, key2, k=3, beta=0.75):
    # PointRend-style training sampling: oversample k*N uniform points, keep beta*N most
    # uncertain (smallest top1-top2 gap), plus (1-beta)*N uniform coverage points.
    B = mask.shape[0]
    over = jax.random.uniform(key1, (B, k * N, 2), dtype=jnp.float32)
    vals = point_sample(mask, over)  # [B, C, kN]
    t = jax.lax.top_k(jnp.transpose(vals, (0, 2, 1)), 2)[0]  # [B, kN, 2]
    unc = t[..., 1] - t[..., 0]  # negative gap; larger (closer to 0) = more uncertain
    n_imp = int(beta * N)
    idx = jax.lax.top_k(unc, n_imp)[1]  # [B, n_imp]
    imp = jnp.take_along_axis(over, idx[..., None], axis=1)
    cov = jax.random.uniform(key2, (B, N - n_imp, 2), dtype=jnp.float32)
    return jnp.concatenate([imp, cov], axis=1)

def mlp_apply(params, x):
    # Conv1d(kernel=1) stack == per-point MLP; x: [B, Cin, N]
    W1, b1, W2, b2, W3, b3, Wf, bf = params
    h = jax.nn.relu(jnp.einsum('oi,bin->bon', W1, x) + b1[None, :, None])
    h = jax.nn.relu(jnp.einsum('oi,bin->bon', W2, h) + b2[None, :, None])
    h = jax.nn.relu(jnp.einsum('oi,bin->bon', W3, h) + b3[None, :, None])
    return jnp.einsum('oi,bin->bon', Wf, h) + bf[None, :, None]

def _mlp_params(key, cin):
    ks = jax.random.split(key, 8)
    dims = [cin, 512, 512, 512]
    p = []
    for i in range(3):
        p.append(jax.random.normal(ks[2 * i], (dims[i + 1], dims[i]), dtype=jnp.float32) * 0.02)
        p.append(jnp.zeros((dims[i + 1],), dtype=jnp.float32))
    p.append(jax.random.normal(ks[6], (N_CLASS, 512), dtype=jnp.float32) * 0.02)
    p.append(jnp.zeros((N_CLASS,), dtype=jnp.float32))
    return p

def setup_inputs(seed: int = 0):
    key = jax.random.key(seed)
    ks = jax.random.split(key, 12)
    B = 2
    return {
        'refine': jax.random.normal(ks[0], (B, 64, 512, 512), dtype=jnp.float32),
        'x0': jax.random.normal(ks[1], (B, 64, 256, 256), dtype=jnp.float32),
        'x1': jax.random.normal(ks[2], (B, 256, 128, 128), dtype=jnp.float32),
        'x2': jax.random.normal(ks[3], (B, 512, 64, 64), dtype=jnp.float32),
        'x3': jax.random.normal(ks[4], (B, 1024, 64, 64), dtype=jnp.float32),
        'coarse': jax.random.normal(ks[5], (B, 8, 64, 64), dtype=jnp.float32),
        'p3': _mlp_params(ks[6], 1032),
        'p2': _mlp_params(ks[7], 520),
        'p1': _mlp_params(ks[8], 264),
        'p0': _mlp_params(ks[9], 72),
        'pr': _mlp_params(ks[10], 72),
    }

def reference(refine, x0, x1, x2, x3, coarse, p3, p2, p1, p0, pr):
    key = jax.random.key(42)
    ks = jax.random.split(key, 10)
    temp1 = coarse
    pts1 = sampling_points_v2(jax.nn.softmax(temp1, axis=1), 512, ks[0], ks[1])
    feat = jnp.concatenate([point_sample(temp1, pts1), point_sample(x3, pts1)], axis=1)
    rend1 = mlp_apply(p3, feat)
    temp2 = coarse
    pts2 = sampling_points_v2(jax.nn.softmax(temp2, axis=1), 512, ks[2], ks[3])
    feat = jnp.concatenate([point_sample(temp2, pts2), point_sample(x2, pts2)], axis=1)
    rend2 = mlp_apply(p2, feat)
    temp3 = upsample2x(temp2)
    pts3 = sampling_points_v2(jax.nn.softmax(temp3, axis=1), 2048, ks[4], ks[5])
    feat = jnp.concatenate([point_sample(temp3, pts3), point_sample(x1, pts3)], axis=1)
    rend3 = mlp_apply(p1, feat)
    temp4 = upsample2x(temp3)
    pts4 = sampling_points_v2(jax.nn.softmax(temp4, axis=1), 2048, ks[6], ks[7])
    feat = jnp.concatenate([point_sample(temp4, pts4), point_sample(x0, pts4)], axis=1)
    rend4 = mlp_apply(p0, feat)
    temp5 = upsample2x(temp4)
    pts5 = sampling_points_v2(jax.nn.softmax(temp5, axis=1), 2048, ks[8], ks[9])
    feat = jnp.concatenate([point_sample(temp5, pts5), point_sample(refine, pts5)], axis=1)
    rend5 = mlp_apply(pr, feat)
    return (pts1, rend1, pts2, rend2, pts3, rend3, pts4, rend4, pts5, rend5)

if __name__ == "__main__":
    import jax
    _d = setup_inputs()
    print(jax.jit(kernel)(*tuple(_d.values())))

</pallas_src>

<mosaic_0001>
#map = affine_map<(d0, d1) -> (0)>
#map1 = affine_map<(d0, d1) -> (0, 0)>
module attributes {stable_mosaic.version = 14 : i64} {
  func.func @sampler(%arg0: i32, %arg1: i32, %arg2: memref<8388608xf32, #tpu.memory_space<hbm>>, %arg3: memref<1024xf32, #tpu.memory_space<hbm>>, %arg4: memref<1024xf32, #tpu.memory_space<hbm>>, %arg5: memref<1024x1024xf32, #tpu.memory_space<hbm>>, %arg6: memref<65536xf32, #tpu.memory_space<vmem>>, %arg7: memref<32x1024xf32, #tpu.memory_space<vmem>>, %arg8: memref<1024xf32, #tpu.memory_space<vmem>>, %arg9: memref<1024xf32, #tpu.memory_space<vmem>>) attributes {dimension_semantics = [#tpu.dimension_semantics<core_parallel>, #tpu.dimension_semantics<subcore_parallel>], iteration_bounds = array<i64: 2, 16>, scalar_prefetch = 0 : i64, scratch_operands = 4 : i64, tpu.core_type = #tpu.core_type<sc_vector_subcore>, window_params = [{transform_indices = #map}, {transform_indices = #map}, {transform_indices = #map}, {transform_indices = #map1}]} {
    %mul3A = arith.constant 2 : i32
    %mul3A_0 = arith.muli %arg1, %mul3A : i32
    %add3A = arith.addi %mul3A_0, %arg0 : i32
    %mul3A_1 = arith.constant 32 : i32
    %mul3A_2 = arith.muli %add3A, %mul3A_1 : i32
    "tpu.region"() ({
      %run_scoped3A = tpu.sem_alloc : memref<!tpu.dma_semaphore, #tpu.memory_space<semaphore_mem>>
      tpu.enqueue_dma source(%arg3 : memref<1024xf32, #tpu.memory_space<hbm>>) target(%arg8 : memref<1024xf32, #tpu.memory_space<vmem>>) target_semaphore(%run_scoped3A : memref<!tpu.dma_semaphore, #tpu.memory_space<semaphore_mem>>)
      tpu.wait_dma2 semaphore(%run_scoped3A : memref<!tpu.dma_semaphore, #tpu.memory_space<semaphore_mem>>) src(%arg3 : memref<1024xf32, #tpu.memory_space<hbm>>) dst(%arg8 : memref<1024xf32, #tpu.memory_space<vmem>>)
      tpu.yield
    }) : () -> ()
    "tpu.region"() ({
      %run_scoped3A = tpu.sem_alloc : memref<!tpu.dma_semaphore, #tpu.memory_space<semaphore_mem>>
      tpu.enqueue_dma source(%arg4 : memref<1024xf32, #tpu.memory_space<hbm>>) target(%arg9 : memref<1024xf32, #tpu.memory_space<vmem>>) target_semaphore(%run_scoped3A : memref<!tpu.dma_semaphore, #tpu.memory_space<semaphore_mem>>)
      tpu.wait_dma2 semaphore(%run_scoped3A : memref<!tpu.dma_semaphore, #tpu.memory_space<semaphore_mem>>) src(%arg4 : memref<1024xf32, #tpu.memory_space<hbm>>) dst(%arg9 : memref<1024xf32, #tpu.memory_space<vmem>>)
      tpu.yield
    }) : () -> ()
    %iota3A = tpu.iota {dimensions = array<i32: 0>} : vector<16xi32>
    %add3A_3 = arith.constant 0 : i32
    %add3A_4 = arith.addi %mul3A_2, %add3A_3 : i32
    %mul3A_5 = arith.constant 4096 : i32
    %mul3A_6 = arith.muli %add3A_4, %mul3A_5 : i32
    "tpu.region"() ({
      %run_scoped3A = tpu.sem_alloc : memref<!tpu.dma_semaphore, #tpu.memory_space<semaphore_mem>>
      %dma_start3A = arith.constant 0 : i32
      %dma_start3A_90 = tpu.memref_slice %arg6[%dma_start3A] : memref<65536xf32, #tpu.memory_space<vmem>> -> memref<32768xf32, #tpu.memory_space<vmem>>
      %dma_start3A_91 = tpu.memref_slice %arg2[%mul3A_6] : memref<8388608xf32, #tpu.memory_space<hbm>> -> memref<32768xf32, #tpu.memory_space<hbm>>
      %dma_start3A_92 = arith.constant 0 : i32
      %dma_start3A_93 = tpu.memref_slice %arg6[%dma_start3A_92] : memref<65536xf32, #tpu.memory_space<vmem>> -> memref<32768xf32, #tpu.memory_space<vmem>>
      %dma_start3A_94 = tpu.memref_slice %arg2[%mul3A_6] : memref<8388608xf32, #tpu.memory_space<hbm>> -> memref<32768xf32, #tpu.memory_space<hbm>>
      tpu.enqueue_dma source(%dma_start3A_94 : memref<32768xf32, #tpu.memory_space<hbm>>) target(%dma_start3A_93 : memref<32768xf32, #tpu.memory_space<vmem>>) target_semaphore(%run_scoped3A : memref<!tpu.dma_semaphore, #tpu.memory_space<semaphore_mem>>)
      %dma_wait3A = arith.constant 0 : i32
      %dma_wait3A_95 = tpu.memref_slice %arg6[%dma_wait3A] : memref<65536xf32, #tpu.memory_space<vmem>> -> memref<32768xf32, #tpu.memory_space<vmem>>
      %dma_wait3A_96 = tpu.memref_slice %arg2[%mul3A_6] : memref<8388608xf32, #tpu.memory_space<hbm>> -> memref<32768xf32, #tpu.memory_space<hbm>>
      %dma_wait3A_97 = arith.constant 0 : i32
      %dma_wait3A_98 = tpu.memref_slice %arg6[%dma_wait3A_97] : memref<65536xf32, #tpu.memory_space<vmem>> -> memref<32768xf32, #tpu.memory_space<vmem>>
      %dma_wait3A_99 = tpu.memref_slice %arg2[%mul3A_6] : memref<8388608xf32, #tpu.memory_space<hbm>> -> memref<32768xf32, #tpu.memory_space<hbm>>
      tpu.wait_dma2 semaphore(%run_scoped3A : memref<!tpu.dma_semaphore, #tpu.memory_space<semaphore_mem>>) src(%dma_wait3A_99 : memref<32768xf32, #tpu.memory_space<hbm>>) dst(%dma_wait3A_98 : memref<32768xf32, #tpu.memory_space<vmem>>)
      tpu.yield
    }) : () -> ()
    %add3A_7 = arith.constant 1024 : i32
    %add3A_8 = arith.addi %add3A_7, %add3A_4 : i32
    %mul3A_9 = arith.constant 4096 : i32
    %mul3A_10 = arith.muli %add3A_8, %mul3A_9 : i32
    "tpu.region"() ({
      %run_scoped3A = tpu.sem_alloc : memref<!tpu.dma_semaphore, #tpu.memory_space<semaphore_mem>>
      %dma_start3A = arith.constant 32768 : i32
      %dma_start3A_90 = tpu.memref_slice %arg6[%dma_start3A] : memref<65536xf32, #tpu.memory_space<vmem>> -> memref<32768xf32, #tpu.memory_space<vmem>>
      %dma_start3A_91 = tpu.memref_slice %arg2[%mul3A_10] : memref<8388608xf32, #tpu.memory_space<hbm>> -> memref<32768xf32, #tpu.memory_space<hbm>>
      %dma_start3A_92 = arith.constant 32768 : i32
      %dma_start3A_93 = tpu.memref_slice %arg6[%dma_start3A_92] : memref<65536xf32, #tpu.memory_space<vmem>> -> memref<32768xf32, #tpu.memory_space<vmem>>
      %dma_start3A_94 = tpu.memref_slice %arg2[%mul3A_10] : memref<8388608xf32, #tpu.memory_space<hbm>> -> memref<32768xf32, #tpu.memory_space<hbm>>
      tpu.enqueue_dma source(%dma_start3A_94 : memref<32768xf32, #tpu.memory_space<hbm>>) target(%dma_start3A_93 : memref<32768xf32, #tpu.memory_space<vmem>>) target_semaphore(%run_scoped3A : memref<!tpu.dma_semaphore, #tpu.memory_space<semaphore_mem>>)
      %dma_wait3A = arith.constant 32768 : i32
      %dma_wait3A_95 = tpu.memref_slice %arg6[%dma_wait3A] : memref<65536xf32, #tpu.memory_space<vmem>> -> memref<32768xf32, #tpu.memory_space<vmem>>
      %dma_wait3A_96 = tpu.memref_slice %arg2[%mul3A_10] : memref<8388608xf32, #tpu.memory_space<hbm>> -> memref<32768xf32, #tpu.memory_space<hbm>>
      %dma_wait3A_97 = arith.constant 32768 : i32
      %dma_wait3A_98 = tpu.memref_slice %arg6[%dma_wait3A_97] : memref<65536xf32, #tpu.memory_space<vmem>> -> memref<32768xf32, #tpu.memory_space<vmem>>
      %dma_wait3A_99 = tpu.memref_slice %arg2[%mul3A_10] : memref<8388608xf32, #tpu.memory_space<hbm>> -> memref<32768xf32, #tpu.memory_space<hbm>>
      tpu.wait_dma2 semaphore(%run_scoped3A : memref<!tpu.dma_semaphore, #tpu.memory_space<semaphore_mem>>) src(%dma_wait3A_99 : memref<32768xf32, #tpu.memory_space<hbm>>) dst(%dma_wait3A_98 : memref<32768xf32, #tpu.memory_space<vmem>>)
      tpu.yield
    }) : () -> ()
    %scan3A = arith.constant 0 : i32
    %scan3A_11 = arith.constant 0 : i32
    %scan3A_12 = arith.constant 32 : i32
    %scan3A_13 = arith.addi %scan3A_11, %scan3A_12 : i32
    %scan3A_14 = arith.constant 1 : i32
    %scan3A_15 = scf.for %scan3A_90 = %scan3A_11 to %scan3A_13 step %scan3A_14 iter_args(%scan3A_91 = %scan3A) -> (i32)  : i32 {
      %mul3A_92 = arith.constant 16 : i32
      %mul3A_93 = arith.muli %scan3A_90, %mul3A_92 : i32
      %add3A_94 = arith.constant 0 : i32
      %add3A_95 = arith.addi %add3A_94, %mul3A_93 : i32
      %get3A = arith.index_cast %add3A_95 : i32 to index
      %get3A_96 = tpu.vector_load %arg8[%get3A] {strides = array<i32>} : memref<1024xf32, #tpu.memory_space<vmem>>, vector<16xf32>,
      %get3A_97 = arith.index_cast %add3A_95 : i32 to index
      %get3A_98 = tpu.vector_load %arg9[%get3A_97] {strides = array<i32>} : memref<1024xf32, #tpu.memory_space<vmem>>, vector<16xf32>,
      %mul3A_99 = arith.constant 6.300000e+01 : f32
      %mul3A_100 = vector.broadcast %mul3A_99 : f32 to vector<16xf32>
      %mul3A_101 = arith.mulf %get3A_96, %mul3A_100 : vector<16xf32>
      %mul3A_102 = arith.constant 6.300000e+01 : f32
      %mul3A_103 = vector.broadcast %mul3A_102 : f32 to vector<16xf32>
      %mul3A_104 = arith.mulf %get3A_98, %mul3A_103 : vector<16xf32>
      %convert_element_type3A = arith.fptosi %mul3A_101 : vector<16xf32> to vector<16xi32>
      %convert_element_type3A_105 = arith.fptosi %mul3A_104 : vector<16xf32> to vector<16xi32>
      %convert_element_type3A_106 = arith.sitofp %convert_element_type3A : vector<16xi32> to vector<16xf32>
      %sub3A = arith.subf %mul3A_101, %convert_element_type3A_106 : vector<16xf32>
      %convert_element_type3A_107 = arith.sitofp %convert_element_type3A_105 : vector<16xi32> to vector<16xf32>
      %sub3A_108 = arith.subf %mul3A_104, %convert_element_type3A_107 : vector<16xf32>
      %add3A_109 = arith.constant 1 : i32
      %add3A_110 = vector.broadcast %add3A_109 : i32 to vector<16xi32>
      %add3A_111 = arith.addi %convert_element_type3A, %add3A_110 : vector<16xi32>
      %min3A = arith.constant 63 : i32
      %min3A_112 = vector.broadcast %min3A : i32 to vector<16xi32>
      %min3A_113 = arith.minsi %add3A_111, %min3A_112 : vector<16xi32>
      %add3A_114 = arith.constant 1 : i32
      %add3A_115 = vector.broadcast %add3A_114 : i32 to vector<16xi32>
      %add3A_116 = arith.addi %convert_element_type3A_105, %add3A_115 : vector<16xi32>
      %min3A_117 = arith.constant 63 : i32
      %min3A_118 = vector.broadcast %min3A_117 : i32 to vector<16xi32>
      %min3A_119 = arith.minsi %add3A_116, %min3A_118 : vector<16xi32>
      %mul3A_120 = arith.constant 64 : i32
      %mul3A_121 = vector.broadcast %mul3A_120 : i32 to vector<16xi32>
      %mul3A_122 = arith.muli %convert_element_type3A_105, %mul3A_121 : vector<16xi32>
      %add3A_123 = arith.addi %mul3A_122, %convert_element_type3A : vector<16xi32>
      %add3A_124 = arith.constant 0 : i32
      %add3A_125 = vector.broadcast %add3A_124 : i32 to vector<16xi32>
      %add3A_126 = arith.addi %add3A_123, %add3A_125 : vector<16xi32>
      %mul3A_127 = arith.constant 64 : i32
      %mul3A_128 = vector.broadcast %mul3A_127 : i32 to vector<16xi32>
      %mul3A_129 = arith.muli %convert_element_type3A_105, %mul3A_128 : vector<16xi32>
      %add3A_130 = arith.addi %mul3A_129, %min3A_113 : vector<16xi32>
      %add3A_131 = arith.constant 0 : i32
      %add3A_132 = vector.broadcast %add3A_131 : i32 to vector<16xi32>
      %add3A_133 = arith.addi %add3A_130, %add3A_132 : vector<16xi32>
      %mul3A_134 = arith.constant 64 : i32
      %mul3A_135 = vector.broadcast %mul3A_134 : i32 to vector<16xi32>
      %mul3A_136 = arith.muli %min3A_119, %mul3A_135 : vector<16xi32>
      %add3A_137 = arith.addi %mul3A_136, %convert_element_type3A : vector<16xi32>
      %add3A_138 = arith.constant 0 : i32
      %add3A_139 = vector.broadcast %add3A_138 : i32 to vector<16xi32>
      %add3A_140 = arith.addi %add3A_137, %add3A_139 : vector<16xi32>
      %mul3A_141 = arith.constant 64 : i32
      %mul3A_142 = vector.broadcast %mul3A_141 : i32 to vector<16xi32>
      %mul3A_143 = arith.muli %min3A_119, %mul3A_142 : vector<16xi32>
      %add3A_144 = arith.addi %mul3A_143, %min3A_113 : vector<16xi32>
      %add3A_145 = arith.constant 0 : i32
      %add3A_146 = vector.broadcast %add3A_145 : i32 to vector<16xi32>
      %add3A_147 = arith.addi %add3A_144, %add3A_146 : vector<16xi32>
      %sub3A_148 = arith.constant 1.000000e+00 : f32
      %sub3A_149 = vector.broadcast %sub3A_148 : f32 to vector<16xf32>
      %sub3A_150 = arith.subf %sub3A_149, %sub3A : vector<16xf32>
      %sub3A_151 = arith.constant 1.000000e+00 : f32
      %sub3A_152 = vector.broadcast %sub3A_151 : f32 to vector<16xf32>
      %sub3A_153 = arith.subf %sub3A_152, %sub3A_108 : vector<16xf32>
      %mul3A_154 = arith.mulf %sub3A_150, %sub3A_153 : vector<16xf32>
      %sub3A_155 = arith.constant 1.000000e+00 : f32
      %sub3A_156 = vector.broadcast %sub3A_155 : f32 to vector<16xf32>
      %sub3A_157 = arith.subf %sub3A_156, %sub3A_108 : vector<16xf32>
      %mul3A_158 = arith.mulf %sub3A, %sub3A_157 : vector<16xf32>
      %sub3A_159 = arith.constant 1.000000e+00 : f32
      %sub3A_160 = vector.broadcast %sub3A_159 : f32 to vector<16xf32>
      %sub3A_161 = arith.subf %sub3A_160, %sub3A : vector<16xf32>
      %mul3A_162 = arith.mulf %sub3A_161, %sub3A_108 : vector<16xf32>
      %mul3A_163 = arith.mulf %sub3A, %sub3A_108 : vector<16xf32>
      %add3A_164 = vector.broadcast %add3A_95 : i32 to vector<16xi32>
      %add3A_165 = arith.addi %iota3A, %add3A_164 : vector<16xi32>
      %add3A_166 = arith.constant 0 : i32
      %add3A_167 = vector.broadcast %add3A_166 : i32 to vector<16xi32>
      %add3A_168 = arith.addi %add3A_126, %add3A_167 : vector<16xi32>
      %gather3A = tpu.vector_load_idx %arg6[%add3A_168] : memref<65536xf32, #tpu.memory_space<vmem>>[vector<16xi32>], vector<16xf32>,
      %mul3A_169 = arith.mulf %gather3A, %mul3A_154 : vector<16xf32>
      %add3A_170 = arith.constant 0 : i32
      %add3A_171 = vector.broadcast %add3A_170 : i32 to vector<16xi32>
      %add3A_172 = arith.addi %add3A_133, %add3A_171 : vector<16xi32>
      %gather3A_173 = tpu.vector_load_idx %arg6[%add3A_172] : memref<65536xf32, #tpu.memory_space<vmem>>[vector<16xi32>], vector<16xf32>,
      %mul3A_174 = arith.mulf %gather3A_173, %mul3A_158 : vector<16xf32>
      %add3A_175 = arith.addf %mul3A_169, %mul3A_174 : vector<16xf32>
      %add3A_176 = arith.constant 0 : i32
      %add3A_177 = vector.broadcast %add3A_176 : i32 to vector<16xi32>
      %add3A_178 = arith.addi %add3A_140, %add3A_177 : vector<16xi32>
      %gather3A_179 = tpu.vector_load_idx %arg6[%add3A_178] : memref<65536xf32, #tpu.memory_space<vmem>>[vector<16xi32>], vector<16xf32>,
      %mul3A_180 = arith.mulf %gather3A_179, %mul3A_162 : vector<16xf32>
      %add3A_181 = arith.addf %add3A_175, %mul3A_180 : vector<16xf32>
      %add3A_182 = arith.constant 0 : i32
      %add3A_183 = vector.broadcast %add3A_182 : i32 to vector<16xi32>
      %add3A_184 = arith.addi %add3A_147, %add3A_183 : vector<16xi32>
      %gather3A_185 = tpu.vector_load_idx %arg6[%add3A_184] : memref<65536xf32, #tpu.memory_space<vmem>>[vector<16xi32>], vector<16xf32>,
      %mul3A_186 = arith.mulf %gather3A_185, %mul3A_163 : vector<16xf32>
      %add3A_187 = arith.addf %add3A_181, %mul3A_186 : vector<16xf32>
      %broadcast_in_dim3A = arith.constant 0 : i32
      %broadcast_in_dim3A_188 = vector.broadcast %broadcast_in_dim3A : i32 to vector<16xi32>
      tpu.vector_store_idx %arg7[%broadcast_in_dim3A_188, %add3A_165], %add3A_187 : memref<32x1024xf32, #tpu.memory_space<vmem>>[vector<16xi32>, vector<16xi32>], vector<16xf32>,
      %add3A_189 = arith.constant 4096 : i32
      %add3A_190 = vector.broadcast %add3A_189 : i32 to vector<16xi32>
      %add3A_191 = arith.addi %add3A_126, %add3A_190 : vector<16xi32>
      %gather3A_192 = tpu.vector_load_idx %arg6[%add3A_191] : memref<65536xf32, #tpu.memory_space<vmem>>[vector<16xi32>], vector<16xf32>,
      %mul3A_193 = arith.mulf %gather3A_192, %mul3A_154 : vector<16xf32>
      %add3A_194 = arith.constant 4096 : i32
      %add3A_195 = vector.broadcast %add3A_194 : i32 to vector<16xi32>
      %add3A_196 = arith.addi %add3A_133, %add3A_195 : vector<16xi32>
      %gather3A_197 = tpu.vector_load_idx %arg6[%add3A_196] : memref<65536xf32, #tpu.memory_space<vmem>>[vector<16xi32>], vector<16xf32>,
      %mul3A_198 = arith.mulf %gather3A_197, %mul3A_158 : vector<16xf32>
      %add3A_199 = arith.addf %mul3A_193, %mul3A_198 : vector<16xf32>
      %add3A_200 = arith.constant 4096 : i32
      %add3A_201 = vector.broadcast %add3A_200 : i32 to vector<16xi32>
      %add3A_202 = arith.addi %add3A_140, %add3A_201 : vector<16xi32>
      %gather3A_203 = tpu.vector_load_idx %arg6[%add3A_202] : memref<65536xf32, #tpu.memory_space<vmem>>[vector<16xi32>], vector<16xf32>,
      %mul3A_204 = arith.mulf %gather3A_203, %mul3A_162 : vector<16xf32>
      %add3A_205 = arith.addf %add3A_199, %mul3A_204 : vector<16xf32>
      %add3A_206 = arith.constant 4096 : i32
      %add3A_207 = vector.broadcast %add3A_206 : i32 to vector<16xi32>
      %add3A_208 = arith.addi %add3A_147, %add3A_207 : vector<16xi32>
      %gather3A_209 = tpu.vector_load_idx %arg6[%add3A_208] : memref<65536xf32, #tpu.memory_space<vmem>>[vector<16xi32>], vector<16xf32>,
      %mul3A_210 = arith.mulf %gather3A_209, %mul3A_163 : vector<16xf32>
      %add3A_211 = arith.addf %add3A_205, %mul3A_210 : vector<16xf32>
      %broadcast_in_dim3A_212 = arith.constant 1 : i32
      %broadcast_in_dim3A_213 = vector.broadcast %broadcast_in_dim3A_212 : i32 to vector<16xi32>
      tpu.vector_store_idx %arg7[%broadcast_in_dim3A_213, %add3A_165], %add3A_211 : memref<32x1024xf32, #tpu.memory_space<vmem>>[vector<16xi32>, vector<16xi32>], vector<16xf32>,
      %add3A_214 = arith.constant 8192 : i32
      %add3A_215 = vector.broadcast %add3A_214 : i32 to vector<16xi32>
      %add3A_216 = arith.addi %add3A_126, %add3A_215 : vector<16xi32>
      %gather3A_217 = tpu.vector_load_idx %arg6[%add3A_216] : memref<65536xf32, #tpu.memory_space<vmem>>[vector<16xi32>], vector<16xf32>,
      %mul3A_218 = arith.mulf %gather3A_217, %mul3A_154 : vector<16xf32>
      %add3A_219 = arith.constant 8192 : i32
      %add3A_220 = vector.broadcast %add3A_219 : i32 to vector<16xi32>
      %add3A_221 = arith.addi %add3A_133, %add3A_220 : vector<16xi32>
      %gather3A_222 = tpu.vector_load_idx %arg6[%add3A_221] : memref<65536xf32, #tpu.memory_space<vmem>>[vector<16xi32>], vector<16xf32>,
      %mul3A_223 = arith.mulf %gather3A_222, %mul3A_158 : vector<16xf32>
      %add3A_224 = arith.addf %mul3A_218, %mul3A_223 : vector<16xf32>
      %add3A_225 = arith.constant 8192 : i32
      %add3A_226 = vector.broadcast %add3A_225 : i32 to vector<16xi32>
      %add3A_227 = arith.addi %add3A_140, %add3A_226 : vector<16xi32>
      %gather3A_228 = tpu.vector_load_idx %arg6[%add3A_227] : memref<65536xf32, #tpu.memory_space<vmem>>[vector<16xi32>], vector<16xf32>,
      %mul3A_229 = arith.mulf %gather3A_228, %mul3A_162 : vector<16xf32>
      %add3A_230 = arith.addf %add3A_224, %mul3A_229 : vector<16xf32>
      %add3A_231 = arith.constant 8192 : i32
      %add3A_232 = vector.broadcast %add3A_231 : i32 to vector<16xi32>
      %add3A_233 = arith.addi %add3A_147, %add3A_232 : vector<16xi32>
      %gather3A_234 = tpu.vector_load_idx %arg6[%add3A_233] : memref<65536xf32, #tpu.memory_space<vmem>>[vector<16xi32>], vector<16xf32>,
      %mul3A_235 = arith.mulf %gather3A_234, %mul3A_163 : vector<16xf32>
      %add3A_236 = arith.addf %add3A_230, %mul3A_235 : vector<16xf32>
      %broadcast_in_dim3A_237 = arith.constant 2 : i32
      %broadcast_in_dim3A_238 = vector.broadcast %broadcast_in_dim3A_237 : i32 to vector<16xi32>
      tpu.vector_store_idx %arg7[%broadcast_in_dim3A_238, %add3A_165], %add3A_236 : memref<32x1024xf32, #tpu.memory_space<vmem>>[vector<16xi32>, vector<16xi32>], vector<16xf32>,
      %add3A_239 = arith.constant 12288 : i32
      %add3A_240 = vector.broadcast %add3A_239 : i32 to vector<16xi32>
      %add3A_241 = arith.addi %add3A_126, %add3A_240 : vector<16xi32>
      %gather3A_242 = tpu.vector_load_idx %arg6[%add3A_241] : memref<65536xf32, #tpu.memory_space<vmem>>[vector<16xi32>], vector<16xf32>,
      %mul3A_243 = arith.mulf %gather3A_242, %mul3A_154 : vector<16xf32>
      %add3A_244 = arith.constant 12288 : i32
      %add3A_245 = vector.broadcast %add3A_244 : i32 to vector<16xi32>
      %add3A_246 = arith.addi %add3A_133, %add3A_245 : vector<16xi32>
      %gather3A_247 = tpu.vector_load_idx %arg6[%add3A_246] : memref<65536xf32, #tpu.memory_space<vmem>>[vector<16xi32>], vector<16xf32>,
      %mul3A_248 = arith.mulf %gather3A_247, %mul3A_158 : vector<16xf32>
      %add3A_249 = arith.addf %mul3A_243, %mul3A_248 : vector<16xf32>
      %add3A_250 = arith.constant 12288 : i32
      %add3A_251 = vector.broadcast %add3A_250 : i32 to vector<16xi32>
      %add3A_252 = arith.addi %add3A_140, %add3A_251 : vector<16xi32>
      %gather3A_253 = tpu.vector_load_idx %arg6[%add3A_252] : memref<65536xf32, #tpu.memory_space<vmem>>[vector<16xi32>], vector<16xf32>,
      %mul3A_254 = arith.mulf %gather3A_253, %mul3A_162 : vector<16xf32>
      %add3A_255 = arith.addf %add3A_249, %mul3A_254 : vector<16xf32>
      %add3A_256 = arith.constant 12288 : i32
      %add3A_257 = vector.broadcast %add3A_256 : i32 to vector<16xi32>
      %add3A_258 = arith.addi %add3A_147, %add3A_257 : vector<16xi32>
      %gather3A_259 = tpu.vector_load_idx %arg6[%add3A_258] : memref<65536xf32, #tpu.memory_space<vmem>>[vector<16xi32>], vector<16xf32>,
      %mul3A_260 = arith.mulf %gather3A_259, %mul3A_163 : vector<16xf32>
      %add3A_261 = arith.addf %add3A_255, %mul3A_260 : vector<16xf32>
      %broadcast_in_dim3A_262 = arith.constant 3 : i32
      %broadcast_in_dim3A_263 = vector.broadcast %broadcast_in_dim3A_262 : i32 to vector<16xi32>
      tpu.vector_store_idx %arg7[%broadcast_in_dim3A_263, %add3A_165], %add3A_261 : memref<32x1024xf32, #tpu.memory_space<vmem>>[vector<16xi32>, vector<16xi32>], vector<16xf32>,
      %add3A_264 = arith.constant 16384 : i32
      %add3A_265 = vector.broadcast %add3A_264 : i32 to vector<16xi32>
      %add3A_266 = arith.addi %add3A_126, %add3A_265 : vector<16xi32>
      %gather3A_267 = tpu.vector_load_idx %arg6[%add3A_266] : memref<65536xf32, #tpu.memory_space<vmem>>[vector<16xi32>], vector<16xf32>,
      %mul3A_268 = arith.mulf %gather3A_267, %mul3A_154 : vector<16xf32>
      %add3A_269 = arith.constant 16384 : i32
      %add3A_270 = vector.broadcast %add3A_269 : i32 to vector<16xi32>
      %add3A_271 = arith.addi %add3A_133, %add3A_270 : vector<16xi32>
      %gather3A_272 = tpu.vector_load_idx %arg6[%add3A_271] : memref<65536xf32, #tpu.memory_space<vmem>>[vector<16xi32>], vector<16xf32>,
      %mul3A_273 = arith.mulf %gather3A_272, %mul3A_158 : vector<16xf32>
      %add3A_274 = arith.addf %mul3A_268, %mul3A_273 : vector<16xf32>
      %add3A_275 = arith.constant 16384 : i32
      %add3A_276 = vector.broadcast %add3A_275 : i32 to vector<16xi32>
      %add3A_277 = arith.addi %add3A_140, %add3A_276 : vector<16xi32>
      %gather3A_278 = tpu.vector_load_idx %arg6[%add3A_277] : memref<65536xf32, #tpu.memory_space<vmem>>[vector<16xi32>], vector<16xf32>,
      %mul3A_279 = arith.mulf %gather3A_278, %mul3A_162 : vector<16xf32>
      %add3A_280 = arith.addf %add3A_274, %mul3A_279 : vector<16xf32>
      %add3A_281 = arith.constant 16384 : i32
      %add3A_282 = vector.broadcast %add3A_281 : i32 to vector<16xi32>
      %add3A_283 = arith.addi %add3A_147, %add3A_282 : vector<16xi32>
      %gather3A_284 = tpu.vector_load_idx %arg6[%add3A_283] : memref<65536xf32, #tpu.memory_space<vmem>>[vector<16xi32>], vector<16xf32>,
      %mul3A_285 = arith.mulf %gather3A_284, %mul3A_163 : vector<16xf32>
      %add3A_286 = arith.addf %add3A_280, %mul3A_285 : vector<16xf32>
      %broadcast_in_dim3A_287 = arith.constant 4 : i32
      %broadcast_in_dim3A_288 = vector.broadcast %broadcast_in_dim3A_287 : i32 to vector<16xi32>
      tpu.vector_store_idx %arg7[%broadcast_in_dim3A_288, %add3A_165], %add3A_286 : memref<32x1024xf32, #tpu.memory_space<vmem>>[vector<16xi32>, vector<16xi32>], vector<16xf32>,
      %add3A_289 = arith.constant 20480 : i32
      %add3A_290 = vector.broadcast %add3A_289 : i32 to vector<16xi32>
      %add3A_291 = arith.addi %add3A_126, %add3A_290 : vector<16xi32>
      %gather3A_292 = tpu.vector_load_idx %arg6[%add3A_291] : memref<65536xf32, #tpu.memory_space<vmem>>[vector<16xi32>], vector<16xf32>,
      %mul3A_293 = arith.mulf %gather3A_292, %mul3A_154 : vector<16xf32>
      %add3A_294 = arith.constant 20480 : i32
      %add3A_295 = vector.broadcast %add3A_294 : i32 to vector<16xi32>
      %add3A_296 = arith.addi %add3A_133, %add3A_295 : vector<16xi32>
      %gather3A_297 = tpu.vector_load_idx %arg6[%add3A_296] : memref<65536xf32, #tpu.memory_space<vmem>>[vector<16xi32>], vector<16xf32>,
      %mul3A_298 = arith.mulf %gather3A_297, %mul3A_158 : vector<16xf32>
      %add3A_299 = arith.addf %mul3A_293, %mul3A_298 : vector<16xf32>
      %add3A_300 = arith.constant 20480 : i32
      %add3A_301 = vector.broadcast %add3A_300 : i32 to vector<16xi32>
      %add3A_302 = arith.addi %add3A_140, %add3A_301 : vector<16xi32>
      %gather3A_303 = tpu.vector_load_idx %arg6[%add3A_302] : memref<65536xf32, #tpu.memory_space<vmem>>[vector<16xi32>], vector<16xf32>,
      %mul3A_304 = arith.mulf %gather3A_303, %mul3A_162 : vector<16xf32>
      %add3A_305 = arith.addf %add3A_299, %mul3A_304 : vector<16xf32>
      %add3A_306 = arith.constant 20480 : i32
      %add3A_307 = vector.broadcast %add3A_306 : i32 to vector<16xi32>
      %add3A_308 = arith.addi %add3A_147, %add3A_307 : vector<16xi32>
      %gather3A_309 = tpu.vector_load_idx %arg6[%add3A_308] : memref<65536xf32, #tpu.memory_space<vmem>>[vector<16xi32>], vector<16xf32>,
      %mul3A_310 = arith.mulf %gather3A_309, %mul3A_163 : vector<16xf32>
      %add3A_311 = arith.addf %add3A_305, %mul3A_310 : vector<16xf32>
      %broadcast_in_dim3A_312 = arith.constant 5 : i32
      %broadcast_in_dim3A_313 = vector.broadcast %broadcast_in_dim3A_312 : i32 to vector<16xi32>
      tpu.vector_store_idx %arg7[%broadcast_in_dim3A_313, %add3A_165], %add3A_311 : memref<32x1024xf32, #tpu.memory_space<vmem>>[vector<16xi32>, vector<16xi32>], vector<16xf32>,
      %add3A_314 = arith.constant 24576 : i32
      %add3A_315 = vector.broadcast %add3A_314 : i32 to vector<16xi32>
      %add3A_316 = arith.addi %add3A_126, %add3A_315 : vector<16xi32>
      %gather3A_317 = tpu.vector_load_idx %arg6[%add3A_316] : memref<65536xf32, #tpu.memory_space<vmem>>[vector<16xi32>], vector<16xf32>,
      %mul3A_318 = arith.mulf %gather3A_317, %mul3A_154 : vector<16xf32>
      %add3A_319 = arith.constant 24576 : i32
      %add3A_320 = vector.broadcast %add3A_319 : i32 to vector<16xi32>
      %add3A_321 = arith.addi %add3A_133, %add3A_320 : vector<16xi32>
      %gather3A_322 = tpu.vector_load_idx %arg6[%add3A_321] : memref<65536xf32, #tpu.memory_space<vmem>>[vector<16xi32>], vector<16xf32>,
      %mul3A_323 = arith.mulf %gather3A_322, %mul3A_158 : vector<16xf32>
      %add3A_324 = arith.addf %mul3A_318, %mul3A_323 : vector<16xf32>
      %add3A_325 = arith.constant 24576 : i32
      %add3A_326 = vector.broadcast %add3A_325 : i32 to vector<16xi32>
      %add3A_327 = arith.addi %add3A_140, %add3A_326 : vector<16xi32>
      %gather3A_328 = tpu.vector_load_idx %arg6[%add3A_327] : memref<65536xf32, #tpu.memory_space<vmem>>[vector<16xi32>], vector<16xf32>,
      %mul3A_329 = arith.mulf %gather3A_328, %mul3A_162 : vector<16xf32>
      %add3A_330 = arith.addf %add3A_324, %mul3A_329 : vector<16xf32>
      %add3A_331 = arith.constant 24576 : i32
      %add3A_332 = vector.broadcast %add3A_331 : i32 to vector<16xi32>
      %add3A_333 = arith.addi %add3A_147, %add3A_332 : vector<16xi32>
      %gather3A_334 = tpu.vector_load_idx %arg6[%add3A_333] : memref<65536xf32, #tpu.memory_space<vmem>>[vector<16xi32>], vector<16xf32>,
      %mul3A_335 = arith.mulf %gather3A_334, %mul3A_163 : vector<16xf32>
      %add3A_336 = arith.addf %add3A_330, %mul3A_335 : vector<16xf32>
      %broadcast_in_dim3A_337 = arith.constant 6 : i32
      %broadcast_in_dim3A_338 = vector.broadcast %broadcast_in_dim3A_337 : i32 to vector<16xi32>
      tpu.vector_store_idx %arg7[%broadcast_in_dim3A_338, %add3A_165], %add3A_336 : memref<32x1024xf32, #tpu.memory_space<vmem>>[vector<16xi32>, vector<16xi32>], vector<16xf32>,
      %add3A_339 = arith.constant 28672 : i32
      %add3A_340 = vector.broadcast %add3A_339 : i32 to vector<16xi32>
      %add3A_341 = arith.addi %add3A_126, %add3A_340 : vector<16xi32>
      %gather3A_342 = tpu.vector_load_idx %arg6[%add3A_341] : memref<65536xf32, #tpu.memory_space<vmem>>[vector<16xi32>], vector<16xf32>,
      %mul3A_343 = arith.mulf %gather3A_342, %mul3A_154 : vector<16xf32>
      %add3A_344 = arith.constant 28672 : i32
      %add3A_345 = vector.broadcast %add3A_344 : i32 to vector<16xi32>
      %add3A_346 = arith.addi %add3A_133, %add3A_345 : vector<16xi32>
      %gather3A_347 = tpu.vector_load_idx %arg6[%add3A_346] : memref<65536xf32, #tpu.memory_space<vmem>>[vector<16xi32>], vector<16xf32>,
      %mul3A_348 = arith.mulf %gather3A_347, %mul3A_158 : vector<16xf32>
      %add3A_349 = arith.addf %mul3A_343, %mul3A_348 : vector<16xf32>
      %add3A_350 = arith.constant 28672 : i32
      %add3A_351 = vector.broadcast %add3A_350 : i32 to vector<16xi32>
      %add3A_352 = arith.addi %add3A_140, %add3A_351 : vector<16xi32>
      %gather3A_353 = tpu.vector_load_idx %arg6[%add3A_352] : memref<65536xf32, #tpu.memory_space<vmem>>[vector<16xi32>], vector<16xf32>,
      %mul3A_354 = arith.mulf %gather3A_353, %mul3A_162 : vector<16xf32>
      %add3A_355 = arith.addf %add3A_349, %mul3A_354 : vector<16xf32>
      %add3A_356 = arith.constant 28672 : i32
      %add3A_357 = vector.broadcast %add3A_356 : i32 to vector<16xi32>
      %add3A_358 = arith.addi %add3A_147, %add3A_357 : vector<16xi32>
      %gather3A_359 = tpu.vector_load_idx %arg6[%add3A_358] : memref<65536xf32, #tpu.memory_space<vmem>>[vector<16xi32>], vector<16xf32>,
      %mul3A_360 = arith.mulf %gather3A_359, %mul3A_163 : vector<16xf32>
      %add3A_361 = arith.addf %add3A_355, %mul3A_360 : vector<16xf32>
      %broadcast_in_dim3A_362 = arith.constant 7 : i32
      %broadcast_in_dim3A_363 = vector.broadcast %broadcast_in_dim3A_362 : i32 to vector<16xi32>
      tpu.vector_store_idx %arg7[%broadcast_in_dim3A_363, %add3A_165], %add3A_361 : memref<32x1024xf32, #tpu.memory_space<vmem>>[vector<16xi32>, vector<16xi32>], vector<16xf32>,
      %scan3A_364 = arith.constant 0 : i32
      scf.yield %scan3A_364 : i32
    }
    %scan3A_16 = arith.constant 32 : i32
    %scan3A_17 = arith.constant 0 : i32
    %scan3A_18 = arith.constant 0 : i32
    %scan3A_19 = arith.constant 32 : i32
    %scan3A_20 = arith.addi %scan3A_18, %scan3A_19 : i32
    %scan3A_21 = arith.constant 1 : i32
    %scan3A_22 = scf.for %scan3A_90 = %scan3A_18 to %scan3A_20 step %scan3A_21 iter_args(%scan3A_91 = %scan3A_17) -> (i32)  : i32 {
      %mul3A_92 = arith.constant 16 : i32
      %mul3A_93 = arith.muli %scan3A_90, %mul3A_92 : i32
      %add3A_94 = arith.constant 512 : i32
      %add3A_95 = arith.addi %add3A_94, %mul3A_93 : i32
      %get3A = arith.index_cast %add3A_95 : i32 to index
      %get3A_96 = tpu.vector_load %arg8[%get3A] {strides = array<i32>} : memref<1024xf32, #tpu.memory_space<vmem>>, vector<16xf32>,
      %get3A_97 = arith.index_cast %add3A_95 : i32 to index
      %get3A_98 = tpu.vector_load %arg9[%get3A_97] {strides = array<i32>} : memref<1024xf32, #tpu.memory_space<vmem>>, vector<16xf32>,
      %mul3A_99 = arith.constant 6.300000e+01 : f32
      %mul3A_100 = vector.broadcast %mul3A_99 : f32 to vector<16xf32>
      %mul3A_101 = arith.mulf %get3A_96, %mul3A_100 : vector<16xf32>
      %mul3A_102 = arith.constant 6.300000e+01 : f32
      %mul3A_103 = vector.broadcast %mul3A_102 : f32 to vector<16xf32>
      %mul3A_104 = arith.mulf %get3A_98, %mul3A_103 : vector<16xf32>
      %convert_element_type3A = arith.fptosi %mul3A_101 : vector<16xf32> to vector<16xi32>
      %convert_element_type3A_105 = arith.fptosi %mul3A_104 : vector<16xf32> to vector<16xi32>
      %convert_element_type3A_106 = arith.sitofp %convert_element_type3A : vector<16xi32> to vector<16xf32>
      %sub3A = arith.subf %mul3A_101, %convert_element_type3A_106 : vector<16xf32>
      %convert_element_type3A_107 = arith.sitofp %convert_element_type3A_105 : vector<16xi32> to vector<16xf32>
      %sub3A_108 = arith.subf %mul3A_104, %convert_element_type3A_107 : vector<16xf32>
      %add3A_109 = arith.constant 1 : i32
      %add3A_110 = vector.broadcast %add3A_109 : i32 to vector<16xi32>
      %add3A_111 = arith.addi %convert_element_type3A, %add3A_110 : vector<16xi32>
      %min3A = arith.constant 63 : i32
      %min3A_112 = vector.broadcast %min3A : i32 to vector<16xi32>
      %min3A_113 = arith.minsi %add3A_111, %min3A_112 : vector<16xi32>
      %add3A_114 = arith.constant 1 : i32
      %add3A_115 = vector.broadcast %add3A_114 : i32 to vector<16xi32>
      %add3A_116 = arith.addi %convert_element_type3A_105, %add3A_115 : vector<16xi32>
      %min3A_117 = arith.constant 63 : i32
      %min3A_118 = vector.broadcast %min3A_117 : i32 to vector<16xi32>
      %min3A_119 = arith.minsi %add3A_116, %min3A_118 : vector<16xi32>
      %mul3A_120 = arith.constant 64 : i32
      %mul3A_121 = vector.broadcast %mul3A_120 : i32 to vector<16xi32>
      %mul3A_122 = arith.muli %convert_element_type3A_105, %mul3A_121 : vector<16xi32>
      %add3A_123 = arith.addi %mul3A_122, %convert_element_type3A : vector<16xi32>
      %add3A_124 = arith.constant 32768 : i32
      %add3A_125 = vector.broadcast %add3A_124 : i32 to vector<16xi32>
      %add3A_126 = arith.addi %add3A_123, %add3A_125 : vector<16xi32>
      %mul3A_127 = arith.constant 64 : i32
      %mul3A_128 = vector.broadcast %mul3A_127 : i32 to vector<16xi32>
      %mul3A_129 = arith.muli %convert_element_type3A_105, %mul3A_128 : vector<16xi32>
      %add3A_130 = arith.addi %mul3A_129, %min3A_113 : vector<16xi32>
      %add3A_131 = arith.constant 32768 : i32
      %add3A_132 = vector.broadcast %add3A_131 : i32 to vector<16xi32>
      %add3A_133 = arith.addi %add3A_130, %add3A_132 : vector<16xi32>
      %mul3A_134 = arith.constant 64 : i32
      %mul3A_135 = vector.broadcast %mul3A_134 : i32 to vector<16xi32>
      %mul3A_136 = arith.muli %min3A_119, %mul3A_135 : vector<16xi32>
      %add3A_137 = arith.addi %mul3A_136, %convert_element_type3A : vector<16xi32>
      %add3A_138 = arith.constant 32768 : i32
      %add3A_139 = vector.broadcast %add3A_138 : i32 to vector<16xi32>
      %add3A_140 = arith.addi %add3A_137, %add3A_139 : vector<16xi32>
      %mul3A_141 = arith.constant 64 : i32
      %mul3A_142 = vector.broadcast %mul3A_141 : i32 to vector<16xi32>
      %mul3A_143 = arith.muli %min3A_119, %mul3A_142 : vector<16xi32>
      %add3A_144 = arith.addi %mul3A_143, %min3A_113 : vector<16xi32>
      %add3A_145 = arith.constant 32768 : i32
      %add3A_146 = vector.broadcast %add3A_145 : i32 to vector<16xi32>
      %add3A_147 = arith.addi %add3A_144, %add3A_146 : vector<16xi32>
      %sub3A_148 = arith.constant 1.000000e+00 : f32
      %sub3A_149 = vector.broadcast %sub3A_148 : f32 to vector<16xf32>
      %sub3A_150 = arith.subf %sub3A_149, %sub3A : vector<16xf32>
      %sub3A_151 = arith.constant 1.000000e+00 : f32
      %sub3A_152 = vector.broadcast %sub3A_151 : f32 to vector<16xf32>
      %sub3A_153 = arith.subf %sub3A_152, %sub3A_108 : vector<16xf32>
      %mul3A_154 = arith.mulf %sub3A_150, %sub3A_153 : vector<16xf32>
      %sub3A_155 = arith.constant 1.000000e+00 : f32
      %sub3A_156 = vector.broadcast %sub3A_155 : f32 to vector<16xf32>
      %sub3A_157 = arith.subf %sub3A_156, %sub3A_108 : vector<16xf32>
      %mul3A_158 = arith.mulf %sub3A, %sub3A_157 : vector<16xf32>
      %sub3A_159 = arith.constant 1.000000e+00 : f32
      %sub3A_160 = vector.broadcast %sub3A_159 : f32 to vector<16xf32>
      %sub3A_161 = arith.subf %sub3A_160, %sub3A : vector<16xf32>
      %mul3A_162 = arith.mulf %sub3A_161, %sub3A_108 : vector<16xf32>
      %mul3A_163 = arith.mulf %sub3A, %sub3A_108 : vector<16xf32>
      %add3A_164 = vector.broadcast %add3A_95 : i32 to vector<16xi32>
      %add3A_165 = arith.addi %iota3A, %add3A_164 : vector<16xi32>
      %add3A_166 = arith.constant 0 : i32
      %add3A_167 = vector.broadcast %add3A_166 : i32 to vector<16xi32>
      %add3A_168 = arith.addi %add3A_126, %add3A_167 : vector<16xi32>
      %gather3A = tpu.vector_load_idx %arg6[%add3A_168] : memref<65536xf32, #tpu.memory_space<vmem>>[vector<16xi32>], vector<16xf32>,
      %mul3A_169 = arith.mulf %gather3A, %mul3A_154 : vector<16xf32>
      %add3A_170 = arith.constant 0 : i32
      %add3A_171 = vector.broadcast %add3A_170 : i32 to vector<16xi32>
      %add3A_172 = arith.addi %add3A_133, %add3A_171 : vector<16xi32>
      %gather3A_173 = tpu.vector_load_idx %arg6[%add3A_172] : memref<65536xf32, #tpu.memory_space<vmem>>[vector<16xi32>], vector<16xf32>,
      %mul3A_174 = arith.mulf %gather3A_173, %mul3A_158 : vector<16xf32>
      %add3A_175 = arith.addf %mul3A_169, %mul3A_174 : vector<16xf32>
      %add3A_176 = arith.constant 0 : i32
      %add3A_177 = vector.broadcast %add3A_176 : i32 to vector<16xi32>
      %add3A_178 = arith.addi %add3A_140, %add3A_177 : vector<16xi32>
      %gather3A_179 = tpu.vector_load_idx %arg6[%add3A_178] : memref<65536xf32, #tpu.memory_space<vmem>>[vector<16xi32>], vector<16xf32>,
      %mul3A_180 = arith.mulf %gather3A_179, %mul3A_162 : vector<16xf32>
      %add3A_181 = arith.addf %add3A_175, %mul3A_180 : vector<16xf32>
      %add3A_182 = arith.constant 0 : i32
      %add3A_183 = vector.broadcast %add3A_182 : i32 to vector<16xi32>
      %add3A_184 = arith.addi %add3A_147, %add3A_183 : vector<16xi32>
      %gather3A_185 = tpu.vector_load_idx %arg6[%add3A_184] : memref<65536xf32, #tpu.memory_space<vmem>>[vector<16xi32>], vector<16xf32>,
      %mul3A_186 = arith.mulf %gather3A_185, %mul3A_163 : vector<16xf32>
      %add3A_187 = arith.addf %add3A_181, %mul3A_186 : vector<16xf32>
      %broadcast_in_dim3A = arith.constant 0 : i32
      %broadcast_in_dim3A_188 = vector.broadcast %broadcast_in_dim3A : i32 to vector<16xi32>
      tpu.vector_store_idx %arg7[%broadcast_in_dim3A_188, %add3A_165], %add3A_187 : memref<32x1024xf32, #tpu.memory_space<vmem>>[vector<16xi32>, vector<16xi32>], vector<16xf32>,
      %add3A_189 = arith.constant 4096 : i32
      %add3A_190 = vector.broadcast %add3A_189 : i32 to vector<16xi32>
      %add3A_191 = arith.addi %add3A_126, %add3A_190 : vector<16xi32>
      %gather3A_192 = tpu.vector_load_idx %arg6[%add3A_191] : memref<65536xf32, #tpu.memory_space<vmem>>[vector<16xi32>], vector<16xf32>,
      %mul3A_193 = arith.mulf %gather3A_192, %mul3A_154 : vector<16xf32>
      %add3A_194 = arith.constant 4096 : i32
      %add3A_195 = vector.broadcast %add3A_194 : i32 to vector<16xi32>
      %add3A_196 = arith.addi %add3A_133, %add3A_195 : vector<16xi32>
      %gather3A_197 = tpu.vector_load_idx %arg6[%add3A_196] : memref<65536xf32, #tpu.memory_space<vmem>>[vector<16xi32>], vector<16xf32>,
      %mul3A_198 = arith.mulf %gather3A_197, %mul3A_158 : vector<16xf32>
      %add3A_199 = arith.addf %mul3A_193, %mul3A_198 : vector<16xf32>
      %add3A_200 = arith.constant 4096 : i32
      %add3A_201 = vector.broadcast %add3A_200 : i32 to vector<16xi32>
      %add3A_202 = arith.addi %add3A_140, %add3A_201 : vector<16xi32>
      %gather3A_203 = tpu.vector_load_idx %arg6[%add3A_202] : memref<65536xf32, #tpu.memory_space<vmem>>[vector<16xi32>], vector<16xf32>,
      %mul3A_204 = arith.mulf %gather3A_203, %mul3A_162 : vector<16xf32>
      %add3A_205 = arith.addf %add3A_199, %mul3A_204 : vector<16xf32>
      %add3A_206 = arith.constant 4096 : i32
      %add3A_207 = vector.broadcast %add3A_206 : i32 to vector<16xi32>
      %add3A_208 = arith.addi %add3A_147, %add3A_207 : vector<16xi32>
      %gather3A_209 = tpu.vector_load_idx %arg6[%add3A_208] : memref<65536xf32, #tpu.memory_space<vmem>>[vector<16xi32>], vector<16xf32>,
      %mul3A_210 = arith.mulf %gather3A_209, %mul3A_163 : vector<16xf32>
      %add3A_211 = arith.addf %add3A_205, %mul3A_210 : vector<16xf32>
      %broadcast_in_dim3A_212 = arith.constant 1 : i32
      %broadcast_in_dim3A_213 = vector.broadcast %broadcast_in_dim3A_212 : i32 to vector<16xi32>
      tpu.vector_store_idx %arg7[%broadcast_in_dim3A_213, %add3A_165], %add3A_211 : memref<32x1024xf32, #tpu.memory_space<vmem>>[vector<16xi32>, vector<16xi32>], vector<16xf32>,
      %add3A_214 = arith.constant 8192 : i32
      %add3A_215 = vector.broadcast %add3A_214 : i32 to vector<16xi32>
      %add3A_216 = arith.addi %add3A_126, %add3A_215 : vector<16xi32>
      %gather3A_217 = tpu.vector_load_idx %arg6[%add3A_216] : memref<65536xf32, #tpu.memory_space<vmem>>[vector<16xi32>], vector<16xf32>,
      %mul3A_218 = arith.mulf %gather3A_217, %mul3A_154 : vector<16xf32>
      %add3A_219 = arith.constant 8192 : i32
      %add3A_220 = vector.broadcast %add3A_219 : i32 to vector<16xi32>
      %add3A_221 = arith.addi %add3A_133, %add3A_220 : vector<16xi32>
      %gather3A_222 = tpu.vector_load_idx %arg6[%add3A_221] : memref<65536xf32, #tpu.memory_space<vmem>>[vector<16xi32>], vector<16xf32>,
      %mul3A_223 = arith.mulf %gather3A_222, %mul3A_158 : vector<16xf32>
      %add3A_224 = arith.addf %mul3A_218, %mul3A_223 : vector<16xf32>
      %add3A_225 = arith.constant 8192 : i32
      %add3A_226 = vector.broadcast %add3A_225 : i32 to vector<16xi32>
      %add3A_227 = arith.addi %add3A_140, %add3A_226 : vector<16xi32>
      %gather3A_228 = tpu.vector_load_idx %arg6[%add3A_227] : memref<65536xf32, #tpu.memory_space<vmem>>[vector<16xi32>], vector<16xf32>,
      %mul3A_229 = arith.mulf %gather3A_228, %mul3A_162 : vector<16xf32>
      %add3A_230 = arith.addf %add3A_224, %mul3A_229 : vector<16xf32>
      %add3A_231 = arith.constant 8192 : i32
      %add3A_232 = vector.broadcast %add3A_231 : i32 to vector<16xi32>
      %add3A_233 = arith.addi %add3A_147, %add3A_232 : vector<16xi32>
      %gather3A_234 = tpu.vector_load_idx %arg6[%add3A_233] : memref<65536xf32, #tpu.memory_space<vmem>>[vector<16xi32>], vector<16xf32>,
      %mul3A_235 = arith.mulf %gather3A_234, %mul3A_163 : vector<16xf32>
      %add3A_236 = arith.addf %add3A_230, %mul3A_235 : vector<16xf32>
      %broadcast_in_dim3A_237 = arith.constant 2 : i32
      %broadcast_in_dim3A_238 = vector.broadcast %broadcast_in_dim3A_237 : i32 to vector<16xi32>
      tpu.vector_store_idx %arg7[%broadcast_in_dim3A_238, %add3A_165], %add3A_236 : memref<32x1024xf32, #tpu.memory_space<vmem>>[vector<16xi32>, vector<16xi32>], vector<16xf32>,
      %add3A_239 = arith.constant 12288 : i32
      %add3A_240 = vector.broadcast %add3A_239 : i32 to vector<16xi32>
      %add3A_241 = arith.addi %add3A_126, %add3A_240 : vector<16xi32>
      %gather3A_242 = tpu.vector_load_idx %arg6[%add3A_241] : memref<65536xf32, #tpu.memory_space<vmem>>[vector<16xi32>], vector<16xf32>,
      %mul3A_243 = arith.mulf %gather3A_242, %mul3A_154 : vector<16xf32>
      %add3A_244 = arith.constant 12288 : i32
      %add3A_245 = vector.broadcast %add3A_244 : i32 to vector<16xi32>
      %add3A_246 = arith.addi %add3A_133, %add3A_245 : vector<16xi32>
      %gather3A_247 = tpu.vector_load_idx %arg6[%add3A_246] : memref<65536xf32, #tpu.memory_space<vmem>>[vector<16xi32>], vector<16xf32>,
      %mul3A_248 = arith.mulf %gather3A_247, %mul3A_158 : vector<16xf32>
      %add3A_249 = arith.addf %mul3A_243, %mul3A_248 : vector<16xf32>
      %add3A_250 = arith.constant 12288 : i32
      %add3A_251 = vector.broadcast %add3A_250 : i32 to vector<16xi32>
      %add3A_252 = arith.addi %add3A_140, %add3A_251 : vector<16xi32>
      %gather3A_253 = tpu.vector_load_idx %arg6[%add3A_252] : memref<65536xf32, #tpu.memory_space<vmem>>[vector<16xi32>], vector<16xf32>,
      %mul3A_254 = arith.mulf %gather3A_253, %mul3A_162 : vector<16xf32>
      %add3A_255 = arith.addf %add3A_249, %mul3A_254 : vector<16xf32>
      %add3A_256 = arith.constant 12288 : i32
      %add3A_257 = vector.broadcast %add3A_256 : i32 to vector<16xi32>
      %add3A_258 = arith.addi %add3A_147, %add3A_257 : vector<16xi32>
      %gather3A_259 = tpu.vector_load_idx %arg6[%add3A_258] : memref<65536xf32, #tpu.memory_space<vmem>>[vector<16xi32>], vector<16xf32>,
      %mul3A_260 = arith.mulf %gather3A_259, %mul3A_163 : vector<16xf32>
      %add3A_261 = arith.addf %add3A_255, %mul3A_260 : vector<16xf32>
      %broadcast_in_dim3A_262 = arith.constant 3 : i32
      %broadcast_in_dim3A_263 = vector.broadcast %broadcast_in_dim3A_262 : i32 to vector<16xi32>
      tpu.vector_store_idx %arg7[%broadcast_in_dim3A_263, %add3A_165], %add3A_261 : memref<32x1024xf32, #tpu.memory_space<vmem>>[vector<16xi32>, vector<16xi32>], vector<16xf32>,
      %add3A_264 = arith.constant 16384 : i32
      %add3A_265 = vector.broadcast %add3A_264 : i32 to vector<16xi32>
      %add3A_266 = arith.addi %add3A_126, %add3A_265 : vector<16xi32>
      %gather3A_267 = tpu.vector_load_idx %arg6[%add3A_266] : memref<65536xf32, #tpu.memory_space<vmem>>[vector<16xi32>], vector<16xf32>,
      %mul3A_268 = arith.mulf %gather3A_267, %mul3A_154 : vector<16xf32>
      %add3A_269 = arith.constant 16384 : i32
      %add3A_270 = vector.broadcast %add3A_269 : i32 to vector<16xi32>
      %add3A_271 = arith.addi %add3A_133, %add3A_270 : vector<16xi32>
      %gather3A_272 = tpu.vector_load_idx %arg6[%add3A_271] : memref<65536xf32, #tpu.memory_space<vmem>>[vector<16xi32>], vector<16xf32>,
      %mul3A_273 = arith.mulf %gather3A_272, %mul3A_158 : vector<16xf32>
      %add3A_274 = arith.addf %mul3A_268, %mul3A_273 : vector<16xf32>
      %add3A_275 = arith.constant 16384 : i32
      %add3A_276 = vector.broadcast %add3A_275 : i32 to vector<16xi32>
      %add3A_277 = arith.addi %add3A_140, %add3A_276 : vector<16xi32>
      %gather3A_278 = tpu.vector_load_idx %arg6[%add3A_277] : memref<65536xf32, #tpu.memory_space<vmem>>[vector<16xi32>], vector<16xf32>,
      %mul3A_279 = arith.mulf %gather3A_278, %mul3A_162 : vector<16xf32>
      %add3A_280 = arith.addf %add3A_274, %mul3A_279 : vector<16xf32>
      %add3A_281 = arith.constant 16384 : i32
      %add3A_282 = vector.broadcast %add3A_281 : i32 to vector<16xi32>
      %add3A_283 = arith.addi %add3A_147, %add3A_282 : vector<16xi32>
      %gather3A_284 = tpu.vector_load_idx %arg6[%add3A_283] : memref<65536xf32, #tpu.memory_space<vmem>>[vector<16xi32>], vector<16xf32>,
      %mul3A_285 = arith.mulf %gather3A_284, %mul3A_163 : vector<16xf32>
      %add3A_286 = arith.addf %add3A_280, %mul3A_285 : vector<16xf32>
      %broadcast_in_dim3A_287 = arith.constant 4 : i32
      %broadcast_in_dim3A_288 = vector.broadcast %broadcast_in_dim3A_287 : i32 to vector<16xi32>
      tpu.vector_store_idx %arg7[%broadcast_in_dim3A_288, %add3A_165], %add3A_286 : memref<32x1024xf32, #tpu.memory_space<vmem>>[vector<16xi32>, vector<16xi32>], vector<16xf32>,
      %add3A_289 = arith.constant 20480 : i32
      %add3A_290 = vector.broadcast %add3A_289 : i32 to vector<16xi32>
      %add3A_291 = arith.addi %add3A_126, %add3A_290 : vector<16xi32>
      %gather3A_292 = tpu.vector_load_idx %arg6[%add3A_291] : memref<65536xf32, #tpu.memory_space<vmem>>[vector<16xi32>], vector<16xf32>,
      %mul3A_293 = arith.mulf %gather3A_292, %mul3A_154 : vector<16xf32>
      %add3A_294 = arith.constant 20480 : i32
      %add3A_295 = vector.broadcast %add3A_294 : i32 to vector<16xi32>
      %add3A_296 = arith.addi %add3A_133, %add3A_295 : vector<16xi32>
      %gather3A_297 = tpu.vector_load_idx %arg6[%add3A_296] : memref<65536xf32, #tpu.memory_space<vmem>>[vector<16xi32>], vector<16xf32>,
      %mul3A_298 = arith.mulf %gather3A_297, %mul3A_158 : vector<16xf32>
      %add3A_299 = arith.addf %mul3A_293, %mul3A_298 : vector<16xf32>
      %add3A_300 = arith.constant 20480 : i32
      %add3A_301 = vector.broadcast %add3A_300 : i32 to vector<16xi32>
      %add3A_302 = arith.addi %add3A_140, %add3A_301 : vector<16xi32>
      %gather3A_303 = tpu.vector_load_idx %arg6[%add3A_302] : memref<65536xf32, #tpu.memory_space<vmem>>[vector<16xi32>], vector<16xf32>,
      %mul3A_304 = arith.mulf %gather3A_303, %mul3A_162 : vector<16xf32>
      %add3A_305 = arith.addf %add3A_299, %mul3A_304 : vector<16xf32>
      %add3A_306 = arith.constant 20480 : i32
      %add3A_307 = vector.broadcast %add3A_306 : i32 to vector<16xi32>
      %add3A_308 = arith.addi %add3A_147, %add3A_307 : vector<16xi32>
      %gather3A_309 = tpu.vector_load_idx %arg6[%add3A_308] : memref<65536xf32, #tpu.memory_space<vmem>>[vector<16xi32>], vector<16xf32>,
      %mul3A_310 = arith.mulf %gather3A_309, %mul3A_163 : vector<16xf32>
      %add3A_311 = arith.addf %add3A_305, %mul3A_310 : vector<16xf32>
      %broadcast_in_dim3A_312 = arith.constant 5 : i32
      %broadcast_in_dim3A_313 = vector.broadcast %broadcast_in_dim3A_312 : i32 to vector<16xi32>
      tpu.vector_store_idx %arg7[%broadcast_in_dim3A_313, %add3A_165], %add3A_311 : memref<32x1024xf32, #tpu.memory_space<vmem>>[vector<16xi32>, vector<16xi32>], vector<16xf32>,
      %add3A_314 = arith.constant 24576 : i32
      %add3A_315 = vector.broadcast %add3A_314 : i32 to vector<16xi32>
      %add3A_316 = arith.addi %add3A_126, %add3A_315 : vector<16xi32>
      %gather3A_317 = tpu.vector_load_idx %arg6[%add3A_316] : memref<65536xf32, #tpu.memory_space<vmem>>[vector<16xi32>], vector<16xf32>,
      %mul3A_318 = arith.mulf %gather3A_317, %mul3A_154 : vector<16xf32>
      %add3A_319 = arith.constant 24576 : i32
      %add3A_320 = vector.broadcast %add3A_319 : i32 to vector<16xi32>
      %add3A_321 = arith.addi %add3A_133, %add3A_320 : vector<16xi32>
      %gather3A_322 = tpu.vector_load_idx %arg6[%add3A_321] : memref<65536xf32, #tpu.memory_space<vmem>>[vector<16xi32>], vector<16xf32>,
      %mul3A_323 = arith.mulf %gather3A_322, %mul3A_158 : vector<16xf32>
      %add3A_324 = arith.addf %mul3A_318, %mul3A_323 : vector<16xf32>
      %add3A_325 = arith.constant 24576 : i32
      %add3A_326 = vector.broadcast %add3A_325 : i32 to vector<16xi32>
      %add3A_327 = arith.addi %add3A_140, %add3A_326 : vector<16xi32>
      %gather3A_328 = tpu.vector_load_idx %arg6[%add3A_327] : memref<65536xf32, #tpu.memory_space<vmem>>[vector<16xi32>], vector<16xf32>,
      %mul3A_329 = arith.mulf %gather3A_328, %mul3A_162 : vector<16xf32>
      %add3A_330 = arith.addf %add3A_324, %mul3A_329 : vector<16xf32>
      %add3A_331 = arith.constant 24576 : i32
      %add3A_332 = vector.broadcast %add3A_331 : i32 to vector<16xi32>
      %add3A_333 = arith.addi %add3A_147, %add3A_332 : vector<16xi32>
      %gather3A_334 = tpu.vector_load_idx %arg6[%add3A_333] : memref<65536xf32, #tpu.memory_space<vmem>>[vector<16xi32>], vector<16xf32>,
      %mul3A_335 = arith.mulf %gather3A_334, %mul3A_163 : vector<16xf32>
      %add3A_336 = arith.addf %add3A_330, %mul3A_335 : vector<16xf32>
      %broadcast_in_dim3A_337 = arith.constant 6 : i32
      %broadcast_in_dim3A_338 = vector.broadcast %broadcast_in_dim3A_337 : i32 to vector<16xi32>
      tpu.vector_store_idx %arg7[%broadcast_in_dim3A_338, %add3A_165], %add3A_336 : memref<32x1024xf32, #tpu.memory_space<vmem>>[vector<16xi32>, vector<16xi32>], vector<16xf32>,
      %add3A_339 = arith.constant 28672 : i32
      %add3A_340 = vector.broadcast %add3A_339 : i32 to vector<16xi32>
      %add3A_341 = arith.addi %add3A_126, %add3A_340 : vector<16xi32>
      %gather3A_342 = tpu.vector_load_idx %arg6[%add3A_341] : memref<65536xf32, #tpu.memory_space<vmem>>[vector<16xi32>], vector<16xf32>,
      %mul3A_343 = arith.mulf %gather3A_342, %mul3A_154 : vector<16xf32>
      %add3A_344 = arith.constant 28672 : i32
      %add3A_345 = vector.broadcast %add3A_344 : i32 to vector<16xi32>
      %add3A_346 = arith.addi %add3A_133, %add3A_345 : vector<16xi32>
      %gather3A_347 = tpu.vector_load_idx %arg6[%add3A_346] : memref<65536xf32, #tpu.memory_space<vmem>>[vector<16xi32>], vector<16xf32>,
      %mul3A_348 = arith.mulf %gather3A_347, %mul3A_158 : vector<16xf32>
      %add3A_349 = arith.addf %mul3A_343, %mul3A_348 : vector<16xf32>
      %add3A_350 = arith.constant 28672 : i32
      %add3A_351 = vector.broadcast %add3A_350 : i32 to vector<16xi32>
      %add3A_352 = arith.addi %add3A_140, %add3A_351 : vector<16xi32>
      %gather3A_353 = tpu.vector_load_idx %arg6[%add3A_352] : memref<65536xf32, #tpu.memory_space<vmem>>[vector<16xi32>], vector<16xf32>,
      %mul3A_354 = arith.mulf %gather3A_353, %mul3A_162 : vector<16xf32>
      %add3A_355 = arith.addf %add3A_349, %mul3A_354 : vector<16xf32>
      %add3A_356 = arith.constant 28672 : i32
      %add3A_357 = vector.broadcast %add3A_356 : i32 to vector<16xi32>
      %add3A_358 = arith.addi %add3A_147, %add3A_357 : vector<16xi32>
      %gather3A_359 = tpu.vector_load_idx %arg6[%add3A_358] : memref<65536xf32, #tpu.memory_space<vmem>>[vector<16xi32>], vector<16xf32>,
      %mul3A_360 = arith.mulf %gather3A_359, %mul3A_163 : vector<16xf32>
      %add3A_361 = arith.addf %add3A_355, %mul3A_360 : vector<16xf32>
      %broadcast_in_dim3A_362 = arith.constant 7 : i32
      %broadcast_in_dim3A_363 = vector.broadcast %broadcast_in_dim3A_362 : i32 to vector<16xi32>
      tpu.vector_store_idx %arg7[%broadcast_in_dim3A_363, %add3A_165], %add3A_361 : memref<32x1024xf32, #tpu.memory_space<vmem>>[vector<16xi32>, vector<16xi32>], vector<16xf32>,
      %scan3A_364 = arith.constant 0 : i32
      scf.yield %scan3A_364 : i32
    }
    %scan3A_23 = arith.constant 32 : i32
    %add3A_24 = arith.constant 8 : i32
    %add3A_25 = arith.addi %mul3A_2, %add3A_24 : i32
    %mul3A_26 = arith.constant 4096 : i32
    %mul3A_27 = arith.muli %add3A_25, %mul3A_26 : i32
    "tpu.region"() ({
      %run_scoped3A = tpu.sem_alloc : memref<!tpu.dma_semaphore, #tpu.memory_space<semaphore_mem>>
      %dma_start3A = arith.constant 0 : i32
      %dma_start3A_90 = tpu.memref_slice %arg6[%dma_start3A] : memref<65536xf32, #tpu.memory_space<vmem>> -> memref<32768xf32, #tpu.memory_space<vmem>>
      %dma_start3A_91 = tpu.memref_slice %arg2[%mul3A_27] : memref<8388608xf32, #tpu.memory_space<hbm>> -> memref<32768xf32, #tpu.memory_space<hbm>>
      %dma_start3A_92 = arith.constant 0 : i32
      %dma_start3A_93 = tpu.memref_slice %arg6[%dma_start3A_92] : memref<65536xf32, #tpu.memory_space<vmem>> -> memref<32768xf32, #tpu.memory_space<vmem>>
      %dma_start3A_94 = tpu.memref_slice %arg2[%mul3A_27] : memref<8388608xf32, #tpu.memory_space<hbm>> -> memref<32768xf32, #tpu.memory_space<hbm>>
      tpu.enqueue_dma source(%dma_start3A_94 : memref<32768xf32, #tpu.memory_space<hbm>>) target(%dma_start3A_93 : memref<32768xf32, #tpu.memory_space<vmem>>) target_semaphore(%run_scoped3A : memref<!tpu.dma_semaphore, #tpu.memory_space<semaphore_mem>>)
      %dma_wait3A = arith.constant 0 : i32
      %dma_wait3A_95 = tpu.memref_slice %arg6[%dma_wait3A] : memref<65536xf32, #tpu.memory_space<vmem>> -> memref<32768xf32, #tpu.memory_space<vmem>>
      %dma_wait3A_96 = tpu.memref_slice %arg2[%mul3A_27] : memref<8388608xf32, #tpu.memory_space<hbm>> -> memref<32768xf32, #tpu.memory_space<hbm>>
      %dma_wait3A_97 = arith.constant 0 : i32
      %dma_wait3A_98 = tpu.memref_slice %arg6[%dma_wait3A_97] : memref<65536xf32, #tpu.memory_space<vmem>> -> memref<32768xf32, #tpu.memory_space<vmem>>
      %dma_wait3A_99 = tpu.memref_slice %arg2[%mul3A_27] : memref<8388608xf32, #tpu.memory_space<hbm>> -> memref<32768xf32, #tpu.memory_space<hbm>>
      tpu.wait_dma2 semaphore(%run_scoped3A : memref<!tpu.dma_semaphore, #tpu.memory_space<semaphore_mem>>) src(%dma_wait3A_99 : memref<32768xf32, #tpu.memory_space<hbm>>) dst(%dma_wait3A_98 : memref<32768xf32, #tpu.memory_space<vmem>>)
      tpu.yield
    }) : () -> ()
    %add3A_28 = arith.constant 1024 : i32
    %add3A_29 = arith.addi %add3A_28, %add3A_25 : i32
    %mul3A_30 = arith.constant 4096 : i32
    %mul3A_31 = arith.muli %add3A_29, %mul3A_30 : i32
    "tpu.region"() ({
      %run_scoped3A = tpu.sem_alloc : memref<!tpu.dma_semaphore, #tpu.memory_space<semaphore_mem>>
      %dma_start3A = arith.constant 32768 : i32
      %dma_start3A_90 = tpu.memref_slice %arg6[%dma_start3A] : memref<65536xf32, #tpu.memory_space<vmem>> -> memref<32768xf32, #tpu.memory_space<vmem>>
      %dma_start3A_91 = tpu.memref_slice %arg2[%mul3A_31] : memref<8388608xf32, #tpu.memory_space<hbm>> -> memref<32768xf32, #tpu.memory_space<hbm>>
      %dma_start3A_92 = arith.constant 32768 : i32
      %dma_start3A_93 = tpu.memref_slice %arg6[%dma_start3A_92] : memref<65536xf32, #tpu.memory_space<vmem>> -> memref<32768xf32, #tpu.memory_space<vmem>>
      %dma_start3A_94 = tpu.memref_slice %arg2[%mul3A_31] : memref<8388608xf32, #tpu.memory_space<hbm>> -> memref<32768xf32, #tpu.memory_space<hbm>>
      tpu.enqueue_dma source(%dma_start3A_94 : memref<32768xf32, #tpu.memory_space<hbm>>) target(%dma_start3A_93 : memref<32768xf32, #tpu.memory_space<vmem>>) target_semaphore(%run_scoped3A : memref<!tpu.dma_semaphore, #tpu.memory_space<semaphore_mem>>)
      %dma_wait3A = arith.constant 32768 : i32
      %dma_wait3A_95 = tpu.memref_slice %arg6[%dma_wait3A] : memref<65536xf32, #tpu.memory_space<vmem>> -> memref<32768xf32, #tpu.memory_space<vmem>>
      %dma_wait3A_96 = tpu.memref_slice %arg2[%mul3A_31] : memref<8388608xf32, #tpu.memory_space<hbm>> -> memref<32768xf32, #tpu.memory_space<hbm>>
      %dma_wait3A_97 = arith.constant 32768 : i32
      %dma_wait3A_98 = tpu.memref_slice %arg6[%dma_wait3A_97] : memref<65536xf32, #tpu.memory_space<vmem>> -> memref<32768xf32, #tpu.memory_space<vmem>>
      %dma_wait3A_99 = tpu.memref_slice %arg2[%mul3A_31] : memref<8388608xf32, #tpu.memory_space<hbm>> -> memref<32768xf32, #tpu.memory_space<hbm>>
      tpu.wait_dma2 semaphore(%run_scoped3A : memref<!tpu.dma_semaphore, #tpu.memory_space<semaphore_mem>>) src(%dma_wait3A_99 : memref<32768xf32, #tpu.memory_space<hbm>>) dst(%dma_wait3A_98 : memref<32768xf32, #tpu.memory_space<vmem>>)
      tpu.yield
    }) : () -> ()
    %scan3A_32 = arith.constant 0 : i32
    %scan3A_33 = arith.constant 0 : i32
    %scan3A_34 = arith.constant 32 : i32
    %scan3A_35 = arith.addi %scan3A_33, %scan3A_34 : i32
    %scan3A_36 = arith.constant 1 : i32
    %scan3A_37 = scf.for %scan3A_90 = %scan3A_33 to %scan3A_35 step %scan3A_36 iter_args(%scan3A_91 = %scan3A_32) -> (i32)  : i32 {
      %mul3A_92 = arith.constant 16 : i32
      %mul3A_93 = arith.muli %scan3A_90, %mul3A_92 : i32
      %add3A_94 = arith.constant 0 : i32
      %add3A_95 = arith.addi %add3A_94, %mul3A_93 : i32
      %get3A = arith.index_cast %add3A_95 : i32 to index
      %get3A_96 = tpu.vector_load %arg8[%get3A] {strides = array<i32>} : memref<1024xf32, #tpu.memory_space<vmem>>, vector<16xf32>,
      %get3A_97 = arith.index_cast %add3A_95 : i32 to index
      %get3A_98 = tpu.vector_load %arg9[%get3A_97] {strides = array<i32>} : memref<1024xf32, #tpu.memory_space<vmem>>, vector<16xf32>,
      %mul3A_99 = arith.constant 6.300000e+01 : f32
      %mul3A_100 = vector.broadcast %mul3A_99 : f32 to vector<16xf32>
      %mul3A_101 = arith.mulf %get3A_96, %mul3A_100 : vector<16xf32>
      %mul3A_102 = arith.constant 6.300000e+01 : f32
      %mul3A_103 = vector.broadcast %mul3A_102 : f32 to vector<16xf32>
      %mul3A_104 = arith.mulf %get3A_98, %mul3A_103 : vector<16xf32>
      %convert_element_type3A = arith.fptosi %mul3A_101 : vector<16xf32> to vector<16xi32>
      %convert_element_type3A_105 = arith.fptosi %mul3A_104 : vector<16xf32> to vector<16xi32>
      %convert_element_type3A_106 = arith.sitofp %convert_element_type3A : vector<16xi32> to vector<16xf32>
      %sub3A = arith.subf %mul3A_101, %convert_element_type3A_106 : vector<16xf32>
      %convert_element_type3A_107 = arith.sitofp %convert_element_type3A_105 : vector<16xi32> to vector<16xf32>
      %sub3A_108 = arith.subf %mul3A_104, %convert_element_type3A_107 : vector<16xf32>
      %add3A_109 = arith.constant 1 : i32
      %add3A_110 = vector.broadcast %add3A_109 : i32 to vector<16xi32>
      %add3A_111 = arith.addi %convert_element_type3A, %add3A_110 : vector<16xi32>
      %min3A = arith.constant 63 : i32
      %min3A_112 = vector.broadcast %min3A : i32 to vector<16xi32>
      %min3A_113 = arith.minsi %add3A_111, %min3A_112 : vector<16xi32>
      %add3A_114 = arith.constant 1 : i32
      %add3A_115 = vector.broadcast %add3A_114 : i32 to vector<16xi32>
      %add3A_116 = arith.addi %convert_element_type3A_105, %add3A_115 : vector<16xi32>
      %min3A_117 = arith.constant 63 : i32
      %min3A_118 = vector.broadcast %min3A_117 : i32 to vector<16xi32>
      %min3A_119 = arith.minsi %add3A_116, %min3A_118 : vector<16xi32>
      %mul3A_120 = arith.constant 64 : i32
      %mul3A_121 = vector.broadcast %mul3A_120 : i32 to vector<16xi32>
      %mul3A_122 = arith.muli %convert_element_type3A_105, %mul3A_121 : vector<16xi32>
      %add3A_123 = arith.addi %mul3A_122, %convert_element_type3A : vector<16xi32>
      %add3A_124 = arith.constant 0 : i32
      %add3A_125 = vector.broadcast %add3A_124 : i32 to vector<16xi32>
      %add3A_126 = arith.addi %add3A_123, %add3A_125 : vector<16xi32>
      %mul3A_127 = arith.constant 64 : i32
      %mul3A_128 = vector.broadcast %mul3A_127 : i32 to vector<16xi32>
      %mul3A_129 = arith.muli %convert_element_type3A_105, %mul3A_128 : vector<16xi32>
      %add3A_130 = arith.addi %mul3A_129, %min3A_113 : vector<16xi32>
      %add3A_131 = arith.constant 0 : i32
      %add3A_132 = vector.broadcast %add3A_131 : i32 to vector<16xi32>
      %add3A_133 = arith.addi %add3A_130, %add3A_132 : vector<16xi32>
      %mul3A_134 = arith.constant 64 : i32
      %mul3A_135 = vector.broadcast %mul3A_134 : i32 to vector<16xi32>
      %mul3A_136 = arith.muli %min3A_119, %mul3A_135 : vector<16xi32>
      %add3A_137 = arith.addi %mul3A_136, %convert_element_type3A : vector<16xi32>
      %add3A_138 = arith.constant 0 : i32
      %add3A_139 = vector.broadcast %add3A_138 : i32 to vector<16xi32>
      %add3A_140 = arith.addi %add3A_137, %add3A_139 : vector<16xi32>
      %mul3A_141 = arith.constant 64 : i32
      %mul3A_142 = vector.broadcast %mul3A_141 : i32 to vector<16xi32>
      %mul3A_143 = arith.muli %min3A_119, %mul3A_142 : vector<16xi32>
      %add3A_144 = arith.addi %mul3A_143, %min3A_113 : vector<16xi32>
      %add3A_145 = arith.constant 0 : i32
      %add3A_146 = vector.broadcast %add3A_145 : i32 to vector<16xi32>
      %add3A_147 = arith.addi %add3A_144, %add3A_146 : vector<16xi32>
      %sub3A_148 = arith.constant 1.000000e+00 : f32
      %sub3A_149 = vector.broadcast %sub3A_148 : f32 to vector<16xf32>
      %sub3A_150 = arith.subf %sub3A_149, %sub3A : vector<16xf32>
      %sub3A_151 = arith.constant 1.000000e+00 : f32
      %sub3A_152 = vector.broadcast %sub3A_151 : f32 to vector<16xf32>
      %sub3A_153 = arith.subf %sub3A_152, %sub3A_108 : vector<16xf32>
      %mul3A_154 = arith.mulf %sub3A_150, %sub3A_153 : vector<16xf32>
      %sub3A_155 = arith.constant 1.000000e+00 : f32
      %sub3A_156 = vector.broadcast %sub3A_155 : f32 to vector<16xf32>
      %sub3A_157 = arith.subf %sub3A_156, %sub3A_108 : vector<16xf32>
      %mul3A_158 = arith.mulf %sub3A, %sub3A_157 : vector<16xf32>
      %sub3A_159 = arith.constant 1.000000e+00 : f32
      %sub3A_160 = vector.broadcast %sub3A_159 : f32 to vector<16xf32>
      %sub3A_161 = arith.subf %sub3A_160, %sub3A : vector<16xf32>
      %mul3A_162 = arith.mulf %sub3A_161, %sub3A_108 : vector<16xf32>
      %mul3A_163 = arith.mulf %sub3A, %sub3A_108 : vector<16xf32>
      %add3A_164 = vector.broadcast %add3A_95 : i32 to vector<16xi32>
      %add3A_165 = arith.addi %iota3A, %add3A_164 : vector<16xi32>
      %add3A_166 = arith.constant 0 : i32
      %add3A_167 = vector.broadcast %add3A_166 : i32 to vector<16xi32>
      %add3A_168 = arith.addi %add3A_126, %add3A_167 : vector<16xi32>
      %gather3A = tpu.vector_load_idx %arg6[%add3A_168] : memref<65536xf32, #tpu.memory_space<vmem>>[vector<16xi32>], vector<16xf32>,
      %mul3A_169 = arith.mulf %gather3A, %mul3A_154 : vector<16xf32>
      %add3A_170 = arith.constant 0 : i32
      %add3A_171 = vector.broadcast %add3A_170 : i32 to vector<16xi32>
      %add3A_172 = arith.addi %add3A_133, %add3A_171 : vector<16xi32>
      %gather3A_173 = tpu.vector_load_idx %arg6[%add3A_172] : memref<65536xf32, #tpu.memory_space<vmem>>[vector<16xi32>], vector<16xf32>,
      %mul3A_174 = arith.mulf %gather3A_173, %mul3A_158 : vector<16xf32>
      %add3A_175 = arith.addf %mul3A_169, %mul3A_174 : vector<16xf32>
      %add3A_176 = arith.constant 0 : i32
      %add3A_177 = vector.broadcast %add3A_176 : i32 to vector<16xi32>
      %add3A_178 = arith.addi %add3A_140, %add3A_177 : vector<16xi32>
      %gather3A_179 = tpu.vector_load_idx %arg6[%add3A_178] : memref<65536xf32, #tpu.memory_space<vmem>>[vector<16xi32>], vector<16xf32>,
      %mul3A_180 = arith.mulf %gather3A_179, %mul3A_162 : vector<16xf32>
      %add3A_181 = arith.addf %add3A_175, %mul3A_180 : vector<16xf32>
      %add3A_182 = arith.constant 0 : i32
      %add3A_183 = vector.broadcast %add3A_182 : i32 to vector<16xi32>
      %add3A_184 = arith.addi %add3A_147, %add3A_183 : vector<16xi32>
      %gather3A_185 = tpu.vector_load_idx %arg6[%add3A_184] : memref<65536xf32, #tpu.memory_space<vmem>>[vector<16xi32>], vector<16xf32>,
      %mul3A_186 = arith.mulf %gather3A_185, %mul3A_163 : vector<16xf32>
      %add3A_187 = arith.addf %add3A_181, %mul3A_186 : vector<16xf32>
      %broadcast_in_dim3A = arith.constant 8 : i32
      %broadcast_in_dim3A_188 = vector.broadcast %broadcast_in_dim3A : i32 to vector<16xi32>
      tpu.vector_store_idx %arg7[%broadcast_in_dim3A_188, %add3A_165], %add3A_187 : memref<32x1024xf32, #tpu.memory_space<vmem>>[vector<16xi32>, vector<16xi32>], vector<16xf32>,
      %add3A_189 = arith.constant 4096 : i32
      %add3A_190 = vector.broadcast %add3A_189 : i32 to vector<16xi32>
      %add3A_191 = arith.addi %add3A_126, %add3A_190 : vector<16xi32>
      %gather3A_192 = tpu.vector_load_idx %arg6[%add3A_191] : memref<65536xf32, #tpu.memory_space<vmem>>[vector<16xi32>], vector<16xf32>,
      %mul3A_193 = arith.mulf %gather3A_192, %mul3A_154 : vector<16xf32>
      %add3A_194 = arith.constant 4096 : i32
      %add3A_195 = vector.broadcast %add3A_194 : i32 to vector<16xi32>
      %add3A_196 = arith.addi %add3A_133, %add3A_195 : vector<16xi32>
      %gather3A_197 = tpu.vector_load_idx %arg6[%add3A_196] : memref<65536xf32, #tpu.memory_space<vmem>>[vector<16xi32>], vector<16xf32>,
      %mul3A_198 = arith.mulf %gather3A_197, %mul3A_158 : vector<16xf32>
      %add3A_199 = arith.addf %mul3A_193, %mul3A_198 : vector<16xf32>
      %add3A_200 = arith.constant 4096 : i32
      %add3A_201 = vector.broadcast %add3A_200 : i32 to vector<16xi32>
      %add3A_202 = arith.addi %add3A_140, %add3A_201 : vector<16xi32>
      %gather3A_203 = tpu.vector_load_idx %arg6[%add3A_202] : memref<65536xf32, #tpu.memory_space<vmem>>[vector<16xi32>], vector<16xf32>,
      %mul3A_204 = arith.mulf %gather3A_203, %mul3A_162 : vector<16xf32>
      %add3A_205 = arith.addf %add3A_199, %mul3A_204 : vector<16xf32>
      %add3A_206 = arith.constant 4096 : i32
      %add3A_207 = vector.broadcast %add3A_206 : i32 to vector<16xi32>
      %add3A_208 = arith.addi %add3A_147, %add3A_207 : vector<16xi32>
      %gather3A_209 = tpu.vector_load_idx %arg6[%add3A_208] : memref<65536xf32, #tpu.memory_space<vmem>>[vector<16xi32>], vector<16xf32>,
      %mul3A_210 = arith.mulf %gather3A_209, %mul3A_163 : vector<16xf32>
      %add3A_211 = arith.addf %add3A_205, %mul3A_210 : vector<16xf32>
      %broadcast_in_dim3A_212 = arith.constant 9 : i32
      %broadcast_in_dim3A_213 = vector.broadcast %broadcast_in_dim3A_212 : i32 to vector<16xi32>
      tpu.vector_store_idx %arg7[%broadcast_in_dim3A_213, %add3A_165], %add3A_211 : memref<32x1024xf32, #tpu.memory_space<vmem>>[vector<16xi32>, vector<16xi32>], vector<16xf32>,
      %add3A_214 = arith.constant 8192 : i32
      %add3A_215 = vector.broadcast %add3A_214 : i32 to vector<16xi32>
      %add3A_216 = arith.addi %add3A_126, %add3A_215 : vector<16xi32>
      %gather3A_217 = tpu.vector_load_idx %arg6[%add3A_216] : memref<65536xf32, #tpu.memory_space<vmem>>[vector<16xi32>], vector<16xf32>,
      %mul3A_218 = arith.mulf %gather3A_217, %mul3A_154 : vector<16xf32>
      %add3A_219 = arith.constant 8192 : i32
      %add3A_220 = vector.broadcast %add3A_219 : i32 to vector<16xi32>
      %add3A_221 = arith.addi %add3A_133, %add3A_220 : vector<16xi32>
      %gather3A_222 = tpu.vector_load_idx %arg6[%add3A_221] : memref<65536xf32, #tpu.memory_space<vmem>>[vector<16xi32>], vector<16xf32>,
      %mul3A_223 = arith.mulf %gather3A_222, %mul3A_158 : vector<16xf32>
      %add3A_224 = arith.addf %mul3A_218, %mul3A_223 : vector<16xf32>
      %add3A_225 = arith.constant 8192 : i32
      %add3A_226 = vector.broadcast %add3A_225 : i32 to vector<16xi32>
      %add3A_227 = arith.addi %add3A_140, %add3A_226 : vector<16xi32>
      %gather3A_228 = tpu.vector_load_idx %arg6[%add3A_227] : memref<65536xf32, #tpu.memory_space<vmem>>[vector<16xi32>], vector<16xf32>,
      %mul3A_229 = arith.mulf %gather3A_228, %mul3A_162 : vector<16xf32>
      %add3A_230 = arith.addf %add3A_224, %mul3A_229 : vector<16xf32>
      %add3A_231 = arith.constant 8192 : i32
      %add3A_232 = vector.broadcast %add3A_231 : i32 to vector<16xi32>
      %add3A_233 = arith.addi %add3A_147, %add3A_232 : vector<16xi32>
      %gather3A_234 = tpu.vector_load_idx %arg6[%add3A_233] : memref<65536xf32, #tpu.memory_space<vmem>>[vector<16xi32>], vector<16xf32>,
      %mul3A_235 = arith.mulf %gather3A_234, %mul3A_163 : vector<16xf32>
      %add3A_236 = arith.addf %add3A_230, %mul3A_235 : vector<16xf32>
      %broadcast_in_dim3A_237 = arith.constant 10 : i32
      %broadcast_in_dim3A_238 = vector.broadcast %broadcast_in_dim3A_237 : i32 to vector<16xi32>
      tpu.vector_store_idx %arg7[%broadcast_in_dim3A_238, %add3A_165], %add3A_236 : memref<32x1024xf32, #tpu.memory_space<vmem>>[vector<16xi32>, vector<16xi32>], vector<16xf32>,
      %add3A_239 = arith.constant 12288 : i32
      %add3A_240 = vector.broadcast %add3A_239 : i32 to vector<16xi32>
      %add3A_241 = arith.addi %add3A_126, %add3A_240 : vector<16xi32>
      %gather3A_242 = tpu.vector_load_idx %arg6[%add3A_241] : memref<65536xf32, #tpu.memory_space<vmem>>[vector<16xi32>], vector<16xf32>,
      %mul3A_243 = arith.mulf %gather3A_242, %mul3A_154 : vector<16xf32>
      %add3A_244 = arith.constant 12288 : i32
      %add3A_245 = vector.broadcast %add3A_244 : i32 to vector<16xi32>
      %add3A_246 = arith.addi %add3A_133, %add3A_245 : vector<16xi32>
      %gather3A_247 = tpu.vector_load_idx %arg6[%add3A_246] : memref<65536xf32, #tpu.memory_space<vmem>>[vector<16xi32>], vector<16xf32>,
      %mul3A_248 = arith.mulf %gather3A_247, %mul3A_158 : vector<16xf32>
      %add3A_249 = arith.addf %mul3A_243, %mul3A_248 : vector<16xf32>
      %add3A_250 = arith.constant 12288 : i32
      %add3A_251 = vector.broadcast %add3A_250 : i32 to vector<16xi32>
      %add3A_252 = arith.addi %add3A_140, %add3A_251 : vector<16xi32>
      %gather3A_253 = tpu.vector_load_idx %arg6[%add3A_252] : memref<65536xf32, #tpu.memory_space<vmem>>[vector<16xi32>], vector<16xf32>,
      %mul3A_254 = arith.mulf %gather3A_253, %mul3A_162 : vector<16xf32>
      %add3A_255 = arith.addf %add3A_249, %mul3A_254 : vector<16xf32>
      %add3A_256 = arith.constant 12288 : i32
      %add3A_257 = vector.broadcast %add3A_256 : i32 to vector<16xi32>
      %add3A_258 = arith.addi %add3A_147, %add3A_257 : vector<16xi32>
      %gather3A_259 = tpu.vector_load_idx %arg6[%add3A_258] : memref<65536xf32, #tpu.memory_space<vmem>>[vector<16xi32>], vector<16xf32>,
      %mul3A_260 = arith.mulf %gather3A_259, %mul3A_163 : vector<16xf32>
      %add3A_261 = arith.addf %add3A_255, %mul3A_260 : vector<16xf32>
      %broadcast_in_dim3A_262 = arith.constant 11 : i32
      %broadcast_in_dim3A_263 = vector.broadcast %broadcast_in_dim3A_262 : i32 to vector<16xi32>
      tpu.vector_store_idx %arg7[%broadcast_in_dim3A_263, %add3A_165], %add3A_261 : memref<32x1024xf32, #tpu.memory_space<vmem>>[vector<16xi32>, vector<16xi32>], vector<16xf32>,
      %add3A_264 = arith.constant 16384 : i32
      %add3A_265 = vector.broadcast %add3A_264 : i32 to vector<16xi32>
      %add3A_266 = arith.addi %add3A_126, %add3A_265 : vector<16xi32>
      %gather3A_267 = tpu.vector_load_idx %arg6[%add3A_266] : memref<65536xf32, #tpu.memory_space<vmem>>[vector<16xi32>], vector<16xf32>,
      %mul3A_268 = arith.mulf %gather3A_267, %mul3A_154 : vector<16xf32>
      %add3A_269 = arith.constant 16384 : i32
      %add3A_270 = vector.broadcast %add3A_269 : i32 to vector<16xi32>
      %add3A_271 = arith.addi %add3A_133, %add3A_270 : vector<16xi32>
      %gather3A_272 = tpu.vector_load_idx %arg6[%add3A_271] : memref<65536xf32, #tpu.memory_space<vmem>>[vector<16xi32>], vector<16xf32>,
      %mul3A_273 = arith.mulf %gather3A_272, %mul3A_158 : vector<16xf32>
      %add3A_274 = arith.addf %mul3A_268, %mul3A_273 : vector<16xf32>
      %add3A_275 = arith.constant 16384 : i32
      %add3A_276 = vector.broadcast %add3A_275 : i32 to vector<16xi32>
      %add3A_277 = arith.addi %add3A_140, %add3A_276 : vector<16xi32>
      %gather3A_278 = tpu.vector_load_idx %arg6[%add3A_277] : memref<65536xf32, #tpu.memory_space<vmem>>[vector<16xi32>], vector<16xf32>,
      %mul3A_279 = arith.mulf %gather3A_278, %mul3A_162 : vector<16xf32>
      %add3A_280 = arith.addf %add3A_274, %mul3A_279 : vector<16xf32>
      %add3A_281 = arith.constant 16384 : i32
      %add3A_282 = vector.broadcast %add3A_281 : i32 to vector<16xi32>
      %add3A_283 = arith.addi %add3A_147, %add3A_282 : vector<16xi32>
      %gather3A_284 = tpu.vector_load_idx %arg6[%add3A_283] : memref<65536xf32, #tpu.memory_space<vmem>>[vector<16xi32>], vector<16xf32>,
      %mul3A_285 = arith.mulf %gather3A_284, %mul3A_163 : vector<16xf32>
      %add3A_286 = arith.addf %add3A_280, %mul3A_285 : vector<16xf32>
      %broadcast_in_dim3A_287 = arith.constant 12 : i32
      %broadcast_in_dim3A_288 = vector.broadcast %broadcast_in_dim3A_287 : i32 to vector<16xi32>
      tpu.vector_store_idx %arg7[%broadcast_in_dim3A_288, %add3A_165], %add3A_286 : memref<32x1024xf32, #tpu.memory_space<vmem>>[vector<16xi32>, vector<16xi32>], vector<16xf32>,
      %add3A_289 = arith.constant 20480 : i32
      %add3A_290 = vector.broadcast %add3A_289 : i32 to vector<16xi32>
      %add3A_291 = arith.addi %add3A_126, %add3A_290 : vector<16xi32>
      %gather3A_292 = tpu.vector_load_idx %arg6[%add3A_291] : memref<65536xf32, #tpu.memory_space<vmem>>[vector<16xi32>], vector<16xf32>,
      %mul3A_293 = arith.mulf %gather3A_292, %mul3A_154 : vector<16xf32>
      %add3A_294 = arith.constant 20480 : i32
      %add3A_295 = vector.broadcast %add3A_294 : i32 to vector<16xi32>
      %add3A_296 = arith.addi %add3A_133, %add3A_295 : vector<16xi32>
      %gather3A_297 = tpu.vector_load_idx %arg6[%add3A_296] : memref<65536xf32, #tpu.memory_space<vmem>>[vector<16xi32>], vector<16xf32>,
      %mul3A_298 = arith.mulf %gather3A_297, %mul3A_158 : vector<16xf32>
      %add3A_299 = arith.addf %mul3A_293, %mul3A_298 : vector<16xf32>
      %add3A_300 = arith.constant 20480 : i32
      %add3A_301 = vector.broadcast %add3A_300 : i32 to vector<16xi32>
      %add3A_302 = arith.addi %add3A_140, %add3A_301 : vector<16xi32>
      %gather3A_303 = tpu.vector_load_idx %arg6[%add3A_302] : memref<65536xf32, #tpu.memory_space<vmem>>[vector<16xi32>], vector<16xf32>,
      %mul3A_304 = arith.mulf %gather3A_303, %mul3A_162 : vector<16xf32>
      %add3A_305 = arith.addf %add3A_299, %mul3A_304 : vector<16xf32>
      %add3A_306 = arith.constant 20480 : i32
      %add3A_307 = vector.broadcast %add3A_306 : i32 to vector<16xi32>
      %add3A_308 = arith.addi %add3A_147, %add3A_307 : vector<16xi32>
      %gather3A_309 = tpu.vector_load_idx %arg6[%add3A_308] : memref<65536xf32, #tpu.memory_space<vmem>>[vector<16xi32>], vector<16xf32>,
      %mul3A_310 = arith.mulf %gather3A_309, %mul3A_163 : vector<16xf32>
      %add3A_311 = arith.addf %add3A_305, %mul3A_310 : vector<16xf32>
      %broadcast_in_dim3A_312 = arith.constant 13 : i32
      %broadcast_in_dim3A_313 = vector.broadcast %broadcast_in_dim3A_312 : i32 to vector<16xi32>
      tpu.vector_store_idx %arg7[%broadcast_in_dim3A_313, %add3A_165], %add3A_311 : memref<32x1024xf32, #tpu.memory_space<vmem>>[vector<16xi32>, vector<16xi32>], vector<16xf32>,
      %add3A_314 = arith.constant 24576 : i32
      %add3A_315 = vector.broadcast %add3A_314 : i32 to vector<16xi32>
      %add3A_316 = arith.addi %add3A_126, %add3A_315 : vector<16xi32>
      %gather3A_317 = tpu.vector_load_idx %arg6[%add3A_316] : memref<65536xf32, #tpu.memory_space<vmem>>[vector<16xi32>], vector<16xf32>,
      %mul3A_318 = arith.mulf %gather3A_317, %mul3A_154 : vector<16xf32>
      %add3A_319 = arith.constant 24576 : i32
      %add3A_320 = vector.broadcast %add3A_319 : i32 to vector<16xi32>
      %add3A_321 = arith.addi %add3A_133, %add3A_320 : vector<16xi32>
      %gather3A_322 = tpu.vector_load_idx %arg6[%add3A_321] : memref<65536xf32, #tpu.memory_space<vmem>>[vector<16xi32>], vector<16xf32>,
      %mul3A_323 = arith.mulf %gather3A_322, %mul3A_158 : vector<16xf32>
      %add3A_324 = arith.addf %mul3A_318, %mul3A_323 : vector<16xf32>
      %add3A_325 = arith.constant 24576 : i32
      %add3A_326 = vector.broadcast %add3A_325 : i32 to vector<16xi32>
      %add3A_327 = arith.addi %add3A_140, %add3A_326 : vector<16xi32>
      %gather3A_328 = tpu.vector_load_idx %arg6[%add3A_327] : memref<65536xf32, #tpu.memory_space<vmem>>[vector<16xi32>], vector<16xf32>,
      %mul3A_329 = arith.mulf %gather3A_328, %mul3A_162 : vector<16xf32>
      %add3A_330 = arith.addf %add3A_324, %mul3A_329 : vector<16xf32>
      %add3A_331 = arith.constant 24576 : i32
      %add3A_332 = vector.broadcast %add3A_331 : i32 to vector<16xi32>
      %add3A_333 = arith.addi %add3A_147, %add3A_332 : vector<16xi32>
      %gather3A_334 = tpu.vector_load_idx %arg6[%add3A_333] : memref<65536xf32, #tpu.memory_space<vmem>>[vector<16xi32>], vector<16xf32>,
      %mul3A_335 = arith.mulf %gather3A_334, %mul3A_163 : vector<16xf32>
      %add3A_336 = arith.addf %add3A_330, %mul3A_335 : vector<16xf32>
      %broadcast_in_dim3A_337 = arith.constant 14 : i32
      %broadcast_in_dim3A_338 = vector.broadcast %broadcast_in_dim3A_337 : i32 to vector<16xi32>
      tpu.vector_store_idx %arg7[%broadcast_in_dim3A_338, %add3A_165], %add3A_336 : memref<32x1024xf32, #tpu.memory_space<vmem>>[vector<16xi32>, vector<16xi32>], vector<16xf32>,
      %add3A_339 = arith.constant 28672 : i32
      %add3A_340 = vector.broadcast %add3A_339 : i32 to vector<16xi32>
      %add3A_341 = arith.addi %add3A_126, %add3A_340 : vector<16xi32>
      %gather3A_342 = tpu.vector_load_idx %arg6[%add3A_341] : memref<65536xf32, #tpu.memory_space<vmem>>[vector<16xi32>], vector<16xf32>,
      %mul3A_343 = arith.mulf %gather3A_342, %mul3A_154 : vector<16xf32>
      %add3A_344 = arith.constant 28672 : i32
      %add3A_345 = vector.broadcast %add3A_344 : i32 to vector<16xi32>
      %add3A_346 = arith.addi %add3A_133, %add3A_345 : vector<16xi32>
      %gather3A_347 = tpu.vector_load_idx %arg6[%add3A_346] : memref<65536xf32, #tpu.memory_space<vmem>>[vector<16xi32>], vector<16xf32>,
      %mul3A_348 = arith.mulf %gather3A_347, %mul3A_158 : vector<16xf32>
      %add3A_349 = arith.addf %mul3A_343, %mul3A_348 : vector<16xf32>
      %add3A_350 = arith.constant 28672 : i32
      %add3A_351 = vector.broadcast %add3A_350 : i32 to vector<16xi32>
      %add3A_352 = arith.addi %add3A_140, %add3A_351 : vector<16xi32>
      %gather3A_353 = tpu.vector_load_idx %arg6[%add3A_352] : memref<65536xf32, #tpu.memory_space<vmem>>[vector<16xi32>], vector<16xf32>,
      %mul3A_354 = arith.mulf %gather3A_353, %mul3A_162 : vector<16xf32>
      %add3A_355 = arith.addf %add3A_349, %mul3A_354 : vector<16xf32>
      %add3A_356 = arith.constant 28672 : i32
      %add3A_357 = vector.broadcast %add3A_356 : i32 to vector<16xi32>
      %add3A_358 = arith.addi %add3A_147, %add3A_357 : vector<16xi32>
      %gather3A_359 = tpu.vector_load_idx %arg6[%add3A_358] : memref<65536xf32, #tpu.memory_space<vmem>>[vector<16xi32>], vector<16xf32>,
      %mul3A_360 = arith.mulf %gather3A_359, %mul3A_163 : vector<16xf32>
      %add3A_361 = arith.addf %add3A_355, %mul3A_360 : vector<16xf32>
      %broadcast_in_dim3A_362 = arith.constant 15 : i32
      %broadcast_in_dim3A_363 = vector.broadcast %broadcast_in_dim3A_362 : i32 to vector<16xi32>
      tpu.vector_store_idx %arg7[%broadcast_in_dim3A_363, %add3A_165], %add3A_361 : memref<32x1024xf32, #tpu.memory_space<vmem>>[vector<16xi32>, vector<16xi32>], vector<16xf32>,
      %scan3A_364 = arith.constant 0 : i32
      scf.yield %scan3A_364 : i32
    }
    %scan3A_38 = arith.constant 32 : i32
    %scan3A_39 = arith.constant 0 : i32
    %scan3A_40 = arith.constant 0 : i32
    %scan3A_41 = arith.constant 32 : i32
    %scan3A_42 = arith.addi %scan3A_40, %scan3A_41 : i32
    %scan3A_43 = arith.constant 1 : i32
    %scan3A_44 = scf.for %scan3A_90 = %scan3A_40 to %scan3A_42 step %scan3A_43 iter_args(%scan3A_91 = %scan3A_39) -> (i32)  : i32 {
      %mul3A_92 = arith.constant 16 : i32
      %mul3A_93 = arith.muli %scan3A_90, %mul3A_92 : i32
      %add3A_94 = arith.constant 512 : i32
      %add3A_95 = arith.addi %add3A_94, %mul3A_93 : i32
      %get3A = arith.index_cast %add3A_95 : i32 to index
      %get3A_96 = tpu.vector_load %arg8[%get3A] {strides = array<i32>} : memref<1024xf32, #tpu.memory_space<vmem>>, vector<16xf32>,
      %get3A_97 = arith.index_cast %add3A_95 : i32 to index
      %get3A_98 = tpu.vector_load %arg9[%get3A_97] {strides = array<i32>} : memref<1024xf32, #tpu.memory_space<vmem>>, vector<16xf32>,
      %mul3A_99 = arith.constant 6.300000e+01 : f32
      %mul3A_100 = vector.broadcast %mul3A_99 : f32 to vector<16xf32>
      %mul3A_101 = arith.mulf %get3A_96, %mul3A_100 : vector<16xf32>
      %mul3A_102 = arith.constant 6.300000e+01 : f32
      %mul3A_103 = vector.broadcast %mul3A_102 : f32 to vector<16xf32>
      %mul3A_104 = arith.mulf %get3A_98, %mul3A_103 : vector<16xf32>
      %convert_element_type3A = arith.fptosi %mul3A_101 : vector<16xf32> to vector<16xi32>
      %convert_element_type3A_105 = arith.fptosi %mul3A_104 : vector<16xf32> to vector<16xi32>
      %convert_element_type3A_106 = arith.sitofp %convert_element_type3A : vector<16xi32> to vector<16xf32>
      %sub3A = arith.subf %mul3A_101, %convert_element_type3A_106 : vector<16xf32>
      %convert_element_type3A_107 = arith.sitofp %convert_element_type3A_105 : vector<16xi32> to vector<16xf32>
      %sub3A_108 = arith.subf %mul3A_104, %convert_element_type3A_107 : vector<16xf32>
      %add3A_109 = arith.constant 1 : i32
      %add3A_110 = vector.broadcast %add3A_109 : i32 to vector<16xi32>
      %add3A_111 = arith.addi %convert_element_type3A, %add3A_110 : vector<16xi32>
      %min3A = arith.constant 63 : i32
      %min3A_112 = vector.broadcast %min3A : i32 to vector<16xi32>
      %min3A_113 = arith.minsi %add3A_111, %min3A_112 : vector<16xi32>
      %add3A_114 = arith.constant 1 : i32
      %add3A_115 = vector.broadcast %add3A_114 : i32 to vector<16xi32>
      %add3A_116 = arith.addi %convert_element_type3A_105, %add3A_115 : vector<16xi32>
      %min3A_117 = arith.constant 63 : i32
      %min3A_118 = vector.broadcast %min3A_117 : i32 to vector<16xi32>
      %min3A_119 = arith.minsi %add3A_116, %min3A_118 : vector<16xi32>
      %mul3A_120 = arith.constant 64 : i32
      %mul3A_121 = vector.broadcast %mul3A_120 : i32 to vector<16xi32>
      %mul3A_122 = arith.muli %convert_element_type3A_105, %mul3A_121 : vector<16xi32>
      %add3A_123 = arith.addi %mul3A_122, %convert_element_type3A : vector<16xi32>
      %add3A_124 = arith.constant 32768 : i32
      %add3A_125 = vector.broadcast %add3A_124 : i32 to vector<16xi32>
      %add3A_126 = arith.addi %add3A_123, %add3A_125 : vector<16xi32>
      %mul3A_127 = arith.constant 64 : i32
      %mul3A_128 = vector.broadcast %mul3A_127 : i32 to vector<16xi32>
      %mul3A_129 = arith.muli %convert_element_type3A_105, %mul3A_128 : vector<16xi32>
      %add3A_130 = arith.addi %mul3A_129, %min3A_113 : vector<16xi32>
      %add3A_131 = arith.constant 32768 : i32
      %add3A_132 = vector.broadcast %add3A_131 : i32 to vector<16xi32>
      %add3A_133 = arith.addi %add3A_130, %add3A_132 : vector<16xi32>
      %mul3A_134 = arith.constant 64 : i32
      %mul3A_135 = vector.broadcast %mul3A_134 : i32 to vector<16xi32>
      %mul3A_136 = arith.muli %min3A_119, %mul3A_135 : vector<16xi32>
      %add3A_137 = arith.addi %mul3A_136, %convert_element_type3A : vector<16xi32>
      %add3A_138 = arith.constant 32768 : i32
      %add3A_139 = vector.broadcast %add3A_138 : i32 to vector<16xi32>
      %add3A_140 = arith.addi %add3A_137, %add3A_139 : vector<16xi32>
      %mul3A_141 = arith.constant 64 : i32
      %mul3A_142 = vector.broadcast %mul3A_141 : i32 to vector<16xi32>
      %mul3A_143 = arith.muli %min3A_119, %mul3A_142 : vector<16xi32>
      %add3A_144 = arith.addi %mul3A_143, %min3A_113 : vector<16xi32>
      %add3A_145 = arith.constant 32768 : i32
      %add3A_146 = vector.broadcast %add3A_145 : i32 to vector<16xi32>
      %add3A_147 = arith.addi %add3A_144, %add3A_146 : vector<16xi32>
      %sub3A_148 = arith.constant 1.000000e+00 : f32
      %sub3A_149 = vector.broadcast %sub3A_148 : f32 to vector<16xf32>
      %sub3A_150 = arith.subf %sub3A_149, %sub3A : vector<16xf32>
      %sub3A_151 = arith.constant 1.000000e+00 : f32
      %sub3A_152 = vector.broadcast %sub3A_151 : f32 to vector<16xf32>
      %sub3A_153 = arith.subf %sub3A_152, %sub3A_108 : vector<16xf32>
      %mul3A_154 = arith.mulf %sub3A_150, %sub3A_153 : vector<16xf32>
      %sub3A_155 = arith.constant 1.000000e+00 : f32
      %sub3A_156 = vector.broadcast %sub3A_155 : f32 to vector<16xf32>
      %sub3A_157 = arith.subf %sub3A_156, %sub3A_108 : vector<16xf32>
      %mul3A_158 = arith.mulf %sub3A, %sub3A_157 : vector<16xf32>
      %sub3A_159 = arith.constant 1.000000e+00 : f32
      %sub3A_160 = vector.broadcast %sub3A_159 : f32 to vector<16xf32>
      %sub3A_161 = arith.subf %sub3A_160, %sub3A : vector<16xf32>
      %mul3A_162 = arith.mulf %sub3A_161, %sub3A_108 : vector<16xf32>
      %mul3A_163 = arith.mulf %sub3A, %sub3A_108 : vector<16xf32>
      %add3A_164 = vector.broadcast %add3A_95 : i32 to vector<16xi32>
      %add3A_165 = arith.addi %iota3A, %add3A_164 : vector<16xi32>
      %add3A_166 = arith.constant 0 : i32
      %add3A_167 = vector.broadcast %add3A_166 : i32 to vector<16xi32>
      %add3A_168 = arith.addi %add3A_126, %add3A_167 : vector<16xi32>
      %gather3A = tpu.vector_load_idx %arg6[%add3A_168] : memref<65536xf32, #tpu.memory_space<vmem>>[vector<16xi32>], vector<16xf32>,
      %mul3A_169 = arith.mulf %gather3A, %mul3A_154 : vector<16xf32>
      %add3A_170 = arith.constant 0 : i32
      %add3A_171 = vector.broadcast %add3A_170 : i32 to vector<16xi32>
      %add3A_172 = arith.addi %add3A_133, %add3A_171 : vector<16xi32>
      %gather3A_173 = tpu.vector_load_idx %arg6[%add3A_172] : memref<65536xf32, #tpu.memory_space<vmem>>[vector<16xi32>], vector<16xf32>,
      %mul3A_174 = arith.mulf %gather3A_173, %mul3A_158 : vector<16xf32>
      %add3A_175 = arith.addf %mul3A_169, %mul3A_174 : vector<16xf32>
      %add3A_176 = arith.constant 0 : i32
      %add3A_177 = vector.broadcast %add3A_176 : i32 to vector<16xi32>
      %add3A_178 = arith.addi %add3A_140, %add3A_177 : vector<16xi32>
      %gather3A_179 = tpu.vector_load_idx %arg6[%add3A_178] : memref<65536xf32, #tpu.memory_space<vmem>>[vector<16xi32>], vector<16xf32>,
      %mul3A_180 = arith.mulf %gather3A_179, %mul3A_162 : vector<16xf32>
      %add3A_181 = arith.addf %add3A_175, %mul3A_180 : vector<16xf32>
      %add3A_182 = arith.constant 0 : i32
      %add3A_183 = vector.broadcast %add3A_182 : i32 to vector<16xi32>
      %add3A_184 = arith.addi %add3A_147, %add3A_183 : vector<16xi32>
      %gather3A_185 = tpu.vector_load_idx %arg6[%add3A_184] : memref<65536xf32, #tpu.memory_space<vmem>>[vector<16xi32>], vector<16xf32>,
      %mul3A_186 = arith.mulf %gather3A_185, %mul3A_163 : vector<16xf32>
      %add3A_187 = arith.addf %add3A_181, %mul3A_186 : vector<16xf32>
      %broadcast_in_dim3A = arith.constant 8 : i32
      %broadcast_in_dim3A_188 = vector.broadcast %broadcast_in_dim3A : i32 to vector<16xi32>
      tpu.vector_store_idx %arg7[%broadcast_in_dim3A_188, %add3A_165], %add3A_187 : memref<32x1024xf32, #tpu.memory_space<vmem>>[vector<16xi32>, vector<16xi32>], vector<16xf32>,
      %add3A_189 = arith.constant 4096 : i32
      %add3A_190 = vector.broadcast %add3A_189 : i32 to vector<16xi32>
      %add3A_191 = arith.addi %add3A_126, %add3A_190 : vector<16xi32>
      %gather3A_192 = tpu.vector_load_idx %arg6[%add3A_191] : memref<65536xf32, #tpu.memory_space<vmem>>[vector<16xi32>], vector<16xf32>,
      %mul3A_193 = arith.mulf %gather3A_192, %mul3A_154 : vector<16xf32>
      %add3A_194 = arith.constant 4096 : i32
      %add3A_195 = vector.broadcast %add3A_194 : i32 to vector<16xi32>
      %add3A_196 = arith.addi %add3A_133, %add3A_195 : vector<16xi32>
      %gather3A_197 = tpu.vector_load_idx %arg6[%add3A_196] : memref<65536xf32, #tpu.memory_space<vmem>>[vector<16xi32>], vector<16xf32>,
      %mul3A_198 = arith.mulf %gather3A_197, %mul3A_158 : vector<16xf32>
      %add3A_199 = arith.addf %mul3A_193, %mul3A_198 : vector<16xf32>
      %add3A_200 = arith.constant 4096 : i32
      %add3A_201 = vector.broadcast %add3A_200 : i32 to vector<16xi32>
      %add3A_202 = arith.addi %add3A_140, %add3A_201 : vector<16xi32>
      %gather3A_203 = tpu.vector_load_idx %arg6[%add3A_202] : memref<65536xf32, #tpu.memory_space<vmem>>[vector<16xi32>], vector<16xf32>,
      %mul3A_204 = arith.mulf %gather3A_203, %mul3A_162 : vector<16xf32>
      %add3A_205 = arith.addf %add3A_199, %mul3A_204 : vector<16xf32>
      %add3A_206 = arith.constant 4096 : i32
      %add3A_207 = vector.broadcast %add3A_206 : i32 to vector<16xi32>
      %add3A_208 = arith.addi %add3A_147, %add3A_207 : vector<16xi32>
      %gather3A_209 = tpu.vector_load_idx %arg6[%add3A_208] : memref<65536xf32, #tpu.memory_space<vmem>>[vector<16xi32>], vector<16xf32>,
      %mul3A_210 = arith.mulf %gather3A_209, %mul3A_163 : vector<16xf32>
      %add3A_211 = arith.addf %add3A_205, %mul3A_210 : vector<16xf32>
      %broadcast_in_dim3A_212 = arith.constant 9 : i32
      %broadcast_in_dim3A_213 = vector.broadcast %broadcast_in_dim3A_212 : i32 to vector<16xi32>
      tpu.vector_store_idx %arg7[%broadcast_in_dim3A_213, %add3A_165], %add3A_211 : memref<32x1024xf32, #tpu.memory_space<vmem>>[vector<16xi32>, vector<16xi32>], vector<16xf32>,
      %add3A_214 = arith.constant 8192 : i32
      %add3A_215 = vector.broadcast %add3A_214 : i32 to vector<16xi32>
      %add3A_216 = arith.addi %add3A_126, %add3A_215 : vector<16xi32>
      %gather3A_217 = tpu.vector_load_idx %arg6[%add3A_216] : memref<65536xf32, #tpu.memory_space<vmem>>[vector<16xi32>], vector<16xf32>,
      %mul3A_218 = arith.mulf %gather3A_217, %mul3A_154 : vector<16xf32>
      %add3A_219 = arith.constant 8192 : i32
      %add3A_220 = vector.broadcast %add3A_219 : i32 to vector<16xi32>
      %add3A_221 = arith.addi %add3A_133, %add3A_220 : vector<16xi32>
      %gather3A_222 = tpu.vector_load_idx %arg6[%add3A_221] : memref<65536xf32, #tpu.memory_space<vmem>>[vector<16xi32>], vector<16xf32>,
      %mul3A_223 = arith.mulf %gather3A_222, %mul3A_158 : vector<16xf32>
      %add3A_224 = arith.addf %mul3A_218, %mul3A_223 : vector<16xf32>
      %add3A_225 = arith.constant 8192 : i32
      %add3A_226 = vector.broadcast %add3A_225 : i32 to vector<16xi32>
      %add3A_227 = arith.addi %add3A_140, %add3A_226 : vector<16xi32>
      %gather3A_228 = tpu.vector_load_idx %arg6[%add3A_227] : memref<65536xf32, #tpu.memory_space<vmem>>[vector<16xi32>], vector<16xf32>,
      %mul3A_229 = arith.mulf %gather3A_228, %mul3A_162 : vector<16xf32>
      %add3A_230 = arith.addf %add3A_224, %mul3A_229 : vector<16xf32>
      %add3A_231 = arith.constant 8192 : i32
      %add3A_232 = vector.broadcast %add3A_231 : i32 to vector<16xi32>
      %add3A_233 = arith.addi %add3A_147, %add3A_232 : vector<16xi32>
      %gather3A_234 = tpu.vector_load_idx %arg6[%add3A_233] : memref<65536xf32, #tpu.memory_space<vmem>>[vector<16xi32>], vector<16xf32>,
      %mul3A_235 = arith.mulf %gather3A_234, %mul3A_163 : vector<16xf32>
      %add3A_236 = arith.addf %add3A_230, %mul3A_235 : vector<16xf32>
      %broadcast_in_dim3A_237 = arith.constant 10 : i32
      %broadcast_in_dim3A_238 = vector.broadcast %broadcast_in_dim3A_237 : i32 to vector<16xi32>
      tpu.vector_store_idx %arg7[%broadcast_in_dim3A_238, %add3A_165], %add3A_236 : memref<32x1024xf32, #tpu.memory_space<vmem>>[vector<16xi32>, vector<16xi32>], vector<16xf32>,
      %add3A_239 = arith.constant 12288 : i32
      %add3A_240 = vector.broadcast %add3A_239 : i32 to vector<16xi32>
      %add3A_241 = arith.addi %add3A_126, %add3A_240 : vector<16xi32>
      %gather3A_242 = tpu.vector_load_idx %arg6[%add3A_241] : memref<65536xf32, #tpu.memory_space<vmem>>[vector<16xi32>], vector<16xf32>,
      %mul3A_243 = arith.mulf %gather3A_242, %mul3A_154 : vector<16xf32>
      %add3A_244 = arith.constant 12288 : i32
      %add3A_245 = vector.broadcast %add3A_244 : i32 to vector<16xi32>
      %add3A_246 = arith.addi %add3A_133, %add3A_245 : vector<16xi32>
      %gather3A_247 = tpu.vector_load_idx %arg6[%add3A_246] : memref<65536xf32, #tpu.memory_space<vmem>>[vector<16xi32>], vector<16xf32>,
      %mul3A_248 = arith.mulf %gather3A_247, %mul3A_158 : vector<16xf32>
      %add3A_249 = arith.addf %mul3A_243, %mul3A_248 : vector<16xf32>
      %add3A_250 = arith.constant 12288 : i32
      %add3A_251 = vector.broadcast %add3A_250 : i32 to vector<16xi32>
      %add3A_252 = arith.addi %add3A_140, %add3A_251 : vector<16xi32>
      %gather3A_253 = tpu.vector_load_idx %arg6[%add3A_252] : memref<65536xf32, #tpu.memory_space<vmem>>[vector<16xi32>], vector<16xf32>,
      %mul3A_254 = arith.mulf %gather3A_253, %mul3A_162 : vector<16xf32>
      %add3A_255 = arith.addf %add3A_249, %mul3A_254 : vector<16xf32>
      %add3A_256 = arith.constant 12288 : i32
      %add3A_257 = vector.broadcast %add3A_256 : i32 to vector<16xi32>
      %add3A_258 = arith.addi %add3A_147, %add3A_257 : vector<16xi32>
      %gather3A_259 = tpu.vector_load_idx %arg6[%add3A_258] : memref<65536xf32, #tpu.memory_space<vmem>>[vector<16xi32>], vector<16xf32>,
      %mul3A_260 = arith.mulf %gather3A_259, %mul3A_163 : vector<16xf32>
      %add3A_261 = arith.addf %add3A_255, %mul3A_260 : vector<16xf32>
      %broadcast_in_dim3A_262 = arith.constant 11 : i32
      %broadcast_in_dim3A_263 = vector.broadcast %broadcast_in_dim3A_262 : i32 to vector<16xi32>
      tpu.vector_store_idx %arg7[%broadcast_in_dim3A_263, %add3A_165], %add3A_261 : memref<32x1024xf32, #tpu.memory_space<vmem>>[vector<16xi32>, vector<16xi32>], vector<16xf32>,
      %add3A_264 = arith.constant 16384 : i32
      %add3A_265 = vector.broadcast %add3A_264 : i32 to vector<16xi32>
      %add3A_266 = arith.addi %add3A_126, %add3A_265 : vector<16xi32>
      %gather3A_267 = tpu.vector_load_idx %arg6[%add3A_266] : memref<65536xf32, #tpu.memory_space<vmem>>[vector<16xi32>], vector<16xf32>,
      %mul3A_268 = arith.mulf %gather3A_267, %mul3A_154 : vector<16xf32>
      %add3A_269 = arith.constant 16384 : i32
      %add3A_270 = vector.broadcast %add3A_269 : i32 to vector<16xi32>
      %add3A_271 = arith.addi %add3A_133, %add3A_270 : vector<16xi32>
      %gather3A_272 = tpu.vector_load_idx %arg6[%add3A_271] : memref<65536xf32, #tpu.memory_space<vmem>>[vector<16xi32>], vector<16xf32>,
      %mul3A_273 = arith.mulf %gather3A_272, %mul3A_158 : vector<16xf32>
      %add3A_274 = arith.addf %mul3A_268, %mul3A_273 : vector<16xf32>
      %add3A_275 = arith.constant 16384 : i32
      %add3A_276 = vector.broadcast %add3A_275 : i32 to vector<16xi32>
      %add3A_277 = arith.addi %add3A_140, %add3A_276 : vector<16xi32>
      %gather3A_278 = tpu.vector_load_idx %arg6[%add3A_277] : memref<65536xf32, #tpu.memory_space<vmem>>[vector<16xi32>], vector<16xf32>,
      %mul3A_279 = arith.mulf %gather3A_278, %mul3A_162 : vector<16xf32>
      %add3A_280 = arith.addf %add3A_274, %mul3A_279 : vector<16xf32>
      %add3A_281 = arith.constant 16384 : i32
      %add3A_282 = vector.broadcast %add3A_281 : i32 to vector<16xi32>
      %add3A_283 = arith.addi %add3A_147, %add3A_282 : vector<16xi32>
      %gather3A_284 = tpu.vector_load_idx %arg6[%add3A_283] : memref<65536xf32, #tpu.memory_space<vmem>>[vector<16xi32>], vector<16xf32>,
      %mul3A_285 = arith.mulf %gather3A_284, %mul3A_163 : vector<16xf32>
      %add3A_286 = arith.addf %add3A_280, %mul3A_285 : vector<16xf32>
      %broadcast_in_dim3A_287 = arith.constant 12 : i32
      %broadcast_in_dim3A_288 = vector.broadcast %broadcast_in_dim3A_287 : i32 to vector<16xi32>
      tpu.vector_store_idx %arg7[%broadcast_in_dim3A_288, %add3A_165], %add3A_286 : memref<32x1024xf32, #tpu.memory_space<vmem>>[vector<16xi32>, vector<16xi32>], vector<16xf32>,
      %add3A_289 = arith.constant 20480 : i32
      %add3A_290 = vector.broadcast %add3A_289 : i32 to vector<16xi32>
      %add3A_291 = arith.addi %add3A_126, %add3A_290 : vector<16xi32>
      %gather3A_292 = tpu.vector_load_idx %arg6[%add3A_291] : memref<65536xf32, #tpu.memory_space<vmem>>[vector<16xi32>], vector<16xf32>,
      %mul3A_293 = arith.mulf %gather3A_292, %mul3A_154 : vector<16xf32>
      %add3A_294 = arith.constant 20480 : i32
      %add3A_295 = vector.broadcast %add3A_294 : i32 to vector<16xi32>
      %add3A_296 = arith.addi %add3A_133, %add3A_295 : vector<16xi32>
      %gather3A_297 = tpu.vector_load_idx %arg6[%add3A_296] : memref<65536xf32, #tpu.memory_space<vmem>>[vector<16xi32>], vector<16xf32>,
      %mul3A_298 = arith.mulf %gather3A_297, %mul3A_158 : vector<16xf32>
      %add3A_299 = arith.addf %mul3A_293, %mul3A_298 : vector<16xf32>
      %add3A_300 = arith.constant 20480 : i32
      %add3A_301 = vector.broadcast %add3A_300 : i32 to vector<16xi32>
      %add3A_302 = arith.addi %add3A_140, %add3A_301 : vector<16xi32>
      %gather3A_303 = tpu.vector_load_idx %arg6[%add3A_302] : memref<65536xf32, #tpu.memory_space<vmem>>[vector<16xi32>], vector<16xf32>,
      %mul3A_304 = arith.mulf %gather3A_303, %mul3A_162 : vector<16xf32>
      %add3A_305 = arith.addf %add3A_299, %mul3A_304 : vector<16xf32>
      %add3A_306 = arith.constant 20480 : i32
      %add3A_307 = vector.broadcast %add3A_306 : i32 to vector<16xi32>
      %add3A_308 = arith.addi %add3A_147, %add3A_307 : vector<16xi32>
      %gather3A_309 = tpu.vector_load_idx %arg6[%add3A_308] : memref<65536xf32, #tpu.memory_space<vmem>>[vector<16xi32>], vector<16xf32>,
      %mul3A_310 = arith.mulf %gather3A_309, %mul3A_163 : vector<16xf32>
      %add3A_311 = arith.addf %add3A_305, %mul3A_310 : vector<16xf32>
      %broadcast_in_dim3A_312 = arith.constant 13 : i32
      %broadcast_in_dim3A_313 = vector.broadcast %broadcast_in_dim3A_312 : i32 to vector<16xi32>
      tpu.vector_store_idx %arg7[%broadcast_in_dim3A_313, %add3A_165], %add3A_311 : memref<32x1024xf32, #tpu.memory_space<vmem>>[vector<16xi32>, vector<16xi32>], vector<16xf32>,
      %add3A_314 = arith.constant 24576 : i32
      %add3A_315 = vector.broadcast %add3A_314 : i32 to vector<16xi32>
      %add3A_316 = arith.addi %add3A_126, %add3A_315 : vector<16xi32>
      %gather3A_317 = tpu.vector_load_idx %arg6[%add3A_316] : memref<65536xf32, #tpu.memory_space<vmem>>[vector<16xi32>], vector<16xf32>,
      %mul3A_318 = arith.mulf %gather3A_317, %mul3A_154 : vector<16xf32>
      %add3A_319 = arith.constant 24576 : i32
      %add3A_320 = vector.broadcast %add3A_319 : i32 to vector<16xi32>
      %add3A_321 = arith.addi %add3A_133, %add3A_320 : vector<16xi32>
      %gather3A_322 = tpu.vector_load_idx %arg6[%add3A_321] : memref<65536xf32, #tpu.memory_space<vmem>>[vector<16xi32>], vector<16xf32>,
      %mul3A_323 = arith.mulf %gather3A_322, %mul3A_158 : vector<16xf32>
      %add3A_324 = arith.addf %mul3A_318, %mul3A_323 : vector<16xf32>
      %add3A_325 = arith.constant 24576 : i32
      %add3A_326 = vector.broadcast %add3A_325 : i32 to vector<16xi32>
      %add3A_327 = arith.addi %add3A_140, %add3A_326 : vector<16xi32>
      %gather3A_328 = tpu.vector_load_idx %arg6[%add3A_327] : memref<65536xf32, #tpu.memory_space<vmem>>[vector<16xi32>], vector<16xf32>,
      %mul3A_329 = arith.mulf %gather3A_328, %mul3A_162 : vector<16xf32>
      %add3A_330 = arith.addf %add3A_324, %mul3A_329 : vector<16xf32>
      %add3A_331 = arith.constant 24576 : i32
      %add3A_332 = vector.broadcast %add3A_331 : i32 to vector<16xi32>
      %add3A_333 = arith.addi %add3A_147, %add3A_332 : vector<16xi32>
      %gather3A_334 = tpu.vector_load_idx %arg6[%add3A_333] : memref<65536xf32, #tpu.memory_space<vmem>>[vector<16xi32>], vector<16xf32>,
      %mul3A_335 = arith.mulf %gather3A_334, %mul3A_163 : vector<16xf32>
      %add3A_336 = arith.addf %add3A_330, %mul3A_335 : vector<16xf32>
      %broadcast_in_dim3A_337 = arith.constant 14 : i32
      %broadcast_in_dim3A_338 = vector.broadcast %broadcast_in_dim3A_337 : i32 to vector<16xi32>
      tpu.vector_store_idx %arg7[%broadcast_in_dim3A_338, %add3A_165], %add3A_336 : memref<32x1024xf32, #tpu.memory_space<vmem>>[vector<16xi32>, vector<16xi32>], vector<16xf32>,
      %add3A_339 = arith.constant 28672 : i32
      %add3A_340 = vector.broadcast %add3A_339 : i32 to vector<16xi32>
      %add3A_341 = arith.addi %add3A_126, %add3A_340 : vector<16xi32>
      %gather3A_342 = tpu.vector_load_idx %arg6[%add3A_341] : memref<65536xf32, #tpu.memory_space<vmem>>[vector<16xi32>], vector<16xf32>,
      %mul3A_343 = arith.mulf %gather3A_342, %mul3A_154 : vector<16xf32>
      %add3A_344 = arith.constant 28672 : i32
      %add3A_345 = vector.broadcast %add3A_344 : i32 to vector<16xi32>
      %add3A_346 = arith.addi %add3A_133, %add3A_345 : vector<16xi32>
      %gather3A_347 = tpu.vector_load_idx %arg6[%add3A_346] : memref<65536xf32, #tpu.memory_space<vmem>>[vector<16xi32>], vector<16xf32>,
      %mul3A_348 = arith.mulf %gather3A_347, %mul3A_158 : vector<16xf32>
      %add3A_349 = arith.addf %mul3A_343, %mul3A_348 : vector<16xf32>
      %add3A_350 = arith.constant 28672 : i32
      %add3A_351 = vector.broadcast %add3A_350 : i32 to vector<16xi32>
      %add3A_352 = arith.addi %add3A_140, %add3A_351 : vector<16xi32>
      %gather3A_353 = tpu.vector_load_idx %arg6[%add3A_352] : memref<65536xf32, #tpu.memory_space<vmem>>[vector<16xi32>], vector<16xf32>,
      %mul3A_354 = arith.mulf %gather3A_353, %mul3A_162 : vector<16xf32>
      %add3A_355 = arith.addf %add3A_349, %mul3A_354 : vector<16xf32>
      %add3A_356 = arith.constant 28672 : i32
      %add3A_357 = vector.broadcast %add3A_356 : i32 to vector<16xi32>
      %add3A_358 = arith.addi %add3A_147, %add3A_357 : vector<16xi32>
      %gather3A_359 = tpu.vector_load_idx %arg6[%add3A_358] : memref<65536xf32, #tpu.memory_space<vmem>>[vector<16xi32>], vector<16xf32>,
      %mul3A_360 = arith.mulf %gather3A_359, %mul3A_163 : vector<16xf32>
      %add3A_361 = arith.addf %add3A_355, %mul3A_360 : vector<16xf32>
      %broadcast_in_dim3A_362 = arith.constant 15 : i32
      %broadcast_in_dim3A_363 = vector.broadcast %broadcast_in_dim3A_362 : i32 to vector<16xi32>
      tpu.vector_store_idx %arg7[%broadcast_in_dim3A_363, %add3A_165], %add3A_361 : memref<32x1024xf32, #tpu.memory_space<vmem>>[vector<16xi32>, vector<16xi32>], vector<16xf32>,
      %scan3A_364 = arith.constant 0 : i32
      scf.yield %scan3A_364 : i32
    }
    %scan3A_45 = arith.constant 32 : i32
    %add3A_46 = arith.constant 16 : i32
    %add3A_47 = arith.addi %mul3A_2, %add3A_46 : i32
    %mul3A_48 = arith.constant 4096 : i32
    %mul3A_49 = arith.muli %add3A_47, %mul3A_48 : i32
    "tpu.region"() ({
      %run_scoped3A = tpu.sem_alloc : memref<!tpu.dma_semaphore, #tpu.memory_space<semaphore_mem>>
      %dma_start3A = arith.constant 0 : i32
      %dma_start3A_90 = tpu.memref_slice %arg6[%dma_start3A] : memref<65536xf32, #tpu.memory_space<vmem>> -> memref<32768xf32, #tpu.memory_space<vmem>>
      %dma_start3A_91 = tpu.memref_slice %arg2[%mul3A_49] : memref<8388608xf32, #tpu.memory_space<hbm>> -> memref<32768xf32, #tpu.memory_space<hbm>>
      %dma_start3A_92 = arith.constant 0 : i32
      %dma_start3A_93 = tpu.memref_slice %arg6[%dma_start3A_92] : memref<65536xf32, #tpu.memory_space<vmem>> -> memref<32768xf32, #tpu.memory_space<vmem>>
      %dma_start3A_94 = tpu.memref_slice %arg2[%mul3A_49] : memref<8388608xf32, #tpu.memory_space<hbm>> -> memref<32768xf32, #tpu.memory_space<hbm>>
      tpu.enqueue_dma source(%dma_start3A_94 : memref<32768xf32, #tpu.memory_space<hbm>>) target(%dma_start3A_93 : memref<32768xf32, #tpu.memory_space<vmem>>) target_semaphore(%run_scoped3A : memref<!tpu.dma_semaphore, #tpu.memory_space<semaphore_mem>>)
      %dma_wait3A = arith.constant 0 : i32
      %dma_wait3A_95 = tpu.memref_slice %arg6[%dma_wait3A] : memref<65536xf32, #tpu.memory_space<vmem>> -> memref<32768xf32, #tpu.memory_space<vmem>>
      %dma_wait3A_96 = tpu.memref_slice %arg2[%mul3A_49] : memref<8388608xf32, #tpu.memory_space<hbm>> -> memref<32768xf32, #tpu.memory_space<hbm>>
      %dma_wait3A_97 = arith.constant 0 : i32
      %dma_wait3A_98 = tpu.memref_slice %arg6[%dma_wait3A_97] : memref<65536xf32, #tpu.memory_space<vmem>> -> memref<32768xf32, #tpu.memory_space<vmem>>
      %dma_wait3A_99 = tpu.memref_slice %arg2[%mul3A_49] : memref<8388608xf32, #tpu.memory_space<hbm>> -> memref<32768xf32, #tpu.memory_space<hbm>>
      tpu.wait_dma2 semaphore(%run_scoped3A : memref<!tpu.dma_semaphore, #tpu.memory_space<semaphore_mem>>) src(%dma_wait3A_99 : memref<32768xf32, #tpu.memory_space<hbm>>) dst(%dma_wait3A_98 : memref<32768xf32, #tpu.memory_space<vmem>>)
      tpu.yield
    }) : () -> ()
    %add3A_50 = arith.constant 1024 : i32
    %add3A_51 = arith.addi %add3A_50, %add3A_47 : i32
    %mul3A_52 = arith.constant 4096 : i32
    %mul3A_53 = arith.muli %add3A_51, %mul3A_52 : i32
    "tpu.region"() ({
      %run_scoped3A = tpu.sem_alloc : memref<!tpu.dma_semaphore, #tpu.memory_space<semaphore_mem>>
      %dma_start3A = arith.constant 32768 : i32
      %dma_start3A_90 = tpu.memref_slice %arg6[%dma_start3A] : memref<65536xf32, #tpu.memory_space<vmem>> -> memref<32768xf32, #tpu.memory_space<vmem>>
      %dma_start3A_91 = tpu.memref_slice %arg2[%mul3A_53] : memref<8388608xf32, #tpu.memory_space<hbm>> -> memref<32768xf32, #tpu.memory_space<hbm>>
      %dma_start3A_92 = arith.constant 32768 : i32
      %dma_start3A_93 = tpu.memref_slice %arg6[%dma_start3A_92] : memref<65536xf32, #tpu.memory_space<vmem>> -> memref<32768xf32, #tpu.memory_space<vmem>>
      %dma_start3A_94 = tpu.memref_slice %arg2[%mul3A_53] : memref<8388608xf32, #tpu.memory_space<hbm>> -> memref<32768xf32, #tpu.memory_space<hbm>>
      tpu.enqueue_dma source(%dma_start3A_94 : memref<32768xf32, #tpu.memory_space<hbm>>) target(%dma_start3A_93 : memref<32768xf32, #tpu.memory_space<vmem>>) target_semaphore(%run_scoped3A : memref<!tpu.dma_semaphore, #tpu.memory_space<semaphore_mem>>)
      %dma_wait3A = arith.constant 32768 : i32
      %dma_wait3A_95 = tpu.memref_slice %arg6[%dma_wait3A] : memref<65536xf32, #tpu.memory_space<vmem>> -> memref<32768xf32, #tpu.memory_space<vmem>>
      %dma_wait3A_96 = tpu.memref_slice %arg2[%mul3A_53] : memref<8388608xf32, #tpu.memory_space<hbm>> -> memref<32768xf32, #tpu.memory_space<hbm>>
      %dma_wait3A_97 = arith.constant 32768 : i32
      %dma_wait3A_98 = tpu.memref_slice %arg6[%dma_wait3A_97] : memref<65536xf32, #tpu.memory_space<vmem>> -> memref<32768xf32, #tpu.memory_space<vmem>>
      %dma_wait3A_99 = tpu.memref_slice %arg2[%mul3A_53] : memref<8388608xf32, #tpu.memory_space<hbm>> -> memref<32768xf32, #tpu.memory_space<hbm>>
      tpu.wait_dma2 semaphore(%run_scoped3A : memref<!tpu.dma_semaphore, #tpu.memory_space<semaphore_mem>>) src(%dma_wait3A_99 : memref<32768xf32, #tpu.memory_space<hbm>>) dst(%dma_wait3A_98 : memref<32768xf32, #tpu.memory_space<vmem>>)
      tpu.yield
    }) : () -> ()
    %scan3A_54 = arith.constant 0 : i32
    %scan3A_55 = arith.constant 0 : i32
    %scan3A_56 = arith.constant 32 : i32
    %scan3A_57 = arith.addi %scan3A_55, %scan3A_56 : i32
    %scan3A_58 = arith.constant 1 : i32
    %scan3A_59 = scf.for %scan3A_90 = %scan3A_55 to %scan3A_57 step %scan3A_58 iter_args(%scan3A_91 = %scan3A_54) -> (i32)  : i32 {
      %mul3A_92 = arith.constant 16 : i32
      %mul3A_93 = arith.muli %scan3A_90, %mul3A_92 : i32
      %add3A_94 = arith.constant 0 : i32
      %add3A_95 = arith.addi %add3A_94, %mul3A_93 : i32
      %get3A = arith.index_cast %add3A_95 : i32 to index
      %get3A_96 = tpu.vector_load %arg8[%get3A] {strides = array<i32>} : memref<1024xf32, #tpu.memory_space<vmem>>, vector<16xf32>,
      %get3A_97 = arith.index_cast %add3A_95 : i32 to index
      %get3A_98 = tpu.vector_load %arg9[%get3A_97] {strides = array<i32>} : memref<1024xf32, #tpu.memory_space<vmem>>, vector<16xf32>,
      %mul3A_99 = arith.constant 6.300000e+01 : f32
      %mul3A_100 = vector.broadcast %mul3A_99 : f32 to vector<16xf32>
      %mul3A_101 = arith.mulf %get3A_96, %mul3A_100 : vector<16xf32>
      %mul3A_102 = arith.constant 6.300000e+01 : f32
      %mul3A_103 = vector.broadcast %mul3A_102 : f32 to vector<16xf32>
      %mul3A_104 = arith.mulf %get3A_98, %mul3A_103 : vector<16xf32>
      %convert_element_type3A = arith.fptosi %mul3A_101 : vector<16xf32> to vector<16xi32>
      %convert_element_type3A_105 = arith.fptosi %mul3A_104 : vector<16xf32> to vector<16xi32>
      %convert_element_type3A_106 = arith.sitofp %convert_element_type3A : vector<16xi32> to vector<16xf32>
      %sub3A = arith.subf %mul3A_101, %convert_element_type3A_106 : vector<16xf32>
      %convert_element_type3A_107 = arith.sitofp %convert_element_type3A_105 : vector<16xi32> to vector<16xf32>
      %sub3A_108 = arith.subf %mul3A_104, %convert_element_type3A_107 : vector<16xf32>
      %add3A_109 = arith.constant 1 : i32
      %add3A_110 = vector.broadcast %add3A_109 : i32 to vector<16xi32>
      %add3A_111 = arith.addi %convert_element_type3A, %add3A_110 : vector<16xi32>
      %min3A = arith.constant 63 : i32
      %min3A_112 = vector.broadcast %min3A : i32 to vector<16xi32>
      %min3A_113 = arith.minsi %add3A_111, %min3A_112 : vector<16xi32>
      %add3A_114 = arith.constant 1 : i32
      %add3A_115 = vector.broadcast %add3A_114 : i32 to vector<16xi32>
      %add3A_116 = arith.addi %convert_element_type3A_105, %add3A_115 : vector<16xi32>
      %min3A_117 = arith.constant 63 : i32
      %min3A_118 = vector.broadcast %min3A_117 : i32 to vector<16xi32>
      %min3A_119 = arith.minsi %add3A_116, %min3A_118 : vector<16xi32>
      %mul3A_120 = arith.constant 64 : i32
      %mul3A_121 = vector.broadcast %mul3A_120 : i32 to vector<16xi32>
      %mul3A_122 = arith.muli %convert_element_type3A_105, %mul3A_121 : vector<16xi32>
      %add3A_123 = arith.addi %mul3A_122, %convert_element_type3A : vector<16xi32>
      %add3A_124 = arith.constant 0 : i32
      %add3A_125 = vector.broadcast %add3A_124 : i32 to vector<16xi32>
      %add3A_126 = arith.addi %add3A_123, %add3A_125 : vector<16xi32>
      %mul3A_127 = arith.constant 64 : i32
      %mul3A_128 = vector.broadcast %mul3A_127 : i32 to vector<16xi32>
      %mul3A_129 = arith.muli %convert_element_type3A_105, %mul3A_128 : vector<16xi32>
      %add3A_130 = arith.addi %mul3A_129, %min3A_113 : vector<16xi32>
      %add3A_131 = arith.constant 0 : i32
      %add3A_132 = vector.broadcast %add3A_131 : i32 to vector<16xi32>
      %add3A_133 = arith.addi %add3A_130, %add3A_132 : vector<16xi32>
      %mul3A_134 = arith.constant 64 : i32
      %mul3A_135 = vector.broadcast %mul3A_134 : i32 to vector<16xi32>
      %mul3A_136 = arith.muli %min3A_119, %mul3A_135 : vector<16xi32>
      %add3A_137 = arith.addi %mul3A_136, %convert_element_type3A : vector<16xi32>
      %add3A_138 = arith.constant 0 : i32
      %add3A_139 = vector.broadcast %add3A_138 : i32 to vector<16xi32>
      %add3A_140 = arith.addi %add3A_137, %add3A_139 : vector<16xi32>
      %mul3A_141 = arith.constant 64 : i32
      %mul3A_142 = vector.broadcast %mul3A_141 : i32 to vector<16xi32>
      %mul3A_143 = arith.muli %min3A_119, %mul3A_142 : vector<16xi32>
      %add3A_144 = arith.addi %mul3A_143, %min3A_113 : vector<16xi32>
      %add3A_145 = arith.constant 0 : i32
      %add3A_146 = vector.broadcast %add3A_145 : i32 to vector<16xi32>
      %add3A_147 = arith.addi %add3A_144, %add3A_146 : vector<16xi32>
      %sub3A_148 = arith.constant 1.000000e+00 : f32
      %sub3A_149 = vector.broadcast %sub3A_148 : f32 to vector<16xf32>
      %sub3A_150 = arith.subf %sub3A_149, %sub3A : vector<16xf32>
      %sub3A_151 = arith.constant 1.000000e+00 : f32
      %sub3A_152 = vector.broadcast %sub3A_151 : f32 to vector<16xf32>
      %sub3A_153 = arith.subf %sub3A_152, %sub3A_108 : vector<16xf32>
      %mul3A_154 = arith.mulf %sub3A_150, %sub3A_153 : vector<16xf32>
      %sub3A_155 = arith.constant 1.000000e+00 : f32
      %sub3A_156 = vector.broadcast %sub3A_155 : f32 to vector<16xf32>
      %sub3A_157 = arith.subf %sub3A_156, %sub3A_108 : vector<16xf32>
      %mul3A_158 = arith.mulf %sub3A, %sub3A_157 : vector<16xf32>
      %sub3A_159 = arith.constant 1.000000e+00 : f32
      %sub3A_160 = vector.broadcast %sub3A_159 : f32 to vector<16xf32>
      %sub3A_161 = arith.subf %sub3A_160, %sub3A : vector<16xf32>
      %mul3A_162 = arith.mulf %sub3A_161, %sub3A_108 : vector<16xf32>
      %mul3A_163 = arith.mulf %sub3A, %sub3A_108 : vector<16xf32>
      %add3A_164 = vector.broadcast %add3A_95 : i32 to vector<16xi32>
      %add3A_165 = arith.addi %iota3A, %add3A_164 : vector<16xi32>
      %add3A_166 = arith.constant 0 : i32
      %add3A_167 = vector.broadcast %add3A_166 : i32 to vector<16xi32>
      %add3A_168 = arith.addi %add3A_126, %add3A_167 : vector<16xi32>
      %gather3A = tpu.vector_load_idx %arg6[%add3A_168] : memref<65536xf32, #tpu.memory_space<vmem>>[vector<16xi32>], vector<16xf32>,
      %mul3A_169 = arith.mulf %gather3A, %mul3A_154 : vector<16xf32>
      %add3A_170 = arith.constant 0 : i32
      %add3A_171 = vector.broadcast %add3A_170 : i32 to vector<16xi32>
      %add3A_172 = arith.addi %add3A_133, %add3A_171 : vector<16xi32>
      %gather3A_173 = tpu.vector_load_idx %arg6[%add3A_172] : memref<65536xf32, #tpu.memory_space<vmem>>[vector<16xi32>], vector<16xf32>,
      %mul3A_174 = arith.mulf %gather3A_173, %mul3A_158 : vector<16xf32>
      %add3A_175 = arith.addf %mul3A_169, %mul3A_174 : vector<16xf32>
      %add3A_176 = arith.constant 0 : i32
      %add3A_177 = vector.broadcast %add3A_176 : i32 to vector<16xi32>
      %add3A_178 = arith.addi %add3A_140, %add3A_177 : vector<16xi32>
      %gather3A_179 = tpu.vector_load_idx %arg6[%add3A_178] : memref<65536xf32, #tpu.memory_space<vmem>>[vector<16xi32>], vector<16xf32>,
      %mul3A_180 = arith.mulf %gather3A_179, %mul3A_162 : vector<16xf32>
      %add3A_181 = arith.addf %add3A_175, %mul3A_180 : vector<16xf32>
      %add3A_182 = arith.constant 0 : i32
      %add3A_183 = vector.broadcast %add3A_182 : i32 to vector<16xi32>
      %add3A_184 = arith.addi %add3A_147, %add3A_183 : vector<16xi32>
      %gather3A_185 = tpu.vector_load_idx %arg6[%add3A_184] : memref<65536xf32, #tpu.memory_space<vmem>>[vector<16xi32>], vector<16xf32>,
      %mul3A_186 = arith.mulf %gather3A_185, %mul3A_163 : vector<16xf32>
      %add3A_187 = arith.addf %add3A_181, %mul3A_186 : vector<16xf32>
      %broadcast_in_dim3A = arith.constant 16 : i32
      %broadcast_in_dim3A_188 = vector.broadcast %broadcast_in_dim3A : i32 to vector<16xi32>
      tpu.vector_store_idx %arg7[%broadcast_in_dim3A_188, %add3A_165], %add3A_187 : memref<32x1024xf32, #tpu.memory_space<vmem>>[vector<16xi32>, vector<16xi32>], vector<16xf32>,
      %add3A_189 = arith.constant 4096 : i32
      %add3A_190 = vector.broadcast %add3A_189 : i32 to vector<16xi32>
      %add3A_191 = arith.addi %add3A_126, %add3A_190 : vector<16xi32>
      %gather3A_192 = tpu.vector_load_idx %arg6[%add3A_191] : memref<65536xf32, #tpu.memory_space<vmem>>[vector<16xi32>], vector<16xf32>,
      %mul3A_193 = arith.mulf %gather3A_192, %mul3A_154 : vector<16xf32>
      %add3A_194 = arith.constant 4096 : i32
      %add3A_195 = vector.broadcast %add3A_194 : i32 to vector<16xi32>
      %add3A_196 = arith.addi %add3A_133, %add3A_195 : vector<16xi32>
      %gather3A_197 = tpu.vector_load_idx %arg6[%add3A_196] : memref<65536xf32, #tpu.memory_space<vmem>>[vector<16xi32>], vector<16xf32>,
      %mul3A_198 = arith.mulf %gather3A_197, %mul3A_158 : vector<16xf32>
      %add3A_199 = arith.addf %mul3A_193, %mul3A_198 : vector<16xf32>
      %add3A_200 = arith.constant 4096 : i32
      %add3A_201 = vector.broadcast %add3A_200 : i32 to vector<16xi32>
      %add3A_202 = arith.addi %add3A_140, %add3A_201 : vector<16xi32>
      %gather3A_203 = tpu.vector_load_idx %arg6[%add3A_202] : memref<65536xf32, #tpu.memory_space<vmem>>[vector<16xi32>], vector<16xf32>,
      %mul3A_204 = arith.mulf %gather3A_203, %mul3A_162 : vector<16xf32>
      %add3A_205 = arith.addf %add3A_199, %mul3A_204 : vector<16xf32>
      %add3A_206 = arith.constant 4096 : i32
      %add3A_207 = vector.broadcast %add3A_206 : i32 to vector<16xi32>
      %add3A_208 = arith.addi %add3A_147, %add3A_207 : vector<16xi32>
      %gather3A_209 = tpu.vector_load_idx %arg6[%add3A_208] : memref<65536xf32, #tpu.memory_space<vmem>>[vector<16xi32>], vector<16xf32>,
      %mul3A_210 = arith.mulf %gather3A_209, %mul3A_163 : vector<16xf32>
      %add3A_211 = arith.addf %add3A_205, %mul3A_210 : vector<16xf32>
      %broadcast_in_dim3A_212 = arith.constant 17 : i32
      %broadcast_in_dim3A_213 = vector.broadcast %broadcast_in_dim3A_212 : i32 to vector<16xi32>
      tpu.vector_store_idx %arg7[%broadcast_in_dim3A_213, %add3A_165], %add3A_211 : memref<32x1024xf32, #tpu.memory_space<vmem>>[vector<16xi32>, vector<16xi32>], vector<16xf32>,
      %add3A_214 = arith.constant 8192 : i32
      %add3A_215 = vector.broadcast %add3A_214 : i32 to vector<16xi32>
      %add3A_216 = arith.addi %add3A_126, %add3A_215 : vector<16xi32>
      %gather3A_217 = tpu.vector_load_idx %arg6[%add3A_216] : memref<65536xf32, #tpu.memory_space<vmem>>[vector<16xi32>], vector<16xf32>,
      %mul3A_218 = arith.mulf %gather3A_217, %mul3A_154 : vector<16xf32>
      %add3A_219 = arith.constant 8192 : i32
      %add3A_220 = vector.broadcast %add3A_219 : i32 to vector<16xi32>
      %add3A_221 = arith.addi %add3A_133, %add3A_220 : vector<16xi32>
      %gather3A_222 = tpu.vector_load_idx %arg6[%add3A_221] : memref<65536xf32, #tpu.memory_space<vmem>>[vector<16xi32>], vector<16xf32>,
      %mul3A_223 = arith.mulf %gather3A_222, %mul3A_158 : vector<16xf32>
      %add3A_224 = arith.addf %mul3A_218, %mul3A_223 : vector<16xf32>
      %add3A_225 = arith.constant 8192 : i32
      %add3A_226 = vector.broadcast %add3A_225 : i32 to vector<16xi32>
      %add3A_227 = arith.addi %add3A_140, %add3A_226 : vector<16xi32>
      %gather3A_228 = tpu.vector_load_idx %arg6[%add3A_227] : memref<65536xf32, #tpu.memory_space<vmem>>[vector<16xi32>], vector<16xf32>,
      %mul3A_229 = arith.mulf %gather3A_228, %mul3A_162 : vector<16xf32>
      %add3A_230 = arith.addf %add3A_224, %mul3A_229 : vector<16xf32>
      %add3A_231 = arith.constant 8192 : i32
      %add3A_232 = vector.broadcast %add3A_231 : i32 to vector<16xi32>
      %add3A_233 = arith.addi %add3A_147, %add3A_232 : vector<16xi32>
      %gather3A_234 = tpu.vector_load_idx %arg6[%add3A_233] : memref<65536xf32, #tpu.memory_space<vmem>>[vector<16xi32>], vector<16xf32>,
      %mul3A_235 = arith.mulf %gather3A_234, %mul3A_163 : vector<16xf32>
      %add3A_236 = arith.addf %add3A_230, %mul3A_235 : vector<16xf32>
      %broadcast_in_dim3A_237 = arith.constant 18 : i32
      %broadcast_in_dim3A_238 = vector.broadcast %broadcast_in_dim3A_237 : i32 to vector<16xi32>
      tpu.vector_store_idx %arg7[%broadcast_in_dim3A_238, %add3A_165], %add3A_236 : memref<32x1024xf32, #tpu.memory_space<vmem>>[vector<16xi32>, vector<16xi32>], vector<16xf32>,
      %add3A_239 = arith.constant 12288 : i32
      %add3A_240 = vector.broadcast %add3A_239 : i32 to vector<16xi32>
      %add3A_241 = arith.addi %add3A_126, %add3A_240 : vector<16xi32>
      %gather3A_242 = tpu.vector_load_idx %arg6[%add3A_241] : memref<65536xf32, #tpu.memory_space<vmem>>[vector<16xi32>], vector<16xf32>,
      %mul3A_243 = arith.mulf %gather3A_242, %mul3A_154 : vector<16xf32>
      %add3A_244 = arith.constant 12288 : i32
      %add3A_245 = vector.broadcast %add3A_244 : i32 to vector<16xi32>
      %add3A_246 = arith.addi %add3A_133, %add3A_245 : vector<16xi32>
      %gather3A_247 = tpu.vector_load_idx %arg6[%add3A_246] : memref<65536xf32, #tpu.memory_space<vmem>>[vector<16xi32>], vector<16xf32>,
      %mul3A_248 = arith.mulf %gather3A_247, %mul3A_158 : vector<16xf32>
      %add3A_249 = arith.addf %mul3A_243, %mul3A_248 : vector<16xf32>
      %add3A_250 = arith.constant 12288 : i32
      %add3A_251 = vector.broadcast %add3A_250 : i32 to vector<16xi32>
      %add3A_252 = arith.addi %add3A_140, %add3A_251 : vector<16xi32>
      %gather3A_253 = tpu.vector_load_idx %arg6[%add3A_252] : memref<65536xf32, #tpu.memory_space<vmem>>[vector<16xi32>], vector<16xf32>,
      %mul3A_254 = arith.mulf %gather3A_253, %mul3A_162 : vector<16xf32>
      %add3A_255 = arith.addf %add3A_249, %mul3A_254 : vector<16xf32>
      %add3A_256 = arith.constant 12288 : i32
      %add3A_257 = vector.broadcast %add3A_256 : i32 to vector<16xi32>
      %add3A_258 = arith.addi %add3A_147, %add3A_257 : vector<16xi32>
      %gather3A_259 = tpu.vector_load_idx %arg6[%add3A_258] : memref<65536xf32, #tpu.memory_space<vmem>>[vector<16xi32>], vector<16xf32>,
      %mul3A_260 = arith.mulf %gather3A_259, %mul3A_163 : vector<16xf32>
      %add3A_261 = arith.addf %add3A_255, %mul3A_260 : vector<16xf32>
      %broadcast_in_dim3A_262 = arith.constant 19 : i32
      %broadcast_in_dim3A_263 = vector.broadcast %broadcast_in_dim3A_262 : i32 to vector<16xi32>
      tpu.vector_store_idx %arg7[%broadcast_in_dim3A_263, %add3A_165], %add3A_261 : memref<32x1024xf32, #tpu.memory_space<vmem>>[vector<16xi32>, vector<16xi32>], vector<16xf32>,
      %add3A_264 = arith.constant 16384 : i32
      %add3A_265 = vector.broadcast %add3A_264 : i32 to vector<16xi32>
      %add3A_266 = arith.addi %add3A_126, %add3A_265 : vector<16xi32>
      %gather3A_267 = tpu.vector_load_idx %arg6[%add3A_266] : memref<65536xf32, #tpu.memory_space<vmem>>[vector<16xi32>], vector<16xf32>,
      %mul3A_268 = arith.mulf %gather3A_267, %mul3A_154 : vector<16xf32>
      %add3A_269 = arith.constant 16384 : i32
      %add3A_270 = vector.broadcast %add3A_269 : i32 to vector<16xi32>
      %add3A_271 = arith.addi %add3A_133, %add3A_270 : vector<16xi32>
      %gather3A_272 = tpu.vector_load_idx %arg6[%add3A_271] : memref<65536xf32, #tpu.memory_space<vmem>>[vector<16xi32>], vector<16xf32>,
      %mul3A_273 = arith.mulf %gather3A_272, %mul3A_158 : vector<16xf32>
      %add3A_274 = arith.addf %mul3A_268, %mul3A_273 : vector<16xf32>
      %add3A_275 = arith.constant 16384 : i32
      %add3A_276 = vector.broadcast %add3A_275 : i32 to vector<16xi32>
      %add3A_277 = arith.addi %add3A_140, %add3A_276 : vector<16xi32>
      %gather3A_278 = tpu.vector_load_idx %arg6[%add3A_277] : memref<65536xf32, #tpu.memory_space<vmem>>[vector<16xi32>], vector<16xf32>,
      %mul3A_279 = arith.mulf %gather3A_278, %mul3A_162 : vector<16xf32>
      %add3A_280 = arith.addf %add3A_274, %mul3A_279 : vector<16xf32>
      %add3A_281 = arith.constant 16384 : i32
      %add3A_282 = vector.broadcast %add3A_281 : i32 to vector<16xi32>
      %add3A_283 = arith.addi %add3A_147, %add3A_282 : vector<16xi32>
      %gather3A_284 = tpu.vector_load_idx %arg6[%add3A_283] : memref<65536xf32, #tpu.memory_space<vmem>>[vector<16xi32>], vector<16xf32>,
      %mul3A_285 = arith.mulf %gather3A_284, %mul3A_163 : vector<16xf32>
      %add3A_286 = arith.addf %add3A_280, %mul3A_285 : vector<16xf32>
      %broadcast_in_dim3A_287 = arith.constant 20 : i32
      %broadcast_in_dim3A_288 = vector.broadcast %broadcast_in_dim3A_287 : i32 to vector<16xi32>
      tpu.vector_store_idx %arg7[%broadcast_in_dim3A_288, %add3A_165], %add3A_286 : memref<32x1024xf32, #tpu.memory_space<vmem>>[vector<16xi32>, vector<16xi32>], vector<16xf32>,
      %add3A_289 = arith.constant 20480 : i32
      %add3A_290 = vector.broadcast %add3A_289 : i32 to vector<16xi32>
      %add3A_291 = arith.addi %add3A_126, %add3A_290 : vector<16xi32>
      %gather3A_292 = tpu.vector_load_idx %arg6[%add3A_291] : memref<65536xf32, #tpu.memory_space<vmem>>[vector<16xi32>], vector<16xf32>,
      %mul3A_293 = arith.mulf %gather3A_292, %mul3A_154 : vector<16xf32>
      %add3A_294 = arith.constant 20480 : i32
      %add3A_295 = vector.broadcast %add3A_294 : i32 to vector<16xi32>
      %add3A_296 = arith.addi %add3A_133, %add3A_295 : vector<16xi32>
      %gather3A_297 = tpu.vector_load_idx %arg6[%add3A_296] : memref<65536xf32, #tpu.memory_space<vmem>>[vector<16xi32>], vector<16xf32>,
      %mul3A_298 = arith.mulf %gather3A_297, %mul3A_158 : vector<16xf32>
      %add3A_299 = arith.addf %mul3A_293, %mul3A_298 : vector<16xf32>
      %add3A_300 = arith.constant 20480 : i32
      %add3A_301 = vector.broadcast %add3A_300 : i32 to vector<16xi32>
      %add3A_302 = arith.addi %add3A_140, %add3A_301 : vector<16xi32>
      %gather3A_303 = tpu.vector_load_idx %arg6[%add3A_302] : memref<65536xf32, #tpu.memory_space<vmem>>[vector<16xi32>], vector<16xf32>,
      %mul3A_304 = arith.mulf %gather3A_303, %mul3A_162 : vector<16xf32>
      %add3A_305 = arith.addf %add3A_299, %mul3A_304 : vector<16xf32>
      %add3A_306 = arith.constant 20480 : i32
      %add3A_307 = vector.broadcast %add3A_306 : i32 to vector<16xi32>
      %add3A_308 = arith.addi %add3A_147, %add3A_307 : vector<16xi32>
      %gather3A_309 = tpu.vector_load_idx %arg6[%add3A_308] : memref<65536xf32, #tpu.memory_space<vmem>>[vector<16xi32>], vector<16xf32>,
      %mul3A_310 = arith.mulf %gather3A_309, %mul3A_163 : vector<16xf32>
      %add3A_311 = arith.addf %add3A_305, %mul3A_310 : vector<16xf32>
      %broadcast_in_dim3A_312 = arith.constant 21 : i32
      %broadcast_in_dim3A_313 = vector.broadcast %broadcast_in_dim3A_312 : i32 to vector<16xi32>
      tpu.vector_store_idx %arg7[%broadcast_in_dim3A_313, %add3A_165], %add3A_311 : memref<32x1024xf32, #tpu.memory_space<vmem>>[vector<16xi32>, vector<16xi32>], vector<16xf32>,
      %add3A_314 = arith.constant 24576 : i32
      %add3A_315 = vector.broadcast %add3A_314 : i32 to vector<16xi32>
      %add3A_316 = arith.addi %add3A_126, %add3A_315 : vector<16xi32>
      %gather3A_317 = tpu.vector_load_idx %arg6[%add3A_316] : memref<65536xf32, #tpu.memory_space<vmem>>[vector<16xi32>], vector<16xf32>,
      %mul3A_318 = arith.mulf %gather3A_317, %mul3A_154 : vector<16xf32>
      %add3A_319 = arith.constant 24576 : i32
      %add3A_320 = vector.broadcast %add3A_319 : i32 to vector<16xi32>
      %add3A_321 = arith.addi %add3A_133, %add3A_320 : vector<16xi32>
      %gather3A_322 = tpu.vector_load_idx %arg6[%add3A_321] : memref<65536xf32, #tpu.memory_space<vmem>>[vector<16xi32>], vector<16xf32>,
      %mul3A_323 = arith.mulf %gather3A_322, %mul3A_158 : vector<16xf32>
      %add3A_324 = arith.addf %mul3A_318, %mul3A_323 : vector<16xf32>
      %add3A_325 = arith.constant 24576 : i32
      %add3A_326 = vector.broadcast %add3A_325 : i32 to vector<16xi32>
      %add3A_327 = arith.addi %add3A_140, %add3A_326 : vector<16xi32>
      %gather3A_328 = tpu.vector_load_idx %arg6[%add3A_327] : memref<65536xf32, #tpu.memory_space<vmem>>[vector<16xi32>], vector<16xf32>,
      %mul3A_329 = arith.mulf %gather3A_328, %mul3A_162 : vector<16xf32>
      %add3A_330 = arith.addf %add3A_324, %mul3A_329 : vector<16xf32>
      %add3A_331 = arith.constant 24576 : i32
      %add3A_332 = vector.broadcast %add3A_331 : i32 to vector<16xi32>
      %add3A_333 = arith.addi %add3A_147, %add3A_332 : vector<16xi32>
      %gather3A_334 = tpu.vector_load_idx %arg6[%add3A_333] : memref<65536xf32, #tpu.memory_space<vmem>>[vector<16xi32>], vector<16xf32>,
      %mul3A_335 = arith.mulf %gather3A_334, %mul3A_163 : vector<16xf32>
      %add3A_336 = arith.addf %add3A_330, %mul3A_335 : vector<16xf32>
      %broadcast_in_dim3A_337 = arith.constant 22 : i32
      %broadcast_in_dim3A_338 = vector.broadcast %broadcast_in_dim3A_337 : i32 to vector<16xi32>
      tpu.vector_store_idx %arg7[%broadcast_in_dim3A_338, %add3A_165], %add3A_336 : memref<32x1024xf32, #tpu.memory_space<vmem>>[vector<16xi32>, vector<16xi32>], vector<16xf32>,
      %add3A_339 = arith.constant 28672 : i32
      %add3A_340 = vector.broadcast %add3A_339 : i32 to vector<16xi32>
      %add3A_341 = arith.addi %add3A_126, %add3A_340 : vector<16xi32>
      %gather3A_342 = tpu.vector_load_idx %arg6[%add3A_341] : memref<65536xf32, #tpu.memory_space<vmem>>[vector<16xi32>], vector<16xf32>,
      %mul3A_343 = arith.mulf %gather3A_342, %mul3A_154 : vector<16xf32>
      %add3A_344 = arith.constant 28672 : i32
      %add3A_345 = vector.broadcast %add3A_344 : i32 to vector<16xi32>
      %add3A_346 = arith.addi %add3A_133, %add3A_345 : vector<16xi32>
      %gather3A_347 = tpu.vector_load_idx %arg6[%add3A_346] : memref<65536xf32, #tpu.memory_space<vmem>>[vector<16xi32>], vector<16xf32>,
      %mul3A_348 = arith.mulf %gather3A_347, %mul3A_158 : vector<16xf32>
      %add3A_349 = arith.addf %mul3A_343, %mul3A_348 : vector<16xf32>
      %add3A_350 = arith.constant 28672 : i32
      %add3A_351 = vector.broadcast %add3A_350 : i32 to vector<16xi32>
      %add3A_352 = arith.addi %add3A_140, %add3A_351 : vector<16xi32>
      %gather3A_353 = tpu.vector_load_idx %arg6[%add3A_352] : memref<65536xf32, #tpu.memory_space<vmem>>[vector<16xi32>], vector<16xf32>,
      %mul3A_354 = arith.mulf %gather3A_353, %mul3A_162 : vector<16xf32>
      %add3A_355 = arith.addf %add3A_349, %mul3A_354 : vector<16xf32>
      %add3A_356 = arith.constant 28672 : i32
      %add3A_357 = vector.broadcast %add3A_356 : i32 to vector<16xi32>
      %add3A_358 = arith.addi %add3A_147, %add3A_357 : vector<16xi32>
      %gather3A_359 = tpu.vector_load_idx %arg6[%add3A_358] : memref<65536xf32, #tpu.memory_space<vmem>>[vector<16xi32>], vector<16xf32>,
      %mul3A_360 = arith.mulf %gather3A_359, %mul3A_163 : vector<16xf32>
      %add3A_361 = arith.addf %add3A_355, %mul3A_360 : vector<16xf32>
      %broadcast_in_dim3A_362 = arith.constant 23 : i32
      %broadcast_in_dim3A_363 = vector.broadcast %broadcast_in_dim3A_362 : i32 to vector<16xi32>
      tpu.vector_store_idx %arg7[%broadcast_in_dim3A_363, %add3A_165], %add3A_361 : memref<32x1024xf32, #tpu.memory_space<vmem>>[vector<16xi32>, vector<16xi32>], vector<16xf32>,
      %scan3A_364 = arith.constant 0 : i32
      scf.yield %scan3A_364 : i32
    }
    %scan3A_60 = arith.constant 32 : i32
    %scan3A_61 = arith.constant 0 : i32
    %scan3A_62 = arith.constant 0 : i32
    %scan3A_63 = arith.constant 32 : i32
    %scan3A_64 = arith.addi %scan3A_62, %scan3A_63 : i32
    %scan3A_65 = arith.constant 1 : i32
    %scan3A_66 = scf.for %scan3A_90 = %scan3A_62 to %scan3A_64 step %scan3A_65 iter_args(%scan3A_91 = %scan3A_61) -> (i32)  : i32 {
      %mul3A_92 = arith.constant 16 : i32
      %mul3A_93 = arith.muli %scan3A_90, %mul3A_92 : i32
      %add3A_94 = arith.constant 512 : i32
      %add3A_95 = arith.addi %add3A_94, %mul3A_93 : i32
      %get3A = arith.index_cast %add3A_95 : i32 to index
      %get3A_96 = tpu.vector_load %arg8[%get3A] {strides = array<i32>} : memref<1024xf32, #tpu.memory_space<vmem>>, vector<16xf32>,
      %get3A_97 = arith.index_cast %add3A_95 : i32 to index
      %get3A_98 = tpu.vector_load %arg9[%get3A_97] {strides = array<i32>} : memref<1024xf32, #tpu.memory_space<vmem>>, vector<16xf32>,
      %mul3A_99 = arith.constant 6.300000e+01 : f32
      %mul3A_100 = vector.broadcast %mul3A_99 : f32 to vector<16xf32>
      %mul3A_101 = arith.mulf %get3A_96, %mul3A_100 : vector<16xf32>
      %mul3A_102 = arith.constant 6.300000e+01 : f32
      %mul3A_103 = vector.broadcast %mul3A_102 : f32 to vector<16xf32>
      %mul3A_104 = arith.mulf %get3A_98, %mul3A_103 : vector<16xf32>
      %convert_element_type3A = arith.fptosi %mul3A_101 : vector<16xf32> to vector<16xi32>
      %convert_element_type3A_105 = arith.fptosi %mul3A_104 : vector<16xf32> to vector<16xi32>
      %convert_element_type3A_106 = arith.sitofp %convert_element_type3A : vector<16xi32> to vector<16xf32>
      %sub3A = arith.subf %mul3A_101, %convert_element_type3A_106 : vector<16xf32>
      %convert_element_type3A_107 = arith.sitofp %convert_element_type3A_105 : vector<16xi32> to vector<16xf32>
      %sub3A_108 = arith.subf %mul3A_104, %convert_element_type3A_107 : vector<16xf32>
      %add3A_109 = arith.constant 1 : i32
      %add3A_110 = vector.broadcast %add3A_109 : i32 to vector<16xi32>
      %add3A_111 = arith.addi %convert_element_type3A, %add3A_110 : vector<16xi32>
      %min3A = arith.constant 63 : i32
      %min3A_112 = vector.broadcast %min3A : i32 to vector<16xi32>
      %min3A_113 = arith.minsi %add3A_111, %min3A_112 : vector<16xi32>
      %add3A_114 = arith.constant 1 : i32
      %add3A_115 = vector.broadcast %add3A_114 : i32 to vector<16xi32>
      %add3A_116 = arith.addi %convert_element_type3A_105, %add3A_115 : vector<16xi32>
      %min3A_117 = arith.constant 63 : i32
      %min3A_118 = vector.broadcast %min3A_117 : i32 to vector<16xi32>
      %min3A_119 = arith.minsi %add3A_116, %min3A_118 : vector<16xi32>
      %mul3A_120 = arith.constant 64 : i32
      %mul3A_121 = vector.broadcast %mul3A_120 : i32 to vector<16xi32>
      %mul3A_122 = arith.muli %convert_element_type3A_105, %mul3A_121 : vector<16xi32>
      %add3A_123 = arith.addi %mul3A_122, %convert_element_type3A : vector<16xi32>
      %add3A_124 = arith.constant 32768 : i32
      %add3A_125 = vector.broadcast %add3A_124 : i32 to vector<16xi32>
      %add3A_126 = arith.addi %add3A_123, %add3A_125 : vector<16xi32>
      %mul3A_127 = arith.constant 64 : i32
      %mul3A_128 = vector.broadcast %mul3A_127 : i32 to vector<16xi32>
      %mul3A_129 = arith.muli %convert_element_type3A_105, %mul3A_128 : vector<16xi32>
      %add3A_130 = arith.addi %mul3A_129, %min3A_113 : vector<16xi32>
      %add3A_131 = arith.constant 32768 : i32
      %add3A_132 = vector.broadcast %add3A_131 : i32 to vector<16xi32>
      %add3A_133 = arith.addi %add3A_130, %add3A_132 : vector<16xi32>
      %mul3A_134 = arith.constant 64 : i32
      %mul3A_135 = vector.broadcast %mul3A_134 : i32 to vector<16xi32>
      %mul3A_136 = arith.muli %min3A_119, %mul3A_135 : vector<16xi32>
      %add3A_137 = arith.addi %mul3A_136, %convert_element_type3A : vector<16xi32>
      %add3A_138 = arith.constant 32768 : i32
      %add3A_139 = vector.broadcast %add3A_138 : i32 to vector<16xi32>
      %add3A_140 = arith.addi %add3A_137, %add3A_139 : vector<16xi32>
      %mul3A_141 = arith.constant 64 : i32
      %mul3A_142 = vector.broadcast %mul3A_141 : i32 to vector<16xi32>
      %mul3A_143 = arith.muli %min3A_119, %mul3A_142 : vector<16xi32>
      %add3A_144 = arith.addi %mul3A_143, %min3A_113 : vector<16xi32>
      %add3A_145 = arith.constant 32768 : i32
      %add3A_146 = vector.broadcast %add3A_145 : i32 to vector<16xi32>
      %add3A_147 = arith.addi %add3A_144, %add3A_146 : vector<16xi32>
      %sub3A_148 = arith.constant 1.000000e+00 : f32
      %sub3A_149 = vector.broadcast %sub3A_148 : f32 to vector<16xf32>
      %sub3A_150 = arith.subf %sub3A_149, %sub3A : vector<16xf32>
      %sub3A_151 = arith.constant 1.000000e+00 : f32
      %sub3A_152 = vector.broadcast %sub3A_151 : f32 to vector<16xf32>
      %sub3A_153 = arith.subf %sub3A_152, %sub3A_108 : vector<16xf32>
      %mul3A_154 = arith.mulf %sub3A_150, %sub3A_153 : vector<16xf32>
      %sub3A_155 = arith.constant 1.000000e+00 : f32
      %sub3A_156 = vector.broadcast %sub3A_155 : f32 to vector<16xf32>
      %sub3A_157 = arith.subf %sub3A_156, %sub3A_108 : vector<16xf32>
      %mul3A_158 = arith.mulf %sub3A, %sub3A_157 : vector<16xf32>
      %sub3A_159 = arith.constant 1.000000e+00 : f32
      %sub3A_160 = vector.broadcast %sub3A_159 : f32 to vector<16xf32>
      %sub3A_161 = arith.subf %sub3A_160, %sub3A : vector<16xf32>
      %mul3A_162 = arith.mulf %sub3A_161, %sub3A_108 : vector<16xf32>
      %mul3A_163 = arith.mulf %sub3A, %sub3A_108 : vector<16xf32>
      %add3A_164 = vector.broadcast %add3A_95 : i32 to vector<16xi32>
      %add3A_165 = arith.addi %iota3A, %add3A_164 : vector<16xi32>
      %add3A_166 = arith.constant 0 : i32
      %add3A_167 = vector.broadcast %add3A_166 : i32 to vector<16xi32>
      %add3A_168 = arith.addi %add3A_126, %add3A_167 : vector<16xi32>
      %gather3A = tpu.vector_load_idx %arg6[%add3A_168] : memref<65536xf32, #tpu.memory_space<vmem>>[vector<16xi32>], vector<16xf32>,
      %mul3A_169 = arith.mulf %gather3A, %mul3A_154 : vector<16xf32>
      %add3A_170 = arith.constant 0 : i32
      %add3A_171 = vector.broadcast %add3A_170 : i32 to vector<16xi32>
      %add3A_172 = arith.addi %add3A_133, %add3A_171 : vector<16xi32>
      %gather3A_173 = tpu.vector_load_idx %arg6[%add3A_172] : memref<65536xf32, #tpu.memory_space<vmem>>[vector<16xi32>], vector<16xf32>,
      %mul3A_174 = arith.mulf %gather3A_173, %mul3A_158 : vector<16xf32>
      %add3A_175 = arith.addf %mul3A_169, %mul3A_174 : vector<16xf32>
      %add3A_176 = arith.constant 0 : i32
      %add3A_177 = vector.broadcast %add3A_176 : i32 to vector<16xi32>
      %add3A_178 = arith.addi %add3A_140, %add3A_177 : vector<16xi32>
      %gather3A_179 = tpu.vector_load_idx %arg6[%add3A_178] : memref<65536xf32, #tpu.memory_space<vmem>>[vector<16xi32>], vector<16xf32>,
      %mul3A_180 = arith.mulf %gather3A_179, %mul3A_162 : vector<16xf32>
      %add3A_181 = arith.addf %add3A_175, %mul3A_180 : vector<16xf32>
      %add3A_182 = arith.constant 0 : i32
      %add3A_183 = vector.broadcast %add3A_182 : i32 to vector<16xi32>
      %add3A_184 = arith.addi %add3A_147, %add3A_183 : vector<16xi32>
      %gather3A_185 = tpu.vector_load_idx %arg6[%add3A_184] : memref<65536xf32, #tpu.memory_space<vmem>>[vector<16xi32>], vector<16xf32>,
      %mul3A_186 = arith.mulf %gather3A_185, %mul3A_163 : vector<16xf32>
      %add3A_187 = arith.addf %add3A_181, %mul3A_186 : vector<16xf32>
      %broadcast_in_dim3A = arith.constant 16 : i32
      %broadcast_in_dim3A_188 = vector.broadcast %broadcast_in_dim3A : i32 to vector<16xi32>
      tpu.vector_store_idx %arg7[%broadcast_in_dim3A_188, %add3A_165], %add3A_187 : memref<32x1024xf32, #tpu.memory_space<vmem>>[vector<16xi32>, vector<16xi32>], vector<16xf32>,
      %add3A_189 = arith.constant 4096 : i32
      %add3A_190 = vector.broadcast %add3A_189 : i32 to vector<16xi32>
      %add3A_191 = arith.addi %add3A_126, %add3A_190 : vector<16xi32>
      %gather3A_192 = tpu.vector_load_idx %arg6[%add3A_191] : memref<65536xf32, #tpu.memory_space<vmem>>[vector<16xi32>], vector<16xf32>,
      %mul3A_193 = arith.mulf %gather3A_192, %mul3A_154 : vector<16xf32>
      %add3A_194 = arith.constant 4096 : i32
      %add3A_195 = vector.broadcast %add3A_194 : i32 to vector<16xi32>
      %add3A_196 = arith.addi %add3A_133, %add3A_195 : vector<16xi32>
      %gather3A_197 = tpu.vector_load_idx %arg6[%add3A_196] : memref<65536xf32, #tpu.memory_space<vmem>>[vector<16xi32>], vector<16xf32>,
      %mul3A_198 = arith.mulf %gather3A_197, %mul3A_158 : vector<16xf32>
      %add3A_199 = arith.addf %mul3A_193, %mul3A_198 : vector<16xf32>
      %add3A_200 = arith.constant 4096 : i32
      %add3A_201 = vector.broadcast %add3A_200 : i32 to vector<16xi32>
      %add3A_202 = arith.addi %add3A_140, %add3A_201 : vector<16xi32>
      %gather3A_203 = tpu.vector_load_idx %arg6[%add3A_202] : memref<65536xf32, #tpu.memory_space<vmem>>[vector<16xi32>], vector<16xf32>,
      %mul3A_204 = arith.mulf %gather3A_203, %mul3A_162 : vector<16xf32>
      %add3A_205 = arith.addf %add3A_199, %mul3A_204 : vector<16xf32>
      %add3A_206 = arith.constant 4096 : i32
      %add3A_207 = vector.broadcast %add3A_206 : i32 to vector<16xi32>
      %add3A_208 = arith.addi %add3A_147, %add3A_207 : vector<16xi32>
      %gather3A_209 = tpu.vector_load_idx %arg6[%add3A_208] : memref<65536xf32, #tpu.memory_space<vmem>>[vector<16xi32>], vector<16xf32>,
      %mul3A_210 = arith.mulf %gather3A_209, %mul3A_163 : vector<16xf32>
      %add3A_211 = arith.addf %add3A_205, %mul3A_210 : vector<16xf32>
      %broadcast_in_dim3A_212 = arith.constant 17 : i32
      %broadcast_in_dim3A_213 = vector.broadcast %broadcast_in_dim3A_212 : i32 to vector<16xi32>
      tpu.vector_store_idx %arg7[%broadcast_in_dim3A_213, %add3A_165], %add3A_211 : memref<32x1024xf32, #tpu.memory_space<vmem>>[vector<16xi32>, vector<16xi32>], vector<16xf32>,
      %add3A_214 = arith.constant 8192 : i32
      %add3A_215 = vector.broadcast %add3A_214 : i32 to vector<16xi32>
      %add3A_216 = arith.addi %add3A_126, %add3A_215 : vector<16xi32>
      %gather3A_217 = tpu.vector_load_idx %arg6[%add3A_216] : memref<65536xf32, #tpu.memory_space<vmem>>[vector<16xi32>], vector<16xf32>,
      %mul3A_218 = arith.mulf %gather3A_217, %mul3A_154 : vector<16xf32>
      %add3A_219 = arith.constant 8192 : i32
      %add3A_220 = vector.broadcast %add3A_219 : i32 to vector<16xi32>
      %add3A_221 = arith.addi %add3A_133, %add3A_220 : vector<16xi32>
      %gather3A_222 = tpu.vector_load_idx %arg6[%add3A_221] : memref<65536xf32, #tpu.memory_space<vmem>>[vector<16xi32>], vector<16xf32>,
      %mul3A_223 = arith.mulf %gather3A_222, %mul3A_158 : vector<16xf32>
      %add3A_224 = arith.addf %mul3A_218, %mul3A_223 : vector<16xf32>
      %add3A_225 = arith.constant 8192 : i32
      %add3A_226 = vector.broadcast %add3A_225 : i32 to vector<16xi32>
      %add3A_227 = arith.addi %add3A_140, %add3A_226 : vector<16xi32>
      %gather3A_228 = tpu.vector_load_idx %arg6[%add3A_227] : memref<65536xf32, #tpu.memory_space<vmem>>[vector<16xi32>], vector<16xf32>,
      %mul3A_229 = arith.mulf %gather3A_228, %mul3A_162 : vector<16xf32>
      %add3A_230 = arith.addf %add3A_224, %mul3A_229 : vector<16xf32>
      %add3A_231 = arith.constant 8192 : i32
      %add3A_232 = vector.broadcast %add3A_231 : i32 to vector<16xi32>
      %add3A_233 = arith.addi %add3A_147, %add3A_232 : vector<16xi32>
      %gather3A_234 = tpu.vector_load_idx %arg6[%add3A_233] : memref<65536xf32, #tpu.memory_space<vmem>>[vector<16xi32>], vector<16xf32>,
      %mul3A_235 = arith.mulf %gather3A_234, %mul3A_163 : vector<16xf32>
      %add3A_236 = arith.addf %add3A_230, %mul3A_235 : vector<16xf32>
      %broadcast_in_dim3A_237 = arith.constant 18 : i32
      %broadcast_in_dim3A_238 = vector.broadcast %broadcast_in_dim3A_237 : i32 to vector<16xi32>
      tpu.vector_store_idx %arg7[%broadcast_in_dim3A_238, %add3A_165], %add3A_236 : memref<32x1024xf32, #tpu.memory_space<vmem>>[vector<16xi32>, vector<16xi32>], vector<16xf32>,
      %add3A_239 = arith.constant 12288 : i32
      %add3A_240 = vector.broadcast %add3A_239 : i32 to vector<16xi32>
      %add3A_241 = arith.addi %add3A_126, %add3A_240 : vector<16xi32>
      %gather3A_242 = tpu.vector_load_idx %arg6[%add3A_241] : memref<65536xf32, #tpu.memory_space<vmem>>[vector<16xi32>], vector<16xf32>,
      %mul3A_243 = arith.mulf %gather3A_242, %mul3A_154 : vector<16xf32>
      %add3A_244 = arith.constant 12288 : i32
      %add3A_245 = vector.broadcast %add3A_244 : i32 to vector<16xi32>
      %add3A_246 = arith.addi %add3A_133, %add3A_245 : vector<16xi32>
      %gather3A_247 = tpu.vector_load_idx %arg6[%add3A_246] : memref<65536xf32, #tpu.memory_space<vmem>>[vector<16xi32>], vector<16xf32>,
      %mul3A_248 = arith.mulf %gather3A_247, %mul3A_158 : vector<16xf32>
      %add3A_249 = arith.addf %mul3A_243, %mul3A_248 : vector<16xf32>
      %add3A_250 = arith.constant 12288 : i32
      %add3A_251 = vector.broadcast %add3A_250 : i32 to vector<16xi32>
      %add3A_252 = arith.addi %add3A_140, %add3A_251 : vector<16xi32>
      %gather3A_253 = tpu.vector_load_idx %arg6[%add3A_252] : memref<65536xf32, #tpu.memory_space<vmem>>[vector<16xi32>], vector<16xf32>,
      %mul3A_254 = arith.mulf %gather3A_253, %mul3A_162 : vector<16xf32>
      %add3A_255 = arith.addf %add3A_249, %mul3A_254 : vector<16xf32>
      %add3A_256 = arith.constant 12288 : i32
      %add3A_257 = vector.broadcast %add3A_256 : i32 to vector<16xi32>
      %add3A_258 = arith.addi %add3A_147, %add3A_257 : vector<16xi32>
      %gather3A_259 = tpu.vector_load_idx %arg6[%add3A_258] : memref<65536xf32, #tpu.memory_space<vmem>>[vector<16xi32>], vector<16xf32>,
      %mul3A_260 = arith.mulf %gather3A_259, %mul3A_163 : vector<16xf32>
      %add3A_261 = arith.addf %add3A_255, %mul3A_260 : vector<16xf32>
      %broadcast_in_dim3A_262 = arith.constant 19 : i32
      %broadcast_in_dim3A_263 = vector.broadcast %broadcast_in_dim3A_262 : i32 to vector<16xi32>
      tpu.vector_store_idx %arg7[%broadcast_in_dim3A_263, %add3A_165], %add3A_261 : memref<32x1024xf32, #tpu.memory_space<vmem>>[vector<16xi32>, vector<16xi32>], vector<16xf32>,
      %add3A_264 = arith.constant 16384 : i32
      %add3A_265 = vector.broadcast %add3A_264 : i32 to vector<16xi32>
      %add3A_266 = arith.addi %add3A_126, %add3A_265 : vector<16xi32>
      %gather3A_267 = tpu.vector_load_idx %arg6[%add3A_266] : memref<65536xf32, #tpu.memory_space<vmem>>[vector<16xi32>], vector<16xf32>,
      %mul3A_268 = arith.mulf %gather3A_267, %mul3A_154 : vector<16xf32>
      %add3A_269 = arith.constant 16384 : i32
      %add3A_270 = vector.broadcast %add3A_269 : i32 to vector<16xi32>
      %add3A_271 = arith.addi %add3A_133, %add3A_270 : vector<16xi32>
      %gather3A_272 = tpu.vector_load_idx %arg6[%add3A_271] : memref<65536xf32, #tpu.memory_space<vmem>>[vector<16xi32>], vector<16xf32>,
      %mul3A_273 = arith.mulf %gather3A_272, %mul3A_158 : vector<16xf32>
      %add3A_274 = arith.addf %mul3A_268, %mul3A_273 : vector<16xf32>
      %add3A_275 = arith.constant 16384 : i32
      %add3A_276 = vector.broadcast %add3A_275 : i32 to vector<16xi32>
      %add3A_277 = arith.addi %add3A_140, %add3A_276 : vector<16xi32>
      %gather3A_278 = tpu.vector_load_idx %arg6[%add3A_277] : memref<65536xf32, #tpu.memory_space<vmem>>[vector<16xi32>], vector<16xf32>,
      %mul3A_279 = arith.mulf %gather3A_278, %mul3A_162 : vector<16xf32>
      %add3A_280 = arith.addf %add3A_274, %mul3A_279 : vector<16xf32>
      %add3A_281 = arith.constant 16384 : i32
      %add3A_282 = vector.broadcast %add3A_281 : i32 to vector<16xi32>
      %add3A_283 = arith.addi %add3A_147, %add3A_282 : vector<16xi32>
      %gather3A_284 = tpu.vector_load_idx %arg6[%add3A_283] : memref<65536xf32, #tpu.memory_space<vmem>>[vector<16xi32>], vector<16xf32>,
      %mul3A_285 = arith.mulf %gather3A_284, %mul3A_163 : vector<16xf32>
      %add3A_286 = arith.addf %add3A_280, %mul3A_285 : vector<16xf32>
      %broadcast_in_dim3A_287 = arith.constant 20 : i32
      %broadcast_in_dim3A_288 = vector.broadcast %broadcast_in_dim3A_287 : i32 to vector<16xi32>
      tpu.vector_store_idx %arg7[%broadcast_in_dim3A_288, %add3A_165], %add3A_286 : memref<32x1024xf32, #tpu.memory_space<vmem>>[vector<16xi32>, vector<16xi32>], vector<16xf32>,
      %add3A_289 = arith.constant 20480 : i32
      %add3A_290 = vector.broadcast %add3A_289 : i32 to vector<16xi32>
      %add3A_291 = arith.addi %add3A_126, %add3A_290 : vector<16xi32>
      %gather3A_292 = tpu.vector_load_idx %arg6[%add3A_291] : memref<65536xf32, #tpu.memory_space<vmem>>[vector<16xi32>], vector<16xf32>,
      %mul3A_293 = arith.mulf %gather3A_292, %mul3A_154 : vector<16xf32>
      %add3A_294 = arith.constant 20480 : i32
      %add3A_295 = vector.broadcast %add3A_294 : i32 to vector<16xi32>
      %add3A_296 = arith.addi %add3A_133, %add3A_295 : vector<16xi32>
      %gather3A_297 = tpu.vector_load_idx %arg6[%add3A_296] : memref<65536xf32, #tpu.memory_space<vmem>>[vector<16xi32>], vector<16xf32>,
      %mul3A_298 = arith.mulf %gather3A_297, %mul3A_158 : vector<16xf32>
      %add3A_299 = arith.addf %mul3A_293, %mul3A_298 : vector<16xf32>
      %add3A_300 = arith.constant 20480 : i32
      %add3A_301 = vector.broadcast %add3A_300 : i32 to vector<16xi32>
      %add3A_302 = arith.addi %add3A_140, %add3A_301 : vector<16xi32>
      %gather3A_303 = tpu.vector_load_idx %arg6[%add3A_302] : memref<65536xf32, #tpu.memory_space<vmem>>[vector<16xi32>], vector<16xf32>,
      %mul3A_304 = arith.mulf %gather3A_303, %mul3A_162 : vector<16xf32>
      %add3A_305 = arith.addf %add3A_299, %mul3A_304 : vector<16xf32>
      %add3A_306 = arith.constant 20480 : i32
      %add3A_307 = vector.broadcast %add3A_306 : i32 to vector<16xi32>
      %add3A_308 = arith.addi %add3A_147, %add3A_307 : vector<16xi32>
      %gather3A_309 = tpu.vector_load_idx %arg6[%add3A_308] : memref<65536xf32, #tpu.memory_space<vmem>>[vector<16xi32>], vector<16xf32>,
      %mul3A_310 = arith.mulf %gather3A_309, %mul3A_163 : vector<16xf32>
      %add3A_311 = arith.addf %add3A_305, %mul3A_310 : vector<16xf32>
      %broadcast_in_dim3A_312 = arith.constant 21 : i32
      %broadcast_in_dim3A_313 = vector.broadcast %broadcast_in_dim3A_312 : i32 to vector<16xi32>
      tpu.vector_store_idx %arg7[%broadcast_in_dim3A_313, %add3A_165], %add3A_311 : memref<32x1024xf32, #tpu.memory_space<vmem>>[vector<16xi32>, vector<16xi32>], vector<16xf32>,
      %add3A_314 = arith.constant 24576 : i32
      %add3A_315 = vector.broadcast %add3A_314 : i32 to vector<16xi32>
      %add3A_316 = arith.addi %add3A_126, %add3A_315 : vector<16xi32>
      %gather3A_317 = tpu.vector_load_idx %arg6[%add3A_316] : memref<65536xf32, #tpu.memory_space<vmem>>[vector<16xi32>], vector<16xf32>,
      %mul3A_318 = arith.mulf %gather3A_317, %mul3A_154 : vector<16xf32>
      %add3A_319 = arith.constant 24576 : i32
      %add3A_320 = vector.broadcast %add3A_319 : i32 to vector<16xi32>
      %add3A_321 = arith.addi %add3A_133, %add3A_320 : vector<16xi32>
      %gather3A_322 = tpu.vector_load_idx %arg6[%add3A_321] : memref<65536xf32, #tpu.memory_space<vmem>>[vector<16xi32>], vector<16xf32>,
      %mul3A_323 = arith.mulf %gather3A_322, %mul3A_158 : vector<16xf32>
      %add3A_324 = arith.addf %mul3A_318, %mul3A_323 : vector<16xf32>
      %add3A_325 = arith.constant 24576 : i32
      %add3A_326 = vector.broadcast %add3A_325 : i32 to vector<16xi32>
      %add3A_327 = arith.addi %add3A_140, %add3A_326 : vector<16xi32>
      %gather3A_328 = tpu.vector_load_idx %arg6[%add3A_327] : memref<65536xf32, #tpu.memory_space<vmem>>[vector<16xi32>], vector<16xf32>,
      %mul3A_329 = arith.mulf %gather3A_328, %mul3A_162 : vector<16xf32>
      %add3A_330 = arith.addf %add3A_324, %mul3A_329 : vector<16xf32>
      %add3A_331 = arith.constant 24576 : i32
      %add3A_332 = vector.broadcast %add3A_331 : i32 to vector<16xi32>
      %add3A_333 = arith.addi %add3A_147, %add3A_332 : vector<16xi32>
      %gather3A_334 = tpu.vector_load_idx %arg6[%add3A_333] : memref<65536xf32, #tpu.memory_space<vmem>>[vector<16xi32>], vector<16xf32>,
      %mul3A_335 = arith.mulf %gather3A_334, %mul3A_163 : vector<16xf32>
      %add3A_336 = arith.addf %add3A_330, %mul3A_335 : vector<16xf32>
      %broadcast_in_dim3A_337 = arith.constant 22 : i32
      %broadcast_in_dim3A_338 = vector.broadcast %broadcast_in_dim3A_337 : i32 to vector<16xi32>
      tpu.vector_store_idx %arg7[%broadcast_in_dim3A_338, %add3A_165], %add3A_336 : memref<32x1024xf32, #tpu.memory_space<vmem>>[vector<16xi32>, vector<16xi32>], vector<16xf32>,
      %add3A_339 = arith.constant 28672 : i32
      %add3A_340 = vector.broadcast %add3A_339 : i32 to vector<16xi32>
      %add3A_341 = arith.addi %add3A_126, %add3A_340 : vector<16xi32>
      %gather3A_342 = tpu.vector_load_idx %arg6[%add3A_341] : memref<65536xf32, #tpu.memory_space<vmem>>[vector<16xi32>], vector<16xf32>,
      %mul3A_343 = arith.mulf %gather3A_342, %mul3A_154 : vector<16xf32>
      %add3A_344 = arith.constant 28672 : i32
      %add3A_345 = vector.broadcast %add3A_344 : i32 to vector<16xi32>
      %add3A_346 = arith.addi %add3A_133, %add3A_345 : vector<16xi32>
      %gather3A_347 = tpu.vector_load_idx %arg6[%add3A_346] : memref<65536xf32, #tpu.memory_space<vmem>>[vector<16xi32>], vector<16xf32>,
      %mul3A_348 = arith.mulf %gather3A_347, %mul3A_158 : vector<16xf32>
      %add3A_349 = arith.addf %mul3A_343, %mul3A_348 : vector<16xf32>
      %add3A_350 = arith.constant 28672 : i32
      %add3A_351 = vector.broadcast %add3A_350 : i32 to vector<16xi32>
      %add3A_352 = arith.addi %add3A_140, %add3A_351 : vector<16xi32>
      %gather3A_353 = tpu.vector_load_idx %arg6[%add3A_352] : memref<65536xf32, #tpu.memory_space<vmem>>[vector<16xi32>], vector<16xf32>,
      %mul3A_354 = arith.mulf %gather3A_353, %mul3A_162 : vector<16xf32>
      %add3A_355 = arith.addf %add3A_349, %mul3A_354 : vector<16xf32>
      %add3A_356 = arith.constant 28672 : i32
      %add3A_357 = vector.broadcast %add3A_356 : i32 to vector<16xi32>
      %add3A_358 = arith.addi %add3A_147, %add3A_357 : vector<16xi32>
      %gather3A_359 = tpu.vector_load_idx %arg6[%add3A_358] : memref<65536xf32, #tpu.memory_space<vmem>>[vector<16xi32>], vector<16xf32>,
      %mul3A_360 = arith.mulf %gather3A_359, %mul3A_163 : vector<16xf32>
      %add3A_361 = arith.addf %add3A_355, %mul3A_360 : vector<16xf32>
      %broadcast_in_dim3A_362 = arith.constant 23 : i32
      %broadcast_in_dim3A_363 = vector.broadcast %broadcast_in_dim3A_362 : i32 to vector<16xi32>
      tpu.vector_store_idx %arg7[%broadcast_in_dim3A_363, %add3A_165], %add3A_361 : memref<32x1024xf32, #tpu.memory_space<vmem>>[vector<16xi32>, vector<16xi32>], vector<16xf32>,
      %scan3A_364 = arith.constant 0 : i32
      scf.yield %scan3A_364 : i32
    }
    %scan3A_67 = arith.constant 32 : i32
    %add3A_68 = arith.constant 24 : i32
    %add3A_69 = arith.addi %mul3A_2, %add3A_68 : i32
    %mul3A_70 = arith.constant 4096 : i32
    %mul3A_71 = arith.muli %add3A_69, %mul3A_70 : i32
    "tpu.region"() ({
      %run_scoped3A = tpu.sem_alloc : memref<!tpu.dma_semaphore, #tpu.memory_space<semaphore_mem>>
      %dma_start3A = arith.constant 0 : i32
      %dma_start3A_90 = tpu.memref_slice %arg6[%dma_start3A] : memref<65536xf32, #tpu.memory_space<vmem>> -> memref<32768xf32, #tpu.memory_space<vmem>>
      %dma_start3A_91 = tpu.memref_slice %arg2[%mul3A_71] : memref<8388608xf32, #tpu.memory_space<hbm>> -> memref<32768xf32, #tpu.memory_space<hbm>>
      %dma_start3A_92 = arith.constant 0 : i32
      %dma_start3A_93 = tpu.memref_slice %arg6[%dma_start3A_92] : memref<65536xf32, #tpu.memory_space<vmem>> -> memref<32768xf32, #tpu.memory_space<vmem>>
      %dma_start3A_94 = tpu.memref_slice %arg2[%mul3A_71] : memref<8388608xf32, #tpu.memory_space<hbm>> -> memref<32768xf32, #tpu.memory_space<hbm>>
      tpu.enqueue_dma source(%dma_start3A_94 : memref<32768xf32, #tpu.memory_space<hbm>>) target(%dma_start3A_93 : memref<32768xf32, #tpu.memory_space<vmem>>) target_semaphore(%run_scoped3A : memref<!tpu.dma_semaphore, #tpu.memory_space<semaphore_mem>>)
      %dma_wait3A = arith.constant 0 : i32
      %dma_wait3A_95 = tpu.memref_slice %arg6[%dma_wait3A] : memref<65536xf32, #tpu.memory_space<vmem>> -> memref<32768xf32, #tpu.memory_space<vmem>>
      %dma_wait3A_96 = tpu.memref_slice %arg2[%mul3A_71] : memref<8388608xf32, #tpu.memory_space<hbm>> -> memref<32768xf32, #tpu.memory_space<hbm>>
      %dma_wait3A_97 = arith.constant 0 : i32
      %dma_wait3A_98 = tpu.memref_slice %arg6[%dma_wait3A_97] : memref<65536xf32, #tpu.memory_space<vmem>> -> memref<32768xf32, #tpu.memory_space<vmem>>
      %dma_wait3A_99 = tpu.memref_slice %arg2[%mul3A_71] : memref<8388608xf32, #tpu.memory_space<hbm>> -> memref<32768xf32, #tpu.memory_space<hbm>>
      tpu.wait_dma2 semaphore(%run_scoped3A : memref<!tpu.dma_semaphore, #tpu.memory_space<semaphore_mem>>) src(%dma_wait3A_99 : memref<32768xf32, #tpu.memory_space<hbm>>) dst(%dma_wait3A_98 : memref<32768xf32, #tpu.memory_space<vmem>>)
      tpu.yield
    }) : () -> ()
    %add3A_72 = arith.constant 1024 : i32
    %add3A_73 = arith.addi %add3A_72, %add3A_69 : i32
    %mul3A_74 = arith.constant 4096 : i32
    %mul3A_75 = arith.muli %add3A_73, %mul3A_74 : i32
    "tpu.region"() ({
      %run_scoped3A = tpu.sem_alloc : memref<!tpu.dma_semaphore, #tpu.memory_space<semaphore_mem>>
      %dma_start3A = arith.constant 32768 : i32
      %dma_start3A_90 = tpu.memref_slice %arg6[%dma_start3A] : memref<65536xf32, #tpu.memory_space<vmem>> -> memref<32768xf32, #tpu.memory_space<vmem>>
      %dma_start3A_91 = tpu.memref_slice %arg2[%mul3A_75] : memref<8388608xf32, #tpu.memory_space<hbm>> -> memref<32768xf32, #tpu.memory_space<hbm>>
      %dma_start3A_92 = arith.constant 32768 : i32
      %dma_start3A_93 = tpu.memref_slice %arg6[%dma_start3A_92] : memref<65536xf32, #tpu.memory_space<vmem>> -> memref<32768xf32, #tpu.memory_space<vmem>>
      %dma_start3A_94 = tpu.memref_slice %arg2[%mul3A_75] : memref<8388608xf32, #tpu.memory_space<hbm>> -> memref<32768xf32, #tpu.memory_space<hbm>>
      tpu.enqueue_dma source(%dma_start3A_94 : memref<32768xf32, #tpu.memory_space<hbm>>) target(%dma_start3A_93 : memref<32768xf32, #tpu.memory_space<vmem>>) target_semaphore(%run_scoped3A : memref<!tpu.dma_semaphore, #tpu.memory_space<semaphore_mem>>)
      %dma_wait3A = arith.constant 32768 : i32
      %dma_wait3A_95 = tpu.memref_slice %arg6[%dma_wait3A] : memref<65536xf32, #tpu.memory_space<vmem>> -> memref<32768xf32, #tpu.memory_space<vmem>>
      %dma_wait3A_96 = tpu.memref_slice %arg2[%mul3A_75] : memref<8388608xf32, #tpu.memory_space<hbm>> -> memref<32768xf32, #tpu.memory_space<hbm>>
      %dma_wait3A_97 = arith.constant 32768 : i32
      %dma_wait3A_98 = tpu.memref_slice %arg6[%dma_wait3A_97] : memref<65536xf32, #tpu.memory_space<vmem>> -> memref<32768xf32, #tpu.memory_space<vmem>>
      %dma_wait3A_99 = tpu.memref_slice %arg2[%mul3A_75] : memref<8388608xf32, #tpu.memory_space<hbm>> -> memref<32768xf32, #tpu.memory_space<hbm>>
      tpu.wait_dma2 semaphore(%run_scoped3A : memref<!tpu.dma_semaphore, #tpu.memory_space<semaphore_mem>>) src(%dma_wait3A_99 : memref<32768xf32, #tpu.memory_space<hbm>>) dst(%dma_wait3A_98 : memref<32768xf32, #tpu.memory_space<vmem>>)
      tpu.yield
    }) : () -> ()
    %scan3A_76 = arith.constant 0 : i32
    %scan3A_77 = arith.constant 0 : i32
    %scan3A_78 = arith.constant 32 : i32
    %scan3A_79 = arith.addi %scan3A_77, %scan3A_78 : i32
    %scan3A_80 = arith.constant 1 : i32
    %scan3A_81 = scf.for %scan3A_90 = %scan3A_77 to %scan3A_79 step %scan3A_80 iter_args(%scan3A_91 = %scan3A_76) -> (i32)  : i32 {
      %mul3A_92 = arith.constant 16 : i32
      %mul3A_93 = arith.muli %scan3A_90, %mul3A_92 : i32
      %add3A_94 = arith.constant 0 : i32
      %add3A_95 = arith.addi %add3A_94, %mul3A_93 : i32
      %get3A = arith.index_cast %add3A_95 : i32 to index
      %get3A_96 = tpu.vector_load %arg8[%get3A] {strides = array<i32>} : memref<1024xf32, #tpu.memory_space<vmem>>, vector<16xf32>,
      %get3A_97 = arith.index_cast %add3A_95 : i32 to index
      %get3A_98 = tpu.vector_load %arg9[%get3A_97] {strides = array<i32>} : memref<1024xf32, #tpu.memory_space<vmem>>, vector<16xf32>,
      %mul3A_99 = arith.constant 6.300000e+01 : f32
      %mul3A_100 = vector.broadcast %mul3A_99 : f32 to vector<16xf32>
      %mul3A_101 = arith.mulf %get3A_96, %mul3A_100 : vector<16xf32>
      %mul3A_102 = arith.constant 6.300000e+01 : f32
      %mul3A_103 = vector.broadcast %mul3A_102 : f32 to vector<16xf32>
      %mul3A_104 = arith.mulf %get3A_98, %mul3A_103 : vector<16xf32>
      %convert_element_type3A = arith.fptosi %mul3A_101 : vector<16xf32> to vector<16xi32>
      %convert_element_type3A_105 = arith.fptosi %mul3A_104 : vector<16xf32> to vector<16xi32>
      %convert_element_type3A_106 = arith.sitofp %convert_element_type3A : vector<16xi32> to vector<16xf32>
      %sub3A = arith.subf %mul3A_101, %convert_element_type3A_106 : vector<16xf32>
      %convert_element_type3A_107 = arith.sitofp %convert_element_type3A_105 : vector<16xi32> to vector<16xf32>
      %sub3A_108 = arith.subf %mul3A_104, %convert_element_type3A_107 : vector<16xf32>
      %add3A_109 = arith.constant 1 : i32
      %add3A_110 = vector.broadcast %add3A_109 : i32 to vector<16xi32>
      %add3A_111 = arith.addi %convert_element_type3A, %add3A_110 : vector<16xi32>
      %min3A = arith.constant 63 : i32
      %min3A_112 = vector.broadcast %min3A : i32 to vector<16xi32>
      %min3A_113 = arith.minsi %add3A_111, %min3A_112 : vector<16xi32>
      %add3A_114 = arith.constant 1 : i32
      %add3A_115 = vector.broadcast %add3A_114 : i32 to vector<16xi32>
      %add3A_116 = arith.addi %convert_element_type3A_105, %add3A_115 : vector<16xi32>
      %min3A_117 = arith.constant 63 : i32
      %min3A_118 = vector.broadcast %min3A_117 : i32 to vector<16xi32>
      %min3A_119 = arith.minsi %add3A_116, %min3A_118 : vector<16xi32>
      %mul3A_120 = arith.constant 64 : i32
      %mul3A_121 = vector.broadcast %mul3A_120 : i32 to vector<16xi32>
      %mul3A_122 = arith.muli %convert_element_type3A_105, %mul3A_121 : vector<16xi32>
      %add3A_123 = arith.addi %mul3A_122, %convert_element_type3A : vector<16xi32>
      %add3A_124 = arith.constant 0 : i32
      %add3A_125 = vector.broadcast %add3A_124 : i32 to vector<16xi32>
      %add3A_126 = arith.addi %add3A_123, %add3A_125 : vector<16xi32>
      %mul3A_127 = arith.constant 64 : i32
      %mul3A_128 = vector.broadcast %mul3A_127 : i32 to vector<16xi32>
      %mul3A_129 = arith.muli %convert_element_type3A_105, %mul3A_128 : vector<16xi32>
      %add3A_130 = arith.addi %mul3A_129, %min3A_113 : vector<16xi32>
      %add3A_131 = arith.constant 0 : i32
      %add3A_132 = vector.broadcast %add3A_131 : i32 to vector<16xi32>
      %add3A_133 = arith.addi %add3A_130, %add3A_132 : vector<16xi32>
      %mul3A_134 = arith.constant 64 : i32
      %mul3A_135 = vector.broadcast %mul3A_134 : i32 to vector<16xi32>
      %mul3A_136 = arith.muli %min3A_119, %mul3A_135 : vector<16xi32>
      %add3A_137 = arith.addi %mul3A_136, %convert_element_type3A : vector<16xi32>
      %add3A_138 = arith.constant 0 : i32
      %add3A_139 = vector.broadcast %add3A_138 : i32 to vector<16xi32>
      %add3A_140 = arith.addi %add3A_137, %add3A_139 : vector<16xi32>
      %mul3A_141 = arith.constant 64 : i32
      %mul3A_142 = vector.broadcast %mul3A_141 : i32 to vector<16xi32>
      %mul3A_143 = arith.muli %min3A_119, %mul3A_142 : vector<16xi32>
      %add3A_144 = arith.addi %mul3A_143, %min3A_113 : vector<16xi32>
      %add3A_145 = arith.constant 0 : i32
      %add3A_146 = vector.broadcast %add3A_145 : i32 to vector<16xi32>
      %add3A_147 = arith.addi %add3A_144, %add3A_146 : vector<16xi32>
      %sub3A_148 = arith.constant 1.000000e+00 : f32
      %sub3A_149 = vector.broadcast %sub3A_148 : f32 to vector<16xf32>
      %sub3A_150 = arith.subf %sub3A_149, %sub3A : vector<16xf32>
      %sub3A_151 = arith.constant 1.000000e+00 : f32
      %sub3A_152 = vector.broadcast %sub3A_151 : f32 to vector<16xf32>
      %sub3A_153 = arith.subf %sub3A_152, %sub3A_108 : vector<16xf32>
      %mul3A_154 = arith.mulf %sub3A_150, %sub3A_153 : vector<16xf32>
      %sub3A_155 = arith.constant 1.000000e+00 : f32
      %sub3A_156 = vector.broadcast %sub3A_155 : f32 to vector<16xf32>
      %sub3A_157 = arith.subf %sub3A_156, %sub3A_108 : vector<16xf32>
      %mul3A_158 = arith.mulf %sub3A, %sub3A_157 : vector<16xf32>
      %sub3A_159 = arith.constant 1.000000e+00 : f32
      %sub3A_160 = vector.broadcast %sub3A_159 : f32 to vector<16xf32>
      %sub3A_161 = arith.subf %sub3A_160, %sub3A : vector<16xf32>
      %mul3A_162 = arith.mulf %sub3A_161, %sub3A_108 : vector<16xf32>
      %mul3A_163 = arith.mulf %sub3A, %sub3A_108 : vector<16xf32>
      %add3A_164 = vector.broadcast %add3A_95 : i32 to vector<16xi32>
      %add3A_165 = arith.addi %iota3A, %add3A_164 : vector<16xi32>
      %add3A_166 = arith.constant 0 : i32
      %add3A_167 = vector.broadcast %add3A_166 : i32 to vector<16xi32>
      %add3A_168 = arith.addi %add3A_126, %add3A_167 : vector<16xi32>
      %gather3A = tpu.vector_load_idx %arg6[%add3A_168] : memref<65536xf32, #tpu.memory_space<vmem>>[vector<16xi32>], vector<16xf32>,
      %mul3A_169 = arith.mulf %gather3A, %mul3A_154 : vector<16xf32>
      %add3A_170 = arith.constant 0 : i32
      %add3A_171 = vector.broadcast %add3A_170 : i32 to vector<16xi32>
      %add3A_172 = arith.addi %add3A_133, %add3A_171 : vector<16xi32>
      %gather3A_173 = tpu.vector_load_idx %arg6[%add3A_172] : memref<65536xf32, #tpu.memory_space<vmem>>[vector<16xi32>], vector<16xf32>,
      %mul3A_174 = arith.mulf %gather3A_173, %mul3A_158 : vector<16xf32>
      %add3A_175 = arith.addf %mul3A_169, %mul3A_174 : vector<16xf32>
      %add3A_176 = arith.constant 0 : i32
      %add3A_177 = vector.broadcast %add3A_176 : i32 to vector<16xi32>
      %add3A_178 = arith.addi %add3A_140, %add3A_177 : vector<16xi32>
      %gather3A_179 = tpu.vector_load_idx %arg6[%add3A_178] : memref<65536xf32, #tpu.memory_space<vmem>>[vector<16xi32>], vector<16xf32>,
      %mul3A_180 = arith.mulf %gather3A_179, %mul3A_162 : vector<16xf32>
      %add3A_181 = arith.addf %add3A_175, %mul3A_180 : vector<16xf32>
      %add3A_182 = arith.constant 0 : i32
      %add3A_183 = vector.broadcast %add3A_182 : i32 to vector<16xi32>
      %add3A_184 = arith.addi %add3A_147, %add3A_183 : vector<16xi32>
      %gather3A_185 = tpu.vector_load_idx %arg6[%add3A_184] : memref<65536xf32, #tpu.memory_space<vmem>>[vector<16xi32>], vector<16xf32>,
      %mul3A_186 = arith.mulf %gather3A_185, %mul3A_163 : vector<16xf32>
      %add3A_187 = arith.addf %add3A_181, %mul3A_186 : vector<16xf32>
      %broadcast_in_dim3A = arith.constant 24 : i32
      %broadcast_in_dim3A_188 = vector.broadcast %broadcast_in_dim3A : i32 to vector<16xi32>
      tpu.vector_store_idx %arg7[%broadcast_in_dim3A_188, %add3A_165], %add3A_187 : memref<32x1024xf32, #tpu.memory_space<vmem>>[vector<16xi32>, vector<16xi32>], vector<16xf32>,
      %add3A_189 = arith.constant 4096 : i32
      %add3A_190 = vector.broadcast %add3A_189 : i32 to vector<16xi32>
      %add3A_191 = arith.addi %add3A_126, %add3A_190 : vector<16xi32>
      %gather3A_192 = tpu.vector_load_idx %arg6[%add3A_191] : memref<65536xf32, #tpu.memory_space<vmem>>[vector<16xi32>], vector<16xf32>,
      %mul3A_193 = arith.mulf %gather3A_192, %mul3A_154 : vector<16xf32>
      %add3A_194 = arith.constant 4096 : i32
      %add3A_195 = vector.broadcast %add3A_194 : i32 to vector<16xi32>
      %add3A_196 = arith.addi %add3A_133, %add3A_195 : vector<16xi32>
      %gather3A_197 = tpu.vector_load_idx %arg6[%add3A_196] : memref<65536xf32, #tpu.memory_space<vmem>>[vector<16xi32>], vector<16xf32>,
      %mul3A_198 = arith.mulf %gather3A_197, %mul3A_158 : vector<16xf32>
      %add3A_199 = arith.addf %mul3A_193, %mul3A_198 : vector<16xf32>
      %add3A_200 = arith.constant 4096 : i32
      %add3A_201 = vector.broadcast %add3A_200 : i32 to vector<16xi32>
      %add3A_202 = arith.addi %add3A_140, %add3A_201 : vector<16xi32>
      %gather3A_203 = tpu.vector_load_idx %arg6[%add3A_202] : memref<65536xf32, #tpu.memory_space<vmem>>[vector<16xi32>], vector<16xf32>,
      %mul3A_204 = arith.mulf %gather3A_203, %mul3A_162 : vector<16xf32>
      %add3A_205 = arith.addf %add3A_199, %mul3A_204 : vector<16xf32>
      %add3A_206 = arith.constant 4096 : i32
      %add3A_207 = vector.broadcast %add3A_206 : i32 to vector<16xi32>
      %add3A_208 = arith.addi %add3A_147, %add3A_207 : vector<16xi32>
      %gather3A_209 = tpu.vector_load_idx %arg6[%add3A_208] : memref<65536xf32, #tpu.memory_space<vmem>>[vector<16xi32>], vector<16xf32>,
      %mul3A_210 = arith.mulf %gather3A_209, %mul3A_163 : vector<16xf32>
      %add3A_211 = arith.addf %add3A_205, %mul3A_210 : vector<16xf32>
      %broadcast_in_dim3A_212 = arith.constant 25 : i32
      %broadcast_in_dim3A_213 = vector.broadcast %broadcast_in_dim3A_212 : i32 to vector<16xi32>
      tpu.vector_store_idx %arg7[%broadcast_in_dim3A_213, %add3A_165], %add3A_211 : memref<32x1024xf32, #tpu.memory_space<vmem>>[vector<16xi32>, vector<16xi32>], vector<16xf32>,
      %add3A_214 = arith.constant 8192 : i32
      %add3A_215 = vector.broadcast %add3A_214 : i32 to vector<16xi32>
      %add3A_216 = arith.addi %add3A_126, %add3A_215 : vector<16xi32>
      %gather3A_217 = tpu.vector_load_idx %arg6[%add3A_216] : memref<65536xf32, #tpu.memory_space<vmem>>[vector<16xi32>], vector<16xf32>,
      %mul3A_218 = arith.mulf %gather3A_217, %mul3A_154 : vector<16xf32>
      %add3A_219 = arith.constant 8192 : i32
      %add3A_220 = vector.broadcast %add3A_219 : i32 to vector<16xi32>
      %add3A_221 = arith.addi %add3A_133, %add3A_220 : vector<16xi32>
      %gather3A_222 = tpu.vector_load_idx %arg6[%add3A_221] : memref<65536xf32, #tpu.memory_space<vmem>>[vector<16xi32>], vector<16xf32>,
      %mul3A_223 = arith.mulf %gather3A_222, %mul3A_158 : vector<16xf32>
      %add3A_224 = arith.addf %mul3A_218, %mul3A_223 : vector<16xf32>
      %add3A_225 = arith.constant 8192 : i32
      %add3A_226 = vector.broadcast %add3A_225 : i32 to vector<16xi32>
      %add3A_227 = arith.addi %add3A_140, %add3A_226 : vector<16xi32>
      %gather3A_228 = tpu.vector_load_idx %arg6[%add3A_227] : memref<65536xf32, #tpu.memory_space<vmem>>[vector<16xi32>], vector<16xf32>,
      %mul3A_229 = arith.mulf %gather3A_228, %mul3A_162 : vector<16xf32>
      %add3A_230 = arith.addf %add3A_224, %mul3A_229 : vector<16xf32>
      %add3A_231 = arith.constant 8192 : i32
      %add3A_232 = vector.broadcast %add3A_231 : i32 to vector<16xi32>
      %add3A_233 = arith.addi %add3A_147, %add3A_232 : vector<16xi32>
      %gather3A_234 = tpu.vector_load_idx %arg6[%add3A_233] : memref<65536xf32, #tpu.memory_space<vmem>>[vector<16xi32>], vector<16xf32>,
      %mul3A_235 = arith.mulf %gather3A_234, %mul3A_163 : vector<16xf32>
      %add3A_236 = arith.addf %add3A_230, %mul3A_235 : vector<16xf32>
      %broadcast_in_dim3A_237 = arith.constant 26 : i32
      %broadcast_in_dim3A_238 = vector.broadcast %broadcast_in_dim3A_237 : i32 to vector<16xi32>
      tpu.vector_store_idx %arg7[%broadcast_in_dim3A_238, %add3A_165], %add3A_236 : memref<32x1024xf32, #tpu.memory_space<vmem>>[vector<16xi32>, vector<16xi32>], vector<16xf32>,
      %add3A_239 = arith.constant 12288 : i32
      %add3A_240 = vector.broadcast %add3A_239 : i32 to vector<16xi32>
      %add3A_241 = arith.addi %add3A_126, %add3A_240 : vector<16xi32>
      %gather3A_242 = tpu.vector_load_idx %arg6[%add3A_241] : memref<65536xf32, #tpu.memory_space<vmem>>[vector<16xi32>], vector<16xf32>,
      %mul3A_243 = arith.mulf %gather3A_242, %mul3A_154 : vector<16xf32>
      %add3A_244 = arith.constant 12288 : i32
      %add3A_245 = vector.broadcast %add3A_244 : i32 to vector<16xi32>
      %add3A_246 = arith.addi %add3A_133, %add3A_245 : vector<16xi32>
      %gather3A_247 = tpu.vector_load_idx %arg6[%add3A_246] : memref<65536xf32, #tpu.memory_space<vmem>>[vector<16xi32>], vector<16xf32>,
      %mul3A_248 = arith.mulf %gather3A_247, %mul3A_158 : vector<16xf32>
      %add3A_249 = arith.addf %mul3A_243, %mul3A_248 : vector<16xf32>
      %add3A_250 = arith.constant 12288 : i32
      %add3A_251 = vector.broadcast %add3A_250 : i32 to vector<16xi32>
      %add3A_252 = arith.addi %add3A_140, %add3A_251 : vector<16xi32>
      %gather3A_253 = tpu.vector_load_idx %arg6[%add3A_252] : memref<65536xf32, #tpu.memory_space<vmem>>[vector<16xi32>], vector<16xf32>,
      %mul3A_254 = arith.mulf %gather3A_253, %mul3A_162 : vector<16xf32>
      %add3A_255 = arith.addf %add3A_249, %mul3A_254 : vector<16xf32>
      %add3A_256 = arith.constant 12288 : i32
      %add3A_257 = vector.broadcast %add3A_256 : i32 to vector<16xi32>
      %add3A_258 = arith.addi %add3A_147, %add3A_257 : vector<16xi32>
      %gather3A_259 = tpu.vector_load_idx %arg6[%add3A_258] : memref<65536xf32, #tpu.memory_space<vmem>>[vector<16xi32>], vector<16xf32>,
      %mul3A_260 = arith.mulf %gather3A_259, %mul3A_163 : vector<16xf32>
      %add3A_261 = arith.addf %add3A_255, %mul3A_260 : vector<16xf32>
      %broadcast_in_dim3A_262 = arith.constant 27 : i32
      %broadcast_in_dim3A_263 = vector.broadcast %broadcast_in_dim3A_262 : i32 to vector<16xi32>
      tpu.vector_store_idx %arg7[%broadcast_in_dim3A_263, %add3A_165], %add3A_261 : memref<32x1024xf32, #tpu.memory_space<vmem>>[vector<16xi32>, vector<16xi32>], vector<16xf32>,
      %add3A_264 = arith.constant 16384 : i32
      %add3A_265 = vector.broadcast %add3A_264 : i32 to vector<16xi32>
      %add3A_266 = arith.addi %add3A_126, %add3A_265 : vector<16xi32>
      %gather3A_267 = tpu.vector_load_idx %arg6[%add3A_266] : memref<65536xf32, #tpu.memory_space<vmem>>[vector<16xi32>], vector<16xf32>,
      %mul3A_268 = arith.mulf %gather3A_267, %mul3A_154 : vector<16xf32>
      %add3A_269 = arith.constant 16384 : i32
      %add3A_270 = vector.broadcast %add3A_269 : i32 to vector<16xi32>
      %add3A_271 = arith.addi %add3A_133, %add3A_270 : vector<16xi32>
      %gather3A_272 = tpu.vector_load_idx %arg6[%add3A_271] : memref<65536xf32, #tpu.memory_space<vmem>>[vector<16xi32>], vector<16xf32>,
      %mul3A_273 = arith.mulf %gather3A_272, %mul3A_158 : vector<16xf32>
      %add3A_274 = arith.addf %mul3A_268, %mul3A_273 : vector<16xf32>
      %add3A_275 = arith.constant 16384 : i32
      %add3A_276 = vector.broadcast %add3A_275 : i32 to vector<16xi32>
      %add3A_277 = arith.addi %add3A_140, %add3A_276 : vector<16xi32>
      %gather3A_278 = tpu.vector_load_idx %arg6[%add3A_277] : memref<65536xf32, #tpu.memory_space<vmem>>[vector<16xi32>], vector<16xf32>,
      %mul3A_279 = arith.mulf %gather3A_278, %mul3A_162 : vector<16xf32>
      %add3A_280 = arith.addf %add3A_274, %mul3A_279 : vector<16xf32>
      %add3A_281 = arith.constant 16384 : i32
      %add3A_282 = vector.broadcast %add3A_281 : i32 to vector<16xi32>
      %add3A_283 = arith.addi %add3A_147, %add3A_282 : vector<16xi32>
      %gather3A_284 = tpu.vector_load_idx %arg6[%add3A_283] : memref<65536xf32, #tpu.memory_space<vmem>>[vector<16xi32>], vector<16xf32>,
      %mul3A_285 = arith.mulf %gather3A_284, %mul3A_163 : vector<16xf32>
      %add3A_286 = arith.addf %add3A_280, %mul3A_285 : vector<16xf32>
      %broadcast_in_dim3A_287 = arith.constant 28 : i32
      %broadcast_in_dim3A_288 = vector.broadcast %broadcast_in_dim3A_287 : i32 to vector<16xi32>
      tpu.vector_store_idx %arg7[%broadcast_in_dim3A_288, %add3A_165], %add3A_286 : memref<32x1024xf32, #tpu.memory_space<vmem>>[vector<16xi32>, vector<16xi32>], vector<16xf32>,
      %add3A_289 = arith.constant 20480 : i32
      %add3A_290 = vector.broadcast %add3A_289 : i32 to vector<16xi32>
      %add3A_291 = arith.addi %add3A_126, %add3A_290 : vector<16xi32>
      %gather3A_292 = tpu.vector_load_idx %arg6[%add3A_291] : memref<65536xf32, #tpu.memory_space<vmem>>[vector<16xi32>], vector<16xf32>,
      %mul3A_293 = arith.mulf %gather3A_292, %mul3A_154 : vector<16xf32>
      %add3A_294 = arith.constant 20480 : i32
      %add3A_295 = vector.broadcast %add3A_294 : i32 to vector<16xi32>
      %add3A_296 = arith.addi %add3A_133, %add3A_295 : vector<16xi32>
      %gather3A_297 = tpu.vector_load_idx %arg6[%add3A_296] : memref<65536xf32, #tpu.memory_space<vmem>>[vector<16xi32>], vector<16xf32>,
      %mul3A_298 = arith.mulf %gather3A_297, %mul3A_158 : vector<16xf32>
      %add3A_299 = arith.addf %mul3A_293, %mul3A_298 : vector<16xf32>
      %add3A_300 = arith.constant 20480 : i32
      %add3A_301 = vector.broadcast %add3A_300 : i32 to vector<16xi32>
      %add3A_302 = arith.addi %add3A_140, %add3A_301 : vector<16xi32>
      %gather3A_303 = tpu.vector_load_idx %arg6[%add3A_302] : memref<65536xf32, #tpu.memory_space<vmem>>[vector<16xi32>], vector<16xf32>,
      %mul3A_304 = arith.mulf %gather3A_303, %mul3A_162 : vector<16xf32>
      %add3A_305 = arith.addf %add3A_299, %mul3A_304 : vector<16xf32>
      %add3A_306 = arith.constant 20480 : i32
      %add3A_307 = vector.broadcast %add3A_306 : i32 to vector<16xi32>
      %add3A_308 = arith.addi %add3A_147, %add3A_307 : vector<16xi32>
      %gather3A_309 = tpu.vector_load_idx %arg6[%add3A_308] : memref<65536xf32, #tpu.memory_space<vmem>>[vector<16xi32>], vector<16xf32>,
      %mul3A_310 = arith.mulf %gather3A_309, %mul3A_163 : vector<16xf32>
      %add3A_311 = arith.addf %add3A_305, %mul3A_310 : vector<16xf32>
      %broadcast_in_dim3A_312 = arith.constant 29 : i32
      %broadcast_in_dim3A_313 = vector.broadcast %broadcast_in_dim3A_312 : i32 to vector<16xi32>
      tpu.vector_store_idx %arg7[%broadcast_in_dim3A_313, %add3A_165], %add3A_311 : memref<32x1024xf32, #tpu.memory_space<vmem>>[vector<16xi32>, vector<16xi32>], vector<16xf32>,
      %add3A_314 = arith.constant 24576 : i32
      %add3A_315 = vector.broadcast %add3A_314 : i32 to vector<16xi32>
      %add3A_316 = arith.addi %add3A_126, %add3A_315 : vector<16xi32>
      %gather3A_317 = tpu.vector_load_idx %arg6[%add3A_316] : memref<65536xf32, #tpu.memory_space<vmem>>[vector<16xi32>], vector<16xf32>,
      %mul3A_318 = arith.mulf %gather3A_317, %mul3A_154 : vector<16xf32>
      %add3A_319 = arith.constant 24576 : i32
      %add3A_320 = vector.broadcast %add3A_319 : i32 to vector<16xi32>
      %add3A_321 = arith.addi %add3A_133, %add3A_320 : vector<16xi32>
      %gather3A_322 = tpu.vector_load_idx %arg6[%add3A_321] : memref<65536xf32, #tpu.memory_space<vmem>>[vector<16xi32>], vector<16xf32>,
      %mul3A_323 = arith.mulf %gather3A_322, %mul3A_158 : vector<16xf32>
      %add3A_324 = arith.addf %mul3A_318, %mul3A_323 : vector<16xf32>
      %add3A_325 = arith.constant 24576 : i32
      %add3A_326 = vector.broadcast %add3A_325 : i32 to vector<16xi32>
      %add3A_327 = arith.addi %add3A_140, %add3A_326 : vector<16xi32>
      %gather3A_328 = tpu.vector_load_idx %arg6[%add3A_327] : memref<65536xf32, #tpu.memory_space<vmem>>[vector<16xi32>], vector<16xf32>,
      %mul3A_329 = arith.mulf %gather3A_328, %mul3A_162 : vector<16xf32>
      %add3A_330 = arith.addf %add3A_324, %mul3A_329 : vector<16xf32>
      %add3A_331 = arith.constant 24576 : i32
      %add3A_332 = vector.broadcast %add3A_331 : i32 to vector<16xi32>
      %add3A_333 = arith.addi %add3A_147, %add3A_332 : vector<16xi32>
      %gather3A_334 = tpu.vector_load_idx %arg6[%add3A_333] : memref<65536xf32, #tpu.memory_space<vmem>>[vector<16xi32>], vector<16xf32>,
      %mul3A_335 = arith.mulf %gather3A_334, %mul3A_163 : vector<16xf32>
      %add3A_336 = arith.addf %add3A_330, %mul3A_335 : vector<16xf32>
      %broadcast_in_dim3A_337 = arith.constant 30 : i32
      %broadcast_in_dim3A_338 = vector.broadcast %broadcast_in_dim3A_337 : i32 to vector<16xi32>
      tpu.vector_store_idx %arg7[%broadcast_in_dim3A_338, %add3A_165], %add3A_336 : memref<32x1024xf32, #tpu.memory_space<vmem>>[vector<16xi32>, vector<16xi32>], vector<16xf32>,
      %add3A_339 = arith.constant 28672 : i32
      %add3A_340 = vector.broadcast %add3A_339 : i32 to vector<16xi32>
      %add3A_341 = arith.addi %add3A_126, %add3A_340 : vector<16xi32>
      %gather3A_342 = tpu.vector_load_idx %arg6[%add3A_341] : memref<65536xf32, #tpu.memory_space<vmem>>[vector<16xi32>], vector<16xf32>,
      %mul3A_343 = arith.mulf %gather3A_342, %mul3A_154 : vector<16xf32>
      %add3A_344 = arith.constant 28672 : i32
      %add3A_345 = vector.broadcast %add3A_344 : i32 to vector<16xi32>
      %add3A_346 = arith.addi %add3A_133, %add3A_345 : vector<16xi32>
      %gather3A_347 = tpu.vector_load_idx %arg6[%add3A_346] : memref<65536xf32, #tpu.memory_space<vmem>>[vector<16xi32>], vector<16xf32>,
      %mul3A_348 = arith.mulf %gather3A_347, %mul3A_158 : vector<16xf32>
      %add3A_349 = arith.addf %mul3A_343, %mul3A_348 : vector<16xf32>
      %add3A_350 = arith.constant 28672 : i32
      %add3A_351 = vector.broadcast %add3A_350 : i32 to vector<16xi32>
      %add3A_352 = arith.addi %add3A_140, %add3A_351 : vector<16xi32>
      %gather3A_353 = tpu.vector_load_idx %arg6[%add3A_352] : memref<65536xf32, #tpu.memory_space<vmem>>[vector<16xi32>], vector<16xf32>,
      %mul3A_354 = arith.mulf %gather3A_353, %mul3A_162 : vector<16xf32>
      %add3A_355 = arith.addf %add3A_349, %mul3A_354 : vector<16xf32>
      %add3A_356 = arith.constant 28672 : i32
      %add3A_357 = vector.broadcast %add3A_356 : i32 to vector<16xi32>
      %add3A_358 = arith.addi %add3A_147, %add3A_357 : vector<16xi32>
      %gather3A_359 = tpu.vector_load_idx %arg6[%add3A_358] : memref<65536xf32, #tpu.memory_space<vmem>>[vector<16xi32>], vector<16xf32>,
      %mul3A_360 = arith.mulf %gather3A_359, %mul3A_163 : vector<16xf32>
      %add3A_361 = arith.addf %add3A_355, %mul3A_360 : vector<16xf32>
      %broadcast_in_dim3A_362 = arith.constant 31 : i32
      %broadcast_in_dim3A_363 = vector.broadcast %broadcast_in_dim3A_362 : i32 to vector<16xi32>
      tpu.vector_store_idx %arg7[%broadcast_in_dim3A_363, %add3A_165], %add3A_361 : memref<32x1024xf32, #tpu.memory_space<vmem>>[vector<16xi32>, vector<16xi32>], vector<16xf32>,
      %scan3A_364 = arith.constant 0 : i32
      scf.yield %scan3A_364 : i32
    }
    %scan3A_82 = arith.constant 32 : i32
    %scan3A_83 = arith.constant 0 : i32
    %scan3A_84 = arith.constant 0 : i32
    %scan3A_85 = arith.constant 32 : i32
    %scan3A_86 = arith.addi %scan3A_84, %scan3A_85 : i32
    %scan3A_87 = arith.constant 1 : i32
    %scan3A_88 = scf.for %scan3A_90 = %scan3A_84 to %scan3A_86 step %scan3A_87 iter_args(%scan3A_91 = %scan3A_83) -> (i32)  : i32 {
      %mul3A_92 = arith.constant 16 : i32
      %mul3A_93 = arith.muli %scan3A_90, %mul3A_92 : i32
      %add3A_94 = arith.constant 512 : i32
      %add3A_95 = arith.addi %add3A_94, %mul3A_93 : i32
      %get3A = arith.index_cast %add3A_95 : i32 to index
      %get3A_96 = tpu.vector_load %arg8[%get3A] {strides = array<i32>} : memref<1024xf32, #tpu.memory_space<vmem>>, vector<16xf32>,
      %get3A_97 = arith.index_cast %add3A_95 : i32 to index
      %get3A_98 = tpu.vector_load %arg9[%get3A_97] {strides = array<i32>} : memref<1024xf32, #tpu.memory_space<vmem>>, vector<16xf32>,
      %mul3A_99 = arith.constant 6.300000e+01 : f32
      %mul3A_100 = vector.broadcast %mul3A_99 : f32 to vector<16xf32>
      %mul3A_101 = arith.mulf %get3A_96, %mul3A_100 : vector<16xf32>
      %mul3A_102 = arith.constant 6.300000e+01 : f32
      %mul3A_103 = vector.broadcast %mul3A_102 : f32 to vector<16xf32>
      %mul3A_104 = arith.mulf %get3A_98, %mul3A_103 : vector<16xf32>
      %convert_element_type3A = arith.fptosi %mul3A_101 : vector<16xf32> to vector<16xi32>
      %convert_element_type3A_105 = arith.fptosi %mul3A_104 : vector<16xf32> to vector<16xi32>
      %convert_element_type3A_106 = arith.sitofp %convert_element_type3A : vector<16xi32> to vector<16xf32>
      %sub3A = arith.subf %mul3A_101, %convert_element_type3A_106 : vector<16xf32>
      %convert_element_type3A_107 = arith.sitofp %convert_element_type3A_105 : vector<16xi32> to vector<16xf32>
      %sub3A_108 = arith.subf %mul3A_104, %convert_element_type3A_107 : vector<16xf32>
      %add3A_109 = arith.constant 1 : i32
      %add3A_110 = vector.broadcast %add3A_109 : i32 to vector<16xi32>
      %add3A_111 = arith.addi %convert_element_type3A, %add3A_110 : vector<16xi32>
      %min3A = arith.constant 63 : i32
      %min3A_112 = vector.broadcast %min3A : i32 to vector<16xi32>
      %min3A_113 = arith.minsi %add3A_111, %min3A_112 : vector<16xi32>
      %add3A_114 = arith.constant 1 : i32
      %add3A_115 = vector.broadcast %add3A_114 : i32 to vector<16xi32>
      %add3A_116 = arith.addi %convert_element_type3A_105, %add3A_115 : vector<16xi32>
      %min3A_117 = arith.constant 63 : i32
      %min3A_118 = vector.broadcast %min3A_117 : i32 to vector<16xi32>
      %min3A_119 = arith.minsi %add3A_116, %min3A_118 : vector<16xi32>
      %mul3A_120 = arith.constant 64 : i32
      %mul3A_121 = vector.broadcast %mul3A_120 : i32 to vector<16xi32>
      %mul3A_122 = arith.muli %convert_element_type3A_105, %mul3A_121 : vector<16xi32>
      %add3A_123 = arith.addi %mul3A_122, %convert_element_type3A : vector<16xi32>
      %add3A_124 = arith.constant 32768 : i32
      %add3A_125 = vector.broadcast %add3A_124 : i32 to vector<16xi32>
      %add3A_126 = arith.addi %add3A_123, %add3A_125 : vector<16xi32>
      %mul3A_127 = arith.constant 64 : i32
      %mul3A_128 = vector.broadcast %mul3A_127 : i32 to vector<16xi32>
      %mul3A_129 = arith.muli %convert_element_type3A_105, %mul3A_128 : vector<16xi32>
      %add3A_130 = arith.addi %mul3A_129, %min3A_113 : vector<16xi32>
      %add3A_131 = arith.constant 32768 : i32
      %add3A_132 = vector.broadcast %add3A_131 : i32 to vector<16xi32>
      %add3A_133 = arith.addi %add3A_130, %add3A_132 : vector<16xi32>
      %mul3A_134 = arith.constant 64 : i32
      %mul3A_135 = vector.broadcast %mul3A_134 : i32 to vector<16xi32>
      %mul3A_136 = arith.muli %min3A_119, %mul3A_135 : vector<16xi32>
      %add3A_137 = arith.addi %mul3A_136, %convert_element_type3A : vector<16xi32>
      %add3A_138 = arith.constant 32768 : i32
      %add3A_139 = vector.broadcast %add3A_138 : i32 to vector<16xi32>
      %add3A_140 = arith.addi %add3A_137, %add3A_139 : vector<16xi32>
      %mul3A_141 = arith.constant 64 : i32
      %mul3A_142 = vector.broadcast %mul3A_141 : i32 to vector<16xi32>
      %mul3A_143 = arith.muli %min3A_119, %mul3A_142 : vector<16xi32>
      %add3A_144 = arith.addi %mul3A_143, %min3A_113 : vector<16xi32>
      %add3A_145 = arith.constant 32768 : i32
      %add3A_146 = vector.broadcast %add3A_145 : i32 to vector<16xi32>
      %add3A_147 = arith.addi %add3A_144, %add3A_146 : vector<16xi32>
      %sub3A_148 = arith.constant 1.000000e+00 : f32
      %sub3A_149 = vector.broadcast %sub3A_148 : f32 to vector<16xf32>
      %sub3A_150 = arith.subf %sub3A_149, %sub3A : vector<16xf32>
      %sub3A_151 = arith.constant 1.000000e+00 : f32
      %sub3A_152 = vector.broadcast %sub3A_151 : f32 to vector<16xf32>
      %sub3A_153 = arith.subf %sub3A_152, %sub3A_108 : vector<16xf32>
      %mul3A_154 = arith.mulf %sub3A_150, %sub3A_153 : vector<16xf32>
      %sub3A_155 = arith.constant 1.000000e+00 : f32
      %sub3A_156 = vector.broadcast %sub3A_155 : f32 to vector<16xf32>
      %sub3A_157 = arith.subf %sub3A_156, %sub3A_108 : vector<16xf32>
      %mul3A_158 = arith.mulf %sub3A, %sub3A_157 : vector<16xf32>
      %sub3A_159 = arith.constant 1.000000e+00 : f32
      %sub3A_160 = vector.broadcast %sub3A_159 : f32 to vector<16xf32>
      %sub3A_161 = arith.subf %sub3A_160, %sub3A : vector<16xf32>
      %mul3A_162 = arith.mulf %sub3A_161, %sub3A_108 : vector<16xf32>
      %mul3A_163 = arith.mulf %sub3A, %sub3A_108 : vector<16xf32>
      %add3A_164 = vector.broadcast %add3A_95 : i32 to vector<16xi32>
      %add3A_165 = arith.addi %iota3A, %add3A_164 : vector<16xi32>
      %add3A_166 = arith.constant 0 : i32
      %add3A_167 = vector.broadcast %add3A_166 : i32 to vector<16xi32>
      %add3A_168 = arith.addi %add3A_126, %add3A_167 : vector<16xi32>
      %gather3A = tpu.vector_load_idx %arg6[%add3A_168] : memref<65536xf32, #tpu.memory_space<vmem>>[vector<16xi32>], vector<16xf32>,
      %mul3A_169 = arith.mulf %gather3A, %mul3A_154 : vector<16xf32>
      %add3A_170 = arith.constant 0 : i32
      %add3A_171 = vector.broadcast %add3A_170 : i32 to vector<16xi32>
      %add3A_172 = arith.addi %add3A_133, %add3A_171 : vector<16xi32>
      %gather3A_173 = tpu.vector_load_idx %arg6[%add3A_172] : memref<65536xf32, #tpu.memory_space<vmem>>[vector<16xi32>], vector<16xf32>,
      %mul3A_174 = arith.mulf %gather3A_173, %mul3A_158 : vector<16xf32>
      %add3A_175 = arith.addf %mul3A_169, %mul3A_174 : vector<16xf32>
      %add3A_176 = arith.constant 0 : i32
      %add3A_177 = vector.broadcast %add3A_176 : i32 to vector<16xi32>
      %add3A_178 = arith.addi %add3A_140, %add3A_177 : vector<16xi32>
      %gather3A_179 = tpu.vector_load_idx %arg6[%add3A_178] : memref<65536xf32, #tpu.memory_space<vmem>>[vector<16xi32>], vector<16xf32>,
      %mul3A_180 = arith.mulf %gather3A_179, %mul3A_162 : vector<16xf32>
      %add3A_181 = arith.addf %add3A_175, %mul3A_180 : vector<16xf32>
      %add3A_182 = arith.constant 0 : i32
      %add3A_183 = vector.broadcast %add3A_182 : i32 to vector<16xi32>
      %add3A_184 = arith.addi %add3A_147, %add3A_183 : vector<16xi32>
      %gather3A_185 = tpu.vector_load_idx %arg6[%add3A_184] : memref<65536xf32, #tpu.memory_space<vmem>>[vector<16xi32>], vector<16xf32>,
      %mul3A_186 = arith.mulf %gather3A_185, %mul3A_163 : vector<16xf32>
      %add3A_187 = arith.addf %add3A_181, %mul3A_186 : vector<16xf32>
      %broadcast_in_dim3A = arith.constant 24 : i32
      %broadcast_in_dim3A_188 = vector.broadcast %broadcast_in_dim3A : i32 to vector<16xi32>
      tpu.vector_store_idx %arg7[%broadcast_in_dim3A_188, %add3A_165], %add3A_187 : memref<32x1024xf32, #tpu.memory_space<vmem>>[vector<16xi32>, vector<16xi32>], vector<16xf32>,
      %add3A_189 = arith.constant 4096 : i32
      %add3A_190 = vector.broadcast %add3A_189 : i32 to vector<16xi32>
      %add3A_191 = arith.addi %add3A_126, %add3A_190 : vector<16xi32>
      %gather3A_192 = tpu.vector_load_idx %arg6[%add3A_191] : memref<65536xf32, #tpu.memory_space<vmem>>[vector<16xi32>], vector<16xf32>,
      %mul3A_193 = arith.mulf %gather3A_192, %mul3A_154 : vector<16xf32>
      %add3A_194 = arith.constant 4096 : i32
      %add3A_195 = vector.broadcast %add3A_194 : i32 to vector<16xi32>
      %add3A_196 = arith.addi %add3A_133, %add3A_195 : vector<16xi32>
      %gather3A_197 = tpu.vector_load_idx %arg6[%add3A_196] : memref<65536xf32, #tpu.memory_space<vmem>>[vector<16xi32>], vector<16xf32>,
      %mul3A_198 = arith.mulf %gather3A_197, %mul3A_158 : vector<16xf32>
      %add3A_199 = arith.addf %mul3A_193, %mul3A_198 : vector<16xf32>
      %add3A_200 = arith.constant 4096 : i32
      %add3A_201 = vector.broadcast %add3A_200 : i32 to vector<16xi32>
      %add3A_202 = arith.addi %add3A_140, %add3A_201 : vector<16xi32>
      %gather3A_203 = tpu.vector_load_idx %arg6[%add3A_202] : memref<65536xf32, #tpu.memory_space<vmem>>[vector<16xi32>], vector<16xf32>,
      %mul3A_204 = arith.mulf %gather3A_203, %mul3A_162 : vector<16xf32>
      %add3A_205 = arith.addf %add3A_199, %mul3A_204 : vector<16xf32>
      %add3A_206 = arith.constant 4096 : i32
      %add3A_207 = vector.broadcast %add3A_206 : i32 to vector<16xi32>
      %add3A_208 = arith.addi %add3A_147, %add3A_207 : vector<16xi32>
      %gather3A_209 = tpu.vector_load_idx %arg6[%add3A_208] : memref<65536xf32, #tpu.memory_space<vmem>>[vector<16xi32>], vector<16xf32>,
      %mul3A_210 = arith.mulf %gather3A_209, %mul3A_163 : vector<16xf32>
      %add3A_211 = arith.addf %add3A_205, %mul3A_210 : vector<16xf32>
      %broadcast_in_dim3A_212 = arith.constant 25 : i32
      %broadcast_in_dim3A_213 = vector.broadcast %broadcast_in_dim3A_212 : i32 to vector<16xi32>
      tpu.vector_store_idx %arg7[%broadcast_in_dim3A_213, %add3A_165], %add3A_211 : memref<32x1024xf32, #tpu.memory_space<vmem>>[vector<16xi32>, vector<16xi32>], vector<16xf32>,
      %add3A_214 = arith.constant 8192 : i32
      %add3A_215 = vector.broadcast %add3A_214 : i32 to vector<16xi32>
      %add3A_216 = arith.addi %add3A_126, %add3A_215 : vector<16xi32>
      %gather3A_217 = tpu.vector_load_idx %arg6[%add3A_216] : memref<65536xf32, #tpu.memory_space<vmem>>[vector<16xi32>], vector<16xf32>,
      %mul3A_218 = arith.mulf %gather3A_217, %mul3A_154 : vector<16xf32>
      %add3A_219 = arith.constant 8192 : i32
      %add3A_220 = vector.broadcast %add3A_219 : i32 to vector<16xi32>
      %add3A_221 = arith.addi %add3A_133, %add3A_220 : vector<16xi32>
      %gather3A_222 = tpu.vector_load_idx %arg6[%add3A_221] : memref<65536xf32, #tpu.memory_space<vmem>>[vector<16xi32>], vector<16xf32>,
      %mul3A_223 = arith.mulf %gather3A_222, %mul3A_158 : vector<16xf32>
      %add3A_224 = arith.addf %mul3A_218, %mul3A_223 : vector<16xf32>
      %add3A_225 = arith.constant 8192 : i32
      %add3A_226 = vector.broadcast %add3A_225 : i32 to vector<16xi32>
      %add3A_227 = arith.addi %add3A_140, %add3A_226 : vector<16xi32>
      %gather3A_228 = tpu.vector_load_idx %arg6[%add3A_227] : memref<65536xf32, #tpu.memory_space<vmem>>[vector<16xi32>], vector<16xf32>,
      %mul3A_229 = arith.mulf %gather3A_228, %mul3A_162 : vector<16xf32>
      %add3A_230 = arith.addf %add3A_224, %mul3A_229 : vector<16xf32>
      %add3A_231 = arith.constant 8192 : i32
      %add3A_232 = vector.broadcast %add3A_231 : i32 to vector<16xi32>
      %add3A_233 = arith.addi %add3A_147, %add3A_232 : vector<16xi32>
      %gather3A_234 = tpu.vector_load_idx %arg6[%add3A_233] : memref<65536xf32, #tpu.memory_space<vmem>>[vector<16xi32>], vector<16xf32>,
      %mul3A_235 = arith.mulf %gather3A_234, %mul3A_163 : vector<16xf32>
      %add3A_236 = arith.addf %add3A_230, %mul3A_235 : vector<16xf32>
      %broadcast_in_dim3A_237 = arith.constant 26 : i32
      %broadcast_in_dim3A_238 = vector.broadcast %broadcast_in_dim3A_237 : i32 to vector<16xi32>
      tpu.vector_store_idx %arg7[%broadcast_in_dim3A_238, %add3A_165], %add3A_236 : memref<32x1024xf32, #tpu.memory_space<vmem>>[vector<16xi32>, vector<16xi32>], vector<16xf32>,
      %add3A_239 = arith.constant 12288 : i32
      %add3A_240 = vector.broadcast %add3A_239 : i32 to vector<16xi32>
      %add3A_241 = arith.addi %add3A_126, %add3A_240 : vector<16xi32>
      %gather3A_242 = tpu.vector_load_idx %arg6[%add3A_241] : memref<65536xf32, #tpu.memory_space<vmem>>[vector<16xi32>], vector<16xf32>,
      %mul3A_243 = arith.mulf %gather3A_242, %mul3A_154 : vector<16xf32>
      %add3A_244 = arith.constant 12288 : i32
      %add3A_245 = vector.broadcast %add3A_244 : i32 to vector<16xi32>
      %add3A_246 = arith.addi %add3A_133, %add3A_245 : vector<16xi32>
      %gather3A_247 = tpu.vector_load_idx %arg6[%add3A_246] : memref<65536xf32, #tpu.memory_space<vmem>>[vector<16xi32>], vector<16xf32>,
      %mul3A_248 = arith.mulf %gather3A_247, %mul3A_158 : vector<16xf32>
      %add3A_249 = arith.addf %mul3A_243, %mul3A_248 : vector<16xf32>
      %add3A_250 = arith.constant 12288 : i32
      %add3A_251 = vector.broadcast %add3A_250 : i32 to vector<16xi32>
      %add3A_252 = arith.addi %add3A_140, %add3A_251 : vector<16xi32>
      %gather3A_253 = tpu.vector_load_idx %arg6[%add3A_252] : memref<65536xf32, #tpu.memory_space<vmem>>[vector<16xi32>], vector<16xf32>,
      %mul3A_254 = arith.mulf %gather3A_253, %mul3A_162 : vector<16xf32>
      %add3A_255 = arith.addf %add3A_249, %mul3A_254 : vector<16xf32>
      %add3A_256 = arith.constant 12288 : i32
      %add3A_257 = vector.broadcast %add3A_256 : i32 to vector<16xi32>
      %add3A_258 = arith.addi %add3A_147, %add3A_257 : vector<16xi32>
      %gather3A_259 = tpu.vector_load_idx %arg6[%add3A_258] : memref<65536xf32, #tpu.memory_space<vmem>>[vector<16xi32>], vector<16xf32>,
      %mul3A_260 = arith.mulf %gather3A_259, %mul3A_163 : vector<16xf32>
      %add3A_261 = arith.addf %add3A_255, %mul3A_260 : vector<16xf32>
      %broadcast_in_dim3A_262 = arith.constant 27 : i32
      %broadcast_in_dim3A_263 = vector.broadcast %broadcast_in_dim3A_262 : i32 to vector<16xi32>
      tpu.vector_store_idx %arg7[%broadcast_in_dim3A_263, %add3A_165], %add3A_261 : memref<32x1024xf32, #tpu.memory_space<vmem>>[vector<16xi32>, vector<16xi32>], vector<16xf32>,
      %add3A_264 = arith.constant 16384 : i32
      %add3A_265 = vector.broadcast %add3A_264 : i32 to vector<16xi32>
      %add3A_266 = arith.addi %add3A_126, %add3A_265 : vector<16xi32>
      %gather3A_267 = tpu.vector_load_idx %arg6[%add3A_266] : memref<65536xf32, #tpu.memory_space<vmem>>[vector<16xi32>], vector<16xf32>,
      %mul3A_268 = arith.mulf %gather3A_267, %mul3A_154 : vector<16xf32>
      %add3A_269 = arith.constant 16384 : i32
      %add3A_270 = vector.broadcast %add3A_269 : i32 to vector<16xi32>
      %add3A_271 = arith.addi %add3A_133, %add3A_270 : vector<16xi32>
      %gather3A_272 = tpu.vector_load_idx %arg6[%add3A_271] : memref<65536xf32, #tpu.memory_space<vmem>>[vector<16xi32>], vector<16xf32>,
      %mul3A_273 = arith.mulf %gather3A_272, %mul3A_158 : vector<16xf32>
      %add3A_274 = arith.addf %mul3A_268, %mul3A_273 : vector<16xf32>
      %add3A_275 = arith.constant 16384 : i32
      %add3A_276 = vector.broadcast %add3A_275 : i32 to vector<16xi32>
      %add3A_277 = arith.addi %add3A_140, %add3A_276 : vector<16xi32>
      %gather3A_278 = tpu.vector_load_idx %arg6[%add3A_277] : memref<65536xf32, #tpu.memory_space<vmem>>[vector<16xi32>], vector<16xf32>,
      %mul3A_279 = arith.mulf %gather3A_278, %mul3A_162 : vector<16xf32>
      %add3A_280 = arith.addf %add3A_274, %mul3A_279 : vector<16xf32>
      %add3A_281 = arith.constant 16384 : i32
      %add3A_282 = vector.broadcast %add3A_281 : i32 to vector<16xi32>
      %add3A_283 = arith.addi %add3A_147, %add3A_282 : vector<16xi32>
      %gather3A_284 = tpu.vector_load_idx %arg6[%add3A_283] : memref<65536xf32, #tpu.memory_space<vmem>>[vector<16xi32>], vector<16xf32>,
      %mul3A_285 = arith.mulf %gather3A_284, %mul3A_163 : vector<16xf32>
      %add3A_286 = arith.addf %add3A_280, %mul3A_285 : vector<16xf32>
      %broadcast_in_dim3A_287 = arith.constant 28 : i32
      %broadcast_in_dim3A_288 = vector.broadcast %broadcast_in_dim3A_287 : i32 to vector<16xi32>
      tpu.vector_store_idx %arg7[%broadcast_in_dim3A_288, %add3A_165], %add3A_286 : memref<32x1024xf32, #tpu.memory_space<vmem>>[vector<16xi32>, vector<16xi32>], vector<16xf32>,
      %add3A_289 = arith.constant 20480 : i32
      %add3A_290 = vector.broadcast %add3A_289 : i32 to vector<16xi32>
      %add3A_291 = arith.addi %add3A_126, %add3A_290 : vector<16xi32>
      %gather3A_292 = tpu.vector_load_idx %arg6[%add3A_291] : memref<65536xf32, #tpu.memory_space<vmem>>[vector<16xi32>], vector<16xf32>,
      %mul3A_293 = arith.mulf %gather3A_292, %mul3A_154 : vector<16xf32>
      %add3A_294 = arith.constant 20480 : i32
      %add3A_295 = vector.broadcast %add3A_294 : i32 to vector<16xi32>
      %add3A_296 = arith.addi %add3A_133, %add3A_295 : vector<16xi32>
      %gather3A_297 = tpu.vector_load_idx %arg6[%add3A_296] : memref<65536xf32, #tpu.memory_space<vmem>>[vector<16xi32>], vector<16xf32>,
      %mul3A_298 = arith.mulf %gather3A_297, %mul3A_158 : vector<16xf32>
      %add3A_299 = arith.addf %mul3A_293, %mul3A_298 : vector<16xf32>
      %add3A_300 = arith.constant 20480 : i32
      %add3A_301 = vector.broadcast %add3A_300 : i32 to vector<16xi32>
      %add3A_302 = arith.addi %add3A_140, %add3A_301 : vector<16xi32>
      %gather3A_303 = tpu.vector_load_idx %arg6[%add3A_302] : memref<65536xf32, #tpu.memory_space<vmem>>[vector<16xi32>], vector<16xf32>,
      %mul3A_304 = arith.mulf %gather3A_303, %mul3A_162 : vector<16xf32>
      %add3A_305 = arith.addf %add3A_299, %mul3A_304 : vector<16xf32>
      %add3A_306 = arith.constant 20480 : i32
      %add3A_307 = vector.broadcast %add3A_306 : i32 to vector<16xi32>
      %add3A_308 = arith.addi %add3A_147, %add3A_307 : vector<16xi32>
      %gather3A_309 = tpu.vector_load_idx %arg6[%add3A_308] : memref<65536xf32, #tpu.memory_space<vmem>>[vector<16xi32>], vector<16xf32>,
      %mul3A_310 = arith.mulf %gather3A_309, %mul3A_163 : vector<16xf32>
      %add3A_311 = arith.addf %add3A_305, %mul3A_310 : vector<16xf32>
      %broadcast_in_dim3A_312 = arith.constant 29 : i32
      %broadcast_in_dim3A_313 = vector.broadcast %broadcast_in_dim3A_312 : i32 to vector<16xi32>
      tpu.vector_store_idx %arg7[%broadcast_in_dim3A_313, %add3A_165], %add3A_311 : memref<32x1024xf32, #tpu.memory_space<vmem>>[vector<16xi32>, vector<16xi32>], vector<16xf32>,
      %add3A_314 = arith.constant 24576 : i32
      %add3A_315 = vector.broadcast %add3A_314 : i32 to vector<16xi32>
      %add3A_316 = arith.addi %add3A_126, %add3A_315 : vector<16xi32>
      %gather3A_317 = tpu.vector_load_idx %arg6[%add3A_316] : memref<65536xf32, #tpu.memory_space<vmem>>[vector<16xi32>], vector<16xf32>,
      %mul3A_318 = arith.mulf %gather3A_317, %mul3A_154 : vector<16xf32>
      %add3A_319 = arith.constant 24576 : i32
      %add3A_320 = vector.broadcast %add3A_319 : i32 to vector<16xi32>
      %add3A_321 = arith.addi %add3A_133, %add3A_320 : vector<16xi32>
      %gather3A_322 = tpu.vector_load_idx %arg6[%add3A_321] : memref<65536xf32, #tpu.memory_space<vmem>>[vector<16xi32>], vector<16xf32>,
      %mul3A_323 = arith.mulf %gather3A_322, %mul3A_158 : vector<16xf32>
      %add3A_324 = arith.addf %mul3A_318, %mul3A_323 : vector<16xf32>
      %add3A_325 = arith.constant 24576 : i32
      %add3A_326 = vector.broadcast %add3A_325 : i32 to vector<16xi32>
      %add3A_327 = arith.addi %add3A_140, %add3A_326 : vector<16xi32>
      %gather3A_328 = tpu.vector_load_idx %arg6[%add3A_327] : memref<65536xf32, #tpu.memory_space<vmem>>[vector<16xi32>], vector<16xf32>,
      %mul3A_329 = arith.mulf %gather3A_328, %mul3A_162 : vector<16xf32>
      %add3A_330 = arith.addf %add3A_324, %mul3A_329 : vector<16xf32>
      %add3A_331 = arith.constant 24576 : i32
      %add3A_332 = vector.broadcast %add3A_331 : i32 to vector<16xi32>
      %add3A_333 = arith.addi %add3A_147, %add3A_332 : vector<16xi32>
      %gather3A_334 = tpu.vector_load_idx %arg6[%add3A_333] : memref<65536xf32, #tpu.memory_space<vmem>>[vector<16xi32>], vector<16xf32>,
      %mul3A_335 = arith.mulf %gather3A_334, %mul3A_163 : vector<16xf32>
      %add3A_336 = arith.addf %add3A_330, %mul3A_335 : vector<16xf32>
      %broadcast_in_dim3A_337 = arith.constant 30 : i32
      %broadcast_in_dim3A_338 = vector.broadcast %broadcast_in_dim3A_337 : i32 to vector<16xi32>
      tpu.vector_store_idx %arg7[%broadcast_in_dim3A_338, %add3A_165], %add3A_336 : memref<32x1024xf32, #tpu.memory_space<vmem>>[vector<16xi32>, vector<16xi32>], vector<16xf32>,
      %add3A_339 = arith.constant 28672 : i32
      %add3A_340 = vector.broadcast %add3A_339 : i32 to vector<16xi32>
      %add3A_341 = arith.addi %add3A_126, %add3A_340 : vector<16xi32>
      %gather3A_342 = tpu.vector_load_idx %arg6[%add3A_341] : memref<65536xf32, #tpu.memory_space<vmem>>[vector<16xi32>], vector<16xf32>,
      %mul3A_343 = arith.mulf %gather3A_342, %mul3A_154 : vector<16xf32>
      %add3A_344 = arith.constant 28672 : i32
      %add3A_345 = vector.broadcast %add3A_344 : i32 to vector<16xi32>
      %add3A_346 = arith.addi %add3A_133, %add3A_345 : vector<16xi32>
      %gather3A_347 = tpu.vector_load_idx %arg6[%add3A_346] : memref<65536xf32, #tpu.memory_space<vmem>>[vector<16xi32>], vector<16xf32>,
      %mul3A_348 = arith.mulf %gather3A_347, %mul3A_158 : vector<16xf32>
      %add3A_349 = arith.addf %mul3A_343, %mul3A_348 : vector<16xf32>
      %add3A_350 = arith.constant 28672 : i32
      %add3A_351 = vector.broadcast %add3A_350 : i32 to vector<16xi32>
      %add3A_352 = arith.addi %add3A_140, %add3A_351 : vector<16xi32>
      %gather3A_353 = tpu.vector_load_idx %arg6[%add3A_352] : memref<65536xf32, #tpu.memory_space<vmem>>[vector<16xi32>], vector<16xf32>,
      %mul3A_354 = arith.mulf %gather3A_353, %mul3A_162 : vector<16xf32>
      %add3A_355 = arith.addf %add3A_349, %mul3A_354 : vector<16xf32>
      %add3A_356 = arith.constant 28672 : i32
      %add3A_357 = vector.broadcast %add3A_356 : i32 to vector<16xi32>
      %add3A_358 = arith.addi %add3A_147, %add3A_357 : vector<16xi32>
      %gather3A_359 = tpu.vector_load_idx %arg6[%add3A_358] : memref<65536xf32, #tpu.memory_space<vmem>>[vector<16xi32>], vector<16xf32>,
      %mul3A_360 = arith.mulf %gather3A_359, %mul3A_163 : vector<16xf32>
      %add3A_361 = arith.addf %add3A_355, %mul3A_360 : vector<16xf32>
      %broadcast_in_dim3A_362 = arith.constant 31 : i32
      %broadcast_in_dim3A_363 = vector.broadcast %broadcast_in_dim3A_362 : i32 to vector<16xi32>
      tpu.vector_store_idx %arg7[%broadcast_in_dim3A_363, %add3A_165], %add3A_361 : memref<32x1024xf32, #tpu.memory_space<vmem>>[vector<16xi32>, vector<16xi32>], vector<16xf32>,
      %scan3A_364 = arith.constant 0 : i32
      scf.yield %scan3A_364 : i32
    }
    %scan3A_89 = arith.constant 32 : i32
    "tpu.region"() ({
      %run_scoped3A = tpu.sem_alloc : memref<!tpu.dma_semaphore, #tpu.memory_space<semaphore_mem>>
      %dma_start3A = arith.constant 0 : i32
      %dma_start3A_90 = tpu.memref_slice %arg5[%mul3A_2, %dma_start3A] : memref<1024x1024xf32, #tpu.memory_space<hbm>> -> memref<32x1024xf32, #tpu.memory_space<hbm>>
      %dma_start3A_91 = arith.constant 0 : i32
      %dma_start3A_92 = tpu.memref_slice %arg5[%mul3A_2, %dma_start3A_91] : memref<1024x1024xf32, #tpu.memory_space<hbm>> -> memref<32x1024xf32, #tpu.memory_space<hbm>>
      tpu.enqueue_dma source(%arg7 : memref<32x1024xf32, #tpu.memory_space<vmem>>) target(%dma_start3A_92 : memref<32x1024xf32, #tpu.memory_space<hbm>>) target_semaphore(%run_scoped3A : memref<!tpu.dma_semaphore, #tpu.memory_space<semaphore_mem>>)
      %dma_wait3A = arith.constant 0 : i32
      %dma_wait3A_93 = tpu.memref_slice %arg5[%mul3A_2, %dma_wait3A] : memref<1024x1024xf32, #tpu.memory_space<hbm>> -> memref<32x1024xf32, #tpu.memory_space<hbm>>
      %dma_wait3A_94 = arith.constant 0 : i32
      %dma_wait3A_95 = tpu.memref_slice %arg5[%mul3A_2, %dma_wait3A_94] : memref<1024x1024xf32, #tpu.memory_space<hbm>> -> memref<32x1024xf32, #tpu.memory_space<hbm>>
      tpu.wait_dma2 semaphore(%run_scoped3A : memref<!tpu.dma_semaphore, #tpu.memory_space<semaphore_mem>>) src(%arg7 : memref<32x1024xf32, #tpu.memory_space<vmem>>) dst(%dma_wait3A_95 : memref<32x1024xf32, #tpu.memory_space<hbm>>)
      tpu.yield
    }) : () -> ()
    return
  }
}

</mosaic_0001>

<sc_bundles>
// kernel: _sc_point_sample.3.cloned.1.call-start
scs
__scs_entry_jumppad:
0x0: {  	(pc) =	sbr.rel $0x88, $3  }
0x1: {  	(tag) =	ssettag $0x0;
	lr =	simm.s32 $0x1  }
0x2: {  	[smem:$0x3F9E] =	sst lr;
	_ =	strace $0xD0000000  }
0x3: {  	_ = 	snop  }
0x4: {  	_ = 	snop  }
0x5: {  	_ = 	snop  }
0x6: {  	_ = 	snop  }
0x7: {  	_ = 	snop  }
__scs_overlays_trampoline_lowered:
0x8: {  	[smem:$0x3FAD] =	sst s0  }
0x9: {  	[smem:$0x3FAE] =	sst s1  }
0xa: {  	[smem:$0x3FAF] =	sst s2  }
0xb: {  	[smem:$0x3FB0] =	sst s3  }
0xc: {  	[smem:$0x3FB1] =	sst s4  }
0xd: {  	[smem:$0x3FB2] =	sst s5  }
0xe: {  	[smem:$0x3FB3] =	sst s6  }
0xf: {  	[smem:$0x3FB4] =	sst s7  }
0x10: {  	[smem:$0x3FB5] =	sst s8  }
0x11: {  	[smem:$0x3FB6] =	sst s9;
	s0 =	simm.s32 @!p0 $0x0  }
0x12: {  	s1 =	sld [smem:$0x3F9C];
	s0 =	simm.s32 @p0 $0x1  }
0x13: {  	[smem:$0x3FB7] =	sst s0;
	s0 =	simm.s32 @!p1 $0x0  }
0x14: {  	s2 =	sld [smem:$0x3F9B];
	s0 =	simm.s32 @p1 $0x1  }
0x15: {  	[smem:$0x3FB8] =	sst s0;
	s0 =	simm.s32 @!p2 $0x0  }
0x16: {  	s3 =	sld [smem:$0x3FDB];
	s0 =	simm.s32 @p2 $0x1  }
0x17: {  	s4 =	simm.s32 $0x1BF5;
	[smem:$0x3FBA] =	sst s0  }
0x18: {  	s0 =	sld [smem:$0x3F9D];
	_ =	swait.ge [sflag:s4], $0x0  }
0x19: {  	s7 =	sld [smem:$0x3F9E]  }
0x1a: {  	s8 =	sadd.s32 $0xFFFFE003, lr  }
0x1b: {  	s9 =	sadd.s32 $0xFFFFFEF7, lr;
	s5 =	simm.s32 $0xFFFFFFFF;
	p2 =	slt.u32 s8, $0xFFFFF086  }
0x1c: {  	p1 =	slt.u32 s9, $0xF7A;
	s5 =	simm.s32 @!p2 $0x0  }
0x1d: {  	s5 =	simm.s32 @p1 $0x1;
	p0 =	seq.s32 s7, s2  }
0x1e: {  	s7 =	smul.u32 @!p0 $0xF7A, s2;
	p2 =	seq.s32 @!p0 s5, $0x0  }
0x1f: {  	s9 =	smul.u32 $0xF7A, s1;
	s8 =	simm.s32 @!p0 $0x1BF5;
	p2 =	por !p2, p0  }
0x20: {  	[sflag:s8] =	ssyncset.s32 @!p0 $0xFFFFF086;
	s6 =	sadd.s32 @!p0 s3, s7;
	s7 =	simm.s32 @!p0 $0x108  }
0x21: {  	s3 =	sadd.s32 s3, s9;
	s6 =	sadd.s32 @!p0 $0x88, s6;
	s7 =	simm.s32 @p2 $0x1082  }
0x22: {  	[simem:s7], [sflag:s8] =	dma.local @!p0 [hbm:s6], $0xF7A  }
0x23: {  	s9 =	sor.u32 $0xD0000000, s2;
	s6 =	simm.s32 $0x108;
	_ =	swait.ge @!p0 [sflag:s8], $0x0  }
0x24: {  	s3 =	sadd.s32 $0x88, s3;
	s6 =	simm.s32 @!p1 $0x1082;
	[sflag:s4] =	ssyncset.s32 $0xFFFFF086  }
0x25: {  	[simem:s6], [sflag:s4] =	dma.local [hbm:s3], $0xF7A  }
0x26: {  	[smem:$0x3F9E] =	sst s1;
	(tag) =	ssettag s2;
	_ =	strace s9  }
0x27: {  	s1 =	sld [smem:$0x3FAE]  }
0x28: {  	s2 =	sld [smem:$0x3FAF]  }
0x29: {  	s4 =	sld [smem:$0x3FB1]  }
0x2a: {  	p0 =	seq.s32 s5, $0x0;
	s5 =	sld [smem:$0x3FB2]  }
0x2b: {  	s6 =	sld [smem:$0x3FB3]  }
0x2c: {  	s7 =	sld [smem:$0x3FB4]  }
0x2d: {  	s3 =	simm.s32 $0x108;
	s8 =	sld [smem:$0x3FB5]  }
0x2e: {  	s3 =	simm.s32 @!p0 $0x1082;
	s9 =	sld [smem:$0x3FB6]  }
0x2f: {  	lr =	sadd.s32 s0, s3;
	s0 =	sld [smem:$0x3FAD]  }
0x30: {  	s3 =	sld [smem:$0x3FB0]  }
0x31: {  	[smem:$0x3FB9] =	sst s10  }
0x32: {  	s10 =	sld [smem:$0x3FB7];
	_ =	sdelay $0x3  }
0x33: {  	p0 =	seq.s32 s10, $0x1;
	s10 =	sld [smem:$0x3FB9];
	_ =	sdelay $0x3  }
0x34: {  	[smem:$0x3FB9] =	sst s10  }
0x35: {  	s10 =	sld [smem:$0x3FB8];
	_ =	sdelay $0x3  }
0x36: {  	p1 =	seq.s32 s10, $0x1;
	s10 =	sld [smem:$0x3FB9];
	_ =	sdelay $0x3  }
0x37: {  	[smem:$0x3FB9] =	sst s10  }
0x38: {  	s10 =	sld [smem:$0x3FBA]  }
0x39: {  	_ = 	snop;
	(pc) =	sbr.ind lr, $3  }
0x3a: {  	_ = 	snop  }
0x3b: {  	_ = 	snop  }
0x3c: {  	p2 =	seq.s32 s10, $0x1;
	s10 =	sld [smem:$0x3FB9]  }
0x3d: {  	_ =	shalt  }
0x3e: {  	_ =	shalt  }
0x3f: {  	_ =	shalt  }
0x40: {  	_ =	shalt  }
0x41: {  	_ =	shalt  }
0x42: {  	_ =	shalt  }
0x43: {  	_ =	shalt  }
0x44: {  	_ =	shalt  }
0x45: {  	_ =	shalt  }
0x46: {  	_ =	shalt  }
0x47: {  	_ =	shalt  }
0x48: {  	_ =	shalt  }
0x49: {  	_ =	shalt  }
0x4a: {  	_ =	shalt  }
0x4b: {  	_ =	shalt  }
0x4c: {  	_ =	shalt  }
0x4d: {  	_ =	shalt  }
0x4e: {  	_ =	shalt  }
0x4f: {  	_ =	shalt  }
0x50: {  	_ =	shalt  }
0x51: {  	_ =	shalt  }
0x52: {  	_ =	shalt  }
0x53: {  	_ =	shalt  }
0x54: {  	_ =	shalt  }
0x55: {  	_ =	shalt  }
0x56: {  	_ =	shalt  }
0x57: {  	_ =	shalt  }
0x58: {  	_ =	shalt  }
0x59: {  	_ =	shalt  }
0x5a: {  	_ =	shalt  }
0x5b: {  	_ =	shalt  }
0x5c: {  	_ =	shalt  }
0x5d: {  	_ =	shalt  }
0x5e: {  	_ =	shalt  }
0x5f: {  	_ =	shalt  }
0x60: {  	_ =	shalt  }
0x61: {  	_ =	shalt  }
0x62: {  	_ =	shalt  }
0x63: {  	_ =	shalt  }
0x64: {  	_ =	shalt  }
0x65: {  	_ =	shalt  }
0x66: {  	_ =	shalt  }
0x67: {  	_ =	shalt  }
0x68: {  	_ =	shalt  }
0x69: {  	_ =	shalt  }
0x6a: {  	_ =	shalt  }
0x6b: {  	_ =	shalt  }
0x6c: {  	_ =	shalt  }
0x6d: {  	_ =	shalt  }
0x6e: {  	_ =	shalt  }
0x6f: {  	_ =	shalt  }
0x70: {  	_ =	shalt  }
0x71: {  	_ =	shalt  }
0x72: {  	_ =	shalt  }
0x73: {  	_ =	shalt  }
0x74: {  	_ =	shalt  }
0x75: {  	_ =	shalt  }
0x76: {  	_ =	shalt  }
0x77: {  	_ =	shalt  }
0x78: {  	_ =	shalt  }
0x79: {  	_ =	shalt  }
0x7a: {  	_ =	shalt  }
0x7b: {  	_ =	shalt  }
0x7c: {  	_ =	shalt  }
0x7d: {  	_ =	shalt  }
0x7e: {  	_ =	shalt  }
0x7f: {  	_ =	shalt  }
0x80: {  	_ =	shalt  }
0x81: {  	_ =	shalt  }
0x82: {  	_ =	shalt  }
0x83: {  	_ =	shalt  }
0x84: {  	_ =	shalt  }
0x85: {  	_ =	shalt  }
0x86: {  	_ =	shalt  }
0x87: {  	_ =	shalt  }
.Lfunc_end0:
.L_simem_size_0:
called_computation_lowered:
.L_overlay_start_0:
0x88: {  	s2 =	sld [smem:$0x3FD9]  }
0x89: {  	s3 =	sld [smem:$0x3FFE];
	_ =	sdelay $0x1  }
0x8a: {  	s1 =	srdreg.scid  }
0x8b: {  	s0 =	sand.u32 $0x1, s1  }
0x8c: {  	s18 =	sshll.u32 s0, $0xA;
	s2 =	sadd.s32 s3, s2  }
0x8d: {  	s2 =	sadd.s32 s2, s18  }
0x8e: {  	[smem:$0x3FC5] =	sst s2  }
0x8f: {  	_ = 	snop  }
0x90: {  	s2 =	sld [smem:$0x3FC9]  }
0x91: {  	s19 =	sld [smem:$0x3FC8]  }
0x92: {  	s4 =	sld [smem:$0x3FC7]  }
0x93: {  	s5 =	sld [smem:$0x3FD0];
	(tm) =	ssettm $0x1  }
0x94: {  	s6 =	sld [smem:$0x3FFB];
	_ =	sdelay $0x3  }
0x95: {  	_ =	strace s6  }
0x96: {  	s6 =	sld [smem:$0x3FFC];
	_ =	sdelay $0x3  }
0x97: {  	_ =	strace s6  }
0x98: {  	s6 =	sld [smem:$0x3FFD];
	_ =	sdelay $0x3  }
0x99: {  	_ =	strace s6  }
0x9a: {  	_ =	strace $0x8FFFFFFF  }
0x9b: {  	s20 =	sld [smem:$0x3FDB];
	_ =	sdelay $0x1  }
0x9c: {  	s7 =	simm.s32 $_scs_section_size  }
0x9d: {  	s8 =	simm.s32 $_size__tile_overlayer_lowered;
	s9 =	simm.s32 $_tile_overlayer_lowered  }
0x9e: {  	s23 =	simm.s32 $0x1BFF;
	s22 =	sshll.u32 s9, $0x1;
	s6 =	sadd.s32 s7, s20  }
0x9f: {  	s10 =	simm.s32 $0x0;
	s21 =	sshll.u32 s8, $0x1;
	s8 =	sadd.s32 s22, s6  }
0xa0: {  	[timem:s10], [sflag:s23] =	dma.local [hbm:s8], s21  }
0xa1: {  	_ =	swait.ge [sflag:s23], s21  }
0xa2: {  	s7 =	ssub.s32 $0x0, s21;
	[sflag:s23] =	ssyncset.done $0x0  }
0xa3: {  	[sflag:s23] =	ssyncadd.s32 s7;
	_ =	sdelay $0x1  }
0xa4: {  	s24 =	simm.s32 $0x1B8B  }
0xa5: {  	_ =	swait.ge [sflag:s24], $0x1  }
0xa6: {  	[sflag:s24] =	ssyncset.done $0x0  }
0xa7: {  	s25 =	simm.s32 $0x1B8E;
	[sflag:s24] =	ssyncadd.s32 $0xFFFFFFFF  }
0xa8: {  	s26 =	simm.s32 $execute0_lowered;
	[smem:$0x3FD2] =	sst s25  }
0xa9: {  	s7 =	sshll.u32 s26, $0x1;
	_ =	strace $0x80000046;
	[dreg:$0x1] =	wrdreg $0xFFFFFFFF  }
0xaa: {  	s28 =	simm.s32 $_size_execute0_lowered;
	s6 =	sadd.s32 s6, s7;
	[dreg:$0x0] =	wrdreg $0x0  }
0xab: {  	s7 =	sshll.u32 s28, $0x1;
	[dreg:$0x2] =	wrdreg s6  }
0xac: {  	[dreg:$0x3] =	wrdreg s7  }
0xad: {  	[dreg:$0x4] =	wrdreg $0xC0  }
0xae: {  	_ =	task [dreg:s10], $0x5FFFF  }
0xaf: {  	[dreg:$0x1] =	wrdreg $0xFFFFFFFF  }
0xb0: {  	[dreg:$0x0] =	wrdreg $0x60  }
0xb1: {  	[dreg:$0x2] =	wrdreg s2  }
0xb2: {  	[dreg:$0x3] =	wrdreg s19  }
0xb3: {  	[dreg:$0x4] =	wrdreg s4  }
0xb4: {  	[dreg:$0x5] =	wrdreg s5  }
0xb5: {  	[dreg:$0x6] =	wrdreg $0x9  }
0xb6: {  	_ =	task.clear_ibuf [dreg:s10], $0x7FFFF;
	_ =	strace $0x90000046  }
0xb7: {  	s29 =	simm.s32 $0x9;
	_ =	strace $0x80000048  }
0xb8: {  	_ =	swait.ge [sflag:s29], $0x1  }
0xb9: {  	[sflag:s29] =	ssyncadd.s32 $0xFFFFFFFF  }
0xba: {  	_ =	strace $0x90000048  }
0xbb: {  	_ =	sfence  }
0xbc: {  	s30 =	sld [smem:$0x0];
	_ =	sdelay $0x2  }
0xbd: {  	s31 =	sshll.u32 s1, $0xD;
	s1 =	sshrl.u32 s1, $0x2  }
0xbe: {  	s3 =	sand.u32 $0x4000, s31;
	s1 =	sadd.s32 s1, s30  }
0xbf: {  	s0 =	sor.u32 s3, s0;
	s1 =	sshll.u32 s1, $0x11  }
0xc0: {  	s0 =	sor.u32 s1, s0  }
0xc1: {  	s0 =	sadd.s32 $0x8F2B, s0  }
0xc2: {  	[sflag:s0] =	ssyncadd.remote.s32 $0x1  }
0xc3: {  	_ =	sfence.sel $0xFFFF  }
0xc4: {  	[dreg:$0x0] =	wrdreg $0xFFFFFFFF;
	(pc) =	sbr.abs _section_cstart, $3  }
0xc5: {  	[dreg:$0x1] =	wrdreg $0xFFFFFFFF  }
0xc6: {  	_ =	task.clear_ibuf [dreg:s10], $0x2FFFF;
	_ =	strace $0x9FFFFFFF  }
0xc7: {  	(tm) =	ssettm $0x7FFFFFFF  }
tec
execute0_lowered:
.L_overlay_start_1:
0x0: {  	(tag) =	ssettag $0x1  }
0x1: {  	s5 =	rddreg [dreg:$0x0]  }
0x2: {  	s1 =	rddreg [dreg:$0x1]  }
0x3: {  	s3 =	rddreg [dreg:$0x2]  }
0x4: {  	s2 =	srdreg.scid;
	s0 =	stileid.u32  }
0x5: {  	s13 =	rddreg [dreg:$0x3];
	s4 =	simm.s32 $0x0;
	s16 =	simm.s32 $0x8000  }
0x6: {  	s17 =	simm.s32 $0x10000;
	s6 =	sand.u32 $0x1, s2;
	s2 =	rddreg [dreg:$0x4]  }
0x7: {  	s18 =	simm.s32 $0x0;
	s7 =	sshll.u32 s0, $0x1;
	[smem:$0x7FF] =	sst s4  }
0x8: {  	s14 =	sor.u32 s6, s7;
	s6 =	ssub.s32 $0x2, s6;
	_ =	strace $0x80000047  }
0x9: {  	s7 =	sshll.u32 s14, $0xE;
	s8 =	sshrl.u32 s6, $0x1;
	s14 =	sshll.u32 s14, $0xC  }
0xa: {  	s5 =	sadd.s32 s5, s7;
	s15 =	ssub.s32 s6, s8;
	s13 =	sadd.s32 s13, s14  }
0xb: {  	s6 =	sadd.s32 $0x80000, s5;
	s7 =	sadd.s32 $0x1000, s5;
	s8 =	sadd.s32 $0x81000, s5  }
0xc: {  	s9 =	sadd.s32 $0x2000, s5;
	s10 =	sadd.s32 $0x82000, s5;
	s11 =	sadd.s32 $0x3000, s5  }
0xd: {  	v0 =	vlaneseq.u32;
	s12 =	sadd.s32 $0x83000, s5;
	s14 =	smax.u32 s15, $0x1;
	s15 =	simm.s32 $0x1  }
.LBB2_1:
0xe: {  	s19 =	simm.s32 $0x18000  }
0xf: {  	[tilespmem:s19], [sflag:$0x1] =	stream.linear.gather [hbm4b:s1+s4], $0x400, $0x38;
	[tilespmem:$0x18800] =	vst v63  }
0x10: {  	_ =	swait.ge [sflag:s15], $0x400  }
0x11: {  	[sflag:s15] =	ssyncset.done $0x0  }
0x12: {  	s20 =	simm.s32 $0x18400;
	[sflag:s15] =	ssyncadd.s32 $0xFFFFFC00  }
0x13: {  	[tilespmem:s20], [sflag:$0x1] =	stream.linear.gather [hbm4b:s3+s4], $0x400, $0x38;
	[tilespmem:$0x18800] =	vst v63  }
0x14: {  	_ =	swait.ge [sflag:s15], $0x400  }
0x15: {  	[sflag:s15] =	ssyncset.done $0x0  }
0x16: {  	[sflag:s15] =	ssyncadd.s32 $0xFFFFFC00  }
0x17: {  	[tilespmem:s4], [sflag:$0x1] =	stream.linear.gather [hbm4b:s5+s4], $0x8000, $0x38;
	[tilespmem:$0x18800] =	vst v63  }
0x18: {  	_ =	swait.ge [sflag:s15], $0x8000  }
0x19: {  	[sflag:s15] =	ssyncset.done $0x0  }
0x1a: {  	[sflag:s15] =	ssyncadd.s32 $0xFFFF8000  }
0x1b: {  	[tilespmem:s16], [sflag:$0x1] =	stream.linear.gather [hbm4b:s6+s4], $0x8000, $0x38;
	[tilespmem:$0x18800] =	vst v63  }
0x1c: {  	_ =	swait.ge [sflag:s15], $0x8000  }
0x1d: {  	[sflag:s15] =	ssyncset.done $0x0  }
0x1e: {  	s21 =	simm.s32 $0x0;
	[sflag:s15] =	ssyncadd.s32 $0xFFFF8000  }
.LBB2_2:
0x1f: {  	v1 =	vld [tilespmem:s19+$0x0]  }
0x20: {  	v2 =	vld [tilespmem:s20+$0x0];
	_ =	sdelay $0x3  }
0x21: {  	v4 =	vmul.f32 $6.300000000e+01, v1  }
0x22: {  	v5 =	vmul.f32 $6.300000000e+01, v2  }
0x23: {  	v1 =	vtrunc.f32 v4  }
0x24: {  	v3 =	vcvt.f32.s32 v1;
	v1 =	vtrunc.f32 v5  }
0x25: {  	v6 =	vcvt.f32.s32 v1  }
0x26: {  	v1 =	vadd.s32 $0x1, v3  }
0x27: {  	vm0 =	vlt.s32 v1, $0x3F;
	v2 =	vshll.u32 v6, $0x6;
	v8 =	vadd.s32 $0x1, v6  }
0x28: {  	v7 =	vnsel vm0, $0x3F, v1;
	v1 =	vadd.s32 v3, v2;
	vm15 =	vlt.s32 v8, $0x3F  }
0x29: {  	v2 =	vadd.s32 v7, v2;
	v8 =	vnsel vm15, $0x3F, v8  }
0x2a: {  	v8 =	vshll.u32 v8, $0x6  }
0x2b: {  	v9 =	vcvt.s32.f32 v3;
	v6 =	vcvt.s32.f32 v6;
	v3 =	vadd.s32 v3, v8;
	_ =	sdelay $0x1  }
0x2c: {  	v9 =	vsub.f32 v4, v9;
	v10 =	vsub.f32 v5, v6;
	v22 =	vadd.s32 v7, v8;
	v11 =	vld.idx.msk [tilespmem:v1+s4+$0x0], $0xffff  }
0x2d: {  	v23 =	vld.idx.msk [tilespmem:v2+s4+$0x0], $0xffff  }
0x2e: {  	v24 =	vsub.f32 $1.000000000e+00, v9;
	v6 =	vsub.f32 $1.000000000e+00, v10  }
0x2f: {  	v12 =	vld.idx.msk [tilespmem:v3+s4+$0x0], $0xffff  }
0x30: {  	v25 =	vmul.f32 v6, v24;
	v6 =	vmul.f32 v6, v9  }
0x31: {  	v27 =	vmov s21;
	v8 =	vmul.f32 v10, v24;
	v14 =	vld.idx.msk [tilespmem:v22+s4+$0x0], $0xffff  }
0x32: {  	v28 =	vor.u32 s21, v0;
	v11 =	vmul.f32 v25, v11;
	v13 =	vmul.f32 v6, v23  }
0x33: {  	v26 =	vmul.f32 v10, v9;
	v10 =	vand.u32 $0x7F, v28;
	v9 =	vshll.u32 v27, $0x3  }
0x34: {  	v29 =	vand.u32 $0xC00, v9;
	v11 =	vadd.f32 v13, v11;
	v12 =	vmul.f32 v8, v12  }
0x35: {  	v13 =	vor.u32 v10, v29  }
0x36: {  	v31 =	vadd.s32 $0x1000, v1;
	v30 =	vmul.f32 v26, v14;
	v11 =	vadd.f32 v11, v12  }
0x37: {  	v15 =	vadd.s32 $0x1000, v2  }
0x38: {  	v11 =	vadd.f32 v11, v30  }
0x39: {  	v32 =	vadd.s32 $0x1000, v3  }
0x3a: {  	[tilespmem:v13+s17+$0x0] =	vst.idx.msk $0xffff, v11  }
0x3b: {  	v33 =	vadd.s32 $0x1000, v22;
	v11 =	vld.idx.msk [tilespmem:v31+s4+$0x0], $0xffff  }
0x3c: {  	v15 =	vld.idx.msk [tilespmem:v15+s4+$0x0], $0xffff;
	_ =	sdelay $0x1  }
0x3d: {  	v12 =	vld.idx.msk [tilespmem:v32+s4+$0x0], $0xffff;
	_ =	sdelay $0x1  }
0x3e: {  	v14 =	vld.idx.msk [tilespmem:v33+s4+$0x0], $0xffff  }
0x3f: {  	v11 =	vmul.f32 v25, v11;
	v15 =	vmul.f32 v15, v6;
	_ =	sdelay $0x1  }
0x40: {  	v12 =	vmul.f32 v12, v8;
	v11 =	vadd.f32 v15, v11  }
0x41: {  	v34 =	vor.u32 $0x80, v13  }
0x42: {  	v36 =	vadd.s32 $0x2000, v1;
	v35 =	vmul.f32 v14, v26;
	v11 =	vadd.f32 v12, v11  }
0x43: {  	v16 =	vadd.s32 $0x2000, v2  }
0x44: {  	v11 =	vadd.f32 v35, v11  }
0x45: {  	v37 =	vadd.s32 $0x2000, v3  }
0x46: {  	[tilespmem:v34+s17+$0x0] =	vst.idx.msk $0xffff, v11  }
0x47: {  	v38 =	vadd.s32 $0x2000, v22;
	v11 =	vld.idx.msk [tilespmem:v36+s4+$0x0], $0xffff  }
0x48: {  	v15 =	vld.idx.msk [tilespmem:v16+s4+$0x0], $0xffff;
	_ =	sdelay $0x1  }
0x49: {  	v12 =	vld.idx.msk [tilespmem:v37+s4+$0x0], $0xffff;
	_ =	sdelay $0x1  }
0x4a: {  	v14 =	vld.idx.msk [tilespmem:v38+s4+$0x0], $0xffff  }
0x4b: {  	v11 =	vmul.f32 v11, v25;
	v15 =	vmul.f32 v15, v6;
	_ =	sdelay $0x1  }
0x4c: {  	v12 =	vmul.f32 v12, v8;
	v11 =	vadd.f32 v15, v11  }
0x4d: {  	v39 =	vor.u32 $0x100, v13  }
0x4e: {  	v41 =	vadd.s32 $0x3000, v1;
	v40 =	vmul.f32 v14, v26;
	v11 =	vadd.f32 v12, v11  }
0x4f: {  	v42 =	vadd.s32 $0x3000, v2  }
0x50: {  	v11 =	vadd.f32 v40, v11  }
0x51: {  	v43 =	vadd.s32 $0x3000, v3  }
0x52: {  	[tilespmem:v39+s17+$0x0] =	vst.idx.msk $0xffff, v11  }
0x53: {  	v44 =	vadd.s32 $0x3000, v22;
	v11 =	vld.idx.msk [tilespmem:v41+s4+$0x0], $0xffff  }
0x54: {  	v15 =	vld.idx.msk [tilespmem:v42+s4+$0x0], $0xffff;
	_ =	sdelay $0x1  }
0x55: {  	v12 =	vld.idx.msk [tilespmem:v43+s4+$0x0], $0xffff;
	_ =	sdelay $0x1  }
0x56: {  	v14 =	vld.idx.msk [tilespmem:v44+s4+$0x0], $0xffff  }
0x57: {  	v11 =	vmul.f32 v11, v25;
	v15 =	vmul.f32 v15, v6;
	_ =	sdelay $0x1  }
0x58: {  	v12 =	vmul.f32 v12, v8;
	v11 =	vadd.f32 v15, v11  }
0x59: {  	v45 =	vor.u32 $0x180, v13  }
0x5a: {  	v47 =	vadd.s32 $0x4000, v1;
	v46 =	vmul.f32 v14, v26;
	v11 =	vadd.f32 v12, v11  }
0x5b: {  	v48 =	vadd.s32 $0x4000, v2  }
0x5c: {  	v11 =	vadd.f32 v46, v11  }
0x5d: {  	v49 =	vadd.s32 $0x4000, v3  }
0x5e: {  	[tilespmem:v45+s17+$0x0] =	vst.idx.msk $0xffff, v11  }
0x5f: {  	v50 =	vadd.s32 $0x4000, v22;
	v11 =	vld.idx.msk [tilespmem:v47+s4+$0x0], $0xffff  }
0x60: {  	v15 =	vld.idx.msk [tilespmem:v48+s4+$0x0], $0xffff;
	_ =	sdelay $0x1  }
0x61: {  	v12 =	vld.idx.msk [tilespmem:v49+s4+$0x0], $0xffff;
	_ =	sdelay $0x1  }
0x62: {  	v14 =	vld.idx.msk [tilespmem:v50+s4+$0x0], $0xffff  }
0x63: {  	v11 =	vmul.f32 v11, v25;
	v15 =	vmul.f32 v15, v6;
	_ =	sdelay $0x1  }
0x64: {  	v12 =	vmul.f32 v12, v8;
	v11 =	vadd.f32 v15, v11  }
0x65: {  	v51 =	vor.u32 $0x200, v13  }
0x66: {  	v53 =	vadd.s32 $0x5000, v1;
	v52 =	vmul.f32 v14, v26;
	v11 =	vadd.f32 v12, v11  }
0x67: {  	v54 =	vadd.s32 $0x5000, v2  }
0x68: {  	v11 =	vadd.f32 v52, v11  }
0x69: {  	v55 =	vadd.s32 $0x5000, v3  }
0x6a: {  	[tilespmem:v51+s17+$0x0] =	vst.idx.msk $0xffff, v11  }
0x6b: {  	v56 =	vadd.s32 $0x5000, v22;
	v11 =	vld.idx.msk [tilespmem:v53+s4+$0x0], $0xffff  }
0x6c: {  	v15 =	vld.idx.msk [tilespmem:v54+s4+$0x0], $0xffff;
	_ =	sdelay $0x1  }
0x6d: {  	v12 =	vld.idx.msk [tilespmem:v55+s4+$0x0], $0xffff;
	_ =	sdelay $0x1  }
0x6e: {  	v14 =	vld.idx.msk [tilespmem:v56+s4+$0x0], $0xffff  }
0x6f: {  	v11 =	vmul.f32 v11, v25;
	v15 =	vmul.f32 v15, v6;
	_ =	sdelay $0x1  }
0x70: {  	v12 =	vmul.f32 v12, v8;
	v11 =	vadd.f32 v15, v11  }
0x71: {  	v57 =	vor.u32 $0x280, v13  }
0x72: {  	v59 =	vadd.s32 $0x6000, v1;
	v58 =	vmul.f32 v14, v26;
	v11 =	vadd.f32 v12, v11  }
0x73: {  	v60 =	vadd.s32 $0x6000, v2  }
0x74: {  	v11 =	vadd.f32 v58, v11  }
0x75: {  	v61 =	vadd.s32 $0x6000, v3  }
0x76: {  	[tilespmem:v57+s17+$0x0] =	vst.idx.msk $0xffff, v11  }
0x77: {  	v62 =	vadd.s32 $0x6000, v22;
	v11 =	vld.idx.msk [tilespmem:v59+s4+$0x0], $0xffff  }
0x78: {  	v15 =	vld.idx.msk [tilespmem:v60+s4+$0x0], $0xffff;
	_ =	sdelay $0x1  }
0x79: {  	v12 =	vld.idx.msk [tilespmem:v61+s4+$0x0], $0xffff;
	_ =	sdelay $0x1  }
0x7a: {  	v14 =	vld.idx.msk [tilespmem:v62+s4+$0x0], $0xffff  }
0x7b: {  	v11 =	vmul.f32 v11, v25;
	v15 =	vmul.f32 v15, v6;
	_ =	sdelay $0x1  }
0x7c: {  	v12 =	vmul.f32 v12, v8;
	v11 =	vadd.f32 v15, v11  }
0x7d: {  	v13 =	vor.u32 $0x300, v13  }
0x7e: {  	v1 =	vadd.s32 $0x7000, v1;
	v63 =	vmul.f32 v14, v26;
	v11 =	vadd.f32 v12, v11  }
0x7f: {  	v2 =	vadd.s32 $0x7000, v2  }
0x80: {  	v11 =	vadd.f32 v63, v11  }
0x81: {  	v3 =	vadd.s32 $0x7000, v3  }
0x82: {  	[tilespmem:v13+s17+$0x0] =	vst.idx.msk $0xffff, v11  }
0x83: {  	v4 =	vadd.s32 $0x7000, v22;
	v1 =	vld.idx.msk [tilespmem:v1+s4+$0x0], $0xffff  }
0x84: {  	v2 =	vld.idx.msk [tilespmem:v2+s4+$0x0], $0xffff;
	_ =	sdelay $0x1  }
0x85: {  	v3 =	vld.idx.msk [tilespmem:v3+s4+$0x0], $0xffff;
	_ =	sdelay $0x1  }
0x86: {  	v4 =	vld.idx.msk [tilespmem:v4+s4+$0x0], $0xffff  }
0x87: {  	v1 =	vmul.f32 v1, v25;
	v2 =	vmul.f32 v2, v6;
	_ =	sdelay $0x1  }
0x88: {  	v1 =	vadd.f32 v2, v1;
	v2 =	vmul.f32 v3, v8;
	v3 =	vor.u32 v10, v9  }
0x89: {  	p0 =	sne.s32 s21, $0x1F0;
	v3 =	vor.u32 $0x380, v3  }
.Ltmp0:
0x8a: {  	v1 =	vadd.f32 v2, v1;
	v2 =	vmul.f32 v4, v26;
	(pc) =	sbr.rel @p0 .LBB2_2-.Ltmp0, $3  }
0x8b: {  	_ = 	snop  }
0x8c: {  	v1 =	vadd.f32 v2, v1;
	_ =	sdelay $0x1  }
0x8d: {  	s19 =	sadd.s32 $0x10, s19;
	s20 =	sadd.s32 $0x10, s20;
	s21 =	sadd.s32 $0x10, s21;
	[tilespmem:v3+s17+$0x0] =	vst.idx.msk $0xffff, v1  }
0x8e: {  	s19 =	simm.s32 $0x18200  }
0x8f: {  	s20 =	simm.s32 $0x18600;
	v1 =	vld [tilespmem:s19+$0x0]  }
0x90: {  	v2 =	vld [tilespmem:s20+$0x0];
	_ =	sdelay $0x3  }
0x91: {  	v1 =	vmul.f32 $6.300000000e+01, v1  }
0x92: {  	v2 =	vmul.f32 $6.300000000e+01, v2  }
0x93: {  	v3 =	vtrunc.f32 v1  }
0x94: {  	v4 =	vtrunc.f32 v2;
	v3 =	vcvt.f32.s32 v3  }
0x95: {  	v4 =	vcvt.f32.s32 v4  }
0x96: {  	v5 =	vadd.s32 $0x1, v3  }
0x97: {  	v7 =	vadd.s32 $0x1, v4;
	v8 =	vshll.u32 v4, $0x6;
	vm0 =	vlt.s32 v5, $0x3F  }
0x98: {  	vm15 =	vlt.s32 v7, $0x3F;
	v6 =	vadd.s32 v3, v8;
	v9 =	vnsel vm0, $0x3F, v5  }
0x99: {  	v7 =	vnsel vm15, $0x3F, v7;
	v10 =	vadd.s32 $0x8000, v6;
	v5 =	vadd.s32 v9, v8  }
0x9a: {  	v7 =	vshll.u32 v7, $0x6;
	v11 =	vadd.s32 $0x8000, v5  }
0x9b: {  	v8 =	vadd.s32 v3, v7  }
0x9c: {  	v4 =	vcvt.s32.f32 v4;
	v3 =	vcvt.s32.f32 v3;
	v12 =	vadd.s32 $0x8000, v8  }
0x9d: {  	v9 =	vadd.s32 v9, v7  }
0x9e: {  	v4 =	vsub.f32 v2, v4;
	v7 =	vsub.f32 v1, v3;
	v3 =	vadd.s32 $0x8000, v9;
	v10 =	vld.idx.msk [tilespmem:v10+s4+$0x0], $0xffff  }
0x9f: {  	v11 =	vld.idx.msk [tilespmem:v11+s4+$0x0], $0xffff  }
0xa0: {  	v1 =	vsub.f32 $1.000000000e+00, v4;
	v13 =	vsub.f32 $1.000000000e+00, v7  }
0xa1: {  	v12 =	vld.idx.msk [tilespmem:v12+s4+$0x0], $0xffff  }
0xa2: {  	s21 =	simm.s32 $0x200;
	v2 =	vmul.f32 v1, v13;
	v1 =	vmul.f32 v1, v7  }
0xa3: {  	v14 =	vmov s21;
	v42 =	vor.u32 s21, v0;
	v15 =	vld.idx.msk [tilespmem:v3+s4+$0x0], $0xffff;
	v3 =	vmul.f32 v4, v13  }
0xa4: {  	v14 =	vshll.u32 v14, $0x3;
	v10 =	vmul.f32 v2, v10;
	v11 =	vmul.f32 v1, v11  }
0xa5: {  	v16 =	vand.u32 $0x1C00, v14;
	v13 =	vand.u32 $0x7F, v42  }
0xa6: {  	v4 =	vmul.f32 v4, v7;
	v7 =	vadd.f32 v11, v10;
	v10 =	vmul.f32 v3, v12  }
0xa7: {  	v11 =	vor.u32 v13, v16  }
0xa8: {  	v43 =	vadd.s32 $0x9000, v6;
	v7 =	vadd.f32 v7, v10;
	v10 =	vmul.f32 v4, v15  }
0xa9: {  	v44 =	vadd.s32 $0x9000, v5  }
0xaa: {  	v7 =	vadd.f32 v7, v10  }
0xab: {  	v10 =	vadd.s32 $0x9000, v8  }
0xac: {  	[tilespmem:v11+s17+$0x0] =	vst.idx.msk $0xffff, v7  }
0xad: {  	v45 =	vadd.s32 $0x9000, v9;
	v7 =	vld.idx.msk [tilespmem:v43+s4+$0x0], $0xffff  }
0xae: {  	v15 =	vld.idx.msk [tilespmem:v44+s4+$0x0], $0xffff;
	_ =	sdelay $0x1  }
0xaf: {  	v10 =	vld.idx.msk [tilespmem:v10+s4+$0x0], $0xffff;
	_ =	sdelay $0x1  }
0xb0: {  	v12 =	vld.idx.msk [tilespmem:v45+s4+$0x0], $0xffff  }
0xb1: {  	v7 =	vmul.f32 v2, v7;
	v15 =	vmul.f32 v15, v1;
	_ =	sdelay $0x1  }
0xb2: {  	v7 =	vadd.f32 v15, v7;
	v10 =	vmul.f32 v10, v3  }
0xb3: {  	v46 =	vor.u32 $0x80, v11  }
0xb4: {  	v47 =	vadd.s32 $0xA000, v6;
	v7 =	vadd.f32 v10, v7;
	v10 =	vmul.f32 v12, v4  }
0xb5: {  	v48 =	vadd.s32 $0xA000, v5  }
0xb6: {  	v7 =	vadd.f32 v10, v7  }
0xb7: {  	v10 =	vadd.s32 $0xA000, v8  }
0xb8: {  	[tilespmem:v46+s17+$0x0] =	vst.idx.msk $0xffff, v7  }
0xb9: {  	v49 =	vadd.s32 $0xA000, v9;
	v7 =	vld.idx.msk [tilespmem:v47+s4+$0x0], $0xffff  }
0xba: {  	v15 =	vld.idx.msk [tilespmem:v48+s4+$0x0], $0xffff;
	_ =	sdelay $0x1  }
0xbb: {  	v10 =	vld.idx.msk [tilespmem:v10+s4+$0x0], $0xffff;
	_ =	sdelay $0x1  }
0xbc: {  	v12 =	vld.idx.msk [tilespmem:v49+s4+$0x0], $0xffff  }
0xbd: {  	v7 =	vmul.f32 v7, v2;
	v15 =	vmul.f32 v15, v1;
	_ =	sdelay $0x1  }
0xbe: {  	v7 =	vadd.f32 v15, v7;
	v10 =	vmul.f32 v10, v3  }
0xbf: {  	v50 =	vor.u32 $0x100, v11  }
0xc0: {  	v51 =	vadd.s32 $0xB000, v6;
	v7 =	vadd.f32 v10, v7;
	v10 =	vmul.f32 v12, v4  }
0xc1: {  	v52 =	vadd.s32 $0xB000, v5  }
0xc2: {  	v7 =	vadd.f32 v10, v7  }
0xc3: {  	v10 =	vadd.s32 $0xB000, v8  }
0xc4: {  	[tilespmem:v50+s17+$0x0] =	vst.idx.msk $0xffff, v7  }
0xc5: {  	v53 =	vadd.s32 $0xB000, v9;
	v7 =	vld.idx.msk [tilespmem:v51+s4+$0x0], $0xffff  }
0xc6: {  	v15 =	vld.idx.msk [tilespmem:v52+s4+$0x0], $0xffff;
	_ =	sdelay $0x1  }
0xc7: {  	v10 =	vld.idx.msk [tilespmem:v10+s4+$0x0], $0xffff;
	_ =	sdelay $0x1  }
0xc8: {  	v12 =	vld.idx.msk [tilespmem:v53+s4+$0x0], $0xffff  }
0xc9: {  	v7 =	vmul.f32 v7, v2;
	v15 =	vmul.f32 v15, v1;
	_ =	sdelay $0x1  }
0xca: {  	v7 =	vadd.f32 v15, v7;
	v10 =	vmul.f32 v10, v3  }
0xcb: {  	v54 =	vor.u32 $0x180, v11  }
0xcc: {  	v55 =	vadd.s32 $0xC000, v5;
	v7 =	vadd.f32 v10, v7;
	v10 =	vmul.f32 v12, v4  }
0xcd: {  	v56 =	vadd.s32 $0xC000, v6  }
0xce: {  	v7 =	vadd.f32 v10, v7  }
0xcf: {  	v10 =	vadd.s32 $0xC000, v8  }
0xd0: {  	[tilespmem:v54+s17+$0x0] =	vst.idx.msk $0xffff, v7  }
0xd1: {  	v57 =	vadd.s32 $0xC000, v9;
	v7 =	vld.idx.msk [tilespmem:v55+s4+$0x0], $0xffff  }
0xd2: {  	v15 =	vld.idx.msk [tilespmem:v56+s4+$0x0], $0xffff;
	_ =	sdelay $0x1  }
0xd3: {  	v10 =	vld.idx.msk [tilespmem:v10+s4+$0x0], $0xffff;
	_ =	sdelay $0x1  }
0xd4: {  	v12 =	vld.idx.msk [tilespmem:v57+s4+$0x0], $0xffff  }
0xd5: {  	v7 =	vmul.f32 v7, v1;
	v15 =	vmul.f32 v15, v2;
	_ =	sdelay $0x1  }
0xd6: {  	v7 =	vadd.f32 v7, v15;
	v10 =	vmul.f32 v10, v3  }
0xd7: {  	v58 =	vor.u32 $0x200, v11  }
0xd8: {  	v59 =	vadd.s32 $0xD000, v6;
	v7 =	vadd.f32 v10, v7;
	v10 =	vmul.f32 v12, v4  }
0xd9: {  	v60 =	vadd.s32 $0xD000, v5  }
0xda: {  	v7 =	vadd.f32 v10, v7  }
0xdb: {  	v10 =	vadd.s32 $0xD000, v8  }
0xdc: {  	[tilespmem:v58+s17+$0x0] =	vst.idx.msk $0xffff, v7  }
0xdd: {  	v7 =	vadd.s32 $0xD000, v9;
	v12 =	vld.idx.msk [tilespmem:v59+s4+$0x0], $0xffff  }
0xde: {  	v15 =	vld.idx.msk [tilespmem:v60+s4+$0x0], $0xffff;
	_ =	sdelay $0x1  }
0xdf: {  	v10 =	vld.idx.msk [tilespmem:v10+s4+$0x0], $0xffff;
	_ =	sdelay $0x1  }
0xe0: {  	v7 =	vld.idx.msk [tilespmem:v7+s4+$0x0], $0xffff  }
0xe1: {  	v12 =	vmul.f32 v12, v2;
	v15 =	vmul.f32 v15, v1;
	_ =	sdelay $0x1  }
0xe2: {  	v12 =	vadd.f32 v15, v12;
	v10 =	vmul.f32 v10, v3  }
0xe3: {  	v61 =	vor.u32 $0x280, v11  }
0xe4: {  	v62 =	vadd.s32 $0xE000, v6;
	v10 =	vadd.f32 v10, v12;
	v7 =	vmul.f32 v7, v4  }
0xe5: {  	v63 =	vadd.s32 $0xE000, v5  }
0xe6: {  	v7 =	vadd.f32 v7, v10  }
0xe7: {  	v10 =	vadd.s32 $0xE000, v8  }
0xe8: {  	[tilespmem:v61+s17+$0x0] =	vst.idx.msk $0xffff, v7  }
0xe9: {  	v7 =	vadd.s32 $0xE000, v9;
	v12 =	vld.idx.msk [tilespmem:v62+s4+$0x0], $0xffff  }
0xea: {  	v15 =	vld.idx.msk [tilespmem:v63+s4+$0x0], $0xffff;
	_ =	sdelay $0x1  }
0xeb: {  	v10 =	vld.idx.msk [tilespmem:v10+s4+$0x0], $0xffff;
	_ =	sdelay $0x1  }
0xec: {  	v7 =	vld.idx.msk [tilespmem:v7+s4+$0x0], $0xffff  }
0xed: {  	v12 =	vmul.f32 v12, v2;
	v15 =	vmul.f32 v15, v1;
	_ =	sdelay $0x1  }
0xee: {  	v10 =	vmul.f32 v10, v3;
	v12 =	vadd.f32 v15, v12  }
0xef: {  	v11 =	vor.u32 $0x300, v11  }
0xf0: {  	v7 =	vmul.f32 v7, v4;
	v10 =	vadd.f32 v10, v12;
	_ =	sdelay $0x1  }
0xf1: {  	v10 =	vadd.f32 v7, v10  }
0xf2: {  	v6 =	vadd.s32 $0xF000, v6  }
0xf3: {  	[tilespmem:v11+s17+$0x0] =	vst.idx.msk $0xffff, v10;
	v10 =	vadd.s32 $0xF000, v5  }
0xf4: {  	v11 =	vadd.s32 $0xF000, v8  }
0xf5: {  	v5 =	vadd.s32 $0xF000, v9;
	_ =	sdelay $0x1  }
0xf6: {  	s21 =	simm.s32 $0x210;
	v7 =	vor.u32 v13, v14;
	v6 =	vld.idx.msk [tilespmem:v6+s4+$0x0], $0xffff  }
.LBB2_4:
0xf7: {  	p0 =	sne.s32 s21, $0x3F0;
	v8 =	vld.idx.msk [tilespmem:v10+s4+$0x0], $0xffff;
	s20 =	sadd.s32 $0x10, s20;
	s19 =	sadd.s32 $0x10, s19  }
0xf8: {  	s22 =	smov.u32 s21;
	s21 =	sadd.s32 $0x10, s21;
	v9 =	vld.idx.msk [tilespmem:v11+s4+$0x0], $0xffff  }
0xf9: {  	v5 =	vld.idx.msk [tilespmem:v5+s4+$0x0], $0xffff;
	_ =	sdelay $0x2  }
0xfa: {  	v2 =	vmul.f32 v6, v2  }
0xfb: {  	v1 =	vmul.f32 v8, v1  }
0xfc: {  	v6 =	vor.u32 $0x380, v7;
	v3 =	vmul.f32 v9, v3  }
0xfd: {  	v1 =	vadd.f32 v1, v2  }
0xfe: {  	v2 =	vmul.f32 v5, v4  }
0xff: {  	v1 =	vadd.f32 v3, v1;
	_ =	sdelay $0x1  }
0x100: {  	v1 =	vadd.f32 v2, v1;
	_ =	sdelay $0x1  }
0x101: {  	[tilespmem:v6+s17+$0x0] =	vst.idx.msk $0xffff, v1  }
0x102: {  	v1 =	vld [tilespmem:s19+$0x0];
	_ =	sdelay $0x1  }
0x103: {  	v2 =	vld [tilespmem:s20+$0x0];
	_ =	sdelay $0x2  }
0x104: {  	v1 =	vmul.f32 $6.300000000e+01, v1;
	_ =	sdelay $0x1  }
0x105: {  	v2 =	vmul.f32 $6.300000000e+01, v2;
	v3 =	vtrunc.f32 v1  }
0x106: {  	v3 =	vcvt.f32.s32 v3  }
0x107: {  	v4 =	vtrunc.f32 v2  }
0x108: {  	v4 =	vcvt.f32.s32 v4;
	v7 =	vcvt.s32.f32 v3;
	v5 =	vadd.s32 $0x1, v3  }
0x109: {  	vm0 =	vlt.s32 v5, $0x3F  }
0x10a: {  	v8 =	vnsel vm0, $0x3F, v5;
	v9 =	vadd.s32 $0x1, v4;
	v6 =	vshll.u32 v4, $0x6  }
0x10b: {  	vm0 =	vlt.s32 v9, $0x3F;
	v5 =	vadd.s32 v3, v6;
	v6 =	vadd.s32 v8, v6  }
0x10c: {  	v4 =	vcvt.s32.f32 v4;
	v9 =	vnsel vm0, $0x3F, v9;
	v10 =	vadd.s32 $0x8000, v5  }
0x10d: {  	v7 =	vsub.f32 v1, v7;
	v1 =	vadd.s32 $0x8000, v6;
	v11 =	vshll.u32 v9, $0x6  }
0x10e: {  	v4 =	vsub.f32 v2, v4;
	v9 =	vadd.s32 v3, v11;
	v8 =	vadd.s32 v8, v11  }
0x10f: {  	v2 =	vadd.s32 $0x8000, v9  }
0x110: {  	v3 =	vsub.f32 $1.000000000e+00, v4  }
0x111: {  	v11 =	vadd.s32 $0x8000, v8;
	v10 =	vld.idx.msk [tilespmem:v10+s4+$0x0], $0xffff  }
0x112: {  	v12 =	vld.idx.msk [tilespmem:v1+s4+$0x0], $0xffff;
	_ =	sdelay $0x1  }
0x113: {  	v13 =	vsub.f32 $1.000000000e+00, v7;
	v14 =	vld.idx.msk [tilespmem:v2+s4+$0x0], $0xffff;
	_ =	sdelay $0x1  }
0x114: {  	v15 =	vmov s22;
	v1 =	vmul.f32 v3, v7;
	v2 =	vmul.f32 v3, v13;
	v11 =	vld.idx.msk [tilespmem:v11+s4+$0x0], $0xffff  }
0x115: {  	v15 =	vshll.u32 v15, $0x3;
	v3 =	vmul.f32 v4, v13;
	v13 =	vor.u32 s22, v0  }
0x116: {  	v16 =	vand.u32 $0x1C00, v15;
	v10 =	vmul.f32 v2, v10;
	v12 =	vmul.f32 v1, v12  }
0x117: {  	v13 =	vand.u32 $0x7F, v13  }
0x118: {  	v4 =	vmul.f32 v4, v7;
	v12 =	vadd.f32 v12, v10;
	v14 =	vmul.f32 v3, v14  }
0x119: {  	v7 =	vor.u32 v13, v15;
	v10 =	vor.u32 v13, v16  }
0x11a: {  	v13 =	vadd.s32 $0x9000, v5;
	v12 =	vadd.f32 v12, v14;
	v11 =	vmul.f32 v4, v11  }
0x11b: {  	v14 =	vadd.s32 $0x9000, v6  }
0x11c: {  	v11 =	vadd.f32 v12, v11  }
0x11d: {  	v12 =	vadd.s32 $0x9000, v9  }
0x11e: {  	[tilespmem:v10+s17+$0x0] =	vst.idx.msk $0xffff, v11  }
0x11f: {  	v11 =	vld.idx.msk [tilespmem:v13+s4+$0x0], $0xffff;
	v13 =	vadd.s32 $0x9000, v8  }
0x120: {  	v14 =	vld.idx.msk [tilespmem:v14+s4+$0x0], $0xffff;
	_ =	sdelay $0x1  }
0x121: {  	v12 =	vld.idx.msk [tilespmem:v12+s4+$0x0], $0xffff;
	_ =	sdelay $0x1  }
0x122: {  	v13 =	vld.idx.msk [tilespmem:v13+s4+$0x0], $0xffff;
	_ =	sdelay $0x1  }
0x123: {  	v11 =	vmul.f32 v2, v11;
	v14 =	vmul.f32 v14, v1;
	_ =	sdelay $0x1  }
0x124: {  	v11 =	vadd.f32 v14, v11;
	v12 =	vmul.f32 v12, v3  }
0x125: {  	v14 =	vor.u32 $0x80, v10  }
0x126: {  	v11 =	vadd.f32 v12, v11;
	v12 =	vmul.f32 v13, v4;
	v13 =	vadd.s32 $0xA000, v5  }
0x127: {  	v15 =	vadd.s32 $0xA000, v6  }
0x128: {  	v11 =	vadd.f32 v12, v11  }
0x129: {  	v12 =	vadd.s32 $0xA000, v9  }
0x12a: {  	[tilespmem:v14+s17+$0x0] =	vst.idx.msk $0xffff, v11  }
0x12b: {  	v11 =	vld.idx.msk [tilespmem:v13+s4+$0x0], $0xffff;
	v13 =	vadd.s32 $0xA000, v8  }
0x12c: {  	v14 =	vld.idx.msk [tilespmem:v15+s4+$0x0], $0xffff;
	_ =	sdelay $0x1  }
0x12d: {  	v12 =	vld.idx.msk [tilespmem:v12+s4+$0x0], $0xffff;
	_ =	sdelay $0x1  }
0x12e: {  	v13 =	vld.idx.msk [tilespmem:v13+s4+$0x0], $0xffff;
	_ =	sdelay $0x1  }
0x12f: {  	v11 =	vmul.f32 v11, v2;
	v14 =	vmul.f32 v14, v1;
	_ =	sdelay $0x1  }
0x130: {  	v11 =	vadd.f32 v14, v11;
	v12 =	vmul.f32 v12, v3  }
0x131: {  	v14 =	vor.u32 $0x100, v10  }
0x132: {  	v11 =	vadd.f32 v12, v11;
	v12 =	vmul.f32 v13, v4;
	v13 =	vadd.s32 $0xB000, v5  }
0x133: {  	v15 =	vadd.s32 $0xB000, v6  }
0x134: {  	v11 =	vadd.f32 v12, v11;
	v12 =	vadd.s32 $0xB000, v9;
	_ =	sdelay $0x1  }
0x135: {  	[tilespmem:v14+s17+$0x0] =	vst.idx.msk $0xffff, v11  }
0x136: {  	v11 =	vld.idx.msk [tilespmem:v13+s4+$0x0], $0xffff;
	v13 =	vadd.s32 $0xB000, v8  }
0x137: {  	v14 =	vld.idx.msk [tilespmem:v15+s4+$0x0], $0xffff  }
0x138: {  	v12 =	vld.idx.msk [tilespmem:v12+s4+$0x0], $0xffff;
	_ =	sdelay $0x2  }
0x139: {  	v13 =	vld.idx.msk [tilespmem:v13+s4+$0x0], $0xffff  }
0x13a: {  	v11 =	vmul.f32 v11, v2  }
0x13b: {  	v14 =	vmul.f32 v14, v1;
	_ =	sdelay $0x1  }
0x13c: {  	v12 =	vmul.f32 v12, v3;
	v11 =	vadd.f32 v14, v11  }
0x13d: {  	v14 =	vor.u32 $0x180, v10  }
0x13e: {  	v11 =	vadd.f32 v12, v11;
	v12 =	vmul.f32 v13, v4;
	v13 =	vadd.s32 $0xC000, v6  }
0x13f: {  	v15 =	vadd.s32 $0xC000, v5  }
0x140: {  	v11 =	vadd.f32 v12, v11  }
0x141: {  	v12 =	vadd.s32 $0xC000, v9  }
0x142: {  	[tilespmem:v14+s17+$0x0] =	vst.idx.msk $0xffff, v11  }
0x143: {  	v11 =	vld.idx.msk [tilespmem:v13+s4+$0x0], $0xffff;
	v13 =	vadd.s32 $0xC000, v8  }
0x144: {  	v14 =	vld.idx.msk [tilespmem:v15+s4+$0x0], $0xffff;
	_ =	sdelay $0x1  }
0x145: {  	v12 =	vld.idx.msk [tilespmem:v12+s4+$0x0], $0xffff;
	_ =	sdelay $0x1  }
0x146: {  	v13 =	vld.idx.msk [tilespmem:v13+s4+$0x0], $0xffff  }
0x147: {  	v11 =	vmul.f32 v11, v1  }
0x148: {  	v14 =	vmul.f32 v14, v2;
	_ =	sdelay $0x1  }
0x149: {  	v11 =	vadd.f32 v11, v14;
	v12 =	vmul.f32 v12, v3  }
0x14a: {  	v14 =	vor.u32 $0x200, v10  }
0x14b: {  	v11 =	vadd.f32 v12, v11;
	v12 =	vmul.f32 v13, v4;
	v13 =	vadd.s32 $0xD000, v5  }
0x14c: {  	v15 =	vadd.s32 $0xD000, v6  }
0x14d: {  	v11 =	vadd.f32 v12, v11;
	v12 =	vadd.s32 $0xD000, v9  }
0x14e: {  	v16 =	vadd.s32 $0xD000, v8  }
0x14f: {  	[tilespmem:v14+s17+$0x0] =	vst.idx.msk $0xffff, v11  }
0x150: {  	v11 =	vld.idx.msk [tilespmem:v13+s4+$0x0], $0xffff  }
0x151: {  	v13 =	vld.idx.msk [tilespmem:v15+s4+$0x0], $0xffff  }
0x152: {  	v12 =	vld.idx.msk [tilespmem:v12+s4+$0x0], $0xffff  }
0x153: {  	v14 =	vld.idx.msk [tilespmem:v16+s4+$0x0], $0xffff;
	_ =	sdelay $0x2  }
0x154: {  	v11 =	vmul.f32 v11, v2  }
0x155: {  	v13 =	vmul.f32 v13, v1;
	_ =	sdelay $0x1  }
0x156: {  	v12 =	vmul.f32 v12, v3;
	v11 =	vadd.f32 v13, v11  }
0x157: {  	v13 =	vor.u32 $0x280, v10  }
0x158: {  	v11 =	vadd.f32 v12, v11;
	v12 =	vmul.f32 v14, v4;
	v14 =	vadd.s32 $0xE000, v5  }
0x159: {  	v15 =	vadd.s32 $0xE000, v6  }
0x15a: {  	v11 =	vadd.f32 v12, v11;
	v12 =	vadd.s32 $0xE000, v9  }
0x15b: {  	v16 =	vadd.s32 $0xE000, v8  }
0x15c: {  	[tilespmem:v13+s17+$0x0] =	vst.idx.msk $0xffff, v11  }
0x15d: {  	v11 =	vld.idx.msk [tilespmem:v14+s4+$0x0], $0xffff  }
0x15e: {  	v13 =	vld.idx.msk [tilespmem:v15+s4+$0x0], $0xffff  }
0x15f: {  	v12 =	vld.idx.msk [tilespmem:v12+s4+$0x0], $0xffff  }
0x160: {  	v14 =	vld.idx.msk [tilespmem:v16+s4+$0x0], $0xffff;
	_ =	sdelay $0x2  }
0x161: {  	v11 =	vmul.f32 v11, v2  }
0x162: {  	v13 =	vmul.f32 v13, v1  }
0x163: {  	v12 =	vmul.f32 v12, v3  }
0x164: {  	v11 =	vadd.f32 v13, v11;
	v13 =	vor.u32 $0x300, v10  }
0x165: {  	v14 =	vmul.f32 v14, v4  }
0x166: {  	v10 =	vadd.s32 $0xF000, v6;
	v11 =	vadd.f32 v12, v11;
	v12 =	vadd.s32 $0xF000, v5  }
.Ltmp1:
0x167: {  	(pc) =	sbr.rel @p0 .LBB2_4-.Ltmp1, $4  }
0x168: {  	v6 =	vadd.f32 v14, v11;
	v11 =	vadd.s32 $0xF000, v9  }
0x169: {  	v5 =	vadd.s32 $0xF000, v8  }
0x16a: {  	[tilespmem:v13+s17+$0x0] =	vst.idx.msk $0xffff, v6  }
0x16b: {  	v6 =	vld.idx.msk [tilespmem:v12+s4+$0x0], $0xffff  }
0x16c: {  	_ =	sdelay $0x3  }
0x16d: {  	v8 =	vld.idx.msk [tilespmem:v10+s4+$0x0], $0xffff;
	_ =	sdelay $0x1  }
0x16e: {  	v9 =	vld.idx.msk [tilespmem:v11+s4+$0x0], $0xffff;
	_ =	sdelay $0x1  }
0x16f: {  	v5 =	vld.idx.msk [tilespmem:v5+s4+$0x0], $0xffff  }
0x170: {  	v2 =	vmul.f32 v6, v2;
	v1 =	vmul.f32 v8, v1;
	_ =	sdelay $0x1  }
0x171: {  	v3 =	vmul.f32 v9, v3;
	v1 =	vadd.f32 v1, v2  }
0x172: {  	v2 =	vor.u32 $0x380, v7  }
0x173: {  	v4 =	vmul.f32 v5, v4;
	v1 =	vadd.f32 v3, v1;
	_ =	sdelay $0x1  }
0x174: {  	v1 =	vadd.f32 v4, v1;
	_ =	sdelay $0x1  }
0x175: {  	s19 =	simm.s32 $0x0;
	[tilespmem:v2+s17+$0x0] =	vst.idx.msk $0xffff, v1  }
0x176: {  	[tilespmem:s19], [sflag:$0x1] =	stream.linear.gather [hbm4b:s7+s19], $0x8000, $0x38;
	[tilespmem:$0x18800] =	vst v63  }
0x177: {  	_ =	swait.ge [sflag:s15], $0x8000  }
0x178: {  	[sflag:s15] =	ssyncset.done $0x0  }
0x179: {  	[sflag:s15] =	ssyncadd.s32 $0xFFFF8000  }
0x17a: {  	[tilespmem:s16], [sflag:$0x1] =	stream.linear.gather [hbm4b:s8+s19], $0x8000, $0x38;
	[tilespmem:$0x18800] =	vst v63  }
0x17b: {  	_ =	swait.ge [sflag:s15], $0x8000  }
0x17c: {  	[sflag:s15] =	ssyncset.done $0x0  }
0x17d: {  	s20 =	simm.s32 $0x18000;
	s21 =	simm.s32 $0x18400;
	[sflag:s15] =	ssyncadd.s32 $0xFFFF8000  }
.LBB2_6:
0x17e: {  	v1 =	vld [tilespmem:s20+$0x0]  }
0x17f: {  	v2 =	vld [tilespmem:s21+$0x0];
	_ =	sdelay $0x3  }
0x180: {  	v4 =	vmul.f32 $6.300000000e+01, v1  }
0x181: {  	v5 =	vmul.f32 $6.300000000e+01, v2  }
0x182: {  	v1 =	vtrunc.f32 v4  }
0x183: {  	v3 =	vcvt.f32.s32 v1;
	v1 =	vtrunc.f32 v5  }
0x184: {  	v6 =	vcvt.f32.s32 v1  }
0x185: {  	v1 =	vadd.s32 $0x1, v3  }
0x186: {  	vm0 =	vlt.s32 v1, $0x3F;
	v2 =	vadd.s32 $0x1, v6;
	v7 =	vshll.u32 v6, $0x6  }
0x187: {  	v8 =	vnsel vm0, $0x3F, v1;
	vm15 =	vlt.s32 v2, $0x3F;
	v1 =	vadd.s32 v3, v7  }
0x188: {  	v9 =	vnsel vm15, $0x3F, v2;
	v2 =	vadd.s32 v8, v7  }
0x189: {  	v18 =	vshll.u32 v9, $0x6  }
0x18a: {  	v19 =	vcvt.s32.f32 v3;
	v6 =	vcvt.s32.f32 v6;
	v3 =	vadd.s32 v3, v18;
	_ =	sdelay $0x1  }
0x18b: {  	v10 =	vsub.f32 v5, v6;
	v9 =	vsub.f32 v4, v19;
	v4 =	vadd.s32 v8, v18;
	v20 =	vld.idx.msk [tilespmem:v1+s4+$0x0], $0xffff  }
0x18c: {  	v11 =	vld.idx.msk [tilespmem:v2+s4+$0x0], $0xffff  }
0x18d: {  	v22 =	vsub.f32 $1.000000000e+00, v10;
	v21 =	vsub.f32 $1.000000000e+00, v9  }
0x18e: {  	v13 =	vmov s19;
	v12 =	vld.idx.msk [tilespmem:v3+s4+$0x0], $0xffff  }
0x18f: {  	v14 =	vor.u32 s19, v0;
	v7 =	vmul.f32 v22, v9;
	v23 =	vmul.f32 v22, v21  }
0x190: {  	v13 =	vshll.u32 v13, $0x3;
	v24 =	vand.u32 $0x7F, v14;
	v5 =	vmul.f32 v10, v21;
	v15 =	vld.idx.msk [tilespmem:v4+s4+$0x0], $0xffff  }
0x191: {  	v25 =	vand.u32 $0xC00, v13;
	v8 =	vmul.f32 v23, v20;
	v11 =	vmul.f32 v7, v11  }
0x192: {  	v27 =	vor.u32 v25, v24  }
0x193: {  	v9 =	vmul.f32 v10, v9;
	v8 =	vadd.f32 v11, v8;
	v26 =	vmul.f32 v5, v12  }
0x194: {  	v14 =	vor.u32 $0x2000, v27  }
0x195: {  	v29 =	vadd.s32 $0x1000, v1;
	v28 =	vmul.f32 v9, v15;
	v8 =	vadd.f32 v8, v26  }
0x196: {  	v16 =	vadd.s32 $0x1000, v2  }
0x197: {  	v8 =	vadd.f32 v8, v28  }
0x198: {  	v30 =	vadd.s32 $0x1000, v3  }
0x199: {  	[tilespmem:v14+s17+$0x0] =	vst.idx.msk $0xffff, v8  }
0x19a: {  	v31 =	vadd.s32 $0x1000, v4;
	v8 =	vld.idx.msk [tilespmem:v29+s4+$0x0], $0xffff  }
0x19b: {  	v32 =	vld.idx.msk [tilespmem:v16+s4+$0x0], $0xffff;
	_ =	sdelay $0x1  }
0x19c: {  	v11 =	vld.idx.msk [tilespmem:v30+s4+$0x0], $0xffff;
	_ =	sdelay $0x1  }
0x19d: {  	v14 =	vld.idx.msk [tilespmem:v31+s4+$0x0], $0xffff  }
0x19e: {  	v8 =	vmul.f32 v23, v8;
	v15 =	vmul.f32 v32, v7;
	_ =	sdelay $0x1  }
0x19f: {  	v11 =	vmul.f32 v11, v5;
	v8 =	vadd.f32 v15, v8  }
0x1a0: {  	v33 =	vor.u32 $0x2080, v27  }
0x1a1: {  	v35 =	vadd.s32 $0x2000, v1;
	v34 =	vmul.f32 v14, v9;
	v8 =	vadd.f32 v11, v8  }
0x1a2: {  	v36 =	vadd.s32 $0x2000, v2  }
0x1a3: {  	v8 =	vadd.f32 v34, v8  }
0x1a4: {  	v37 =	vadd.s32 $0x2000, v3  }
0x1a5: {  	[tilespmem:v33+s17+$0x0] =	vst.idx.msk $0xffff, v8  }
0x1a6: {  	v38 =	vadd.s32 $0x2000, v4;
	v8 =	vld.idx.msk [tilespmem:v35+s4+$0x0], $0xffff  }
0x1a7: {  	v15 =	vld.idx.msk [tilespmem:v36+s4+$0x0], $0xffff;
	_ =	sdelay $0x1  }
0x1a8: {  	v11 =	vld.idx.msk [tilespmem:v37+s4+$0x0], $0xffff;
	_ =	sdelay $0x1  }
0x1a9: {  	v14 =	vld.idx.msk [tilespmem:v38+s4+$0x0], $0xffff  }
0x1aa: {  	v8 =	vmul.f32 v8, v23;
	v15 =	vmul.f32 v15, v7;
	_ =	sdelay $0x1  }
0x1ab: {  	v11 =	vmul.f32 v11, v5;
	v8 =	vadd.f32 v15, v8  }
0x1ac: {  	v39 =	vor.u32 $0x2100, v27  }
0x1ad: {  	v41 =	vadd.s32 $0x3000, v1;
	v40 =	vmul.f32 v14, v9;
	v8 =	vadd.f32 v11, v8  }
0x1ae: {  	v42 =	vadd.s32 $0x3000, v2  }
0x1af: {  	v8 =	vadd.f32 v40, v8  }
0x1b0: {  	v43 =	vadd.s32 $0x3000, v3  }
0x1b1: {  	[tilespmem:v39+s17+$0x0] =	vst.idx.msk $0xffff, v8  }
0x1b2: {  	v44 =	vadd.s32 $0x3000, v4;
	v8 =	vld.idx.msk [tilespmem:v41+s4+$0x0], $0xffff  }
0x1b3: {  	v15 =	vld.idx.msk [tilespmem:v42+s4+$0x0], $0xffff;
	_ =	sdelay $0x1  }
0x1b4: {  	v11 =	vld.idx.msk [tilespmem:v43+s4+$0x0], $0xffff;
	_ =	sdelay $0x1  }
0x1b5: {  	v14 =	vld.idx.msk [tilespmem:v44+s4+$0x0], $0xffff  }
0x1b6: {  	v8 =	vmul.f32 v8, v23;
	v15 =	vmul.f32 v15, v7;
	_ =	sdelay $0x1  }
0x1b7: {  	v11 =	vmul.f32 v11, v5;
	v8 =	vadd.f32 v15, v8  }
0x1b8: {  	v45 =	vor.u32 $0x2180, v27  }
0x1b9: {  	v47 =	vadd.s32 $0x4000, v1;
	v46 =	vmul.f32 v14, v9;
	v8 =	vadd.f32 v11, v8  }
0x1ba: {  	v48 =	vadd.s32 $0x4000, v2  }
0x1bb: {  	v8 =	vadd.f32 v46, v8  }
0x1bc: {  	v49 =	vadd.s32 $0x4000, v3  }
0x1bd: {  	[tilespmem:v45+s17+$0x0] =	vst.idx.msk $0xffff, v8  }
0x1be: {  	v50 =	vadd.s32 $0x4000, v4;
	v8 =	vld.idx.msk [tilespmem:v47+s4+$0x0], $0xffff  }
0x1bf: {  	v15 =	vld.idx.msk [tilespmem:v48+s4+$0x0], $0xffff;
	_ =	sdelay $0x1  }
0x1c0: {  	v11 =	vld.idx.msk [tilespmem:v49+s4+$0x0], $0xffff;
	_ =	sdelay $0x1  }
0x1c1: {  	v14 =	vld.idx.msk [tilespmem:v50+s4+$0x0], $0xffff  }
0x1c2: {  	v8 =	vmul.f32 v8, v23;
	v15 =	vmul.f32 v15, v7;
	_ =	sdelay $0x1  }
0x1c3: {  	v11 =	vmul.f32 v11, v5;
	v8 =	vadd.f32 v15, v8  }
0x1c4: {  	v51 =	vor.u32 $0x2200, v27  }
0x1c5: {  	v53 =	vadd.s32 $0x5000, v1;
	v52 =	vmul.f32 v14, v9;
	v8 =	vadd.f32 v11, v8  }
0x1c6: {  	v54 =	vadd.s32 $0x5000, v2  }
0x1c7: {  	v8 =	vadd.f32 v52, v8  }
0x1c8: {  	v55 =	vadd.s32 $0x5000, v3  }
0x1c9: {  	[tilespmem:v51+s17+$0x0] =	vst.idx.msk $0xffff, v8  }
0x1ca: {  	v56 =	vadd.s32 $0x5000, v4;
	v8 =	vld.idx.msk [tilespmem:v53+s4+$0x0], $0xffff  }
0x1cb: {  	v15 =	vld.idx.msk [tilespmem:v54+s4+$0x0], $0xffff;
	_ =	sdelay $0x1  }
0x1cc: {  	v11 =	vld.idx.msk [tilespmem:v55+s4+$0x0], $0xffff;
	_ =	sdelay $0x1  }
0x1cd: {  	v14 =	vld.idx.msk [tilespmem:v56+s4+$0x0], $0xffff  }
0x1ce: {  	v8 =	vmul.f32 v8, v23;
	v15 =	vmul.f32 v15, v7;
	_ =	sdelay $0x1  }
0x1cf: {  	v11 =	vmul.f32 v11, v5;
	v8 =	vadd.f32 v15, v8  }
0x1d0: {  	v57 =	vor.u32 $0x2280, v27  }
0x1d1: {  	v59 =	vadd.s32 $0x6000, v1;
	v58 =	vmul.f32 v14, v9;
	v8 =	vadd.f32 v11, v8  }
0x1d2: {  	v60 =	vadd.s32 $0x6000, v2  }
0x1d3: {  	v8 =	vadd.f32 v58, v8  }
0x1d4: {  	v61 =	vadd.s32 $0x6000, v3  }
0x1d5: {  	[tilespmem:v57+s17+$0x0] =	vst.idx.msk $0xffff, v8  }
0x1d6: {  	v62 =	vadd.s32 $0x6000, v4;
	v8 =	vld.idx.msk [tilespmem:v59+s4+$0x0], $0xffff  }
0x1d7: {  	v15 =	vld.idx.msk [tilespmem:v60+s4+$0x0], $0xffff;
	_ =	sdelay $0x1  }
0x1d8: {  	v11 =	vld.idx.msk [tilespmem:v61+s4+$0x0], $0xffff;
	_ =	sdelay $0x1  }
0x1d9: {  	v14 =	vld.idx.msk [tilespmem:v62+s4+$0x0], $0xffff  }
0x1da: {  	v8 =	vmul.f32 v8, v23;
	v15 =	vmul.f32 v15, v7;
	_ =	sdelay $0x1  }
0x1db: {  	v11 =	vmul.f32 v11, v5;
	v8 =	vadd.f32 v15, v8  }
0x1dc: {  	v12 =	vor.u32 $0x2300, v27  }
0x1dd: {  	v1 =	vadd.s32 $0x7000, v1;
	v63 =	vmul.f32 v14, v9;
	v8 =	vadd.f32 v11, v8  }
0x1de: {  	v2 =	vadd.s32 $0x7000, v2  }
0x1df: {  	v8 =	vadd.f32 v63, v8  }
0x1e0: {  	v3 =	vadd.s32 $0x7000, v3  }
0x1e1: {  	[tilespmem:v12+s17+$0x0] =	vst.idx.msk $0xffff, v8  }
0x1e2: {  	v4 =	vadd.s32 $0x7000, v4;
	v1 =	vld.idx.msk [tilespmem:v1+s4+$0x0], $0xffff  }
0x1e3: {  	v2 =	vld.idx.msk [tilespmem:v2+s4+$0x0], $0xffff;
	_ =	sdelay $0x1  }
0x1e4: {  	v3 =	vld.idx.msk [tilespmem:v3+s4+$0x0], $0xffff;
	_ =	sdelay $0x1  }
0x1e5: {  	v4 =	vld.idx.msk [tilespmem:v4+s4+$0x0], $0xffff  }
0x1e6: {  	v1 =	vmul.f32 v1, v23;
	v2 =	vmul.f32 v2, v7;
	_ =	sdelay $0x1  }
0x1e7: {  	v1 =	vadd.f32 v2, v1;
	v2 =	vmul.f32 v3, v5;
	v3 =	vor.u32 v24, v13  }
0x1e8: {  	p0 =	sne.s32 s19, $0x1F0;
	v3 =	vor.u32 $0x2380, v3  }
.Ltmp2:
0x1e9: {  	v1 =	vadd.f32 v2, v1;
	v2 =	vmul.f32 v4, v9;
	(pc) =	sbr.rel @p0 .LBB2_6-.Ltmp2, $3  }
0x1ea: {  	_ = 	snop  }
0x1eb: {  	v1 =	vadd.f32 v2, v1;
	_ =	sdelay $0x1  }
0x1ec: {  	s20 =	sadd.s32 $0x10, s20;
	s21 =	sadd.s32 $0x10, s21;
	s19 =	sadd.s32 $0x10, s19;
	[tilespmem:v3+s17+$0x0] =	vst.idx.msk $0xffff, v1  }
0x1ed: {  	s19 =	simm.s32 $0x18200  }
0x1ee: {  	s20 =	simm.s32 $0x18600;
	v1 =	vld [tilespmem:s19+$0x0]  }
0x1ef: {  	v2 =	vld [tilespmem:s20+$0x0];
	_ =	sdelay $0x3  }
0x1f0: {  	v1 =	vmul.f32 $6.300000000e+01, v1  }
0x1f1: {  	v2 =	vmul.f32 $6.300000000e+01, v2  }
0x1f2: {  	v3 =	vtrunc.f32 v1  }
0x1f3: {  	v4 =	vtrunc.f32 v2;
	v3 =	vcvt.f32.s32 v3  }
0x1f4: {  	v4 =	vcvt.f32.s32 v4  }
0x1f5: {  	v5 =	vadd.s32 $0x1, v3  }
0x1f6: {  	v6 =	vadd.s32 $0x1, v4;
	vm0 =	vlt.s32 v5, $0x3F  }
0x1f7: {  	v7 =	vshll.u32 v4, $0x6;
	vm15 =	vlt.s32 v6, $0x3F;
	v5 =	vnsel vm0, $0x3F, v5  }
0x1f8: {  	v8 =	vnsel vm15, $0x3F, v6;
	v6 =	vadd.s32 v5, v7  }
0x1f9: {  	v7 =	vadd.s32 v3, v7;
	v10 =	vadd.s32 $0x8000, v6  }
0x1fa: {  	v9 =	vshll.u32 v8, $0x6;
	v11 =	vadd.s32 $0x8000, v7  }
0x1fb: {  	v8 =	vadd.s32 v3, v9  }
0x1fc: {  	v4 =	vcvt.s32.f32 v4;
	v3 =	vcvt.s32.f32 v3;
	v12 =	vadd.s32 $0x8000, v8  }
0x1fd: {  	v9 =	vadd.s32 v5, v9  }
0x1fe: {  	v4 =	vsub.f32 v2, v4;
	v2 =	vadd.s32 $0x8000, v9;
	v5 =	vsub.f32 v1, v3;
	v10 =	vld.idx.msk [tilespmem:v10+s4+$0x0], $0xffff  }
0x1ff: {  	v11 =	vld.idx.msk [tilespmem:v11+s4+$0x0], $0xffff  }
0x200: {  	v3 =	vsub.f32 $1.000000000e+00, v4;
	v13 =	vsub.f32 $1.000000000e+00, v5  }
0x201: {  	v12 =	vld.idx.msk [tilespmem:v12+s4+$0x0], $0xffff  }
0x202: {  	s21 =	simm.s32 $0x200;
	v1 =	vmul.f32 v3, v5;
	v3 =	vmul.f32 v3, v13  }
0x203: {  	v38 =	vmov s21;
	v15 =	vor.u32 s21, v0;
	v14 =	vld.idx.msk [tilespmem:v2+s4+$0x0], $0xffff;
	v2 =	vmul.f32 v4, v13  }
0x204: {  	v13 =	vshll.u32 v38, $0x3;
	v10 =	vmul.f32 v1, v10;
	v11 =	vmul.f32 v3, v11  }
0x205: {  	v15 =	vand.u32 $0x7F, v15;
	v4 =	vmul.f32 v4, v5;
	v13 =	vand.u32 $0x1C00, v13  }
0x206: {  	v5 =	vor.u32 v13, v15;
	v12 =	vmul.f32 v2, v12;
	v10 =	vadd.f32 v10, v11  }
0x207: {  	v11 =	vor.u32 $0x2000, v5  }
0x208: {  	v40 =	vadd.s32 $0x9000, v7;
	v39 =	vmul.f32 v4, v14;
	v10 =	vadd.f32 v10, v12  }
0x209: {  	v41 =	vadd.s32 $0x9000, v6  }
0x20a: {  	v10 =	vadd.f32 v10, v39  }
0x20b: {  	v42 =	vadd.s32 $0x9000, v8  }
0x20c: {  	[tilespmem:v11+s17+$0x0] =	vst.idx.msk $0xffff, v10  }
0x20d: {  	v11 =	vadd.s32 $0x9000, v9;
	v10 =	vld.idx.msk [tilespmem:v40+s4+$0x0], $0xffff  }
0x20e: {  	v43 =	vld.idx.msk [tilespmem:v41+s4+$0x0], $0xffff;
	_ =	sdelay $0x1  }
0x20f: {  	v12 =	vld.idx.msk [tilespmem:v42+s4+$0x0], $0xffff;
	_ =	sdelay $0x1  }
0x210: {  	v11 =	vld.idx.msk [tilespmem:v11+s4+$0x0], $0xffff  }
0x211: {  	v10 =	vmul.f32 v3, v10;
	v13 =	vmul.f32 v43, v1;
	_ =	sdelay $0x1  }
0x212: {  	v12 =	vmul.f32 v12, v2;
	v10 =	vadd.f32 v13, v10  }
0x213: {  	v44 =	vor.u32 $0x2080, v5  }
0x214: {  	v45 =	vadd.s32 $0xA000, v7;
	v10 =	vadd.f32 v12, v10;
	v11 =	vmul.f32 v11, v4  }
0x215: {  	v46 =	vadd.s32 $0xA000, v6  }
0x216: {  	v10 =	vadd.f32 v11, v10  }
0x217: {  	v11 =	vadd.s32 $0xA000, v8  }
0x218: {  	[tilespmem:v44+s17+$0x0] =	vst.idx.msk $0xffff, v10  }
0x219: {  	v47 =	vadd.s32 $0xA000, v9;
	v10 =	vld.idx.msk [tilespmem:v45+s4+$0x0], $0xffff  }
0x21a: {  	v13 =	vld.idx.msk [tilespmem:v46+s4+$0x0], $0xffff;
	_ =	sdelay $0x1  }
0x21b: {  	v11 =	vld.idx.msk [tilespmem:v11+s4+$0x0], $0xffff;
	_ =	sdelay $0x1  }
0x21c: {  	v12 =	vld.idx.msk [tilespmem:v47+s4+$0x0], $0xffff  }
0x21d: {  	v10 =	vmul.f32 v10, v3;
	v13 =	vmul.f32 v13, v1;
	_ =	sdelay $0x1  }
0x21e: {  	v10 =	vadd.f32 v13, v10;
	v11 =	vmul.f32 v11, v2  }
0x21f: {  	v48 =	vor.u32 $0x2100, v5  }
0x220: {  	v49 =	vadd.s32 $0xB000, v7;
	v10 =	vadd.f32 v11, v10;
	v11 =	vmul.f32 v12, v4  }
0x221: {  	v50 =	vadd.s32 $0xB000, v6  }
0x222: {  	v10 =	vadd.f32 v11, v10  }
0x223: {  	v11 =	vadd.s32 $0xB000, v8  }
0x224: {  	[tilespmem:v48+s17+$0x0] =	vst.idx.msk $0xffff, v10  }
0x225: {  	v51 =	vadd.s32 $0xB000, v9;
	v10 =	vld.idx.msk [tilespmem:v49+s4+$0x0], $0xffff  }
0x226: {  	v13 =	vld.idx.msk [tilespmem:v50+s4+$0x0], $0xffff;
	_ =	sdelay $0x1  }
0x227: {  	v11 =	vld.idx.msk [tilespmem:v11+s4+$0x0], $0xffff;
	_ =	sdelay $0x1  }
0x228: {  	v12 =	vld.idx.msk [tilespmem:v51+s4+$0x0], $0xffff  }
0x229: {  	v10 =	vmul.f32 v10, v3;
	v13 =	vmul.f32 v13, v1;
	_ =	sdelay $0x1  }
0x22a: {  	v10 =	vadd.f32 v13, v10;
	v11 =	vmul.f32 v11, v2  }
0x22b: {  	v52 =	vor.u32 $0x2180, v5  }
0x22c: {  	v53 =	vadd.s32 $0xC000, v7;
	v10 =	vadd.f32 v11, v10;
	v11 =	vmul.f32 v12, v4  }
0x22d: {  	v54 =	vadd.s32 $0xC000, v6  }
0x22e: {  	v10 =	vadd.f32 v11, v10  }
0x22f: {  	v11 =	vadd.s32 $0xC000, v8  }
0x230: {  	[tilespmem:v52+s17+$0x0] =	vst.idx.msk $0xffff, v10  }
0x231: {  	v55 =	vadd.s32 $0xC000, v9;
	v10 =	vld.idx.msk [tilespmem:v53+s4+$0x0], $0xffff  }
0x232: {  	v13 =	vld.idx.msk [tilespmem:v54+s4+$0x0], $0xffff;
	_ =	sdelay $0x1  }
0x233: {  	v11 =	vld.idx.msk [tilespmem:v11+s4+$0x0], $0xffff;
	_ =	sdelay $0x1  }
0x234: {  	v12 =	vld.idx.msk [tilespmem:v55+s4+$0x0], $0xffff  }
0x235: {  	v10 =	vmul.f32 v10, v3;
	v13 =	vmul.f32 v13, v1;
	_ =	sdelay $0x1  }
0x236: {  	v10 =	vadd.f32 v13, v10;
	v11 =	vmul.f32 v11, v2  }
0x237: {  	v56 =	vor.u32 $0x2200, v5  }
0x238: {  	v57 =	vadd.s32 $0xD000, v6;
	v10 =	vadd.f32 v11, v10;
	v11 =	vmul.f32 v12, v4  }
0x239: {  	v58 =	vadd.s32 $0xD000, v7  }
0x23a: {  	v10 =	vadd.f32 v11, v10  }
0x23b: {  	v11 =	vadd.s32 $0xD000, v8  }
0x23c: {  	[tilespmem:v56+s17+$0x0] =	vst.idx.msk $0xffff, v10  }
0x23d: {  	v10 =	vadd.s32 $0xD000, v9;
	v12 =	vld.idx.msk [tilespmem:v57+s4+$0x0], $0xffff  }
0x23e: {  	v13 =	vld.idx.msk [tilespmem:v58+s4+$0x0], $0xffff;
	_ =	sdelay $0x1  }
0x23f: {  	v11 =	vld.idx.msk [tilespmem:v11+s4+$0x0], $0xffff;
	_ =	sdelay $0x1  }
0x240: {  	v10 =	vld.idx.msk [tilespmem:v10+s4+$0x0], $0xffff  }
0x241: {  	v12 =	vmul.f32 v12, v1;
	v13 =	vmul.f32 v13, v3;
	_ =	sdelay $0x1  }
0x242: {  	v11 =	vmul.f32 v11, v2;
	v12 =	vadd.f32 v12, v13  }
0x243: {  	v59 =	vor.u32 $0x2280, v5  }
0x244: {  	v60 =	vadd.s32 $0xE000, v7;
	v11 =	vadd.f32 v11, v12;
	v10 =	vmul.f32 v10, v4  }
0x245: {  	v61 =	vadd.s32 $0xE000, v6  }
0x246: {  	v10 =	vadd.f32 v10, v11  }
0x247: {  	v11 =	vadd.s32 $0xE000, v8  }
0x248: {  	[tilespmem:v59+s17+$0x0] =	vst.idx.msk $0xffff, v10  }
0x249: {  	v10 =	vadd.s32 $0xE000, v9;
	v12 =	vld.idx.msk [tilespmem:v60+s4+$0x0], $0xffff  }
0x24a: {  	v13 =	vld.idx.msk [tilespmem:v61+s4+$0x0], $0xffff;
	_ =	sdelay $0x1  }
0x24b: {  	v11 =	vld.idx.msk [tilespmem:v11+s4+$0x0], $0xffff;
	_ =	sdelay $0x1  }
0x24c: {  	v10 =	vld.idx.msk [tilespmem:v10+s4+$0x0], $0xffff  }
0x24d: {  	v12 =	vmul.f32 v12, v3;
	v13 =	vmul.f32 v13, v1;
	_ =	sdelay $0x1  }
0x24e: {  	v12 =	vadd.f32 v13, v12;
	v11 =	vmul.f32 v11, v2  }
0x24f: {  	v62 =	vor.u32 $0x2300, v5  }
0x250: {  	v7 =	vadd.s32 $0xF000, v7;
	v11 =	vadd.f32 v11, v12;
	v10 =	vmul.f32 v10, v4  }
0x251: {  	v63 =	vadd.s32 $0xF000, v6  }
0x252: {  	v8 =	vadd.s32 $0xF000, v8;
	v6 =	vadd.f32 v10, v11  }
0x253: {  	v9 =	vadd.s32 $0xF000, v9  }
0x254: {  	[tilespmem:v62+s17+$0x0] =	vst.idx.msk $0xffff, v6  }
0x255: {  	v6 =	vld.idx.msk [tilespmem:v7+s4+$0x0], $0xffff  }
0x256: {  	v7 =	vld.idx.msk [tilespmem:v63+s4+$0x0], $0xffff  }
0x257: {  	s21 =	simm.s32 $0x210;
	v8 =	vld.idx.msk [tilespmem:v8+s4+$0x0], $0xffff  }
.LBB2_8:
0x258: {  	p0 =	sne.s32 s21, $0x3F0;
	v9 =	vld.idx.msk [tilespmem:v9+s4+$0x0], $0xffff;
	s20 =	sadd.s32 $0x10, s20;
	s19 =	sadd.s32 $0x10, s19  }
0x259: {  	s22 =	smov.u32 s21;
	s21 =	sadd.s32 $0x10, s21;
	_ =	sdelay $0x1  }
0x25a: {  	v3 =	vmul.f32 v6, v3  }
0x25b: {  	v1 =	vmul.f32 v7, v1  }
0x25c: {  	v2 =	vmul.f32 v8, v2  }
0x25d: {  	v1 =	vadd.f32 v1, v3;
	v3 =	vor.u32 $0x2380, v5  }
0x25e: {  	v4 =	vmul.f32 v9, v4  }
0x25f: {  	v1 =	vadd.f32 v2, v1;
	_ =	sdelay $0x1  }
0x260: {  	v1 =	vadd.f32 v4, v1;
	_ =	sdelay $0x1  }
0x261: {  	[tilespmem:v3+s17+$0x0] =	vst.idx.msk $0xffff, v1  }
0x262: {  	v1 =	vld [tilespmem:s19+$0x0]  }
0x263: {  	v2 =	vld [tilespmem:s20+$0x0];
	_ =	sdelay $0x3  }
0x264: {  	v1 =	vmul.f32 $6.300000000e+01, v1  }
0x265: {  	v2 =	vmul.f32 $6.300000000e+01, v2  }
0x266: {  	v3 =	vtrunc.f32 v1  }
0x267: {  	v3 =	vcvt.f32.s32 v3;
	v4 =	vtrunc.f32 v2  }
0x268: {  	v4 =	vcvt.f32.s32 v4  }
0x269: {  	v5 =	vcvt.s32.f32 v3;
	v6 =	vadd.s32 $0x1, v3  }
0x26a: {  	v7 =	vcvt.s32.f32 v4;
	vm0 =	vlt.s32 v6, $0x3F;
	v8 =	vadd.s32 $0x1, v4  }
0x26b: {  	v4 =	vshll.u32 v4, $0x6;
	v10 =	vnsel vm0, $0x3F, v6;
	vm0 =	vlt.s32 v8, $0x3F  }
0x26c: {  	v6 =	vadd.s32 v3, v4;
	v8 =	vnsel vm0, $0x3F, v8;
	v9 =	vadd.s32 v10, v4  }
0x26d: {  	v4 =	vadd.s32 $0x8000, v6;
	v11 =	vadd.s32 $0x8000, v9;
	v12 =	vshll.u32 v8, $0x6  }
0x26e: {  	v13 =	vsub.f32 v2, v7;
	v8 =	vadd.s32 v3, v12;
	v7 =	vadd.s32 v10, v12  }
0x26f: {  	v5 =	vsub.f32 v1, v5;
	v1 =	vadd.s32 $0x8000, v8  }
0x270: {  	v2 =	vsub.f32 $1.000000000e+00, v13;
	_ =	sdelay $0x1  }
0x271: {  	v10 =	vadd.s32 $0x8000, v7;
	v11 =	vld.idx.msk [tilespmem:v11+s4+$0x0], $0xffff  }
0x272: {  	v4 =	vld.idx.msk [tilespmem:v4+s4+$0x0], $0xffff  }
0x273: {  	v12 =	vld.idx.msk [tilespmem:v1+s4+$0x0], $0xffff  }
0x274: {  	v14 =	vsub.f32 $1.000000000e+00, v5  }
0x275: {  	v1 =	vmul.f32 v2, v5  }
0x276: {  	v3 =	vmul.f32 v2, v14;
	v10 =	vld.idx.msk [tilespmem:v10+s4+$0x0], $0xffff  }
0x277: {  	v2 =	vmul.f32 v13, v14;
	v14 =	vmov s22;
	v11 =	vmul.f32 v1, v11  }
0x278: {  	v15 =	vor.u32 s22, v0;
	v16 =	vmul.f32 v3, v4;
	v4 =	vshll.u32 v14, $0x3  }
0x279: {  	v14 =	vand.u32 $0x7F, v15;
	v12 =	vmul.f32 v2, v12;
	v15 =	vand.u32 $0x1C00, v4  }
0x27a: {  	v4 =	vmul.f32 v13, v5;
	v11 =	vadd.f32 v11, v16;
	v5 =	vor.u32 v15, v14  }
0x27b: {  	v13 =	vor.u32 $0x2000, v5  }
0x27c: {  	v11 =	vadd.f32 v11, v12;
	v10 =	vmul.f32 v4, v10;
	v12 =	vadd.s32 $0x9000, v6  }
0x27d: {  	v14 =	vadd.s32 $0x9000, v9  }
0x27e: {  	v10 =	vadd.f32 v11, v10  }
0x27f: {  	v11 =	vadd.s32 $0x9000, v8  }
0x280: {  	[tilespmem:v13+s17+$0x0] =	vst.idx.msk $0xffff, v10  }
0x281: {  	v10 =	vld.idx.msk [tilespmem:v12+s4+$0x0], $0xffff;
	v12 =	vadd.s32 $0x9000, v7  }
0x282: {  	v13 =	vld.idx.msk [tilespmem:v14+s4+$0x0], $0xffff;
	_ =	sdelay $0x1  }
0x283: {  	v11 =	vld.idx.msk [tilespmem:v11+s4+$0x0], $0xffff;
	_ =	sdelay $0x1  }
0x284: {  	v12 =	vld.idx.msk [tilespmem:v12+s4+$0x0], $0xffff;
	_ =	sdelay $0x1  }
0x285: {  	v10 =	vmul.f32 v3, v10;
	v13 =	vmul.f32 v13, v1;
	_ =	sdelay $0x1  }
0x286: {  	v10 =	vadd.f32 v13, v10;
	v11 =	vmul.f32 v11, v2  }
0x287: {  	v13 =	vor.u32 $0x2080, v5  }
0x288: {  	v10 =	vadd.f32 v11, v10;
	v11 =	vmul.f32 v12, v4;
	v12 =	vadd.s32 $0xA000, v6  }
0x289: {  	v14 =	vadd.s32 $0xA000, v9  }
0x28a: {  	v10 =	vadd.f32 v11, v10  }
0x28b: {  	v11 =	vadd.s32 $0xA000, v8  }
0x28c: {  	[tilespmem:v13+s17+$0x0] =	vst.idx.msk $0xffff, v10  }
0x28d: {  	v10 =	vld.idx.msk [tilespmem:v12+s4+$0x0], $0xffff;
	v12 =	vadd.s32 $0xA000, v7  }
0x28e: {  	v13 =	vld.idx.msk [tilespmem:v14+s4+$0x0], $0xffff;
	_ =	sdelay $0x1  }
0x28f: {  	v11 =	vld.idx.msk [tilespmem:v11+s4+$0x0], $0xffff;
	_ =	sdelay $0x1  }
0x290: {  	v12 =	vld.idx.msk [tilespmem:v12+s4+$0x0], $0xffff;
	_ =	sdelay $0x1  }
0x291: {  	v10 =	vmul.f32 v10, v3;
	v13 =	vmul.f32 v13, v1;
	_ =	sdelay $0x1  }
0x292: {  	v10 =	vadd.f32 v13, v10;
	v11 =	vmul.f32 v11, v2  }
0x293: {  	v13 =	vor.u32 $0x2100, v5  }
0x294: {  	v10 =	vadd.f32 v11, v10;
	v11 =	vmul.f32 v12, v4;
	v12 =	vadd.s32 $0xB000, v6  }
0x295: {  	v14 =	vadd.s32 $0xB000, v9  }
0x296: {  	v10 =	vadd.f32 v11, v10  }
0x297: {  	v11 =	vadd.s32 $0xB000, v8  }
0x298: {  	[tilespmem:v13+s17+$0x0] =	vst.idx.msk $0xffff, v10  }
0x299: {  	v10 =	vld.idx.msk [tilespmem:v12+s4+$0x0], $0xffff;
	v12 =	vadd.s32 $0xB000, v7  }
0x29a: {  	v13 =	vld.idx.msk [tilespmem:v14+s4+$0x0], $0xffff;
	_ =	sdelay $0x1  }
0x29b: {  	v11 =	vld.idx.msk [tilespmem:v11+s4+$0x0], $0xffff;
	_ =	sdelay $0x1  }
0x29c: {  	v12 =	vld.idx.msk [tilespmem:v12+s4+$0x0], $0xffff;
	_ =	sdelay $0x1  }
0x29d: {  	v10 =	vmul.f32 v10, v3;
	v13 =	vmul.f32 v13, v1;
	_ =	sdelay $0x1  }
0x29e: {  	v10 =	vadd.f32 v13, v10;
	v11 =	vmul.f32 v11, v2  }
0x29f: {  	v13 =	vor.u32 $0x2180, v5  }
0x2a0: {  	v10 =	vadd.f32 v11, v10;
	v11 =	vmul.f32 v12, v4;
	v12 =	vadd.s32 $0xC000, v6  }
0x2a1: {  	v14 =	vadd.s32 $0xC000, v9  }
0x2a2: {  	v10 =	vadd.f32 v11, v10  }
0x2a3: {  	v11 =	vadd.s32 $0xC000, v8  }
0x2a4: {  	[tilespmem:v13+s17+$0x0] =	vst.idx.msk $0xffff, v10  }
0x2a5: {  	v10 =	vld.idx.msk [tilespmem:v12+s4+$0x0], $0xffff;
	v12 =	vadd.s32 $0xC000, v7  }
0x2a6: {  	v13 =	vld.idx.msk [tilespmem:v14+s4+$0x0], $0xffff;
	_ =	sdelay $0x1  }
0x2a7: {  	v11 =	vld.idx.msk [tilespmem:v11+s4+$0x0], $0xffff;
	_ =	sdelay $0x1  }
0x2a8: {  	v12 =	vld.idx.msk [tilespmem:v12+s4+$0x0], $0xffff  }
0x2a9: {  	v10 =	vmul.f32 v10, v3  }
0x2aa: {  	v13 =	vmul.f32 v13, v1;
	_ =	sdelay $0x1  }
0x2ab: {  	v10 =	vadd.f32 v13, v10;
	v11 =	vmul.f32 v11, v2  }
0x2ac: {  	v13 =	vor.u32 $0x2200, v5  }
0x2ad: {  	v10 =	vadd.f32 v11, v10;
	v11 =	vmul.f32 v12, v4;
	v12 =	vadd.s32 $0xD000, v9  }
0x2ae: {  	v14 =	vadd.s32 $0xD000, v6  }
0x2af: {  	v10 =	vadd.f32 v11, v10;
	v11 =	vadd.s32 $0xD000, v8  }
0x2b0: {  	v15 =	vadd.s32 $0xD000, v7  }
0x2b1: {  	[tilespmem:v13+s17+$0x0] =	vst.idx.msk $0xffff, v10  }
0x2b2: {  	v10 =	vld.idx.msk [tilespmem:v12+s4+$0x0], $0xffff  }
0x2b3: {  	v12 =	vld.idx.msk [tilespmem:v14+s4+$0x0], $0xffff  }
0x2b4: {  	v11 =	vld.idx.msk [tilespmem:v11+s4+$0x0], $0xffff  }
0x2b5: {  	v13 =	vld.idx.msk [tilespmem:v15+s4+$0x0], $0xffff;
	_ =	sdelay $0x2  }
0x2b6: {  	v10 =	vmul.f32 v10, v1  }
0x2b7: {  	v12 =	vmul.f32 v12, v3  }
0x2b8: {  	v11 =	vmul.f32 v11, v2  }
0x2b9: {  	v10 =	vadd.f32 v10, v12  }
0x2ba: {  	v12 =	vor.u32 $0x2280, v5  }
0x2bb: {  	v10 =	vadd.f32 v11, v10;
	v11 =	vmul.f32 v13, v4;
	v13 =	vadd.s32 $0xE000, v6  }
0x2bc: {  	v14 =	vadd.s32 $0xE000, v9  }
0x2bd: {  	v10 =	vadd.f32 v11, v10;
	v11 =	vadd.s32 $0xE000, v8  }
0x2be: {  	v15 =	vadd.s32 $0xE000, v7  }
0x2bf: {  	[tilespmem:v12+s17+$0x0] =	vst.idx.msk $0xffff, v10  }
0x2c0: {  	v10 =	vld.idx.msk [tilespmem:v13+s4+$0x0], $0xffff  }
0x2c1: {  	v12 =	vld.idx.msk [tilespmem:v14+s4+$0x0], $0xffff  }
0x2c2: {  	v11 =	vld.idx.msk [tilespmem:v11+s4+$0x0], $0xffff  }
0x2c3: {  	v13 =	vld.idx.msk [tilespmem:v15+s4+$0x0], $0xffff;
	_ =	sdelay $0x2  }
0x2c4: {  	v10 =	vmul.f32 v10, v3  }
0x2c5: {  	v12 =	vmul.f32 v12, v1;
	_ =	sdelay $0x1  }
0x2c6: {  	v11 =	vmul.f32 v11, v2;
	v10 =	vadd.f32 v12, v10  }
0x2c7: {  	v14 =	vadd.s32 $0xF000, v9;
	v12 =	vor.u32 $0x2300, v5  }
0x2c8: {  	v6 =	vadd.s32 $0xF000, v6;
	v9 =	vadd.f32 v11, v10;
	v10 =	vmul.f32 v13, v4;
	_ =	sdelay $0x1  }
0x2c9: {  	v8 =	vadd.s32 $0xF000, v8;
	v10 =	vadd.f32 v10, v9  }
.Ltmp3:
0x2ca: {  	v9 =	vadd.s32 $0xF000, v7;
	(pc) =	sbr.rel @p0 .LBB2_8-.Ltmp3, $4  }
0x2cb: {  	[tilespmem:v12+s17+$0x0] =	vst.idx.msk $0xffff, v10  }
0x2cc: {  	v6 =	vld.idx.msk [tilespmem:v6+s4+$0x0], $0xffff  }
0x2cd: {  	v7 =	vld.idx.msk [tilespmem:v14+s4+$0x0], $0xffff  }
0x2ce: {  	v8 =	vld.idx.msk [tilespmem:v8+s4+$0x0], $0xffff  }
0x2cf: {  	_ =	sdelay $0x3  }
0x2d0: {  	v9 =	vld.idx.msk [tilespmem:v9+s4+$0x0], $0xffff  }
0x2d1: {  	v3 =	vmul.f32 v6, v3;
	v1 =	vmul.f32 v7, v1;
	_ =	sdelay $0x1  }
0x2d2: {  	v2 =	vmul.f32 v8, v2;
	v1 =	vadd.f32 v1, v3  }
0x2d3: {  	v3 =	vor.u32 $0x2380, v5  }
0x2d4: {  	v4 =	vmul.f32 v9, v4;
	v1 =	vadd.f32 v2, v1;
	_ =	sdelay $0x1  }
0x2d5: {  	v1 =	vadd.f32 v4, v1;
	_ =	sdelay $0x1  }
0x2d6: {  	s19 =	simm.s32 $0x0;
	[tilespmem:v3+s17+$0x0] =	vst.idx.msk $0xffff, v1  }
0x2d7: {  	[tilespmem:s19], [sflag:$0x1] =	stream.linear.gather [hbm4b:s9+s19], $0x8000, $0x38;
	[tilespmem:$0x18800] =	vst v63  }
0x2d8: {  	_ =	swait.ge [sflag:s15], $0x8000  }
0x2d9: {  	[sflag:s15] =	ssyncset.done $0x0  }
0x2da: {  	[sflag:s15] =	ssyncadd.s32 $0xFFFF8000  }
0x2db: {  	[tilespmem:s16], [sflag:$0x1] =	stream.linear.gather [hbm4b:s10+s19], $0x8000, $0x38;
	[tilespmem:$0x18800] =	vst v63  }
0x2dc: {  	_ =	swait.ge [sflag:s15], $0x8000  }
0x2dd: {  	[sflag:s15] =	ssyncset.done $0x0  }
0x2de: {  	s20 =	simm.s32 $0x18000;
	s21 =	simm.s32 $0x18400;
	[sflag:s15] =	ssyncadd.s32 $0xFFFF8000  }
.LBB2_10:
0x2df: {  	v1 =	vld [tilespmem:s20+$0x0]  }
0x2e0: {  	v2 =	vld [tilespmem:s21+$0x0];
	_ =	sdelay $0x3  }
0x2e1: {  	v4 =	vmul.f32 $6.300000000e+01, v1  }
0x2e2: {  	v5 =	vmul.f32 $6.300000000e+01, v2  }
0x2e3: {  	v1 =	vtrunc.f32 v4  }
0x2e4: {  	v3 =	vcvt.f32.s32 v1;
	v1 =	vtrunc.f32 v5  }
0x2e5: {  	v6 =	vcvt.f32.s32 v1  }
0x2e6: {  	v1 =	vadd.s32 $0x1, v3  }
0x2e7: {  	vm0 =	vlt.s32 v1, $0x3F;
	v2 =	vadd.s32 $0x1, v6;
	v7 =	vshll.u32 v6, $0x6  }
0x2e8: {  	v8 =	vnsel vm0, $0x3F, v1;
	vm15 =	vlt.s32 v2, $0x3F;
	v1 =	vadd.s32 v3, v7  }
0x2e9: {  	v9 =	vnsel vm15, $0x3F, v2;
	v2 =	vadd.s32 v8, v7  }
0x2ea: {  	v18 =	vshll.u32 v9, $0x6  }
0x2eb: {  	v19 =	vcvt.s32.f32 v3;
	v6 =	vcvt.s32.f32 v6;
	v3 =	vadd.s32 v3, v18;
	_ =	sdelay $0x1  }
0x2ec: {  	v10 =	vsub.f32 v5, v6;
	v9 =	vsub.f32 v4, v19;
	v4 =	vadd.s32 v8, v18;
	v20 =	vld.idx.msk [tilespmem:v1+s4+$0x0], $0xffff  }
0x2ed: {  	v11 =	vld.idx.msk [tilespmem:v2+s4+$0x0], $0xffff  }
0x2ee: {  	v22 =	vsub.f32 $1.000000000e+00, v10;
	v21 =	vsub.f32 $1.000000000e+00, v9  }
0x2ef: {  	v13 =	vmov s19;
	v12 =	vld.idx.msk [tilespmem:v3+s4+$0x0], $0xffff  }
0x2f0: {  	v14 =	vor.u32 s19, v0;
	v7 =	vmul.f32 v22, v9;
	v23 =	vmul.f32 v22, v21  }
0x2f1: {  	v13 =	vshll.u32 v13, $0x3;
	v24 =	vand.u32 $0x7F, v14;
	v5 =	vmul.f32 v10, v21;
	v15 =	vld.idx.msk [tilespmem:v4+s4+$0x0], $0xffff  }
0x2f2: {  	v25 =	vand.u32 $0xC00, v13;
	v8 =	vmul.f32 v23, v20;
	v11 =	vmul.f32 v7, v11  }
0x2f3: {  	v27 =	vor.u32 v25, v24  }
0x2f4: {  	v9 =	vmul.f32 v10, v9;
	v8 =	vadd.f32 v11, v8;
	v26 =	vmul.f32 v5, v12  }
0x2f5: {  	v14 =	vor.u32 $0x4000, v27  }
0x2f6: {  	v29 =	vadd.s32 $0x1000, v1;
	v28 =	vmul.f32 v9, v15;
	v8 =	vadd.f32 v8, v26  }
0x2f7: {  	v16 =	vadd.s32 $0x1000, v2  }
0x2f8: {  	v8 =	vadd.f32 v8, v28  }
0x2f9: {  	v30 =	vadd.s32 $0x1000, v3  }
0x2fa: {  	[tilespmem:v14+s17+$0x0] =	vst.idx.msk $0xffff, v8  }
0x2fb: {  	v31 =	vadd.s32 $0x1000, v4;
	v8 =	vld.idx.msk [tilespmem:v29+s4+$0x0], $0xffff  }
0x2fc: {  	v32 =	vld.idx.msk [tilespmem:v16+s4+$0x0], $0xffff;
	_ =	sdelay $0x1  }
0x2fd: {  	v11 =	vld.idx.msk [tilespmem:v30+s4+$0x0], $0xffff;
	_ =	sdelay $0x1  }
0x2fe: {  	v14 =	vld.idx.msk [tilespmem:v31+s4+$0x0], $0xffff  }
0x2ff: {  	v8 =	vmul.f32 v23, v8;
	v15 =	vmul.f32 v32, v7;
	_ =	sdelay $0x1  }
0x300: {  	v11 =	vmul.f32 v11, v5;
	v8 =	vadd.f32 v15, v8  }
0x301: {  	v33 =	vor.u32 $0x4080, v27  }
0x302: {  	v35 =	vadd.s32 $0x2000, v1;
	v34 =	vmul.f32 v14, v9;
	v8 =	vadd.f32 v11, v8  }
0x303: {  	v36 =	vadd.s32 $0x2000, v2  }
0x304: {  	v8 =	vadd.f32 v34, v8  }
0x305: {  	v37 =	vadd.s32 $0x2000, v3  }
0x306: {  	[tilespmem:v33+s17+$0x0] =	vst.idx.msk $0xffff, v8  }
0x307: {  	v38 =	vadd.s32 $0x2000, v4;
	v8 =	vld.idx.msk [tilespmem:v35+s4+$0x0], $0xffff  }
0x308: {  	v15 =	vld.idx.msk [tilespmem:v36+s4+$0x0], $0xffff;
	_ =	sdelay $0x1  }
0x309: {  	v11 =	vld.idx.msk [tilespmem:v37+s4+$0x0], $0xffff;
	_ =	sdelay $0x1  }
0x30a: {  	v14 =	vld.idx.msk [tilespmem:v38+s4+$0x0], $0xffff  }
0x30b: {  	v8 =	vmul.f32 v8, v23;
	v15 =	vmul.f32 v15, v7;
	_ =	sdelay $0x1  }
0x30c: {  	v11 =	vmul.f32 v11, v5;
	v8 =	vadd.f32 v15, v8  }
0x30d: {  	v39 =	vor.u32 $0x4100, v27  }
0x30e: {  	v41 =	vadd.s32 $0x3000, v1;
	v40 =	vmul.f32 v14, v9;
	v8 =	vadd.f32 v11, v8  }
0x30f: {  	v42 =	vadd.s32 $0x3000, v2  }
0x310: {  	v8 =	vadd.f32 v40, v8  }
0x311: {  	v43 =	vadd.s32 $0x3000, v3  }
0x312: {  	[tilespmem:v39+s17+$0x0] =	vst.idx.msk $0xffff, v8  }
0x313: {  	v44 =	vadd.s32 $0x3000, v4;
	v8 =	vld.idx.msk [tilespmem:v41+s4+$0x0], $0xffff  }
0x314: {  	v15 =	vld.idx.msk [tilespmem:v42+s4+$0x0], $0xffff;
	_ =	sdelay $0x1  }
0x315: {  	v11 =	vld.idx.msk [tilespmem:v43+s4+$0x0], $0xffff;
	_ =	sdelay $0x1  }
0x316: {  	v14 =	vld.idx.msk [tilespmem:v44+s4+$0x0], $0xffff  }
0x317: {  	v8 =	vmul.f32 v8, v23;
	v15 =	vmul.f32 v15, v7;
	_ =	sdelay $0x1  }
0x318: {  	v11 =	vmul.f32 v11, v5;
	v8 =	vadd.f32 v15, v8  }
0x319: {  	v45 =	vor.u32 $0x4180, v27  }
0x31a: {  	v47 =	vadd.s32 $0x4000, v1;
	v46 =	vmul.f32 v14, v9;
	v8 =	vadd.f32 v11, v8  }
0x31b: {  	v48 =	vadd.s32 $0x4000, v2  }
0x31c: {  	v8 =	vadd.f32 v46, v8  }
0x31d: {  	v49 =	vadd.s32 $0x4000, v3  }
0x31e: {  	[tilespmem:v45+s17+$0x0] =	vst.idx.msk $0xffff, v8  }
0x31f: {  	v50 =	vadd.s32 $0x4000, v4;
	v8 =	vld.idx.msk [tilespmem:v47+s4+$0x0], $0xffff  }
0x320: {  	v15 =	vld.idx.msk [tilespmem:v48+s4+$0x0], $0xffff;
	_ =	sdelay $0x1  }
0x321: {  	v11 =	vld.idx.msk [tilespmem:v49+s4+$0x0], $0xffff;
	_ =	sdelay $0x1  }
0x322: {  	v14 =	vld.idx.msk [tilespmem:v50+s4+$0x0], $0xffff  }
0x323: {  	v8 =	vmul.f32 v8, v23;
	v15 =	vmul.f32 v15, v7;
	_ =	sdelay $0x1  }
0x324: {  	v11 =	vmul.f32 v11, v5;
	v8 =	vadd.f32 v15, v8  }
0x325: {  	v51 =	vor.u32 $0x4200, v27  }
0x326: {  	v53 =	vadd.s32 $0x5000, v1;
	v52 =	vmul.f32 v14, v9;
	v8 =	vadd.f32 v11, v8  }
0x327: {  	v54 =	vadd.s32 $0x5000, v2  }
0x328: {  	v8 =	vadd.f32 v52, v8  }
0x329: {  	v55 =	vadd.s32 $0x5000, v3  }
0x32a: {  	[tilespmem:v51+s17+$0x0] =	vst.idx.msk $0xffff, v8  }
0x32b: {  	v56 =	vadd.s32 $0x5000, v4;
	v8 =	vld.idx.msk [tilespmem:v53+s4+$0x0], $0xffff  }
0x32c: {  	v15 =	vld.idx.msk [tilespmem:v54+s4+$0x0], $0xffff;
	_ =	sdelay $0x1  }
0x32d: {  	v11 =	vld.idx.msk [tilespmem:v55+s4+$0x0], $0xffff;
	_ =	sdelay $0x1  }
0x32e: {  	v14 =	vld.idx.msk [tilespmem:v56+s4+$0x0], $0xffff  }
0x32f: {  	v8 =	vmul.f32 v8, v23;
	v15 =	vmul.f32 v15, v7;
	_ =	sdelay $0x1  }
0x330: {  	v11 =	vmul.f32 v11, v5;
	v8 =	vadd.f32 v15, v8  }
0x331: {  	v57 =	vor.u32 $0x4280, v27  }
0x332: {  	v59 =	vadd.s32 $0x6000, v1;
	v58 =	vmul.f32 v14, v9;
	v8 =	vadd.f32 v11, v8  }
0x333: {  	v60 =	vadd.s32 $0x6000, v2  }
0x334: {  	v8 =	vadd.f32 v58, v8  }
0x335: {  	v61 =	vadd.s32 $0x6000, v3  }
0x336: {  	[tilespmem:v57+s17+$0x0] =	vst.idx.msk $0xffff, v8  }
0x337: {  	v62 =	vadd.s32 $0x6000, v4;
	v8 =	vld.idx.msk [tilespmem:v59+s4+$0x0], $0xffff  }
0x338: {  	v15 =	vld.idx.msk [tilespmem:v60+s4+$0x0], $0xffff;
	_ =	sdelay $0x1  }
0x339: {  	v11 =	vld.idx.msk [tilespmem:v61+s4+$0x0], $0xffff;
	_ =	sdelay $0x1  }
0x33a: {  	v14 =	vld.idx.msk [tilespmem:v62+s4+$0x0], $0xffff  }
0x33b: {  	v8 =	vmul.f32 v8, v23;
	v15 =	vmul.f32 v15, v7;
	_ =	sdelay $0x1  }
0x33c: {  	v11 =	vmul.f32 v11, v5;
	v8 =	vadd.f32 v15, v8  }
0x33d: {  	v12 =	vor.u32 $0x4300, v27  }
0x33e: {  	v1 =	vadd.s32 $0x7000, v1;
	v63 =	vmul.f32 v14, v9;
	v8 =	vadd.f32 v11, v8  }
0x33f: {  	v2 =	vadd.s32 $0x7000, v2  }
0x340: {  	v8 =	vadd.f32 v63, v8  }
0x341: {  	v3 =	vadd.s32 $0x7000, v3  }
0x342: {  	[tilespmem:v12+s17+$0x0] =	vst.idx.msk $0xffff, v8  }
0x343: {  	v4 =	vadd.s32 $0x7000, v4;
	v1 =	vld.idx.msk [tilespmem:v1+s4+$0x0], $0xffff  }
0x344: {  	v2 =	vld.idx.msk [tilespmem:v2+s4+$0x0], $0xffff;
	_ =	sdelay $0x1  }
0x345: {  	v3 =	vld.idx.msk [tilespmem:v3+s4+$0x0], $0xffff;
	_ =	sdelay $0x1  }
0x346: {  	v4 =	vld.idx.msk [tilespmem:v4+s4+$0x0], $0xffff  }
0x347: {  	v1 =	vmul.f32 v1, v23;
	v2 =	vmul.f32 v2, v7;
	_ =	sdelay $0x1  }
0x348: {  	v1 =	vadd.f32 v2, v1;
	v2 =	vmul.f32 v3, v5;
	v3 =	vor.u32 v24, v13  }
0x349: {  	p0 =	sne.s32 s19, $0x1F0;
	v3 =	vor.u32 $0x4380, v3  }
.Ltmp4:
0x34a: {  	v1 =	vadd.f32 v2, v1;
	v2 =	vmul.f32 v4, v9;
	(pc) =	sbr.rel @p0 .LBB2_10-.Ltmp4, $3  }
0x34b: {  	_ = 	snop  }
0x34c: {  	v1 =	vadd.f32 v2, v1;
	_ =	sdelay $0x1  }
0x34d: {  	s20 =	sadd.s32 $0x10, s20;
	s21 =	sadd.s32 $0x10, s21;
	s19 =	sadd.s32 $0x10, s19;
	[tilespmem:v3+s17+$0x0] =	vst.idx.msk $0xffff, v1  }
0x34e: {  	s19 =	simm.s32 $0x18200  }
0x34f: {  	s20 =	simm.s32 $0x18600;
	v1 =	vld [tilespmem:s19+$0x0]  }
0x350: {  	v2 =	vld [tilespmem:s20+$0x0];
	_ =	sdelay $0x3  }
0x351: {  	v1 =	vmul.f32 $6.300000000e+01, v1  }
0x352: {  	v2 =	vmul.f32 $6.300000000e+01, v2  }
0x353: {  	v3 =	vtrunc.f32 v1  }
0x354: {  	v4 =	vtrunc.f32 v2;
	v3 =	vcvt.f32.s32 v3  }
0x355: {  	v4 =	vcvt.f32.s32 v4  }
0x356: {  	v5 =	vadd.s32 $0x1, v3  }
0x357: {  	v6 =	vadd.s32 $0x1, v4;
	vm0 =	vlt.s32 v5, $0x3F  }
0x358: {  	v7 =	vshll.u32 v4, $0x6;
	vm15 =	vlt.s32 v6, $0x3F;
	v5 =	vnsel vm0, $0x3F, v5  }
0x359: {  	v8 =	vnsel vm15, $0x3F, v6;
	v6 =	vadd.s32 v5, v7  }
0x35a: {  	v7 =	vadd.s32 v3, v7;
	v10 =	vadd.s32 $0x8000, v6  }
0x35b: {  	v9 =	vshll.u32 v8, $0x6;
	v11 =	vadd.s32 $0x8000, v7  }
0x35c: {  	v8 =	vadd.s32 v3, v9  }
0x35d: {  	v4 =	vcvt.s32.f32 v4;
	v3 =	vcvt.s32.f32 v3;
	v12 =	vadd.s32 $0x8000, v8  }
0x35e: {  	v9 =	vadd.s32 v5, v9  }
0x35f: {  	v4 =	vsub.f32 v2, v4;
	v2 =	vadd.s32 $0x8000, v9;
	v5 =	vsub.f32 v1, v3;
	v10 =	vld.idx.msk [tilespmem:v10+s4+$0x0], $0xffff  }
0x360: {  	v11 =	vld.idx.msk [tilespmem:v11+s4+$0x0], $0xffff  }
0x361: {  	v3 =	vsub.f32 $1.000000000e+00, v4;
	v13 =	vsub.f32 $1.000000000e+00, v5  }
0x362: {  	v12 =	vld.idx.msk [tilespmem:v12+s4+$0x0], $0xffff  }
0x363: {  	s21 =	simm.s32 $0x200;
	v1 =	vmul.f32 v3, v5;
	v3 =	vmul.f32 v3, v13  }
0x364: {  	v38 =	vmov s21;
	v15 =	vor.u32 s21, v0;
	v14 =	vld.idx.msk [tilespmem:v2+s4+$0x0], $0xffff;
	v2 =	vmul.f32 v4, v13  }
0x365: {  	v13 =	vshll.u32 v38, $0x3;
	v10 =	vmul.f32 v1, v10;
	v11 =	vmul.f32 v3, v11  }
0x366: {  	v15 =	vand.u32 $0x7F, v15;
	v4 =	vmul.f32 v4, v5;
	v13 =	vand.u32 $0x1C00, v13  }
0x367: {  	v5 =	vor.u32 v13, v15;
	v12 =	vmul.f32 v2, v12;
	v10 =	vadd.f32 v10, v11  }
0x368: {  	v11 =	vor.u32 $0x4000, v5  }
0x369: {  	v40 =	vadd.s32 $0x9000, v7;
	v39 =	vmul.f32 v4, v14;
	v10 =	vadd.f32 v10, v12  }
0x36a: {  	v41 =	vadd.s32 $0x9000, v6  }
0x36b: {  	v10 =	vadd.f32 v10, v39  }
0x36c: {  	v42 =	vadd.s32 $0x9000, v8  }
0x36d: {  	[tilespmem:v11+s17+$0x0] =	vst.idx.msk $0xffff, v10  }
0x36e: {  	v11 =	vadd.s32 $0x9000, v9;
	v10 =	vld.idx.msk [tilespmem:v40+s4+$0x0], $0xffff  }
0x36f: {  	v43 =	vld.idx.msk [tilespmem:v41+s4+$0x0], $0xffff;
	_ =	sdelay $0x1  }
0x370: {  	v12 =	vld.idx.msk [tilespmem:v42+s4+$0x0], $0xffff;
	_ =	sdelay $0x1  }
0x371: {  	v11 =	vld.idx.msk [tilespmem:v11+s4+$0x0], $0xffff  }
0x372: {  	v10 =	vmul.f32 v3, v10;
	v13 =	vmul.f32 v43, v1;
	_ =	sdelay $0x1  }
0x373: {  	v12 =	vmul.f32 v12, v2;
	v10 =	vadd.f32 v13, v10  }
0x374: {  	v44 =	vor.u32 $0x4080, v5  }
0x375: {  	v45 =	vadd.s32 $0xA000, v7;
	v10 =	vadd.f32 v12, v10;
	v11 =	vmul.f32 v11, v4  }
0x376: {  	v46 =	vadd.s32 $0xA000, v6  }
0x377: {  	v10 =	vadd.f32 v11, v10  }
0x378: {  	v11 =	vadd.s32 $0xA000, v8  }
0x379: {  	[tilespmem:v44+s17+$0x0] =	vst.idx.msk $0xffff, v10  }
0x37a: {  	v47 =	vadd.s32 $0xA000, v9;
	v10 =	vld.idx.msk [tilespmem:v45+s4+$0x0], $0xffff  }
0x37b: {  	v13 =	vld.idx.msk [tilespmem:v46+s4+$0x0], $0xffff;
	_ =	sdelay $0x1  }
0x37c: {  	v11 =	vld.idx.msk [tilespmem:v11+s4+$0x0], $0xffff;
	_ =	sdelay $0x1  }
0x37d: {  	v12 =	vld.idx.msk [tilespmem:v47+s4+$0x0], $0xffff  }
0x37e: {  	v10 =	vmul.f32 v10, v3;
	v13 =	vmul.f32 v13, v1;
	_ =	sdelay $0x1  }
0x37f: {  	v10 =	vadd.f32 v13, v10;
	v11 =	vmul.f32 v11, v2  }
0x380: {  	v48 =	vor.u32 $0x4100, v5  }
0x381: {  	v49 =	vadd.s32 $0xB000, v7;
	v10 =	vadd.f32 v11, v10;
	v11 =	vmul.f32 v12, v4  }
0x382: {  	v50 =	vadd.s32 $0xB000, v6  }
0x383: {  	v10 =	vadd.f32 v11, v10  }
0x384: {  	v11 =	vadd.s32 $0xB000, v8  }
0x385: {  	[tilespmem:v48+s17+$0x0] =	vst.idx.msk $0xffff, v10  }
0x386: {  	v51 =	vadd.s32 $0xB000, v9;
	v10 =	vld.idx.msk [tilespmem:v49+s4+$0x0], $0xffff  }
0x387: {  	v13 =	vld.idx.msk [tilespmem:v50+s4+$0x0], $0xffff;
	_ =	sdelay $0x1  }
0x388: {  	v11 =	vld.idx.msk [tilespmem:v11+s4+$0x0], $0xffff;
	_ =	sdelay $0x1  }
0x389: {  	v12 =	vld.idx.msk [tilespmem:v51+s4+$0x0], $0xffff  }
0x38a: {  	v10 =	vmul.f32 v10, v3;
	v13 =	vmul.f32 v13, v1;
	_ =	sdelay $0x1  }
0x38b: {  	v10 =	vadd.f32 v13, v10;
	v11 =	vmul.f32 v11, v2  }
0x38c: {  	v52 =	vor.u32 $0x4180, v5  }
0x38d: {  	v53 =	vadd.s32 $0xC000, v7;
	v10 =	vadd.f32 v11, v10;
	v11 =	vmul.f32 v12, v4  }
0x38e: {  	v54 =	vadd.s32 $0xC000, v6  }
0x38f: {  	v10 =	vadd.f32 v11, v10  }
0x390: {  	v11 =	vadd.s32 $0xC000, v8  }
0x391: {  	[tilespmem:v52+s17+$0x0] =	vst.idx.msk $0xffff, v10  }
0x392: {  	v55 =	vadd.s32 $0xC000, v9;
	v10 =	vld.idx.msk [tilespmem:v53+s4+$0x0], $0xffff  }
0x393: {  	v13 =	vld.idx.msk [tilespmem:v54+s4+$0x0], $0xffff;
	_ =	sdelay $0x1  }
0x394: {  	v11 =	vld.idx.msk [tilespmem:v11+s4+$0x0], $0xffff;
	_ =	sdelay $0x1  }
0x395: {  	v12 =	vld.idx.msk [tilespmem:v55+s4+$0x0], $0xffff  }
0x396: {  	v10 =	vmul.f32 v10, v3;
	v13 =	vmul.f32 v13, v1;
	_ =	sdelay $0x1  }
0x397: {  	v10 =	vadd.f32 v13, v10;
	v11 =	vmul.f32 v11, v2  }
0x398: {  	v56 =	vor.u32 $0x4200, v5  }
0x399: {  	v57 =	vadd.s32 $0xD000, v6;
	v10 =	vadd.f32 v11, v10;
	v11 =	vmul.f32 v12, v4  }
0x39a: {  	v58 =	vadd.s32 $0xD000, v7  }
0x39b: {  	v10 =	vadd.f32 v11, v10  }
0x39c: {  	v11 =	vadd.s32 $0xD000, v8  }
0x39d: {  	[tilespmem:v56+s17+$0x0] =	vst.idx.msk $0xffff, v10  }
0x39e: {  	v10 =	vadd.s32 $0xD000, v9;
	v12 =	vld.idx.msk [tilespmem:v57+s4+$0x0], $0xffff  }
0x39f: {  	v13 =	vld.idx.msk [tilespmem:v58+s4+$0x0], $0xffff;
	_ =	sdelay $0x1  }
0x3a0: {  	v11 =	vld.idx.msk [tilespmem:v11+s4+$0x0], $0xffff;
	_ =	sdelay $0x1  }
0x3a1: {  	v10 =	vld.idx.msk [tilespmem:v10+s4+$0x0], $0xffff  }
0x3a2: {  	v12 =	vmul.f32 v12, v1;
	v13 =	vmul.f32 v13, v3;
	_ =	sdelay $0x1  }
0x3a3: {  	v11 =	vmul.f32 v11, v2;
	v12 =	vadd.f32 v12, v13  }
0x3a4: {  	v59 =	vor.u32 $0x4280, v5  }
0x3a5: {  	v60 =	vadd.s32 $0xE000, v7;
	v11 =	vadd.f32 v11, v12;
	v10 =	vmul.f32 v10, v4  }
0x3a6: {  	v61 =	vadd.s32 $0xE000, v6  }
0x3a7: {  	v10 =	vadd.f32 v10, v11  }
0x3a8: {  	v11 =	vadd.s32 $0xE000, v8  }
0x3a9: {  	[tilespmem:v59+s17+$0x0] =	vst.idx.msk $0xffff, v10  }
0x3aa: {  	v10 =	vadd.s32 $0xE000, v9;
	v12 =	vld.idx.msk [tilespmem:v60+s4+$0x0], $0xffff  }
0x3ab: {  	v13 =	vld.idx.msk [tilespmem:v61+s4+$0x0], $0xffff;
	_ =	sdelay $0x1  }
0x3ac: {  	v11 =	vld.idx.msk [tilespmem:v11+s4+$0x0], $0xffff;
	_ =	sdelay $0x1  }
0x3ad: {  	v10 =	vld.idx.msk [tilespmem:v10+s4+$0x0], $0xffff  }
0x3ae: {  	v12 =	vmul.f32 v12, v3;
	v13 =	vmul.f32 v13, v1;
	_ =	sdelay $0x1  }
0x3af: {  	v12 =	vadd.f32 v13, v12;
	v11 =	vmul.f32 v11, v2  }
0x3b0: {  	v62 =	vor.u32 $0x4300, v5  }
0x3b1: {  	v7 =	vadd.s32 $0xF000, v7;
	v11 =	vadd.f32 v11, v12;
	v10 =	vmul.f32 v10, v4  }
0x3b2: {  	v63 =	vadd.s32 $0xF000, v6  }
0x3b3: {  	v8 =	vadd.s32 $0xF000, v8;
	v6 =	vadd.f32 v10, v11  }
0x3b4: {  	v9 =	vadd.s32 $0xF000, v9  }
0x3b5: {  	[tilespmem:v62+s17+$0x0] =	vst.idx.msk $0xffff, v6  }
0x3b6: {  	v6 =	vld.idx.msk [tilespmem:v7+s4+$0x0], $0xffff  }
0x3b7: {  	v7 =	vld.idx.msk [tilespmem:v63+s4+$0x0], $0xffff  }
0x3b8: {  	s21 =	simm.s32 $0x210;
	v8 =	vld.idx.msk [tilespmem:v8+s4+$0x0], $0xffff  }
.LBB2_12:
0x3b9: {  	p0 =	sne.s32 s21, $0x3F0;
	v9 =	vld.idx.msk [tilespmem:v9+s4+$0x0], $0xffff;
	s20 =	sadd.s32 $0x10, s20;
	s19 =	sadd.s32 $0x10, s19  }
0x3ba: {  	s22 =	smov.u32 s21;
	s21 =	sadd.s32 $0x10, s21;
	_ =	sdelay $0x1  }
0x3bb: {  	v3 =	vmul.f32 v6, v3  }
0x3bc: {  	v1 =	vmul.f32 v7, v1  }
0x3bd: {  	v2 =	vmul.f32 v8, v2  }
0x3be: {  	v1 =	vadd.f32 v1, v3;
	v3 =	vor.u32 $0x4380, v5  }
0x3bf: {  	v4 =	vmul.f32 v9, v4  }
0x3c0: {  	v1 =	vadd.f32 v2, v1;
	_ =	sdelay $0x1  }
0x3c1: {  	v1 =	vadd.f32 v4, v1;
	_ =	sdelay $0x1  }
0x3c2: {  	[tilespmem:v3+s17+$0x0] =	vst.idx.msk $0xffff, v1  }
0x3c3: {  	v1 =	vld [tilespmem:s19+$0x0]  }
0x3c4: {  	v2 =	vld [tilespmem:s20+$0x0];
	_ =	sdelay $0x3  }
0x3c5: {  	v1 =	vmul.f32 $6.300000000e+01, v1  }
0x3c6: {  	v2 =	vmul.f32 $6.300000000e+01, v2  }
0x3c7: {  	v3 =	vtrunc.f32 v1  }
0x3c8: {  	v3 =	vcvt.f32.s32 v3;
	v4 =	vtrunc.f32 v2  }
0x3c9: {  	v4 =	vcvt.f32.s32 v4  }
0x3ca: {  	v5 =	vcvt.s32.f32 v3;
	v6 =	vadd.s32 $0x1, v3  }
0x3cb: {  	v7 =	vcvt.s32.f32 v4;
	vm0 =	vlt.s32 v6, $0x3F;
	v8 =	vadd.s32 $0x1, v4  }
0x3cc: {  	v4 =	vshll.u32 v4, $0x6;
	v10 =	vnsel vm0, $0x3F, v6;
	vm0 =	vlt.s32 v8, $0x3F  }
0x3cd: {  	v6 =	vadd.s32 v3, v4;
	v8 =	vnsel vm0, $0x3F, v8;
	v9 =	vadd.s32 v10, v4  }
0x3ce: {  	v4 =	vadd.s32 $0x8000, v6;
	v11 =	vadd.s32 $0x8000, v9;
	v12 =	vshll.u32 v8, $0x6  }
0x3cf: {  	v13 =	vsub.f32 v2, v7;
	v8 =	vadd.s32 v3, v12;
	v7 =	vadd.s32 v10, v12  }
0x3d0: {  	v5 =	vsub.f32 v1, v5;
	v1 =	vadd.s32 $0x8000, v8  }
0x3d1: {  	v2 =	vsub.f32 $1.000000000e+00, v13;
	_ =	sdelay $0x1  }
0x3d2: {  	v10 =	vadd.s32 $0x8000, v7;
	v11 =	vld.idx.msk [tilespmem:v11+s4+$0x0], $0xffff  }
0x3d3: {  	v4 =	vld.idx.msk [tilespmem:v4+s4+$0x0], $0xffff  }
0x3d4: {  	v12 =	vld.idx.msk [tilespmem:v1+s4+$0x0], $0xffff  }
0x3d5: {  	v14 =	vsub.f32 $1.000000000e+00, v5  }
0x3d6: {  	v1 =	vmul.f32 v2, v5  }
0x3d7: {  	v3 =	vmul.f32 v2, v14;
	v10 =	vld.idx.msk [tilespmem:v10+s4+$0x0], $0xffff  }
0x3d8: {  	v2 =	vmul.f32 v13, v14;
	v14 =	vmov s22;
	v11 =	vmul.f32 v1, v11  }
0x3d9: {  	v15 =	vor.u32 s22, v0;
	v16 =	vmul.f32 v3, v4;
	v4 =	vshll.u32 v14, $0x3  }
0x3da: {  	v14 =	vand.u32 $0x7F, v15;
	v12 =	vmul.f32 v2, v12;
	v15 =	vand.u32 $0x1C00, v4  }
0x3db: {  	v4 =	vmul.f32 v13, v5;
	v11 =	vadd.f32 v11, v16;
	v5 =	vor.u32 v15, v14  }
0x3dc: {  	v13 =	vor.u32 $0x4000, v5  }
0x3dd: {  	v11 =	vadd.f32 v11, v12;
	v10 =	vmul.f32 v4, v10;
	v12 =	vadd.s32 $0x9000, v6  }
0x3de: {  	v14 =	vadd.s32 $0x9000, v9  }
0x3df: {  	v10 =	vadd.f32 v11, v10  }
0x3e0: {  	v11 =	vadd.s32 $0x9000, v8  }
0x3e1: {  	[tilespmem:v13+s17+$0x0] =	vst.idx.msk $0xffff, v10  }
0x3e2: {  	v10 =	vld.idx.msk [tilespmem:v12+s4+$0x0], $0xffff;
	v12 =	vadd.s32 $0x9000, v7  }
0x3e3: {  	v13 =	vld.idx.msk [tilespmem:v14+s4+$0x0], $0xffff;
	_ =	sdelay $0x1  }
0x3e4: {  	v11 =	vld.idx.msk [tilespmem:v11+s4+$0x0], $0xffff;
	_ =	sdelay $0x1  }
0x3e5: {  	v12 =	vld.idx.msk [tilespmem:v12+s4+$0x0], $0xffff;
	_ =	sdelay $0x1  }
0x3e6: {  	v10 =	vmul.f32 v3, v10;
	v13 =	vmul.f32 v13, v1;
	_ =	sdelay $0x1  }
0x3e7: {  	v10 =	vadd.f32 v13, v10;
	v11 =	vmul.f32 v11, v2  }
0x3e8: {  	v13 =	vor.u32 $0x4080, v5  }
0x3e9: {  	v10 =	vadd.f32 v11, v10;
	v11 =	vmul.f32 v12, v4;
	v12 =	vadd.s32 $0xA000, v6  }
0x3ea: {  	v14 =	vadd.s32 $0xA000, v9  }
0x3eb: {  	v10 =	vadd.f32 v11, v10  }
0x3ec: {  	v11 =	vadd.s32 $0xA000, v8  }
0x3ed: {  	[tilespmem:v13+s17+$0x0] =	vst.idx.msk $0xffff, v10  }
0x3ee: {  	v10 =	vld.idx.msk [tilespmem:v12+s4+$0x0], $0xffff;
	v12 =	vadd.s32 $0xA000, v7  }
0x3ef: {  	v13 =	vld.idx.msk [tilespmem:v14+s4+$0x0], $0xffff;
	_ =	sdelay $0x1  }
0x3f0: {  	v11 =	vld.idx.msk [tilespmem:v11+s4+$0x0], $0xffff;
	_ =	sdelay $0x1  }
0x3f1: {  	v12 =	vld.idx.msk [tilespmem:v12+s4+$0x0], $0xffff;
	_ =	sdelay $0x1  }
0x3f2: {  	v10 =	vmul.f32 v10, v3;
	v13 =	vmul.f32 v13, v1;
	_ =	sdelay $0x1  }
0x3f3: {  	v10 =	vadd.f32 v13, v10;
	v11 =	vmul.f32 v11, v2  }
0x3f4: {  	v13 =	vor.u32 $0x4100, v5  }
0x3f5: {  	v10 =	vadd.f32 v11, v10;
	v11 =	vmul.f32 v12, v4;
	v12 =	vadd.s32 $0xB000, v6  }
0x3f6: {  	v14 =	vadd.s32 $0xB000, v9  }
0x3f7: {  	v10 =	vadd.f32 v11, v10  }
0x3f8: {  	v11 =	vadd.s32 $0xB000, v8  }
0x3f9: {  	[tilespmem:v13+s17+$0x0] =	vst.idx.msk $0xffff, v10  }
0x3fa: {  	v10 =	vld.idx.msk [tilespmem:v12+s4+$0x0], $0xffff;
	v12 =	vadd.s32 $0xB000, v7  }
0x3fb: {  	v13 =	vld.idx.msk [tilespmem:v14+s4+$0x0], $0xffff;
	_ =	sdelay $0x1  }
0x3fc: {  	v11 =	vld.idx.msk [tilespmem:v11+s4+$0x0], $0xffff;
	_ =	sdelay $0x1  }
0x3fd: {  	v12 =	vld.idx.msk [tilespmem:v12+s4+$0x0], $0xffff;
	_ =	sdelay $0x1  }
0x3fe: {  	v10 =	vmul.f32 v10, v3;
	v13 =	vmul.f32 v13, v1;
	_ =	sdelay $0x1  }
0x3ff: {  	v10 =	vadd.f32 v13, v10;
	v11 =	vmul.f32 v11, v2  }
0x400: {  	v13 =	vor.u32 $0x4180, v5  }
0x401: {  	v10 =	vadd.f32 v11, v10;
	v11 =	vmul.f32 v12, v4;
	v12 =	vadd.s32 $0xC000, v6  }
0x402: {  	v14 =	vadd.s32 $0xC000, v9  }
0x403: {  	v10 =	vadd.f32 v11, v10  }
0x404: {  	v11 =	vadd.s32 $0xC000, v8  }
0x405: {  	[tilespmem:v13+s17+$0x0] =	vst.idx.msk $0xffff, v10  }
0x406: {  	v10 =	vld.idx.msk [tilespmem:v12+s4+$0x0], $0xffff;
	v12 =	vadd.s32 $0xC000, v7  }
0x407: {  	v13 =	vld.idx.msk [tilespmem:v14+s4+$0x0], $0xffff;
	_ =	sdelay $0x1  }
0x408: {  	v11 =	vld.idx.msk [tilespmem:v11+s4+$0x0], $0xffff;
	_ =	sdelay $0x1  }
0x409: {  	v12 =	vld.idx.msk [tilespmem:v12+s4+$0x0], $0xffff  }
0x40a: {  	v10 =	vmul.f32 v10, v3  }
0x40b: {  	v13 =	vmul.f32 v13, v1;
	_ =	sdelay $0x1  }
0x40c: {  	v10 =	vadd.f32 v13, v10;
	v11 =	vmul.f32 v11, v2  }
0x40d: {  	v13 =	vor.u32 $0x4200, v5  }
0x40e: {  	v10 =	vadd.f32 v11, v10;
	v11 =	vmul.f32 v12, v4;
	v12 =	vadd.s32 $0xD000, v9  }
0x40f: {  	v14 =	vadd.s32 $0xD000, v6  }
0x410: {  	v10 =	vadd.f32 v11, v10;
	v11 =	vadd.s32 $0xD000, v8  }
0x411: {  	v15 =	vadd.s32 $0xD000, v7  }
0x412: {  	[tilespmem:v13+s17+$0x0] =	vst.idx.msk $0xffff, v10  }
0x413: {  	v10 =	vld.idx.msk [tilespmem:v12+s4+$0x0], $0xffff  }
0x414: {  	v12 =	vld.idx.msk [tilespmem:v14+s4+$0x0], $0xffff  }
0x415: {  	v11 =	vld.idx.msk [tilespmem:v11+s4+$0x0], $0xffff  }
0x416: {  	v13 =	vld.idx.msk [tilespmem:v15+s4+$0x0], $0xffff;
	_ =	sdelay $0x2  }
0x417: {  	v10 =	vmul.f32 v10, v1  }
0x418: {  	v12 =	vmul.f32 v12, v3  }
0x419: {  	v11 =	vmul.f32 v11, v2  }
0x41a: {  	v10 =	vadd.f32 v10, v12  }
0x41b: {  	v12 =	vor.u32 $0x4280, v5  }
0x41c: {  	v10 =	vadd.f32 v11, v10;
	v11 =	vmul.f32 v13, v4;
	v13 =	vadd.s32 $0xE000, v6  }
0x41d: {  	v14 =	vadd.s32 $0xE000, v9  }
0x41e: {  	v10 =	vadd.f32 v11, v10;
	v11 =	vadd.s32 $0xE000, v8  }
0x41f: {  	v15 =	vadd.s32 $0xE000, v7  }
0x420: {  	[tilespmem:v12+s17+$0x0] =	vst.idx.msk $0xffff, v10  }
0x421: {  	v10 =	vld.idx.msk [tilespmem:v13+s4+$0x0], $0xffff  }
0x422: {  	v12 =	vld.idx.msk [tilespmem:v14+s4+$0x0], $0xffff  }
0x423: {  	v11 =	vld.idx.msk [tilespmem:v11+s4+$0x0], $0xffff  }
0x424: {  	v13 =	vld.idx.msk [tilespmem:v15+s4+$0x0], $0xffff;
	_ =	sdelay $0x2  }
0x425: {  	v10 =	vmul.f32 v10, v3  }
0x426: {  	v12 =	vmul.f32 v12, v1;
	_ =	sdelay $0x1  }
0x427: {  	v11 =	vmul.f32 v11, v2;
	v10 =	vadd.f32 v12, v10  }
0x428: {  	v14 =	vadd.s32 $0xF000, v9;
	v12 =	vor.u32 $0x4300, v5  }
0x429: {  	v6 =	vadd.s32 $0xF000, v6;
	v9 =	vadd.f32 v11, v10;
	v10 =	vmul.f32 v13, v4;
	_ =	sdelay $0x1  }
0x42a: {  	v8 =	vadd.s32 $0xF000, v8;
	v10 =	vadd.f32 v10, v9  }
.Ltmp5:
0x42b: {  	v9 =	vadd.s32 $0xF000, v7;
	(pc) =	sbr.rel @p0 .LBB2_12-.Ltmp5, $4  }
0x42c: {  	[tilespmem:v12+s17+$0x0] =	vst.idx.msk $0xffff, v10  }
0x42d: {  	v6 =	vld.idx.msk [tilespmem:v6+s4+$0x0], $0xffff  }
0x42e: {  	v7 =	vld.idx.msk [tilespmem:v14+s4+$0x0], $0xffff  }
0x42f: {  	v8 =	vld.idx.msk [tilespmem:v8+s4+$0x0], $0xffff  }
0x430: {  	_ =	sdelay $0x3  }
0x431: {  	v9 =	vld.idx.msk [tilespmem:v9+s4+$0x0], $0xffff  }
0x432: {  	v3 =	vmul.f32 v6, v3;
	v1 =	vmul.f32 v7, v1;
	_ =	sdelay $0x1  }
0x433: {  	v2 =	vmul.f32 v8, v2;
	v1 =	vadd.f32 v1, v3  }
0x434: {  	v3 =	vor.u32 $0x4380, v5  }
0x435: {  	v4 =	vmul.f32 v9, v4;
	v1 =	vadd.f32 v2, v1;
	_ =	sdelay $0x1  }
0x436: {  	v1 =	vadd.f32 v4, v1;
	_ =	sdelay $0x1  }
0x437: {  	s19 =	simm.s32 $0x0;
	[tilespmem:v3+s17+$0x0] =	vst.idx.msk $0xffff, v1  }
0x438: {  	[tilespmem:s19], [sflag:$0x1] =	stream.linear.gather [hbm4b:s11+s19], $0x8000, $0x38;
	[tilespmem:$0x18800] =	vst v63  }
0x439: {  	_ =	swait.ge [sflag:s15], $0x8000  }
0x43a: {  	[sflag:s15] =	ssyncset.done $0x0  }
0x43b: {  	[sflag:s15] =	ssyncadd.s32 $0xFFFF8000  }
0x43c: {  	[tilespmem:s16], [sflag:$0x1] =	stream.linear.gather [hbm4b:s12+s19], $0x8000, $0x38;
	[tilespmem:$0x18800] =	vst v63  }
0x43d: {  	_ =	swait.ge [sflag:s15], $0x8000  }
0x43e: {  	[sflag:s15] =	ssyncset.done $0x0  }
0x43f: {  	s20 =	simm.s32 $0x18000;
	s21 =	simm.s32 $0x18400;
	[sflag:s15] =	ssyncadd.s32 $0xFFFF8000  }
.LBB2_14:
0x440: {  	v1 =	vld [tilespmem:s20+$0x0]  }
0x441: {  	v2 =	vld [tilespmem:s21+$0x0];
	_ =	sdelay $0x3  }
0x442: {  	v4 =	vmul.f32 $6.300000000e+01, v1  }
0x443: {  	v5 =	vmul.f32 $6.300000000e+01, v2  }
0x444: {  	v1 =	vtrunc.f32 v4  }
0x445: {  	v3 =	vcvt.f32.s32 v1;
	v1 =	vtrunc.f32 v5  }
0x446: {  	v6 =	vcvt.f32.s32 v1  }
0x447: {  	v1 =	vadd.s32 $0x1, v3  }
0x448: {  	vm0 =	vlt.s32 v1, $0x3F;
	v2 =	vadd.s32 $0x1, v6;
	v7 =	vshll.u32 v6, $0x6  }
0x449: {  	v8 =	vnsel vm0, $0x3F, v1;
	vm15 =	vlt.s32 v2, $0x3F;
	v1 =	vadd.s32 v3, v7  }
0x44a: {  	v9 =	vnsel vm15, $0x3F, v2;
	v2 =	vadd.s32 v8, v7  }
0x44b: {  	v18 =	vshll.u32 v9, $0x6  }
0x44c: {  	v19 =	vcvt.s32.f32 v3;
	v6 =	vcvt.s32.f32 v6;
	v3 =	vadd.s32 v3, v18;
	_ =	sdelay $0x1  }
0x44d: {  	v10 =	vsub.f32 v5, v6;
	v9 =	vsub.f32 v4, v19;
	v4 =	vadd.s32 v8, v18;
	v20 =	vld.idx.msk [tilespmem:v1+s4+$0x0], $0xffff  }
0x44e: {  	v11 =	vld.idx.msk [tilespmem:v2+s4+$0x0], $0xffff  }
0x44f: {  	v22 =	vsub.f32 $1.000000000e+00, v10;
	v21 =	vsub.f32 $1.000000000e+00, v9  }
0x450: {  	v13 =	vmov s19;
	v12 =	vld.idx.msk [tilespmem:v3+s4+$0x0], $0xffff  }
0x451: {  	v14 =	vor.u32 s19, v0;
	v7 =	vmul.f32 v22, v9;
	v23 =	vmul.f32 v22, v21  }
0x452: {  	v13 =	vshll.u32 v13, $0x3;
	v24 =	vand.u32 $0x7F, v14;
	v5 =	vmul.f32 v10, v21;
	v15 =	vld.idx.msk [tilespmem:v4+s4+$0x0], $0xffff  }
0x453: {  	v25 =	vand.u32 $0xC00, v13;
	v8 =	vmul.f32 v23, v20;
	v11 =	vmul.f32 v7, v11  }
0x454: {  	v27 =	vor.u32 v25, v24  }
0x455: {  	v9 =	vmul.f32 v10, v9;
	v8 =	vadd.f32 v11, v8;
	v26 =	vmul.f32 v5, v12  }
0x456: {  	v14 =	vor.u32 $0x6000, v27  }
0x457: {  	v29 =	vadd.s32 $0x1000, v1;
	v28 =	vmul.f32 v9, v15;
	v8 =	vadd.f32 v8, v26  }
0x458: {  	v16 =	vadd.s32 $0x1000, v2  }
0x459: {  	v8 =	vadd.f32 v8, v28  }
0x45a: {  	v30 =	vadd.s32 $0x1000, v3  }
0x45b: {  	[tilespmem:v14+s17+$0x0] =	vst.idx.msk $0xffff, v8  }
0x45c: {  	v31 =	vadd.s32 $0x1000, v4;
	v8 =	vld.idx.msk [tilespmem:v29+s4+$0x0], $0xffff  }
0x45d: {  	v32 =	vld.idx.msk [tilespmem:v16+s4+$0x0], $0xffff;
	_ =	sdelay $0x1  }
0x45e: {  	v11 =	vld.idx.msk [tilespmem:v30+s4+$0x0], $0xffff;
	_ =	sdelay $0x1  }
0x45f: {  	v14 =	vld.idx.msk [tilespmem:v31+s4+$0x0], $0xffff  }
0x460: {  	v8 =	vmul.f32 v23, v8;
	v15 =	vmul.f32 v32, v7;
	_ =	sdelay $0x1  }
0x461: {  	v11 =	vmul.f32 v11, v5;
	v8 =	vadd.f32 v15, v8  }
0x462: {  	v33 =	vor.u32 $0x6080, v27  }
0x463: {  	v35 =	vadd.s32 $0x2000, v1;
	v34 =	vmul.f32 v14, v9;
	v8 =	vadd.f32 v11, v8  }
0x464: {  	v36 =	vadd.s32 $0x2000, v2  }
0x465: {  	v8 =	vadd.f32 v34, v8  }
0x466: {  	v37 =	vadd.s32 $0x2000, v3  }
0x467: {  	[tilespmem:v33+s17+$0x0] =	vst.idx.msk $0xffff, v8  }
0x468: {  	v38 =	vadd.s32 $0x2000, v4;
	v8 =	vld.idx.msk [tilespmem:v35+s4+$0x0], $0xffff  }
0x469: {  	v15 =	vld.idx.msk [tilespmem:v36+s4+$0x0], $0xffff;
	_ =	sdelay $0x1  }
0x46a: {  	v11 =	vld.idx.msk [tilespmem:v37+s4+$0x0], $0xffff;
	_ =	sdelay $0x1  }
0x46b: {  	v14 =	vld.idx.msk [tilespmem:v38+s4+$0x0], $0xffff  }
0x46c: {  	v8 =	vmul.f32 v8, v23;
	v15 =	vmul.f32 v15, v7;
	_ =	sdelay $0x1  }
0x46d: {  	v11 =	vmul.f32 v11, v5;
	v8 =	vadd.f32 v15, v8  }
0x46e: {  	v39 =	vor.u32 $0x6100, v27  }
0x46f: {  	v41 =	vadd.s32 $0x3000, v1;
	v40 =	vmul.f32 v14, v9;
	v8 =	vadd.f32 v11, v8  }
0x470: {  	v42 =	vadd.s32 $0x3000, v2  }
0x471: {  	v8 =	vadd.f32 v40, v8  }
0x472: {  	v43 =	vadd.s32 $0x3000, v3  }
0x473: {  	[tilespmem:v39+s17+$0x0] =	vst.idx.msk $0xffff, v8  }
0x474: {  	v44 =	vadd.s32 $0x3000, v4;
	v8 =	vld.idx.msk [tilespmem:v41+s4+$0x0], $0xffff  }
0x475: {  	v15 =	vld.idx.msk [tilespmem:v42+s4+$0x0], $0xffff;
	_ =	sdelay $0x1  }
0x476: {  	v11 =	vld.idx.msk [tilespmem:v43+s4+$0x0], $0xffff;
	_ =	sdelay $0x1  }
0x477: {  	v14 =	vld.idx.msk [tilespmem:v44+s4+$0x0], $0xffff  }
0x478: {  	v8 =	vmul.f32 v8, v23;
	v15 =	vmul.f32 v15, v7;
	_ =	sdelay $0x1  }
0x479: {  	v11 =	vmul.f32 v11, v5;
	v8 =	vadd.f32 v15, v8  }
0x47a: {  	v45 =	vor.u32 $0x6180, v27  }
0x47b: {  	v47 =	vadd.s32 $0x4000, v1;
	v46 =	vmul.f32 v14, v9;
	v8 =	vadd.f32 v11, v8  }
0x47c: {  	v48 =	vadd.s32 $0x4000, v2  }
0x47d: {  	v8 =	vadd.f32 v46, v8  }
0x47e: {  	v49 =	vadd.s32 $0x4000, v3  }
0x47f: {  	[tilespmem:v45+s17+$0x0] =	vst.idx.msk $0xffff, v8  }
0x480: {  	v50 =	vadd.s32 $0x4000, v4;
	v8 =	vld.idx.msk [tilespmem:v47+s4+$0x0], $0xffff  }
0x481: {  	v15 =	vld.idx.msk [tilespmem:v48+s4+$0x0], $0xffff;
	_ =	sdelay $0x1  }
0x482: {  	v11 =	vld.idx.msk [tilespmem:v49+s4+$0x0], $0xffff;
	_ =	sdelay $0x1  }
0x483: {  	v14 =	vld.idx.msk [tilespmem:v50+s4+$0x0], $0xffff  }
0x484: {  	v8 =	vmul.f32 v8, v23;
	v15 =	vmul.f32 v15, v7;
	_ =	sdelay $0x1  }
0x485: {  	v11 =	vmul.f32 v11, v5;
	v8 =	vadd.f32 v15, v8  }
0x486: {  	v51 =	vor.u32 $0x6200, v27  }
0x487: {  	v53 =	vadd.s32 $0x5000, v1;
	v52 =	vmul.f32 v14, v9;
	v8 =	vadd.f32 v11, v8  }
0x488: {  	v54 =	vadd.s32 $0x5000, v2  }
0x489: {  	v8 =	vadd.f32 v52, v8  }
0x48a: {  	v55 =	vadd.s32 $0x5000, v3  }
0x48b: {  	[tilespmem:v51+s17+$0x0] =	vst.idx.msk $0xffff, v8  }
0x48c: {  	v56 =	vadd.s32 $0x5000, v4;
	v8 =	vld.idx.msk [tilespmem:v53+s4+$0x0], $0xffff  }
0x48d: {  	v15 =	vld.idx.msk [tilespmem:v54+s4+$0x0], $0xffff;
	_ =	sdelay $0x1  }
0x48e: {  	v11 =	vld.idx.msk [tilespmem:v55+s4+$0x0], $0xffff;
	_ =	sdelay $0x1  }
0x48f: {  	v14 =	vld.idx.msk [tilespmem:v56+s4+$0x0], $0xffff  }
0x490: {  	v8 =	vmul.f32 v8, v23;
	v15 =	vmul.f32 v15, v7;
	_ =	sdelay $0x1  }
0x491: {  	v11 =	vmul.f32 v11, v5;
	v8 =	vadd.f32 v15, v8  }
0x492: {  	v57 =	vor.u32 $0x6280, v27  }
0x493: {  	v59 =	vadd.s32 $0x6000, v1;
	v58 =	vmul.f32 v14, v9;
	v8 =	vadd.f32 v11, v8  }
0x494: {  	v60 =	vadd.s32 $0x6000, v2  }
0x495: {  	v8 =	vadd.f32 v58, v8  }
0x496: {  	v61 =	vadd.s32 $0x6000, v3  }
0x497: {  	[tilespmem:v57+s17+$0x0] =	vst.idx.msk $0xffff, v8  }
0x498: {  	v62 =	vadd.s32 $0x6000, v4;
	v8 =	vld.idx.msk [tilespmem:v59+s4+$0x0], $0xffff  }
0x499: {  	v15 =	vld.idx.msk [tilespmem:v60+s4+$0x0], $0xffff;
	_ =	sdelay $0x1  }
0x49a: {  	v11 =	vld.idx.msk [tilespmem:v61+s4+$0x0], $0xffff;
	_ =	sdelay $0x1  }
0x49b: {  	v14 =	vld.idx.msk [tilespmem:v62+s4+$0x0], $0xffff  }
0x49c: {  	v8 =	vmul.f32 v8, v23;
	v15 =	vmul.f32 v15, v7;
	_ =	sdelay $0x1  }
0x49d: {  	v11 =	vmul.f32 v11, v5;
	v8 =	vadd.f32 v15, v8  }
0x49e: {  	v12 =	vor.u32 $0x6300, v27  }
0x49f: {  	v1 =	vadd.s32 $0x7000, v1;
	v63 =	vmul.f32 v14, v9;
	v8 =	vadd.f32 v11, v8  }
0x4a0: {  	v2 =	vadd.s32 $0x7000, v2  }
0x4a1: {  	v8 =	vadd.f32 v63, v8  }
0x4a2: {  	v3 =	vadd.s32 $0x7000, v3  }
0x4a3: {  	[tilespmem:v12+s17+$0x0] =	vst.idx.msk $0xffff, v8  }
0x4a4: {  	v4 =	vadd.s32 $0x7000, v4;
	v1 =	vld.idx.msk [tilespmem:v1+s4+$0x0], $0xffff  }
0x4a5: {  	v2 =	vld.idx.msk [tilespmem:v2+s4+$0x0], $0xffff;
	_ =	sdelay $0x1  }
0x4a6: {  	v3 =	vld.idx.msk [tilespmem:v3+s4+$0x0], $0xffff;
	_ =	sdelay $0x1  }
0x4a7: {  	v4 =	vld.idx.msk [tilespmem:v4+s4+$0x0], $0xffff  }
0x4a8: {  	v1 =	vmul.f32 v1, v23;
	v2 =	vmul.f32 v2, v7;
	_ =	sdelay $0x1  }
0x4a9: {  	v1 =	vadd.f32 v2, v1;
	v2 =	vmul.f32 v3, v5;
	v3 =	vor.u32 v24, v13  }
0x4aa: {  	p0 =	sne.s32 s19, $0x1F0;
	v3 =	vor.u32 $0x6380, v3  }
.Ltmp6:
0x4ab: {  	v1 =	vadd.f32 v2, v1;
	v2 =	vmul.f32 v4, v9;
	(pc) =	sbr.rel @p0 .LBB2_14-.Ltmp6, $3  }
0x4ac: {  	_ = 	snop  }
0x4ad: {  	v1 =	vadd.f32 v2, v1;
	_ =	sdelay $0x1  }
0x4ae: {  	s20 =	sadd.s32 $0x10, s20;
	s21 =	sadd.s32 $0x10, s21;
	s19 =	sadd.s32 $0x10, s19;
	[tilespmem:v3+s17+$0x0] =	vst.idx.msk $0xffff, v1  }
0x4af: {  	s19 =	simm.s32 $0x18200  }
0x4b0: {  	s20 =	simm.s32 $0x18600;
	v1 =	vld [tilespmem:s19+$0x0]  }
0x4b1: {  	v2 =	vld [tilespmem:s20+$0x0];
	_ =	sdelay $0x3  }
0x4b2: {  	v1 =	vmul.f32 $6.300000000e+01, v1  }
0x4b3: {  	v2 =	vmul.f32 $6.300000000e+01, v2  }
0x4b4: {  	v3 =	vtrunc.f32 v1  }
0x4b5: {  	v4 =	vtrunc.f32 v2;
	v3 =	vcvt.f32.s32 v3  }
0x4b6: {  	v4 =	vcvt.f32.s32 v4  }
0x4b7: {  	v5 =	vadd.s32 $0x1, v3  }
0x4b8: {  	v6 =	vadd.s32 $0x1, v4;
	vm0 =	vlt.s32 v5, $0x3F  }
0x4b9: {  	v7 =	vshll.u32 v4, $0x6;
	vm15 =	vlt.s32 v6, $0x3F;
	v5 =	vnsel vm0, $0x3F, v5  }
0x4ba: {  	v8 =	vnsel vm15, $0x3F, v6;
	v6 =	vadd.s32 v5, v7  }
0x4bb: {  	v7 =	vadd.s32 v3, v7;
	v10 =	vadd.s32 $0x8000, v6  }
0x4bc: {  	v9 =	vshll.u32 v8, $0x6;
	v11 =	vadd.s32 $0x8000, v7  }
0x4bd: {  	v8 =	vadd.s32 v3, v9  }
0x4be: {  	v4 =	vcvt.s32.f32 v4;
	v3 =	vcvt.s32.f32 v3;
	v12 =	vadd.s32 $0x8000, v8  }
0x4bf: {  	v9 =	vadd.s32 v5, v9  }
0x4c0: {  	v4 =	vsub.f32 v2, v4;
	v2 =	vadd.s32 $0x8000, v9;
	v5 =	vsub.f32 v1, v3;
	v10 =	vld.idx.msk [tilespmem:v10+s4+$0x0], $0xffff  }
0x4c1: {  	v11 =	vld.idx.msk [tilespmem:v11+s4+$0x0], $0xffff  }
0x4c2: {  	v3 =	vsub.f32 $1.000000000e+00, v4;
	v13 =	vsub.f32 $1.000000000e+00, v5  }
0x4c3: {  	v12 =	vld.idx.msk [tilespmem:v12+s4+$0x0], $0xffff  }
0x4c4: {  	s21 =	simm.s32 $0x200;
	v1 =	vmul.f32 v3, v5;
	v3 =	vmul.f32 v3, v13  }
0x4c5: {  	v38 =	vmov s21;
	v15 =	vor.u32 s21, v0;
	v14 =	vld.idx.msk [tilespmem:v2+s4+$0x0], $0xffff;
	v2 =	vmul.f32 v4, v13  }
0x4c6: {  	v13 =	vshll.u32 v38, $0x3;
	v10 =	vmul.f32 v1, v10;
	v11 =	vmul.f32 v3, v11  }
0x4c7: {  	v15 =	vand.u32 $0x7F, v15;
	v4 =	vmul.f32 v4, v5;
	v13 =	vand.u32 $0x1C00, v13  }
0x4c8: {  	v5 =	vor.u32 v13, v15;
	v12 =	vmul.f32 v2, v12;
	v10 =	vadd.f32 v10, v11  }
0x4c9: {  	v11 =	vor.u32 $0x6000, v5  }
0x4ca: {  	v40 =	vadd.s32 $0x9000, v7;
	v39 =	vmul.f32 v4, v14;
	v10 =	vadd.f32 v10, v12  }
0x4cb: {  	v41 =	vadd.s32 $0x9000, v6  }
0x4cc: {  	v10 =	vadd.f32 v10, v39  }
0x4cd: {  	v42 =	vadd.s32 $0x9000, v8  }
0x4ce: {  	[tilespmem:v11+s17+$0x0] =	vst.idx.msk $0xffff, v10  }
0x4cf: {  	v11 =	vadd.s32 $0x9000, v9;
	v10 =	vld.idx.msk [tilespmem:v40+s4+$0x0], $0xffff  }
0x4d0: {  	v43 =	vld.idx.msk [tilespmem:v41+s4+$0x0], $0xffff;
	_ =	sdelay $0x1  }
0x4d1: {  	v12 =	vld.idx.msk [tilespmem:v42+s4+$0x0], $0xffff;
	_ =	sdelay $0x1  }
0x4d2: {  	v11 =	vld.idx.msk [tilespmem:v11+s4+$0x0], $0xffff  }
0x4d3: {  	v10 =	vmul.f32 v3, v10;
	v13 =	vmul.f32 v43, v1;
	_ =	sdelay $0x1  }
0x4d4: {  	v12 =	vmul.f32 v12, v2;
	v10 =	vadd.f32 v13, v10  }
0x4d5: {  	v44 =	vor.u32 $0x6080, v5  }
0x4d6: {  	v45 =	vadd.s32 $0xA000, v7;
	v10 =	vadd.f32 v12, v10;
	v11 =	vmul.f32 v11, v4  }
0x4d7: {  	v46 =	vadd.s32 $0xA000, v6  }
0x4d8: {  	v10 =	vadd.f32 v11, v10  }
0x4d9: {  	v11 =	vadd.s32 $0xA000, v8  }
0x4da: {  	[tilespmem:v44+s17+$0x0] =	vst.idx.msk $0xffff, v10  }
0x4db: {  	v47 =	vadd.s32 $0xA000, v9;
	v10 =	vld.idx.msk [tilespmem:v45+s4+$0x0], $0xffff  }
0x4dc: {  	v13 =	vld.idx.msk [tilespmem:v46+s4+$0x0], $0xffff;
	_ =	sdelay $0x1  }
0x4dd: {  	v11 =	vld.idx.msk [tilespmem:v11+s4+$0x0], $0xffff;
	_ =	sdelay $0x1  }
0x4de: {  	v12 =	vld.idx.msk [tilespmem:v47+s4+$0x0], $0xffff  }
0x4df: {  	v10 =	vmul.f32 v10, v3;
	v13 =	vmul.f32 v13, v1;
	_ =	sdelay $0x1  }
0x4e0: {  	v10 =	vadd.f32 v13, v10;
	v11 =	vmul.f32 v11, v2  }
0x4e1: {  	v48 =	vor.u32 $0x6100, v5  }
0x4e2: {  	v49 =	vadd.s32 $0xB000, v7;
	v10 =	vadd.f32 v11, v10;
	v11 =	vmul.f32 v12, v4  }
0x4e3: {  	v50 =	vadd.s32 $0xB000, v6  }
0x4e4: {  	v10 =	vadd.f32 v11, v10  }
0x4e5: {  	v11 =	vadd.s32 $0xB000, v8  }
0x4e6: {  	[tilespmem:v48+s17+$0x0] =	vst.idx.msk $0xffff, v10  }
0x4e7: {  	v51 =	vadd.s32 $0xB000, v9;
	v10 =	vld.idx.msk [tilespmem:v49+s4+$0x0], $0xffff  }
0x4e8: {  	v13 =	vld.idx.msk [tilespmem:v50+s4+$0x0], $0xffff;
	_ =	sdelay $0x1  }
0x4e9: {  	v11 =	vld.idx.msk [tilespmem:v11+s4+$0x0], $0xffff;
	_ =	sdelay $0x1  }
0x4ea: {  	v12 =	vld.idx.msk [tilespmem:v51+s4+$0x0], $0xffff  }
0x4eb: {  	v10 =	vmul.f32 v10, v3;
	v13 =	vmul.f32 v13, v1;
	_ =	sdelay $0x1  }
0x4ec: {  	v10 =	vadd.f32 v13, v10;
	v11 =	vmul.f32 v11, v2  }
0x4ed: {  	v52 =	vor.u32 $0x6180, v5  }
0x4ee: {  	v53 =	vadd.s32 $0xC000, v7;
	v10 =	vadd.f32 v11, v10;
	v11 =	vmul.f32 v12, v4  }
0x4ef: {  	v54 =	vadd.s32 $0xC000, v6  }
0x4f0: {  	v10 =	vadd.f32 v11, v10  }
0x4f1: {  	v11 =	vadd.s32 $0xC000, v8  }
0x4f2: {  	[tilespmem:v52+s17+$0x0] =	vst.idx.msk $0xffff, v10  }
0x4f3: {  	v55 =	vadd.s32 $0xC000, v9;
	v10 =	vld.idx.msk [tilespmem:v53+s4+$0x0], $0xffff  }
0x4f4: {  	v13 =	vld.idx.msk [tilespmem:v54+s4+$0x0], $0xffff;
	_ =	sdelay $0x1  }
0x4f5: {  	v11 =	vld.idx.msk [tilespmem:v11+s4+$0x0], $0xffff;
	_ =	sdelay $0x1  }
0x4f6: {  	v12 =	vld.idx.msk [tilespmem:v55+s4+$0x0], $0xffff  }
0x4f7: {  	v10 =	vmul.f32 v10, v3;
	v13 =	vmul.f32 v13, v1;
	_ =	sdelay $0x1  }
0x4f8: {  	v10 =	vadd.f32 v13, v10;
	v11 =	vmul.f32 v11, v2  }
0x4f9: {  	v56 =	vor.u32 $0x6200, v5  }
0x4fa: {  	v57 =	vadd.s32 $0xD000, v6;
	v10 =	vadd.f32 v11, v10;
	v11 =	vmul.f32 v12, v4  }
0x4fb: {  	v58 =	vadd.s32 $0xD000, v7  }
0x4fc: {  	v10 =	vadd.f32 v11, v10  }
0x4fd: {  	v11 =	vadd.s32 $0xD000, v8  }
0x4fe: {  	[tilespmem:v56+s17+$0x0] =	vst.idx.msk $0xffff, v10  }
0x4ff: {  	v10 =	vadd.s32 $0xD000, v9;
	v12 =	vld.idx.msk [tilespmem:v57+s4+$0x0], $0xffff  }
0x500: {  	v13 =	vld.idx.msk [tilespmem:v58+s4+$0x0], $0xffff;
	_ =	sdelay $0x1  }
0x501: {  	v11 =	vld.idx.msk [tilespmem:v11+s4+$0x0], $0xffff;
	_ =	sdelay $0x1  }
0x502: {  	v10 =	vld.idx.msk [tilespmem:v10+s4+$0x0], $0xffff  }
0x503: {  	v12 =	vmul.f32 v12, v1;
	v13 =	vmul.f32 v13, v3;
	_ =	sdelay $0x1  }
0x504: {  	v11 =	vmul.f32 v11, v2;
	v12 =	vadd.f32 v12, v13  }
0x505: {  	v59 =	vor.u32 $0x6280, v5  }
0x506: {  	v60 =	vadd.s32 $0xE000, v7;
	v11 =	vadd.f32 v11, v12;
	v10 =	vmul.f32 v10, v4  }
0x507: {  	v61 =	vadd.s32 $0xE000, v6  }
0x508: {  	v10 =	vadd.f32 v10, v11  }
0x509: {  	v11 =	vadd.s32 $0xE000, v8  }
0x50a: {  	[tilespmem:v59+s17+$0x0] =	vst.idx.msk $0xffff, v10  }
0x50b: {  	v10 =	vadd.s32 $0xE000, v9;
	v12 =	vld.idx.msk [tilespmem:v60+s4+$0x0], $0xffff  }
0x50c: {  	v13 =	vld.idx.msk [tilespmem:v61+s4+$0x0], $0xffff;
	_ =	sdelay $0x1  }
0x50d: {  	v11 =	vld.idx.msk [tilespmem:v11+s4+$0x0], $0xffff;
	_ =	sdelay $0x1  }
0x50e: {  	v10 =	vld.idx.msk [tilespmem:v10+s4+$0x0], $0xffff  }
0x50f: {  	v12 =	vmul.f32 v12, v3;
	v13 =	vmul.f32 v13, v1;
	_ =	sdelay $0x1  }
0x510: {  	v12 =	vadd.f32 v13, v12;
	v11 =	vmul.f32 v11, v2  }
0x511: {  	v62 =	vor.u32 $0x6300, v5  }
0x512: {  	v7 =	vadd.s32 $0xF000, v7;
	v11 =	vadd.f32 v11, v12;
	v10 =	vmul.f32 v10, v4  }
0x513: {  	v63 =	vadd.s32 $0xF000, v6  }
0x514: {  	v8 =	vadd.s32 $0xF000, v8;
	v6 =	vadd.f32 v10, v11  }
0x515: {  	v9 =	vadd.s32 $0xF000, v9  }
0x516: {  	[tilespmem:v62+s17+$0x0] =	vst.idx.msk $0xffff, v6  }
0x517: {  	v6 =	vld.idx.msk [tilespmem:v7+s4+$0x0], $0xffff  }
0x518: {  	v7 =	vld.idx.msk [tilespmem:v63+s4+$0x0], $0xffff  }
0x519: {  	s21 =	simm.s32 $0x210;
	v8 =	vld.idx.msk [tilespmem:v8+s4+$0x0], $0xffff  }
.LBB2_16:
0x51a: {  	p0 =	sne.s32 s21, $0x3F0;
	v9 =	vld.idx.msk [tilespmem:v9+s4+$0x0], $0xffff;
	s20 =	sadd.s32 $0x10, s20;
	s19 =	sadd.s32 $0x10, s19  }
0x51b: {  	s22 =	smov.u32 s21;
	s21 =	sadd.s32 $0x10, s21;
	_ =	sdelay $0x1  }
0x51c: {  	v3 =	vmul.f32 v6, v3  }
0x51d: {  	v1 =	vmul.f32 v7, v1  }
0x51e: {  	v2 =	vmul.f32 v8, v2  }
0x51f: {  	v1 =	vadd.f32 v1, v3;
	v3 =	vor.u32 $0x6380, v5  }
0x520: {  	v4 =	vmul.f32 v9, v4  }
0x521: {  	v1 =	vadd.f32 v2, v1;
	_ =	sdelay $0x1  }
0x522: {  	v1 =	vadd.f32 v4, v1;
	_ =	sdelay $0x1  }
0x523: {  	[tilespmem:v3+s17+$0x0] =	vst.idx.msk $0xffff, v1  }
0x524: {  	v1 =	vld [tilespmem:s19+$0x0]  }
0x525: {  	v2 =	vld [tilespmem:s20+$0x0];
	_ =	sdelay $0x3  }
0x526: {  	v1 =	vmul.f32 $6.300000000e+01, v1  }
0x527: {  	v2 =	vmul.f32 $6.300000000e+01, v2  }
0x528: {  	v3 =	vtrunc.f32 v1  }
0x529: {  	v3 =	vcvt.f32.s32 v3;
	v4 =	vtrunc.f32 v2  }
0x52a: {  	v4 =	vcvt.f32.s32 v4  }
0x52b: {  	v5 =	vcvt.s32.f32 v3;
	v6 =	vadd.s32 $0x1, v3  }
0x52c: {  	v7 =	vcvt.s32.f32 v4;
	vm0 =	vlt.s32 v6, $0x3F;
	v8 =	vadd.s32 $0x1, v4  }
0x52d: {  	v4 =	vshll.u32 v4, $0x6;
	v10 =	vnsel vm0, $0x3F, v6;
	vm0 =	vlt.s32 v8, $0x3F  }
0x52e: {  	v6 =	vadd.s32 v3, v4;
	v8 =	vnsel vm0, $0x3F, v8;
	v9 =	vadd.s32 v10, v4  }
0x52f: {  	v4 =	vadd.s32 $0x8000, v6;
	v11 =	vadd.s32 $0x8000, v9;
	v12 =	vshll.u32 v8, $0x6  }
0x530: {  	v13 =	vsub.f32 v2, v7;
	v8 =	vadd.s32 v3, v12;
	v7 =	vadd.s32 v10, v12  }
0x531: {  	v5 =	vsub.f32 v1, v5;
	v1 =	vadd.s32 $0x8000, v8  }
0x532: {  	v2 =	vsub.f32 $1.000000000e+00, v13;
	_ =	sdelay $0x1  }
0x533: {  	v10 =	vadd.s32 $0x8000, v7;
	v11 =	vld.idx.msk [tilespmem:v11+s4+$0x0], $0xffff  }
0x534: {  	v4 =	vld.idx.msk [tilespmem:v4+s4+$0x0], $0xffff  }
0x535: {  	v12 =	vld.idx.msk [tilespmem:v1+s4+$0x0], $0xffff  }
0x536: {  	v14 =	vsub.f32 $1.000000000e+00, v5  }
0x537: {  	v1 =	vmul.f32 v2, v5  }
0x538: {  	v3 =	vmul.f32 v2, v14;
	v10 =	vld.idx.msk [tilespmem:v10+s4+$0x0], $0xffff  }
0x539: {  	v2 =	vmul.f32 v13, v14;
	v14 =	vmov s22;
	v11 =	vmul.f32 v1, v11  }
0x53a: {  	v15 =	vor.u32 s22, v0;
	v16 =	vmul.f32 v3, v4;
	v4 =	vshll.u32 v14, $0x3  }
0x53b: {  	v14 =	vand.u32 $0x7F, v15;
	v12 =	vmul.f32 v2, v12;
	v15 =	vand.u32 $0x1C00, v4  }
0x53c: {  	v4 =	vmul.f32 v13, v5;
	v11 =	vadd.f32 v11, v16;
	v5 =	vor.u32 v15, v14  }
0x53d: {  	v13 =	vor.u32 $0x6000, v5  }
0x53e: {  	v11 =	vadd.f32 v11, v12;
	v10 =	vmul.f32 v4, v10;
	v12 =	vadd.s32 $0x9000, v6  }
0x53f: {  	v14 =	vadd.s32 $0x9000, v9  }
0x540: {  	v10 =	vadd.f32 v11, v10  }
0x541: {  	v11 =	vadd.s32 $0x9000, v8  }
0x542: {  	[tilespmem:v13+s17+$0x0] =	vst.idx.msk $0xffff, v10  }
0x543: {  	v10 =	vld.idx.msk [tilespmem:v12+s4+$0x0], $0xffff;
	v12 =	vadd.s32 $0x9000, v7  }
0x544: {  	v13 =	vld.idx.msk [tilespmem:v14+s4+$0x0], $0xffff;
	_ =	sdelay $0x1  }
0x545: {  	v11 =	vld.idx.msk [tilespmem:v11+s4+$0x0], $0xffff;
	_ =	sdelay $0x1  }
0x546: {  	v12 =	vld.idx.msk [tilespmem:v12+s4+$0x0], $0xffff;
	_ =	sdelay $0x1  }
0x547: {  	v10 =	vmul.f32 v3, v10;
	v13 =	vmul.f32 v13, v1;
	_ =	sdelay $0x1  }
0x548: {  	v10 =	vadd.f32 v13, v10;
	v11 =	vmul.f32 v11, v2  }
0x549: {  	v13 =	vor.u32 $0x6080, v5  }
0x54a: {  	v10 =	vadd.f32 v11, v10;
	v11 =	vmul.f32 v12, v4;
	v12 =	vadd.s32 $0xA000, v6  }
0x54b: {  	v14 =	vadd.s32 $0xA000, v9  }
0x54c: {  	v10 =	vadd.f32 v11, v10  }
0x54d: {  	v11 =	vadd.s32 $0xA000, v8  }
0x54e: {  	[tilespmem:v13+s17+$0x0] =	vst.idx.msk $0xffff, v10  }
0x54f: {  	v10 =	vld.idx.msk [tilespmem:v12+s4+$0x0], $0xffff;
	v12 =	vadd.s32 $0xA000, v7  }
0x550: {  	v13 =	vld.idx.msk [tilespmem:v14+s4+$0x0], $0xffff;
	_ =	sdelay $0x1  }
0x551: {  	v11 =	vld.idx.msk [tilespmem:v11+s4+$0x0], $0xffff;
	_ =	sdelay $0x1  }
0x552: {  	v12 =	vld.idx.msk [tilespmem:v12+s4+$0x0], $0xffff;
	_ =	sdelay $0x1  }
0x553: {  	v10 =	vmul.f32 v10, v3;
	v13 =	vmul.f32 v13, v1;
	_ =	sdelay $0x1  }
0x554: {  	v10 =	vadd.f32 v13, v10;
	v11 =	vmul.f32 v11, v2  }
0x555: {  	v13 =	vor.u32 $0x6100, v5  }
0x556: {  	v10 =	vadd.f32 v11, v10;
	v11 =	vmul.f32 v12, v4;
	v12 =	vadd.s32 $0xB000, v6  }
0x557: {  	v14 =	vadd.s32 $0xB000, v9  }
0x558: {  	v10 =	vadd.f32 v11, v10  }
0x559: {  	v11 =	vadd.s32 $0xB000, v8  }
0x55a: {  	[tilespmem:v13+s17+$0x0] =	vst.idx.msk $0xffff, v10  }
0x55b: {  	v10 =	vld.idx.msk [tilespmem:v12+s4+$0x0], $0xffff;
	v12 =	vadd.s32 $0xB000, v7  }
0x55c: {  	v13 =	vld.idx.msk [tilespmem:v14+s4+$0x0], $0xffff;
	_ =	sdelay $0x1  }
0x55d: {  	v11 =	vld.idx.msk [tilespmem:v11+s4+$0x0], $0xffff;
	_ =	sdelay $0x1  }
0x55e: {  	v12 =	vld.idx.msk [tilespmem:v12+s4+$0x0], $0xffff;
	_ =	sdelay $0x1  }
0x55f: {  	v10 =	vmul.f32 v10, v3;
	v13 =	vmul.f32 v13, v1;
	_ =	sdelay $0x1  }
0x560: {  	v10 =	vadd.f32 v13, v10;
	v11 =	vmul.f32 v11, v2  }
0x561: {  	v13 =	vor.u32 $0x6180, v5  }
0x562: {  	v10 =	vadd.f32 v11, v10;
	v11 =	vmul.f32 v12, v4;
	v12 =	vadd.s32 $0xC000, v6  }
0x563: {  	v14 =	vadd.s32 $0xC000, v9  }
0x564: {  	v10 =	vadd.f32 v11, v10  }
0x565: {  	v11 =	vadd.s32 $0xC000, v8  }
0x566: {  	[tilespmem:v13+s17+$0x0] =	vst.idx.msk $0xffff, v10  }
0x567: {  	v10 =	vld.idx.msk [tilespmem:v12+s4+$0x0], $0xffff;
	v12 =	vadd.s32 $0xC000, v7  }
0x568: {  	v13 =	vld.idx.msk [tilespmem:v14+s4+$0x0], $0xffff;
	_ =	sdelay $0x1  }
0x569: {  	v11 =	vld.idx.msk [tilespmem:v11+s4+$0x0], $0xffff;
	_ =	sdelay $0x1  }
0x56a: {  	v12 =	vld.idx.msk [tilespmem:v12+s4+$0x0], $0xffff  }
0x56b: {  	v10 =	vmul.f32 v10, v3  }
0x56c: {  	v13 =	vmul.f32 v13, v1;
	_ =	sdelay $0x1  }
0x56d: {  	v10 =	vadd.f32 v13, v10;
	v11 =	vmul.f32 v11, v2  }
0x56e: {  	v13 =	vor.u32 $0x6200, v5  }
0x56f: {  	v10 =	vadd.f32 v11, v10;
	v11 =	vmul.f32 v12, v4;
	v12 =	vadd.s32 $0xD000, v9  }
0x570: {  	v14 =	vadd.s32 $0xD000, v6  }
0x571: {  	v10 =	vadd.f32 v11, v10;
	v11 =	vadd.s32 $0xD000, v8  }
0x572: {  	v15 =	vadd.s32 $0xD000, v7  }
0x573: {  	[tilespmem:v13+s17+$0x0] =	vst.idx.msk $0xffff, v10  }
0x574: {  	v10 =	vld.idx.msk [tilespmem:v12+s4+$0x0], $0xffff  }
0x575: {  	v12 =	vld.idx.msk [tilespmem:v14+s4+$0x0], $0xffff  }
0x576: {  	v11 =	vld.idx.msk [tilespmem:v11+s4+$0x0], $0xffff  }
0x577: {  	v13 =	vld.idx.msk [tilespmem:v15+s4+$0x0], $0xffff;
	_ =	sdelay $0x2  }
0x578: {  	v10 =	vmul.f32 v10, v1  }
0x579: {  	v12 =	vmul.f32 v12, v3  }
0x57a: {  	v11 =	vmul.f32 v11, v2  }
0x57b: {  	v10 =	vadd.f32 v10, v12  }
0x57c: {  	v12 =	vor.u32 $0x6280, v5  }
0x57d: {  	v10 =	vadd.f32 v11, v10;
	v11 =	vmul.f32 v13, v4;
	v13 =	vadd.s32 $0xE000, v6  }
0x57e: {  	v14 =	vadd.s32 $0xE000, v9  }
0x57f: {  	v10 =	vadd.f32 v11, v10;
	v11 =	vadd.s32 $0xE000, v8  }
0x580: {  	v15 =	vadd.s32 $0xE000, v7  }
0x581: {  	[tilespmem:v12+s17+$0x0] =	vst.idx.msk $0xffff, v10  }
0x582: {  	v10 =	vld.idx.msk [tilespmem:v13+s4+$0x0], $0xffff  }
0x583: {  	v12 =	vld.idx.msk [tilespmem:v14+s4+$0x0], $0xffff  }
0x584: {  	v11 =	vld.idx.msk [tilespmem:v11+s4+$0x0], $0xffff  }
0x585: {  	v13 =	vld.idx.msk [tilespmem:v15+s4+$0x0], $0xffff;
	_ =	sdelay $0x2  }
0x586: {  	v10 =	vmul.f32 v10, v3  }
0x587: {  	v12 =	vmul.f32 v12, v1;
	_ =	sdelay $0x1  }
0x588: {  	v11 =	vmul.f32 v11, v2;
	v10 =	vadd.f32 v12, v10  }
0x589: {  	v14 =	vadd.s32 $0xF000, v9;
	v12 =	vor.u32 $0x6300, v5  }
0x58a: {  	v6 =	vadd.s32 $0xF000, v6;
	v9 =	vadd.f32 v11, v10;
	v10 =	vmul.f32 v13, v4;
	_ =	sdelay $0x1  }
0x58b: {  	v8 =	vadd.s32 $0xF000, v8;
	v10 =	vadd.f32 v10, v9  }
.Ltmp7:
0x58c: {  	v9 =	vadd.s32 $0xF000, v7;
	(pc) =	sbr.rel @p0 .LBB2_16-.Ltmp7, $4  }
0x58d: {  	[tilespmem:v12+s17+$0x0] =	vst.idx.msk $0xffff, v10  }
0x58e: {  	v6 =	vld.idx.msk [tilespmem:v6+s4+$0x0], $0xffff  }
0x58f: {  	v7 =	vld.idx.msk [tilespmem:v14+s4+$0x0], $0xffff  }
0x590: {  	v8 =	vld.idx.msk [tilespmem:v8+s4+$0x0], $0xffff  }
0x591: {  	_ =	sdelay $0x3  }
0x592: {  	v9 =	vld.idx.msk [tilespmem:v9+s4+$0x0], $0xffff  }
0x593: {  	v3 =	vmul.f32 v6, v3;
	v1 =	vmul.f32 v7, v1;
	_ =	sdelay $0x1  }
0x594: {  	v2 =	vmul.f32 v8, v2;
	v1 =	vadd.f32 v1, v3  }
0x595: {  	v3 =	vor.u32 $0x6380, v5  }
0x596: {  	v4 =	vmul.f32 v9, v4;
	v1 =	vadd.f32 v2, v1;
	_ =	sdelay $0x1  }
0x597: {  	s18 =	sadd.s32 $0x1, s18;
	v1 =	vadd.f32 v4, v1  }
0x598: {  	p0 =	sne.s32 s18, s14  }
.Ltmp8:
0x599: {  	[tilespmem:v3+s17+$0x0] =	vst.idx.msk $0xffff, v1;
	(pc) =	sbr.rel @p0 .LBB2_1-.Ltmp8, $4  }
0x59a: {  	[hbm4b:s13+s4] =	stream.linear.scatter [tilespmem:s17], [sflag:$0x1], $0x8000, $0x38;
	[tilespmem:$0x18800] =	vst v63  }
0x59b: {  	_ =	swait.ge [sflag:s15], $0x8000  }
0x59c: {  	[sflag:s15] =	ssyncset.done $0x0  }
0x59d: {  	[sflag:s15] =	ssyncadd.s32 $0xFFFF8000  }
0x59e: {  	_ =	sfence.sel $0x180000  }
0x59f: {  	[bflag:$0x0] =	sbarrier.arrive $0xFFFF  }
0x5a0: {  	p0 =	sne.s32 s0, $0x0;
	_ =	strace $0x90000047  }
0x5a1: {  	s0 =	sadd.s32 @!p0 $0x100000, s2;
	[bflag:$0x2] =	sbarrier.arrive $0xFFFF  }
0x5a2: {  	[sflag:s0] =	ssyncadd.tile.s32 @!p0 $0x1;
	_ =	shalt  }
.Lfunc_end2:
_tile_overlayer_lowered:
.L_overlay_start_2:
0x5a3: {  	(tag) =	ssettag $0x2  }
0x5a4: {  	s0 =	rddreg [dreg:$0x0];
	s2 =	stileid.u32  }
0x5a5: {  	s1 =	rddreg [dreg:$0x1];
	p0 =	sne.s32 s2, $0x0  }
0x5a6: {  	s3 =	rddreg [dreg:$0x2];
	[bflag:$0x3] =	sbarrier.arrive $0xFFFF;
	s2 =	simm.s32 @!p0 $0x1C01  }
0x5a7: {  	[timem:s3], [sflag:s2] =	dma.local @!p0 [hbm:s0], s1  }
0x5a8: {  	s0 =	simm.s32 @!p0 $0x1  }
0x5a9: {  	_ =	swait.ge @!p0 [sflag:s0], s1  }
0x5aa: {  	s1 =	ssub.s32 @!p0 $0x0, s1;
	[sflag:s0] =	ssyncset.done @!p0 $0x0  }
0x5ab: {  	[sflag:s0] =	ssyncadd.s32 @!p0 s1  }
0x5ac: {  	[bflag:$0x3] =	sbarrier.arrive $0xFFFF  }
0x5ad: {  	_ =	shalt  }

</sc_bundles>
